<compile_context>
chip_gen: v7x
topology: tpu7x:2x2x1
jax: 0.10.2.dev20260603
libtpu: 0.0.44.dev20260713+nightly
codegen_flags: <defaults>
</compile_context>

<pallas_src>
import functools

import jax
import jax.numpy as jnp
from jax import lax
from jax.experimental import pallas as pl
from jax.experimental.pallas import tpu as pltpu
from jax.experimental.pallas import tpu_sc as plsc

_LANE = 128


@functools.lru_cache(maxsize=None)
def _make_gather(seq, n_batch, vocab, dim):
    info = plsc.get_sparse_core_info()
    nc, ns = info.num_cores, info.num_subcores
    nw = nc * ns
    n_blk = n_batch // _LANE
    d_blk = dim // 8
    assert n_blk == nw and seq % 2 == 0

    mesh = plsc.VectorSubcoreMesh(core_axis_name="c", subcore_axis_name="s")

    @functools.partial(
        pl.kernel,
        mesh=mesh,
        out_type=jax.ShapeDtypeStruct((seq, d_blk, n_blk, 8, _LANE), jnp.float32),
        scratch_types=[
            pltpu.VMEM((seq, _LANE), jnp.int32),
            pltpu.VMEM((_LANE, dim), jnp.float32),
            pltpu.VMEM((_LANE, dim), jnp.float32),
            pltpu.VMEM((d_blk, 8, _LANE + 1), jnp.float32),
            pltpu.VMEM((d_blk, 8, _LANE + 1), jnp.float32),
            pltpu.SemaphoreType.DMA,
            pltpu.SemaphoreType.DMA,
            pltpu.SemaphoreType.DMA,
            pltpu.SemaphoreType.DMA,
        ],
        compiler_params=pltpu.CompilerParams(
            use_tc_tiling_on_sc=False, needs_layout_passes=False
        ),
    )
    def gather_kernel(ids_hbm, table_hbm, out_hbm, idx_v, rows0, rows1,
                      tile0, tile1, gs0, gs1, ws0, ws1):
        wid = lax.axis_index("s") * nc + lax.axis_index("c")
        pltpu.sync_copy(ids_hbm.at[:, pl.ds(wid * _LANE, _LANE)], idx_v)

        rows = (rows0, rows1)
        tiles = (tile0, tile1)
        gsems = (gs0, gs1)
        wsems = (ws0, ws1)
        iota = lax.iota(jnp.int32, 16)
        dblocks = tuple(
            (iota // 8 + (16 * db) // 8, iota % 8, 16 * db)
            for db in range(dim // 16)
        )

        def gfire(s, b):
            pltpu.async_copy(table_hbm.at[idx_v.at[s]], rows[b], gsems[b])

        def gwait(b):
            pltpu.make_async_copy(
                table_hbm.at[idx_v.at[0]], rows[b], gsems[b]
            ).wait()

        def wfire(s, b):
            pltpu.async_copy(
                tiles[b].at[:, :, pl.ds(0, _LANE)],
                out_hbm.at[s, :, wid],
                wsems[b],
            )

        def wwait(b):
            pltpu.make_async_copy(
                tiles[b].at[:, :, pl.ds(0, _LANE)],
                out_hbm.at[0, :, 0],
                wsems[b],
            ).wait()

        def transpose(b):
            rv = rows[b]
            tv = tiles[b]

            def cbody(c8, carry):
                c0 = 8 * c8
                for dc in range(8):
                    c = c0 + dc
                    cvec = jnp.zeros((16,), jnp.int32) + c
                    for i_idx, r_idx, d0 in dblocks:
                        vals = rv[c, pl.ds(d0, 16)]
                        plsc.store_scatter(tv, [i_idx, r_idx, cvec], vals)
                return carry

            lax.fori_loop(0, _LANE // 8, cbody, 0)

        gfire(0, 0)
        gfire(1, 1)

        for b in range(2):
            gwait(b)
            transpose(b)
            wfire(b, b)
            gfire(b + 2, b)

        def body(s2, carry):
            for b in range(2):
                s = 2 * s2 + b
                gwait(b)
                wwait(b)
                transpose(b)
                wfire(s, b)
                gfire(s + 2, b)
            return carry

        lax.fori_loop(1, seq // 2 - 1, body, 0)

        for b in range(2):
            s = seq - 2 + b
            gwait(b)
            wwait(b)
            transpose(b)
            wfire(s, b)
        wwait(0)
        wwait(1)

    return gather_kernel


def kernel(input_ids, weight):
    n_batch, seq = input_ids.shape
    vocab, dim = weight.shape
    ids_t = input_ids.T
    out5d = _make_gather(seq, n_batch, vocab, dim)(ids_t, weight)
    return out5d.transpose((2, 4, 0, 1, 3)).reshape(n_batch, seq, dim)

# --- scband reference (transcript-rebuilt; emitter-appended) ---
"""Pipeline reference for scband-embeddings-with-fixes-695784702260 (READ-ONLY COPY).

The authoritative reference and input builder live on the scoring server;
editing this copy changes nothing except your own understanding.
"""

import jax, jax.numpy as jnp
import numpy as np

VOCAB = 1000000
EMBED_DIM = 64
BATCH = 4096
SEQ = 200

def setup_inputs(seed: int = 0) -> dict:
    key = jax.random.key(seed)
    k1, k2 = jax.random.split(key)
    input_ids = jax.random.randint(k1, (BATCH, SEQ), 0, VOCAB, dtype=jnp.int32)
    weight = jax.random.normal(k2, (VOCAB, EMBED_DIM), dtype=jnp.float32) * 0.02
    return {"input_ids": input_ids, "weight": weight}

def reference(input_ids, weight):
    # EmbeddingsWithFixes.forward with embeddings.fixes == None (the default
    # steady-state path): batch_fixes is None, so the early-return branch is
    # taken and the output is exactly the wrapped embedding lookup.
    inputs_embeds = jnp.take(weight, input_ids, axis=0)
    return inputs_embeds

if __name__ == "__main__":
    import jax
    _d = setup_inputs()
    print(jax.jit(kernel)(*tuple(_d.values())))

</pallas_src>

<mosaic_0001>
#map = affine_map<(d0, d1) -> (0, 0)>
#map1 = affine_map<(d0, d1) -> (0, 0, 0, 0, 0)>
module attributes {stable_mosaic.version = 14 : i64} {
  func.func @gather_kernel(%arg0: i32, %arg1: i32, %arg2: memref<200x4096xi32, #tpu.memory_space<hbm>>, %arg3: memref<1000000x64xf32, #tpu.memory_space<hbm>>, %arg4: memref<200x8x32x8x128xf32, #tpu.memory_space<hbm>>, %arg5: memref<200x128xi32, #tpu.memory_space<vmem>>, %arg6: memref<128x64xf32, #tpu.memory_space<vmem>>, %arg7: memref<128x64xf32, #tpu.memory_space<vmem>>, %arg8: memref<8x8x129xf32, #tpu.memory_space<vmem>>, %arg9: memref<8x8x129xf32, #tpu.memory_space<vmem>>, %arg10: memref<!tpu.dma_semaphore, #tpu.memory_space<semaphore_mem>>, %arg11: memref<!tpu.dma_semaphore, #tpu.memory_space<semaphore_mem>>, %arg12: memref<!tpu.dma_semaphore, #tpu.memory_space<semaphore_mem>>, %arg13: memref<!tpu.dma_semaphore, #tpu.memory_space<semaphore_mem>>) attributes {dimension_semantics = [#tpu.dimension_semantics<core_parallel>, #tpu.dimension_semantics<subcore_parallel>], iteration_bounds = array<i64: 2, 16>, scalar_prefetch = 0 : i64, scratch_operands = 9 : i64, tpu.core_type = #tpu.core_type<sc_vector_subcore>, window_params = [{transform_indices = #map}, {transform_indices = #map}, {transform_indices = #map1}]} {
    %mul3A = arith.constant 2 : i32
    %mul3A_0 = arith.muli %arg1, %mul3A : i32
    %add3A = arith.addi %mul3A_0, %arg0 : i32
    %mul3A_1 = arith.constant 128 : i32
    %mul3A_2 = arith.muli %add3A, %mul3A_1 : i32
    "tpu.region"() ({
      %run_scoped3A = tpu.sem_alloc : memref<!tpu.dma_semaphore, #tpu.memory_space<semaphore_mem>>
      %dma_start3A_456 = arith.constant 0 : i32
      %dma_start3A_457 = tpu.memref_slice %arg2[%dma_start3A_456, %mul3A_2] : memref<200x4096xi32, #tpu.memory_space<hbm>> -> memref<200x128xi32, #tpu.memory_space<hbm>>
      %dma_start3A_458 = arith.constant 0 : i32
      %dma_start3A_459 = tpu.memref_slice %arg2[%dma_start3A_458, %mul3A_2] : memref<200x4096xi32, #tpu.memory_space<hbm>> -> memref<200x128xi32, #tpu.memory_space<hbm>>
      tpu.enqueue_dma source(%dma_start3A_459 : memref<200x128xi32, #tpu.memory_space<hbm>>) target(%arg5 : memref<200x128xi32, #tpu.memory_space<vmem>>) target_semaphore(%run_scoped3A : memref<!tpu.dma_semaphore, #tpu.memory_space<semaphore_mem>>)
      %dma_wait3A_460 = arith.constant 0 : i32
      %dma_wait3A_461 = tpu.memref_slice %arg2[%dma_wait3A_460, %mul3A_2] : memref<200x4096xi32, #tpu.memory_space<hbm>> -> memref<200x128xi32, #tpu.memory_space<hbm>>
      %dma_wait3A_462 = arith.constant 0 : i32
      %dma_wait3A_463 = tpu.memref_slice %arg2[%dma_wait3A_462, %mul3A_2] : memref<200x4096xi32, #tpu.memory_space<hbm>> -> memref<200x128xi32, #tpu.memory_space<hbm>>
      tpu.wait_dma2 semaphore(%run_scoped3A : memref<!tpu.dma_semaphore, #tpu.memory_space<semaphore_mem>>) src(%dma_wait3A_463 : memref<200x128xi32, #tpu.memory_space<hbm>>) dst(%arg5 : memref<200x128xi32, #tpu.memory_space<vmem>>)
      tpu.yield
    }) : () -> ()
    %iota3A = tpu.iota {dimensions = array<i32: 0>} : vector<16xi32>
    %jit3A = arith.constant 8 : i32
    %div3A = vector.broadcast %jit3A : i32 to vector<16xi32>
    %div3A_3 = arith.divsi %iota3A, %div3A : vector<16xi32>
    %sign3A = arith.constant 0 : i32
    %sign3A_4 = vector.broadcast %sign3A : i32 to vector<16xi32>
    %sign3A_5 = arith.cmpi sgt, %iota3A, %sign3A_4 : vector<16xi32>
    %sign3A_6 = arith.extui %sign3A_5 : vector<16xi1> to vector<16xi32>
    %sign3A_7 = arith.constant 0 : i32
    %sign3A_8 = vector.broadcast %sign3A_7 : i32 to vector<16xi32>
    %sign3A_9 = arith.cmpi slt, %iota3A, %sign3A_8 : vector<16xi32>
    %sign3A_10 = arith.extui %sign3A_9 : vector<16xi1> to vector<16xi32>
    %sign3A_11 = arith.subi %sign3A_6, %sign3A_10 : vector<16xi32>
    %sign3A_12 = arith.constant 0 : i32
    %sign3A_13 = arith.cmpi sgt, %jit3A, %sign3A_12 : i32
    %sign3A_14 = arith.extui %sign3A_13 : i1 to i32
    %sign3A_15 = arith.constant 0 : i32
    %sign3A_16 = arith.cmpi slt, %jit3A, %sign3A_15 : i32
    %sign3A_17 = arith.extui %sign3A_16 : i1 to i32
    %sign3A_18 = arith.subi %sign3A_14, %sign3A_17 : i32
    %ne3A = vector.broadcast %sign3A_18 : i32 to vector<16xi32>
    %ne3A_19 = arith.cmpi ne, %sign3A_11, %ne3A : vector<16xi32>
    %rem3A = vector.broadcast %jit3A : i32 to vector<16xi32>
    %rem3A_20 = arith.remsi %iota3A, %rem3A : vector<16xi32>
    %ne3A_21 = arith.constant 0 : i32
    %ne3A_22 = vector.broadcast %ne3A_21 : i32 to vector<16xi32>
    %ne3A_23 = arith.cmpi ne, %rem3A_20, %ne3A_22 : vector<16xi32>
    %and3A = arith.andi %ne3A_19, %ne3A_23 : vector<16xi1>
    %sub3A = arith.constant 1 : i32
    %sub3A_24 = vector.broadcast %sub3A : i32 to vector<16xi32>
    %sub3A_25 = arith.subi %div3A_3, %sub3A_24 : vector<16xi32>
    %select_n3A = arith.select %and3A, %sub3A_25, %div3A_3 : vector<16xi1>, vector<16xi32>
    %add3A_26 = arith.constant 0 : i32
    %add3A_27 = vector.broadcast %add3A_26 : i32 to vector<16xi32>
    %add3A_28 = arith.addi %select_n3A, %add3A_27 : vector<16xi32>
    %jit3A_29 = arith.constant 8 : i32
    %eq3A = arith.constant 0 : i32
    %eq3A_30 = arith.cmpi eq, %jit3A_29, %eq3A : i32
    %jit3A_31 = arith.constant 1 : i32
    %select_n3A_32 = arith.select %eq3A_30, %jit3A_31, %jit3A_29 : i32
    %rem3A_33 = vector.broadcast %select_n3A_32 : i32 to vector<16xi32>
    %rem3A_34 = arith.remsi %iota3A, %rem3A_33 : vector<16xi32>
    %ne3A_35 = arith.constant 0 : i32
    %ne3A_36 = vector.broadcast %ne3A_35 : i32 to vector<16xi32>
    %ne3A_37 = arith.cmpi ne, %rem3A_34, %ne3A_36 : vector<16xi32>
    %lt3A = arith.constant 0 : i32
    %lt3A_38 = vector.broadcast %lt3A : i32 to vector<16xi32>
    %lt3A_39 = arith.cmpi slt, %rem3A_34, %lt3A_38 : vector<16xi32>
    %lt3A_40 = arith.constant 0 : i32
    %lt3A_41 = arith.cmpi slt, %select_n3A_32, %lt3A_40 : i32
    %ne3A_42 = vector.broadcast %lt3A_41 : i1 to vector<16xi1>
    %ne3A_43 = vector.broadcast %ne3A_42 : vector<16xi1> to vector<16xi1>
    %ne3A_44 = arith.xori %lt3A_39, %ne3A_43 : vector<16xi1>
    %and3A_45 = arith.andi %ne3A_44, %ne3A_37 : vector<16xi1>
    %add3A_46 = vector.broadcast %select_n3A_32 : i32 to vector<16xi32>
    %add3A_47 = arith.addi %rem3A_34, %add3A_46 : vector<16xi32>
    %select_n3A_48 = arith.select %and3A_45, %add3A_47, %rem3A_34 : vector<16xi1>, vector<16xi32>
    %jit3A_49 = arith.constant 8 : i32
    %div3A_50 = vector.broadcast %jit3A_49 : i32 to vector<16xi32>
    %div3A_51 = arith.divsi %iota3A, %div3A_50 : vector<16xi32>
    %sign3A_52 = arith.constant 0 : i32
    %sign3A_53 = vector.broadcast %sign3A_52 : i32 to vector<16xi32>
    %sign3A_54 = arith.cmpi sgt, %iota3A, %sign3A_53 : vector<16xi32>
    %sign3A_55 = arith.extui %sign3A_54 : vector<16xi1> to vector<16xi32>
    %sign3A_56 = arith.constant 0 : i32
    %sign3A_57 = vector.broadcast %sign3A_56 : i32 to vector<16xi32>
    %sign3A_58 = arith.cmpi slt, %iota3A, %sign3A_57 : vector<16xi32>
    %sign3A_59 = arith.extui %sign3A_58 : vector<16xi1> to vector<16xi32>
    %sign3A_60 = arith.subi %sign3A_55, %sign3A_59 : vector<16xi32>
    %sign3A_61 = arith.constant 0 : i32
    %sign3A_62 = arith.cmpi sgt, %jit3A_49, %sign3A_61 : i32
    %sign3A_63 = arith.extui %sign3A_62 : i1 to i32
    %sign3A_64 = arith.constant 0 : i32
    %sign3A_65 = arith.cmpi slt, %jit3A_49, %sign3A_64 : i32
    %sign3A_66 = arith.extui %sign3A_65 : i1 to i32
    %sign3A_67 = arith.subi %sign3A_63, %sign3A_66 : i32
    %ne3A_68 = vector.broadcast %sign3A_67 : i32 to vector<16xi32>
    %ne3A_69 = arith.cmpi ne, %sign3A_60, %ne3A_68 : vector<16xi32>
    %rem3A_70 = vector.broadcast %jit3A_49 : i32 to vector<16xi32>
    %rem3A_71 = arith.remsi %iota3A, %rem3A_70 : vector<16xi32>
    %ne3A_72 = arith.constant 0 : i32
    %ne3A_73 = vector.broadcast %ne3A_72 : i32 to vector<16xi32>
    %ne3A_74 = arith.cmpi ne, %rem3A_71, %ne3A_73 : vector<16xi32>
    %and3A_75 = arith.andi %ne3A_69, %ne3A_74 : vector<16xi1>
    %sub3A_76 = arith.constant 1 : i32
    %sub3A_77 = vector.broadcast %sub3A_76 : i32 to vector<16xi32>
    %sub3A_78 = arith.subi %div3A_51, %sub3A_77 : vector<16xi32>
    %select_n3A_79 = arith.select %and3A_75, %sub3A_78, %div3A_51 : vector<16xi1>, vector<16xi32>
    %add3A_80 = arith.constant 2 : i32
    %add3A_81 = vector.broadcast %add3A_80 : i32 to vector<16xi32>
    %add3A_82 = arith.addi %select_n3A_79, %add3A_81 : vector<16xi32>
    %jit3A_83 = arith.constant 8 : i32
    %eq3A_84 = arith.constant 0 : i32
    %eq3A_85 = arith.cmpi eq, %jit3A_83, %eq3A_84 : i32
    %jit3A_86 = arith.constant 1 : i32
    %select_n3A_87 = arith.select %eq3A_85, %jit3A_86, %jit3A_83 : i32
    %rem3A_88 = vector.broadcast %select_n3A_87 : i32 to vector<16xi32>
    %rem3A_89 = arith.remsi %iota3A, %rem3A_88 : vector<16xi32>
    %ne3A_90 = arith.constant 0 : i32
    %ne3A_91 = vector.broadcast %ne3A_90 : i32 to vector<16xi32>
    %ne3A_92 = arith.cmpi ne, %rem3A_89, %ne3A_91 : vector<16xi32>
    %lt3A_93 = arith.constant 0 : i32
    %lt3A_94 = vector.broadcast %lt3A_93 : i32 to vector<16xi32>
    %lt3A_95 = arith.cmpi slt, %rem3A_89, %lt3A_94 : vector<16xi32>
    %lt3A_96 = arith.constant 0 : i32
    %lt3A_97 = arith.cmpi slt, %select_n3A_87, %lt3A_96 : i32
    %ne3A_98 = vector.broadcast %lt3A_97 : i1 to vector<16xi1>
    %ne3A_99 = vector.broadcast %ne3A_98 : vector<16xi1> to vector<16xi1>
    %ne3A_100 = arith.xori %lt3A_95, %ne3A_99 : vector<16xi1>
    %and3A_101 = arith.andi %ne3A_100, %ne3A_92 : vector<16xi1>
    %add3A_102 = vector.broadcast %select_n3A_87 : i32 to vector<16xi32>
    %add3A_103 = arith.addi %rem3A_89, %add3A_102 : vector<16xi32>
    %select_n3A_104 = arith.select %and3A_101, %add3A_103, %rem3A_89 : vector<16xi1>, vector<16xi32>
    %jit3A_105 = arith.constant 8 : i32
    %div3A_106 = vector.broadcast %jit3A_105 : i32 to vector<16xi32>
    %div3A_107 = arith.divsi %iota3A, %div3A_106 : vector<16xi32>
    %sign3A_108 = arith.constant 0 : i32
    %sign3A_109 = vector.broadcast %sign3A_108 : i32 to vector<16xi32>
    %sign3A_110 = arith.cmpi sgt, %iota3A, %sign3A_109 : vector<16xi32>
    %sign3A_111 = arith.extui %sign3A_110 : vector<16xi1> to vector<16xi32>
    %sign3A_112 = arith.constant 0 : i32
    %sign3A_113 = vector.broadcast %sign3A_112 : i32 to vector<16xi32>
    %sign3A_114 = arith.cmpi slt, %iota3A, %sign3A_113 : vector<16xi32>
    %sign3A_115 = arith.extui %sign3A_114 : vector<16xi1> to vector<16xi32>
    %sign3A_116 = arith.subi %sign3A_111, %sign3A_115 : vector<16xi32>
    %sign3A_117 = arith.constant 0 : i32
    %sign3A_118 = arith.cmpi sgt, %jit3A_105, %sign3A_117 : i32
    %sign3A_119 = arith.extui %sign3A_118 : i1 to i32
    %sign3A_120 = arith.constant 0 : i32
    %sign3A_121 = arith.cmpi slt, %jit3A_105, %sign3A_120 : i32
    %sign3A_122 = arith.extui %sign3A_121 : i1 to i32
    %sign3A_123 = arith.subi %sign3A_119, %sign3A_122 : i32
    %ne3A_124 = vector.broadcast %sign3A_123 : i32 to vector<16xi32>
    %ne3A_125 = arith.cmpi ne, %sign3A_116, %ne3A_124 : vector<16xi32>
    %rem3A_126 = vector.broadcast %jit3A_105 : i32 to vector<16xi32>
    %rem3A_127 = arith.remsi %iota3A, %rem3A_126 : vector<16xi32>
    %ne3A_128 = arith.constant 0 : i32
    %ne3A_129 = vector.broadcast %ne3A_128 : i32 to vector<16xi32>
    %ne3A_130 = arith.cmpi ne, %rem3A_127, %ne3A_129 : vector<16xi32>
    %and3A_131 = arith.andi %ne3A_125, %ne3A_130 : vector<16xi1>
    %sub3A_132 = arith.constant 1 : i32
    %sub3A_133 = vector.broadcast %sub3A_132 : i32 to vector<16xi32>
    %sub3A_134 = arith.subi %div3A_107, %sub3A_133 : vector<16xi32>
    %select_n3A_135 = arith.select %and3A_131, %sub3A_134, %div3A_107 : vector<16xi1>, vector<16xi32>
    %add3A_136 = arith.constant 4 : i32
    %add3A_137 = vector.broadcast %add3A_136 : i32 to vector<16xi32>
    %add3A_138 = arith.addi %select_n3A_135, %add3A_137 : vector<16xi32>
    %jit3A_139 = arith.constant 8 : i32
    %eq3A_140 = arith.constant 0 : i32
    %eq3A_141 = arith.cmpi eq, %jit3A_139, %eq3A_140 : i32
    %jit3A_142 = arith.constant 1 : i32
    %select_n3A_143 = arith.select %eq3A_141, %jit3A_142, %jit3A_139 : i32
    %rem3A_144 = vector.broadcast %select_n3A_143 : i32 to vector<16xi32>
    %rem3A_145 = arith.remsi %iota3A, %rem3A_144 : vector<16xi32>
    %ne3A_146 = arith.constant 0 : i32
    %ne3A_147 = vector.broadcast %ne3A_146 : i32 to vector<16xi32>
    %ne3A_148 = arith.cmpi ne, %rem3A_145, %ne3A_147 : vector<16xi32>
    %lt3A_149 = arith.constant 0 : i32
    %lt3A_150 = vector.broadcast %lt3A_149 : i32 to vector<16xi32>
    %lt3A_151 = arith.cmpi slt, %rem3A_145, %lt3A_150 : vector<16xi32>
    %lt3A_152 = arith.constant 0 : i32
    %lt3A_153 = arith.cmpi slt, %select_n3A_143, %lt3A_152 : i32
    %ne3A_154 = vector.broadcast %lt3A_153 : i1 to vector<16xi1>
    %ne3A_155 = vector.broadcast %ne3A_154 : vector<16xi1> to vector<16xi1>
    %ne3A_156 = arith.xori %lt3A_151, %ne3A_155 : vector<16xi1>
    %and3A_157 = arith.andi %ne3A_156, %ne3A_148 : vector<16xi1>
    %add3A_158 = vector.broadcast %select_n3A_143 : i32 to vector<16xi32>
    %add3A_159 = arith.addi %rem3A_145, %add3A_158 : vector<16xi32>
    %select_n3A_160 = arith.select %and3A_157, %add3A_159, %rem3A_145 : vector<16xi1>, vector<16xi32>
    %jit3A_161 = arith.constant 8 : i32
    %div3A_162 = vector.broadcast %jit3A_161 : i32 to vector<16xi32>
    %div3A_163 = arith.divsi %iota3A, %div3A_162 : vector<16xi32>
    %sign3A_164 = arith.constant 0 : i32
    %sign3A_165 = vector.broadcast %sign3A_164 : i32 to vector<16xi32>
    %sign3A_166 = arith.cmpi sgt, %iota3A, %sign3A_165 : vector<16xi32>
    %sign3A_167 = arith.extui %sign3A_166 : vector<16xi1> to vector<16xi32>
    %sign3A_168 = arith.constant 0 : i32
    %sign3A_169 = vector.broadcast %sign3A_168 : i32 to vector<16xi32>
    %sign3A_170 = arith.cmpi slt, %iota3A, %sign3A_169 : vector<16xi32>
    %sign3A_171 = arith.extui %sign3A_170 : vector<16xi1> to vector<16xi32>
    %sign3A_172 = arith.subi %sign3A_167, %sign3A_171 : vector<16xi32>
    %sign3A_173 = arith.constant 0 : i32
    %sign3A_174 = arith.cmpi sgt, %jit3A_161, %sign3A_173 : i32
    %sign3A_175 = arith.extui %sign3A_174 : i1 to i32
    %sign3A_176 = arith.constant 0 : i32
    %sign3A_177 = arith.cmpi slt, %jit3A_161, %sign3A_176 : i32
    %sign3A_178 = arith.extui %sign3A_177 : i1 to i32
    %sign3A_179 = arith.subi %sign3A_175, %sign3A_178 : i32
    %ne3A_180 = vector.broadcast %sign3A_179 : i32 to vector<16xi32>
    %ne3A_181 = arith.cmpi ne, %sign3A_172, %ne3A_180 : vector<16xi32>
    %rem3A_182 = vector.broadcast %jit3A_161 : i32 to vector<16xi32>
    %rem3A_183 = arith.remsi %iota3A, %rem3A_182 : vector<16xi32>
    %ne3A_184 = arith.constant 0 : i32
    %ne3A_185 = vector.broadcast %ne3A_184 : i32 to vector<16xi32>
    %ne3A_186 = arith.cmpi ne, %rem3A_183, %ne3A_185 : vector<16xi32>
    %and3A_187 = arith.andi %ne3A_181, %ne3A_186 : vector<16xi1>
    %sub3A_188 = arith.constant 1 : i32
    %sub3A_189 = vector.broadcast %sub3A_188 : i32 to vector<16xi32>
    %sub3A_190 = arith.subi %div3A_163, %sub3A_189 : vector<16xi32>
    %select_n3A_191 = arith.select %and3A_187, %sub3A_190, %div3A_163 : vector<16xi1>, vector<16xi32>
    %add3A_192 = arith.constant 6 : i32
    %add3A_193 = vector.broadcast %add3A_192 : i32 to vector<16xi32>
    %add3A_194 = arith.addi %select_n3A_191, %add3A_193 : vector<16xi32>
    %jit3A_195 = arith.constant 8 : i32
    %eq3A_196 = arith.constant 0 : i32
    %eq3A_197 = arith.cmpi eq, %jit3A_195, %eq3A_196 : i32
    %jit3A_198 = arith.constant 1 : i32
    %select_n3A_199 = arith.select %eq3A_197, %jit3A_198, %jit3A_195 : i32
    %rem3A_200 = vector.broadcast %select_n3A_199 : i32 to vector<16xi32>
    %rem3A_201 = arith.remsi %iota3A, %rem3A_200 : vector<16xi32>
    %ne3A_202 = arith.constant 0 : i32
    %ne3A_203 = vector.broadcast %ne3A_202 : i32 to vector<16xi32>
    %ne3A_204 = arith.cmpi ne, %rem3A_201, %ne3A_203 : vector<16xi32>
    %lt3A_205 = arith.constant 0 : i32
    %lt3A_206 = vector.broadcast %lt3A_205 : i32 to vector<16xi32>
    %lt3A_207 = arith.cmpi slt, %rem3A_201, %lt3A_206 : vector<16xi32>
    %lt3A_208 = arith.constant 0 : i32
    %lt3A_209 = arith.cmpi slt, %select_n3A_199, %lt3A_208 : i32
    %ne3A_210 = vector.broadcast %lt3A_209 : i1 to vector<16xi1>
    %ne3A_211 = vector.broadcast %ne3A_210 : vector<16xi1> to vector<16xi1>
    %ne3A_212 = arith.xori %lt3A_207, %ne3A_211 : vector<16xi1>
    %and3A_213 = arith.andi %ne3A_212, %ne3A_204 : vector<16xi1>
    %add3A_214 = vector.broadcast %select_n3A_199 : i32 to vector<16xi32>
    %add3A_215 = arith.addi %rem3A_201, %add3A_214 : vector<16xi32>
    %select_n3A_216 = arith.select %and3A_213, %add3A_215, %rem3A_201 : vector<16xi1>, vector<16xi32>
    %dma_start3A = arith.constant 0 : i32
    %dma_start3A_217 = arith.constant 0 : i32
    %dma_start3A_218 = tpu.memref_slice %arg5[%dma_start3A, %dma_start3A_217] : memref<200x128xi32, #tpu.memory_space<vmem>> -> memref<1x128xi32, #tpu.memory_space<vmem>>
    %dma_start3A_219 = tpu.memref_squeeze %dma_start3A_218 : memref<1x128xi32, #tpu.memory_space<vmem>> -> memref<128xi32, #tpu.memory_space<vmem>>
    %dma_start3A_220 = arith.constant 0 : i32
    %dma_start3A_221 = arith.constant 0 : i32
    %dma_start3A_222 = tpu.memref_slice %arg3[%dma_start3A_220, %dma_start3A_221] : memref<1000000x64xf32, #tpu.memory_space<hbm>> -> memref<1000000x64xf32, #tpu.memory_space<hbm>>
    tpu.enqueue_indirect_dma source(%dma_start3A_222 : memref<1000000x64xf32, #tpu.memory_space<hbm>>) target(%arg6 : memref<128x64xf32, #tpu.memory_space<vmem>>) offsets(%dma_start3A_219 : memref<128xi32, #tpu.memory_space<vmem>>) semaphore(%arg10 : memref<!tpu.dma_semaphore, #tpu.memory_space<semaphore_mem>>)
    %dma_start3A_223 = arith.constant 1 : i32
    %dma_start3A_224 = arith.constant 0 : i32
    %dma_start3A_225 = tpu.memref_slice %arg5[%dma_start3A_223, %dma_start3A_224] : memref<200x128xi32, #tpu.memory_space<vmem>> -> memref<1x128xi32, #tpu.memory_space<vmem>>
    %dma_start3A_226 = tpu.memref_squeeze %dma_start3A_225 : memref<1x128xi32, #tpu.memory_space<vmem>> -> memref<128xi32, #tpu.memory_space<vmem>>
    %dma_start3A_227 = arith.constant 0 : i32
    %dma_start3A_228 = arith.constant 0 : i32
    %dma_start3A_229 = tpu.memref_slice %arg3[%dma_start3A_227, %dma_start3A_228] : memref<1000000x64xf32, #tpu.memory_space<hbm>> -> memref<1000000x64xf32, #tpu.memory_space<hbm>>
    tpu.enqueue_indirect_dma source(%dma_start3A_229 : memref<1000000x64xf32, #tpu.memory_space<hbm>>) target(%arg7 : memref<128x64xf32, #tpu.memory_space<vmem>>) offsets(%dma_start3A_226 : memref<128xi32, #tpu.memory_space<vmem>>) semaphore(%arg11 : memref<!tpu.dma_semaphore, #tpu.memory_space<semaphore_mem>>)
    %dma_wait3A = arith.constant 0 : i32
    %dma_wait3A_230 = arith.constant 0 : i32
    %dma_wait3A_231 = tpu.memref_slice %arg5[%dma_wait3A, %dma_wait3A_230] : memref<200x128xi32, #tpu.memory_space<vmem>> -> memref<1x128xi32, #tpu.memory_space<vmem>>
    %dma_wait3A_232 = tpu.memref_squeeze %dma_wait3A_231 : memref<1x128xi32, #tpu.memory_space<vmem>> -> memref<128xi32, #tpu.memory_space<vmem>>
    %dma_wait3A_233 = arith.constant 0 : i32
    %dma_wait3A_234 = arith.constant 0 : i32
    %dma_wait3A_235 = tpu.memref_slice %arg3[%dma_wait3A_233, %dma_wait3A_234] : memref<1000000x64xf32, #tpu.memory_space<hbm>> -> memref<1000000x64xf32, #tpu.memory_space<hbm>>
    tpu.wait_indirect_dma semaphore(%arg10 : memref<!tpu.dma_semaphore, #tpu.memory_space<semaphore_mem>>) src(%dma_wait3A_235 : memref<1000000x64xf32, #tpu.memory_space<hbm>>) dst(%arg6 : memref<128x64xf32, #tpu.memory_space<vmem>>)
    %scan3A = arith.constant 0 : i32
    %scan3A_236 = arith.constant 0 : i32
    %scan3A_237 = arith.constant 16 : i32
    %scan3A_238 = arith.addi %scan3A_236, %scan3A_237 : i32
    %scan3A_239 = arith.constant 1 : i32
    scf.for %scan3A_456 = %scan3A_236 to %scan3A_238 step %scan3A_239  : i32 {
      %mul3A_457 = arith.constant 8 : i32
      %mul3A_458 = arith.muli %mul3A_457, %scan3A_456 : i32
      %add3A_459 = arith.constant 0 : i32
      %add3A_460 = arith.addi %mul3A_458, %add3A_459 : i32
      %broadcast_in_dim3A = arith.constant 0 : i32
      %broadcast_in_dim3A_461 = vector.broadcast %broadcast_in_dim3A : i32 to vector<16xi32>
      %add3A_462 = vector.broadcast %add3A_460 : i32 to vector<16xi32>
      %add3A_463 = arith.addi %broadcast_in_dim3A_461, %add3A_462 : vector<16xi32>
      %get3A = arith.index_cast %add3A_460 : i32 to index
      %get3A_464 = arith.constant 0 : index
      %get3A_465 = tpu.vector_load %arg6[%get3A, %get3A_464] {strides = array<i32>} : memref<128x64xf32, #tpu.memory_space<vmem>>, vector<16xf32>,
      tpu.vector_store_idx %arg8[%add3A_28, %select_n3A_48, %add3A_463], %get3A_465 : memref<8x8x129xf32, #tpu.memory_space<vmem>>[vector<16xi32>, vector<16xi32>, vector<16xi32>], vector<16xf32>,
      %get3A_466 = arith.index_cast %add3A_460 : i32 to index
      %get3A_467 = arith.constant 16 : index
      %get3A_468 = tpu.vector_load %arg6[%get3A_466, %get3A_467] {strides = array<i32>} : memref<128x64xf32, #tpu.memory_space<vmem>>, vector<16xf32>,
      tpu.vector_store_idx %arg8[%add3A_82, %select_n3A_104, %add3A_463], %get3A_468 : memref<8x8x129xf32, #tpu.memory_space<vmem>>[vector<16xi32>, vector<16xi32>, vector<16xi32>], vector<16xf32>,
      %get3A_469 = arith.index_cast %add3A_460 : i32 to index
      %get3A_470 = arith.constant 32 : index
      %get3A_471 = tpu.vector_load %arg6[%get3A_469, %get3A_470] {strides = array<i32>} : memref<128x64xf32, #tpu.memory_space<vmem>>, vector<16xf32>,
      tpu.vector_store_idx %arg8[%add3A_138, %select_n3A_160, %add3A_463], %get3A_471 : memref<8x8x129xf32, #tpu.memory_space<vmem>>[vector<16xi32>, vector<16xi32>, vector<16xi32>], vector<16xf32>,
      %get3A_472 = arith.index_cast %add3A_460 : i32 to index
      %get3A_473 = arith.constant 48 : index
      %get3A_474 = tpu.vector_load %arg6[%get3A_472, %get3A_473] {strides = array<i32>} : memref<128x64xf32, #tpu.memory_space<vmem>>, vector<16xf32>,
      tpu.vector_store_idx %arg8[%add3A_194, %select_n3A_216, %add3A_463], %get3A_474 : memref<8x8x129xf32, #tpu.memory_space<vmem>>[vector<16xi32>, vector<16xi32>, vector<16xi32>], vector<16xf32>,
      %add3A_475 = arith.constant 1 : i32
      %add3A_476 = arith.addi %mul3A_458, %add3A_475 : i32
      %broadcast_in_dim3A_477 = arith.constant 0 : i32
      %broadcast_in_dim3A_478 = vector.broadcast %broadcast_in_dim3A_477 : i32 to vector<16xi32>
      %add3A_479 = vector.broadcast %add3A_476 : i32 to vector<16xi32>
      %add3A_480 = arith.addi %broadcast_in_dim3A_478, %add3A_479 : vector<16xi32>
      %get3A_481 = arith.index_cast %add3A_476 : i32 to index
      %get3A_482 = arith.constant 0 : index
      %get3A_483 = tpu.vector_load %arg6[%get3A_481, %get3A_482] {strides = array<i32>} : memref<128x64xf32, #tpu.memory_space<vmem>>, vector<16xf32>,
      tpu.vector_store_idx %arg8[%add3A_28, %select_n3A_48, %add3A_480], %get3A_483 : memref<8x8x129xf32, #tpu.memory_space<vmem>>[vector<16xi32>, vector<16xi32>, vector<16xi32>], vector<16xf32>,
      %get3A_484 = arith.index_cast %add3A_476 : i32 to index
      %get3A_485 = arith.constant 16 : index
      %get3A_486 = tpu.vector_load %arg6[%get3A_484, %get3A_485] {strides = array<i32>} : memref<128x64xf32, #tpu.memory_space<vmem>>, vector<16xf32>,
      tpu.vector_store_idx %arg8[%add3A_82, %select_n3A_104, %add3A_480], %get3A_486 : memref<8x8x129xf32, #tpu.memory_space<vmem>>[vector<16xi32>, vector<16xi32>, vector<16xi32>], vector<16xf32>,
      %get3A_487 = arith.index_cast %add3A_476 : i32 to index
      %get3A_488 = arith.constant 32 : index
      %get3A_489 = tpu.vector_load %arg6[%get3A_487, %get3A_488] {strides = array<i32>} : memref<128x64xf32, #tpu.memory_space<vmem>>, vector<16xf32>,
      tpu.vector_store_idx %arg8[%add3A_138, %select_n3A_160, %add3A_480], %get3A_489 : memref<8x8x129xf32, #tpu.memory_space<vmem>>[vector<16xi32>, vector<16xi32>, vector<16xi32>], vector<16xf32>,
      %get3A_490 = arith.index_cast %add3A_476 : i32 to index
      %get3A_491 = arith.constant 48 : index
      %get3A_492 = tpu.vector_load %arg6[%get3A_490, %get3A_491] {strides = array<i32>} : memref<128x64xf32, #tpu.memory_space<vmem>>, vector<16xf32>,
      tpu.vector_store_idx %arg8[%add3A_194, %select_n3A_216, %add3A_480], %get3A_492 : memref<8x8x129xf32, #tpu.memory_space<vmem>>[vector<16xi32>, vector<16xi32>, vector<16xi32>], vector<16xf32>,
      %add3A_493 = arith.constant 2 : i32
      %add3A_494 = arith.addi %mul3A_458, %add3A_493 : i32
      %broadcast_in_dim3A_495 = arith.constant 0 : i32
      %broadcast_in_dim3A_496 = vector.broadcast %broadcast_in_dim3A_495 : i32 to vector<16xi32>
      %add3A_497 = vector.broadcast %add3A_494 : i32 to vector<16xi32>
      %add3A_498 = arith.addi %broadcast_in_dim3A_496, %add3A_497 : vector<16xi32>
      %get3A_499 = arith.index_cast %add3A_494 : i32 to index
      %get3A_500 = arith.constant 0 : index
      %get3A_501 = tpu.vector_load %arg6[%get3A_499, %get3A_500] {strides = array<i32>} : memref<128x64xf32, #tpu.memory_space<vmem>>, vector<16xf32>,
      tpu.vector_store_idx %arg8[%add3A_28, %select_n3A_48, %add3A_498], %get3A_501 : memref<8x8x129xf32, #tpu.memory_space<vmem>>[vector<16xi32>, vector<16xi32>, vector<16xi32>], vector<16xf32>,
      %get3A_502 = arith.index_cast %add3A_494 : i32 to index
      %get3A_503 = arith.constant 16 : index
      %get3A_504 = tpu.vector_load %arg6[%get3A_502, %get3A_503] {strides = array<i32>} : memref<128x64xf32, #tpu.memory_space<vmem>>, vector<16xf32>,
      tpu.vector_store_idx %arg8[%add3A_82, %select_n3A_104, %add3A_498], %get3A_504 : memref<8x8x129xf32, #tpu.memory_space<vmem>>[vector<16xi32>, vector<16xi32>, vector<16xi32>], vector<16xf32>,
      %get3A_505 = arith.index_cast %add3A_494 : i32 to index
      %get3A_506 = arith.constant 32 : index
      %get3A_507 = tpu.vector_load %arg6[%get3A_505, %get3A_506] {strides = array<i32>} : memref<128x64xf32, #tpu.memory_space<vmem>>, vector<16xf32>,
      tpu.vector_store_idx %arg8[%add3A_138, %select_n3A_160, %add3A_498], %get3A_507 : memref<8x8x129xf32, #tpu.memory_space<vmem>>[vector<16xi32>, vector<16xi32>, vector<16xi32>], vector<16xf32>,
      %get3A_508 = arith.index_cast %add3A_494 : i32 to index
      %get3A_509 = arith.constant 48 : index
      %get3A_510 = tpu.vector_load %arg6[%get3A_508, %get3A_509] {strides = array<i32>} : memref<128x64xf32, #tpu.memory_space<vmem>>, vector<16xf32>,
      tpu.vector_store_idx %arg8[%add3A_194, %select_n3A_216, %add3A_498], %get3A_510 : memref<8x8x129xf32, #tpu.memory_space<vmem>>[vector<16xi32>, vector<16xi32>, vector<16xi32>], vector<16xf32>,
      %add3A_511 = arith.constant 3 : i32
      %add3A_512 = arith.addi %mul3A_458, %add3A_511 : i32
      %broadcast_in_dim3A_513 = arith.constant 0 : i32
      %broadcast_in_dim3A_514 = vector.broadcast %broadcast_in_dim3A_513 : i32 to vector<16xi32>
      %add3A_515 = vector.broadcast %add3A_512 : i32 to vector<16xi32>
      %add3A_516 = arith.addi %broadcast_in_dim3A_514, %add3A_515 : vector<16xi32>
      %get3A_517 = arith.index_cast %add3A_512 : i32 to index
      %get3A_518 = arith.constant 0 : index
      %get3A_519 = tpu.vector_load %arg6[%get3A_517, %get3A_518] {strides = array<i32>} : memref<128x64xf32, #tpu.memory_space<vmem>>, vector<16xf32>,
      tpu.vector_store_idx %arg8[%add3A_28, %select_n3A_48, %add3A_516], %get3A_519 : memref<8x8x129xf32, #tpu.memory_space<vmem>>[vector<16xi32>, vector<16xi32>, vector<16xi32>], vector<16xf32>,
      %get3A_520 = arith.index_cast %add3A_512 : i32 to index
      %get3A_521 = arith.constant 16 : index
      %get3A_522 = tpu.vector_load %arg6[%get3A_520, %get3A_521] {strides = array<i32>} : memref<128x64xf32, #tpu.memory_space<vmem>>, vector<16xf32>,
      tpu.vector_store_idx %arg8[%add3A_82, %select_n3A_104, %add3A_516], %get3A_522 : memref<8x8x129xf32, #tpu.memory_space<vmem>>[vector<16xi32>, vector<16xi32>, vector<16xi32>], vector<16xf32>,
      %get3A_523 = arith.index_cast %add3A_512 : i32 to index
      %get3A_524 = arith.constant 32 : index
      %get3A_525 = tpu.vector_load %arg6[%get3A_523, %get3A_524] {strides = array<i32>} : memref<128x64xf32, #tpu.memory_space<vmem>>, vector<16xf32>,
      tpu.vector_store_idx %arg8[%add3A_138, %select_n3A_160, %add3A_516], %get3A_525 : memref<8x8x129xf32, #tpu.memory_space<vmem>>[vector<16xi32>, vector<16xi32>, vector<16xi32>], vector<16xf32>,
      %get3A_526 = arith.index_cast %add3A_512 : i32 to index
      %get3A_527 = arith.constant 48 : index
      %get3A_528 = tpu.vector_load %arg6[%get3A_526, %get3A_527] {strides = array<i32>} : memref<128x64xf32, #tpu.memory_space<vmem>>, vector<16xf32>,
      tpu.vector_store_idx %arg8[%add3A_194, %select_n3A_216, %add3A_516], %get3A_528 : memref<8x8x129xf32, #tpu.memory_space<vmem>>[vector<16xi32>, vector<16xi32>, vector<16xi32>], vector<16xf32>,
      %add3A_529 = arith.constant 4 : i32
      %add3A_530 = arith.addi %mul3A_458, %add3A_529 : i32
      %broadcast_in_dim3A_531 = arith.constant 0 : i32
      %broadcast_in_dim3A_532 = vector.broadcast %broadcast_in_dim3A_531 : i32 to vector<16xi32>
      %add3A_533 = vector.broadcast %add3A_530 : i32 to vector<16xi32>
      %add3A_534 = arith.addi %broadcast_in_dim3A_532, %add3A_533 : vector<16xi32>
      %get3A_535 = arith.index_cast %add3A_530 : i32 to index
      %get3A_536 = arith.constant 0 : index
      %get3A_537 = tpu.vector_load %arg6[%get3A_535, %get3A_536] {strides = array<i32>} : memref<128x64xf32, #tpu.memory_space<vmem>>, vector<16xf32>,
      tpu.vector_store_idx %arg8[%add3A_28, %select_n3A_48, %add3A_534], %get3A_537 : memref<8x8x129xf32, #tpu.memory_space<vmem>>[vector<16xi32>, vector<16xi32>, vector<16xi32>], vector<16xf32>,
      %get3A_538 = arith.index_cast %add3A_530 : i32 to index
      %get3A_539 = arith.constant 16 : index
      %get3A_540 = tpu.vector_load %arg6[%get3A_538, %get3A_539] {strides = array<i32>} : memref<128x64xf32, #tpu.memory_space<vmem>>, vector<16xf32>,
      tpu.vector_store_idx %arg8[%add3A_82, %select_n3A_104, %add3A_534], %get3A_540 : memref<8x8x129xf32, #tpu.memory_space<vmem>>[vector<16xi32>, vector<16xi32>, vector<16xi32>], vector<16xf32>,
      %get3A_541 = arith.index_cast %add3A_530 : i32 to index
      %get3A_542 = arith.constant 32 : index
      %get3A_543 = tpu.vector_load %arg6[%get3A_541, %get3A_542] {strides = array<i32>} : memref<128x64xf32, #tpu.memory_space<vmem>>, vector<16xf32>,
      tpu.vector_store_idx %arg8[%add3A_138, %select_n3A_160, %add3A_534], %get3A_543 : memref<8x8x129xf32, #tpu.memory_space<vmem>>[vector<16xi32>, vector<16xi32>, vector<16xi32>], vector<16xf32>,
      %get3A_544 = arith.index_cast %add3A_530 : i32 to index
      %get3A_545 = arith.constant 48 : index
      %get3A_546 = tpu.vector_load %arg6[%get3A_544, %get3A_545] {strides = array<i32>} : memref<128x64xf32, #tpu.memory_space<vmem>>, vector<16xf32>,
      tpu.vector_store_idx %arg8[%add3A_194, %select_n3A_216, %add3A_534], %get3A_546 : memref<8x8x129xf32, #tpu.memory_space<vmem>>[vector<16xi32>, vector<16xi32>, vector<16xi32>], vector<16xf32>,
      %add3A_547 = arith.constant 5 : i32
      %add3A_548 = arith.addi %mul3A_458, %add3A_547 : i32
      %broadcast_in_dim3A_549 = arith.constant 0 : i32
      %broadcast_in_dim3A_550 = vector.broadcast %broadcast_in_dim3A_549 : i32 to vector<16xi32>
      %add3A_551 = vector.broadcast %add3A_548 : i32 to vector<16xi32>
      %add3A_552 = arith.addi %broadcast_in_dim3A_550, %add3A_551 : vector<16xi32>
      %get3A_553 = arith.index_cast %add3A_548 : i32 to index
      %get3A_554 = arith.constant 0 : index
      %get3A_555 = tpu.vector_load %arg6[%get3A_553, %get3A_554] {strides = array<i32>} : memref<128x64xf32, #tpu.memory_space<vmem>>, vector<16xf32>,
      tpu.vector_store_idx %arg8[%add3A_28, %select_n3A_48, %add3A_552], %get3A_555 : memref<8x8x129xf32, #tpu.memory_space<vmem>>[vector<16xi32>, vector<16xi32>, vector<16xi32>], vector<16xf32>,
      %get3A_556 = arith.index_cast %add3A_548 : i32 to index
      %get3A_557 = arith.constant 16 : index
      %get3A_558 = tpu.vector_load %arg6[%get3A_556, %get3A_557] {strides = array<i32>} : memref<128x64xf32, #tpu.memory_space<vmem>>, vector<16xf32>,
      tpu.vector_store_idx %arg8[%add3A_82, %select_n3A_104, %add3A_552], %get3A_558 : memref<8x8x129xf32, #tpu.memory_space<vmem>>[vector<16xi32>, vector<16xi32>, vector<16xi32>], vector<16xf32>,
      %get3A_559 = arith.index_cast %add3A_548 : i32 to index
      %get3A_560 = arith.constant 32 : index
      %get3A_561 = tpu.vector_load %arg6[%get3A_559, %get3A_560] {strides = array<i32>} : memref<128x64xf32, #tpu.memory_space<vmem>>, vector<16xf32>,
      tpu.vector_store_idx %arg8[%add3A_138, %select_n3A_160, %add3A_552], %get3A_561 : memref<8x8x129xf32, #tpu.memory_space<vmem>>[vector<16xi32>, vector<16xi32>, vector<16xi32>], vector<16xf32>,
      %get3A_562 = arith.index_cast %add3A_548 : i32 to index
      %get3A_563 = arith.constant 48 : index
      %get3A_564 = tpu.vector_load %arg6[%get3A_562, %get3A_563] {strides = array<i32>} : memref<128x64xf32, #tpu.memory_space<vmem>>, vector<16xf32>,
      tpu.vector_store_idx %arg8[%add3A_194, %select_n3A_216, %add3A_552], %get3A_564 : memref<8x8x129xf32, #tpu.memory_space<vmem>>[vector<16xi32>, vector<16xi32>, vector<16xi32>], vector<16xf32>,
      %add3A_565 = arith.constant 6 : i32
      %add3A_566 = arith.addi %mul3A_458, %add3A_565 : i32
      %broadcast_in_dim3A_567 = arith.constant 0 : i32
      %broadcast_in_dim3A_568 = vector.broadcast %broadcast_in_dim3A_567 : i32 to vector<16xi32>
      %add3A_569 = vector.broadcast %add3A_566 : i32 to vector<16xi32>
      %add3A_570 = arith.addi %broadcast_in_dim3A_568, %add3A_569 : vector<16xi32>
      %get3A_571 = arith.index_cast %add3A_566 : i32 to index
      %get3A_572 = arith.constant 0 : index
      %get3A_573 = tpu.vector_load %arg6[%get3A_571, %get3A_572] {strides = array<i32>} : memref<128x64xf32, #tpu.memory_space<vmem>>, vector<16xf32>,
      tpu.vector_store_idx %arg8[%add3A_28, %select_n3A_48, %add3A_570], %get3A_573 : memref<8x8x129xf32, #tpu.memory_space<vmem>>[vector<16xi32>, vector<16xi32>, vector<16xi32>], vector<16xf32>,
      %get3A_574 = arith.index_cast %add3A_566 : i32 to index
      %get3A_575 = arith.constant 16 : index
      %get3A_576 = tpu.vector_load %arg6[%get3A_574, %get3A_575] {strides = array<i32>} : memref<128x64xf32, #tpu.memory_space<vmem>>, vector<16xf32>,
      tpu.vector_store_idx %arg8[%add3A_82, %select_n3A_104, %add3A_570], %get3A_576 : memref<8x8x129xf32, #tpu.memory_space<vmem>>[vector<16xi32>, vector<16xi32>, vector<16xi32>], vector<16xf32>,
      %get3A_577 = arith.index_cast %add3A_566 : i32 to index
      %get3A_578 = arith.constant 32 : index
      %get3A_579 = tpu.vector_load %arg6[%get3A_577, %get3A_578] {strides = array<i32>} : memref<128x64xf32, #tpu.memory_space<vmem>>, vector<16xf32>,
      tpu.vector_store_idx %arg8[%add3A_138, %select_n3A_160, %add3A_570], %get3A_579 : memref<8x8x129xf32, #tpu.memory_space<vmem>>[vector<16xi32>, vector<16xi32>, vector<16xi32>], vector<16xf32>,
      %get3A_580 = arith.index_cast %add3A_566 : i32 to index
      %get3A_581 = arith.constant 48 : index
      %get3A_582 = tpu.vector_load %arg6[%get3A_580, %get3A_581] {strides = array<i32>} : memref<128x64xf32, #tpu.memory_space<vmem>>, vector<16xf32>,
      tpu.vector_store_idx %arg8[%add3A_194, %select_n3A_216, %add3A_570], %get3A_582 : memref<8x8x129xf32, #tpu.memory_space<vmem>>[vector<16xi32>, vector<16xi32>, vector<16xi32>], vector<16xf32>,
      %add3A_583 = arith.constant 7 : i32
      %add3A_584 = arith.addi %mul3A_458, %add3A_583 : i32
      %broadcast_in_dim3A_585 = arith.constant 0 : i32
      %broadcast_in_dim3A_586 = vector.broadcast %broadcast_in_dim3A_585 : i32 to vector<16xi32>
      %add3A_587 = vector.broadcast %add3A_584 : i32 to vector<16xi32>
      %add3A_588 = arith.addi %broadcast_in_dim3A_586, %add3A_587 : vector<16xi32>
      %get3A_589 = arith.index_cast %add3A_584 : i32 to index
      %get3A_590 = arith.constant 0 : index
      %get3A_591 = tpu.vector_load %arg6[%get3A_589, %get3A_590] {strides = array<i32>} : memref<128x64xf32, #tpu.memory_space<vmem>>, vector<16xf32>,
      tpu.vector_store_idx %arg8[%add3A_28, %select_n3A_48, %add3A_588], %get3A_591 : memref<8x8x129xf32, #tpu.memory_space<vmem>>[vector<16xi32>, vector<16xi32>, vector<16xi32>], vector<16xf32>,
      %get3A_592 = arith.index_cast %add3A_584 : i32 to index
      %get3A_593 = arith.constant 16 : index
      %get3A_594 = tpu.vector_load %arg6[%get3A_592, %get3A_593] {strides = array<i32>} : memref<128x64xf32, #tpu.memory_space<vmem>>, vector<16xf32>,
      tpu.vector_store_idx %arg8[%add3A_82, %select_n3A_104, %add3A_588], %get3A_594 : memref<8x8x129xf32, #tpu.memory_space<vmem>>[vector<16xi32>, vector<16xi32>, vector<16xi32>], vector<16xf32>,
      %get3A_595 = arith.index_cast %add3A_584 : i32 to index
      %get3A_596 = arith.constant 32 : index
      %get3A_597 = tpu.vector_load %arg6[%get3A_595, %get3A_596] {strides = array<i32>} : memref<128x64xf32, #tpu.memory_space<vmem>>, vector<16xf32>,
      tpu.vector_store_idx %arg8[%add3A_138, %select_n3A_160, %add3A_588], %get3A_597 : memref<8x8x129xf32, #tpu.memory_space<vmem>>[vector<16xi32>, vector<16xi32>, vector<16xi32>], vector<16xf32>,
      %get3A_598 = arith.index_cast %add3A_584 : i32 to index
      %get3A_599 = arith.constant 48 : index
      %get3A_600 = tpu.vector_load %arg6[%get3A_598, %get3A_599] {strides = array<i32>} : memref<128x64xf32, #tpu.memory_space<vmem>>, vector<16xf32>,
      tpu.vector_store_idx %arg8[%add3A_194, %select_n3A_216, %add3A_588], %get3A_600 : memref<8x8x129xf32, #tpu.memory_space<vmem>>[vector<16xi32>, vector<16xi32>, vector<16xi32>], vector<16xf32>,
    }
    %scan3A_240 = arith.constant 16 : i32
    %dma_start3A_241 = arith.constant 0 : i32
    %dma_start3A_242 = arith.constant 0 : i32
    %dma_start3A_243 = arith.constant 0 : i32
    %dma_start3A_244 = arith.constant 0 : i32
    %dma_start3A_245 = tpu.memref_slice %arg8[%dma_start3A_242, %dma_start3A_243, %dma_start3A_244] : memref<8x8x129xf32, #tpu.memory_space<vmem>> -> memref<8x8x128xf32, #tpu.memory_space<vmem>>
    %dma_start3A_246 = arith.constant 0 : i32
    %dma_start3A_247 = arith.constant 0 : i32
    %dma_start3A_248 = arith.constant 0 : i32
    %dma_start3A_249 = tpu.memref_slice %arg4[%dma_start3A_241, %dma_start3A_246, %add3A, %dma_start3A_247, %dma_start3A_248] : memref<200x8x32x8x128xf32, #tpu.memory_space<hbm>> -> memref<1x8x1x8x128xf32, #tpu.memory_space<hbm>>
    %dma_start3A_250 = tpu.memref_squeeze %dma_start3A_249 : memref<1x8x1x8x128xf32, #tpu.memory_space<hbm>> -> memref<8x8x128xf32, #tpu.memory_space<hbm>>
    %dma_start3A_251 = arith.constant 0 : i32
    %dma_start3A_252 = arith.constant 0 : i32
    %dma_start3A_253 = arith.constant 0 : i32
    %dma_start3A_254 = tpu.memref_slice %arg4[%dma_start3A_241, %dma_start3A_251, %add3A, %dma_start3A_252, %dma_start3A_253] : memref<200x8x32x8x128xf32, #tpu.memory_space<hbm>> -> memref<1x8x1x8x128xf32, #tpu.memory_space<hbm>>
    %dma_start3A_255 = tpu.memref_squeeze %dma_start3A_254 : memref<1x8x1x8x128xf32, #tpu.memory_space<hbm>> -> memref<8x8x128xf32, #tpu.memory_space<hbm>>
    %dma_start3A_256 = arith.constant 0 : i32
    %dma_start3A_257 = arith.constant 0 : i32
    %dma_start3A_258 = arith.constant 0 : i32
    %dma_start3A_259 = tpu.memref_slice %arg8[%dma_start3A_256, %dma_start3A_257, %dma_start3A_258] : memref<8x8x129xf32, #tpu.memory_space<vmem>> -> memref<8x8x128xf32, #tpu.memory_space<vmem>>
    tpu.enqueue_dma source(%dma_start3A_259 : memref<8x8x128xf32, #tpu.memory_space<vmem>>) target(%dma_start3A_255 : memref<8x8x128xf32, #tpu.memory_space<hbm>>) target_semaphore(%arg12 : memref<!tpu.dma_semaphore, #tpu.memory_space<semaphore_mem>>)
    %dma_start3A_260 = arith.constant 2 : i32
    %dma_start3A_261 = arith.constant 0 : i32
    %dma_start3A_262 = tpu.memref_slice %arg5[%dma_start3A_260, %dma_start3A_261] : memref<200x128xi32, #tpu.memory_space<vmem>> -> memref<1x128xi32, #tpu.memory_space<vmem>>
    %dma_start3A_263 = tpu.memref_squeeze %dma_start3A_262 : memref<1x128xi32, #tpu.memory_space<vmem>> -> memref<128xi32, #tpu.memory_space<vmem>>
    %dma_start3A_264 = arith.constant 0 : i32
    %dma_start3A_265 = arith.constant 0 : i32
    %dma_start3A_266 = tpu.memref_slice %arg3[%dma_start3A_264, %dma_start3A_265] : memref<1000000x64xf32, #tpu.memory_space<hbm>> -> memref<1000000x64xf32, #tpu.memory_space<hbm>>
    tpu.enqueue_indirect_dma source(%dma_start3A_266 : memref<1000000x64xf32, #tpu.memory_space<hbm>>) target(%arg6 : memref<128x64xf32, #tpu.memory_space<vmem>>) offsets(%dma_start3A_263 : memref<128xi32, #tpu.memory_space<vmem>>) semaphore(%arg10 : memref<!tpu.dma_semaphore, #tpu.memory_space<semaphore_mem>>)
    %dma_wait3A_267 = arith.constant 0 : i32
    %dma_wait3A_268 = arith.constant 0 : i32
    %dma_wait3A_269 = tpu.memref_slice %arg5[%dma_wait3A_267, %dma_wait3A_268] : memref<200x128xi32, #tpu.memory_space<vmem>> -> memref<1x128xi32, #tpu.memory_space<vmem>>
    %dma_wait3A_270 = tpu.memref_squeeze %dma_wait3A_269 : memref<1x128xi32, #tpu.memory_space<vmem>> -> memref<128xi32, #tpu.memory_space<vmem>>
    %dma_wait3A_271 = arith.constant 0 : i32
    %dma_wait3A_272 = arith.constant 0 : i32
    %dma_wait3A_273 = tpu.memref_slice %arg3[%dma_wait3A_271, %dma_wait3A_272] : memref<1000000x64xf32, #tpu.memory_space<hbm>> -> memref<1000000x64xf32, #tpu.memory_space<hbm>>
    tpu.wait_indirect_dma semaphore(%arg11 : memref<!tpu.dma_semaphore, #tpu.memory_space<semaphore_mem>>) src(%dma_wait3A_273 : memref<1000000x64xf32, #tpu.memory_space<hbm>>) dst(%arg7 : memref<128x64xf32, #tpu.memory_space<vmem>>)
    %scan3A_274 = arith.constant 0 : i32
    %scan3A_275 = arith.constant 0 : i32
    %scan3A_276 = arith.constant 16 : i32
    %scan3A_277 = arith.addi %scan3A_275, %scan3A_276 : i32
    %scan3A_278 = arith.constant 1 : i32
    scf.for %scan3A_456 = %scan3A_275 to %scan3A_277 step %scan3A_278  : i32 {
      %mul3A_457 = arith.constant 8 : i32
      %mul3A_458 = arith.muli %mul3A_457, %scan3A_456 : i32
      %add3A_459 = arith.constant 0 : i32
      %add3A_460 = arith.addi %mul3A_458, %add3A_459 : i32
      %broadcast_in_dim3A = arith.constant 0 : i32
      %broadcast_in_dim3A_461 = vector.broadcast %broadcast_in_dim3A : i32 to vector<16xi32>
      %add3A_462 = vector.broadcast %add3A_460 : i32 to vector<16xi32>
      %add3A_463 = arith.addi %broadcast_in_dim3A_461, %add3A_462 : vector<16xi32>
      %get3A = arith.index_cast %add3A_460 : i32 to index
      %get3A_464 = arith.constant 0 : index
      %get3A_465 = tpu.vector_load %arg7[%get3A, %get3A_464] {strides = array<i32>} : memref<128x64xf32, #tpu.memory_space<vmem>>, vector<16xf32>,
      tpu.vector_store_idx %arg9[%add3A_28, %select_n3A_48, %add3A_463], %get3A_465 : memref<8x8x129xf32, #tpu.memory_space<vmem>>[vector<16xi32>, vector<16xi32>, vector<16xi32>], vector<16xf32>,
      %get3A_466 = arith.index_cast %add3A_460 : i32 to index
      %get3A_467 = arith.constant 16 : index
      %get3A_468 = tpu.vector_load %arg7[%get3A_466, %get3A_467] {strides = array<i32>} : memref<128x64xf32, #tpu.memory_space<vmem>>, vector<16xf32>,
      tpu.vector_store_idx %arg9[%add3A_82, %select_n3A_104, %add3A_463], %get3A_468 : memref<8x8x129xf32, #tpu.memory_space<vmem>>[vector<16xi32>, vector<16xi32>, vector<16xi32>], vector<16xf32>,
      %get3A_469 = arith.index_cast %add3A_460 : i32 to index
      %get3A_470 = arith.constant 32 : index
      %get3A_471 = tpu.vector_load %arg7[%get3A_469, %get3A_470] {strides = array<i32>} : memref<128x64xf32, #tpu.memory_space<vmem>>, vector<16xf32>,
      tpu.vector_store_idx %arg9[%add3A_138, %select_n3A_160, %add3A_463], %get3A_471 : memref<8x8x129xf32, #tpu.memory_space<vmem>>[vector<16xi32>, vector<16xi32>, vector<16xi32>], vector<16xf32>,
      %get3A_472 = arith.index_cast %add3A_460 : i32 to index
      %get3A_473 = arith.constant 48 : index
      %get3A_474 = tpu.vector_load %arg7[%get3A_472, %get3A_473] {strides = array<i32>} : memref<128x64xf32, #tpu.memory_space<vmem>>, vector<16xf32>,
      tpu.vector_store_idx %arg9[%add3A_194, %select_n3A_216, %add3A_463], %get3A_474 : memref<8x8x129xf32, #tpu.memory_space<vmem>>[vector<16xi32>, vector<16xi32>, vector<16xi32>], vector<16xf32>,
      %add3A_475 = arith.constant 1 : i32
      %add3A_476 = arith.addi %mul3A_458, %add3A_475 : i32
      %broadcast_in_dim3A_477 = arith.constant 0 : i32
      %broadcast_in_dim3A_478 = vector.broadcast %broadcast_in_dim3A_477 : i32 to vector<16xi32>
      %add3A_479 = vector.broadcast %add3A_476 : i32 to vector<16xi32>
      %add3A_480 = arith.addi %broadcast_in_dim3A_478, %add3A_479 : vector<16xi32>
      %get3A_481 = arith.index_cast %add3A_476 : i32 to index
      %get3A_482 = arith.constant 0 : index
      %get3A_483 = tpu.vector_load %arg7[%get3A_481, %get3A_482] {strides = array<i32>} : memref<128x64xf32, #tpu.memory_space<vmem>>, vector<16xf32>,
      tpu.vector_store_idx %arg9[%add3A_28, %select_n3A_48, %add3A_480], %get3A_483 : memref<8x8x129xf32, #tpu.memory_space<vmem>>[vector<16xi32>, vector<16xi32>, vector<16xi32>], vector<16xf32>,
      %get3A_484 = arith.index_cast %add3A_476 : i32 to index
      %get3A_485 = arith.constant 16 : index
      %get3A_486 = tpu.vector_load %arg7[%get3A_484, %get3A_485] {strides = array<i32>} : memref<128x64xf32, #tpu.memory_space<vmem>>, vector<16xf32>,
      tpu.vector_store_idx %arg9[%add3A_82, %select_n3A_104, %add3A_480], %get3A_486 : memref<8x8x129xf32, #tpu.memory_space<vmem>>[vector<16xi32>, vector<16xi32>, vector<16xi32>], vector<16xf32>,
      %get3A_487 = arith.index_cast %add3A_476 : i32 to index
      %get3A_488 = arith.constant 32 : index
      %get3A_489 = tpu.vector_load %arg7[%get3A_487, %get3A_488] {strides = array<i32>} : memref<128x64xf32, #tpu.memory_space<vmem>>, vector<16xf32>,
      tpu.vector_store_idx %arg9[%add3A_138, %select_n3A_160, %add3A_480], %get3A_489 : memref<8x8x129xf32, #tpu.memory_space<vmem>>[vector<16xi32>, vector<16xi32>, vector<16xi32>], vector<16xf32>,
      %get3A_490 = arith.index_cast %add3A_476 : i32 to index
      %get3A_491 = arith.constant 48 : index
      %get3A_492 = tpu.vector_load %arg7[%get3A_490, %get3A_491] {strides = array<i32>} : memref<128x64xf32, #tpu.memory_space<vmem>>, vector<16xf32>,
      tpu.vector_store_idx %arg9[%add3A_194, %select_n3A_216, %add3A_480], %get3A_492 : memref<8x8x129xf32, #tpu.memory_space<vmem>>[vector<16xi32>, vector<16xi32>, vector<16xi32>], vector<16xf32>,
      %add3A_493 = arith.constant 2 : i32
      %add3A_494 = arith.addi %mul3A_458, %add3A_493 : i32
      %broadcast_in_dim3A_495 = arith.constant 0 : i32
      %broadcast_in_dim3A_496 = vector.broadcast %broadcast_in_dim3A_495 : i32 to vector<16xi32>
      %add3A_497 = vector.broadcast %add3A_494 : i32 to vector<16xi32>
      %add3A_498 = arith.addi %broadcast_in_dim3A_496, %add3A_497 : vector<16xi32>
      %get3A_499 = arith.index_cast %add3A_494 : i32 to index
      %get3A_500 = arith.constant 0 : index
      %get3A_501 = tpu.vector_load %arg7[%get3A_499, %get3A_500] {strides = array<i32>} : memref<128x64xf32, #tpu.memory_space<vmem>>, vector<16xf32>,
      tpu.vector_store_idx %arg9[%add3A_28, %select_n3A_48, %add3A_498], %get3A_501 : memref<8x8x129xf32, #tpu.memory_space<vmem>>[vector<16xi32>, vector<16xi32>, vector<16xi32>], vector<16xf32>,
      %get3A_502 = arith.index_cast %add3A_494 : i32 to index
      %get3A_503 = arith.constant 16 : index
      %get3A_504 = tpu.vector_load %arg7[%get3A_502, %get3A_503] {strides = array<i32>} : memref<128x64xf32, #tpu.memory_space<vmem>>, vector<16xf32>,
      tpu.vector_store_idx %arg9[%add3A_82, %select_n3A_104, %add3A_498], %get3A_504 : memref<8x8x129xf32, #tpu.memory_space<vmem>>[vector<16xi32>, vector<16xi32>, vector<16xi32>], vector<16xf32>,
      %get3A_505 = arith.index_cast %add3A_494 : i32 to index
      %get3A_506 = arith.constant 32 : index
      %get3A_507 = tpu.vector_load %arg7[%get3A_505, %get3A_506] {strides = array<i32>} : memref<128x64xf32, #tpu.memory_space<vmem>>, vector<16xf32>,
      tpu.vector_store_idx %arg9[%add3A_138, %select_n3A_160, %add3A_498], %get3A_507 : memref<8x8x129xf32, #tpu.memory_space<vmem>>[vector<16xi32>, vector<16xi32>, vector<16xi32>], vector<16xf32>,
      %get3A_508 = arith.index_cast %add3A_494 : i32 to index
      %get3A_509 = arith.constant 48 : index
      %get3A_510 = tpu.vector_load %arg7[%get3A_508, %get3A_509] {strides = array<i32>} : memref<128x64xf32, #tpu.memory_space<vmem>>, vector<16xf32>,
      tpu.vector_store_idx %arg9[%add3A_194, %select_n3A_216, %add3A_498], %get3A_510 : memref<8x8x129xf32, #tpu.memory_space<vmem>>[vector<16xi32>, vector<16xi32>, vector<16xi32>], vector<16xf32>,
      %add3A_511 = arith.constant 3 : i32
      %add3A_512 = arith.addi %mul3A_458, %add3A_511 : i32
      %broadcast_in_dim3A_513 = arith.constant 0 : i32
      %broadcast_in_dim3A_514 = vector.broadcast %broadcast_in_dim3A_513 : i32 to vector<16xi32>
      %add3A_515 = vector.broadcast %add3A_512 : i32 to vector<16xi32>
      %add3A_516 = arith.addi %broadcast_in_dim3A_514, %add3A_515 : vector<16xi32>
      %get3A_517 = arith.index_cast %add3A_512 : i32 to index
      %get3A_518 = arith.constant 0 : index
      %get3A_519 = tpu.vector_load %arg7[%get3A_517, %get3A_518] {strides = array<i32>} : memref<128x64xf32, #tpu.memory_space<vmem>>, vector<16xf32>,
      tpu.vector_store_idx %arg9[%add3A_28, %select_n3A_48, %add3A_516], %get3A_519 : memref<8x8x129xf32, #tpu.memory_space<vmem>>[vector<16xi32>, vector<16xi32>, vector<16xi32>], vector<16xf32>,
      %get3A_520 = arith.index_cast %add3A_512 : i32 to index
      %get3A_521 = arith.constant 16 : index
      %get3A_522 = tpu.vector_load %arg7[%get3A_520, %get3A_521] {strides = array<i32>} : memref<128x64xf32, #tpu.memory_space<vmem>>, vector<16xf32>,
      tpu.vector_store_idx %arg9[%add3A_82, %select_n3A_104, %add3A_516], %get3A_522 : memref<8x8x129xf32, #tpu.memory_space<vmem>>[vector<16xi32>, vector<16xi32>, vector<16xi32>], vector<16xf32>,
      %get3A_523 = arith.index_cast %add3A_512 : i32 to index
      %get3A_524 = arith.constant 32 : index
      %get3A_525 = tpu.vector_load %arg7[%get3A_523, %get3A_524] {strides = array<i32>} : memref<128x64xf32, #tpu.memory_space<vmem>>, vector<16xf32>,
      tpu.vector_store_idx %arg9[%add3A_138, %select_n3A_160, %add3A_516], %get3A_525 : memref<8x8x129xf32, #tpu.memory_space<vmem>>[vector<16xi32>, vector<16xi32>, vector<16xi32>], vector<16xf32>,
      %get3A_526 = arith.index_cast %add3A_512 : i32 to index
      %get3A_527 = arith.constant 48 : index
      %get3A_528 = tpu.vector_load %arg7[%get3A_526, %get3A_527] {strides = array<i32>} : memref<128x64xf32, #tpu.memory_space<vmem>>, vector<16xf32>,
      tpu.vector_store_idx %arg9[%add3A_194, %select_n3A_216, %add3A_516], %get3A_528 : memref<8x8x129xf32, #tpu.memory_space<vmem>>[vector<16xi32>, vector<16xi32>, vector<16xi32>], vector<16xf32>,
      %add3A_529 = arith.constant 4 : i32
      %add3A_530 = arith.addi %mul3A_458, %add3A_529 : i32
      %broadcast_in_dim3A_531 = arith.constant 0 : i32
      %broadcast_in_dim3A_532 = vector.broadcast %broadcast_in_dim3A_531 : i32 to vector<16xi32>
      %add3A_533 = vector.broadcast %add3A_530 : i32 to vector<16xi32>
      %add3A_534 = arith.addi %broadcast_in_dim3A_532, %add3A_533 : vector<16xi32>
      %get3A_535 = arith.index_cast %add3A_530 : i32 to index
      %get3A_536 = arith.constant 0 : index
      %get3A_537 = tpu.vector_load %arg7[%get3A_535, %get3A_536] {strides = array<i32>} : memref<128x64xf32, #tpu.memory_space<vmem>>, vector<16xf32>,
      tpu.vector_store_idx %arg9[%add3A_28, %select_n3A_48, %add3A_534], %get3A_537 : memref<8x8x129xf32, #tpu.memory_space<vmem>>[vector<16xi32>, vector<16xi32>, vector<16xi32>], vector<16xf32>,
      %get3A_538 = arith.index_cast %add3A_530 : i32 to index
      %get3A_539 = arith.constant 16 : index
      %get3A_540 = tpu.vector_load %arg7[%get3A_538, %get3A_539] {strides = array<i32>} : memref<128x64xf32, #tpu.memory_space<vmem>>, vector<16xf32>,
      tpu.vector_store_idx %arg9[%add3A_82, %select_n3A_104, %add3A_534], %get3A_540 : memref<8x8x129xf32, #tpu.memory_space<vmem>>[vector<16xi32>, vector<16xi32>, vector<16xi32>], vector<16xf32>,
      %get3A_541 = arith.index_cast %add3A_530 : i32 to index
      %get3A_542 = arith.constant 32 : index
      %get3A_543 = tpu.vector_load %arg7[%get3A_541, %get3A_542] {strides = array<i32>} : memref<128x64xf32, #tpu.memory_space<vmem>>, vector<16xf32>,
      tpu.vector_store_idx %arg9[%add3A_138, %select_n3A_160, %add3A_534], %get3A_543 : memref<8x8x129xf32, #tpu.memory_space<vmem>>[vector<16xi32>, vector<16xi32>, vector<16xi32>], vector<16xf32>,
      %get3A_544 = arith.index_cast %add3A_530 : i32 to index
      %get3A_545 = arith.constant 48 : index
      %get3A_546 = tpu.vector_load %arg7[%get3A_544, %get3A_545] {strides = array<i32>} : memref<128x64xf32, #tpu.memory_space<vmem>>, vector<16xf32>,
      tpu.vector_store_idx %arg9[%add3A_194, %select_n3A_216, %add3A_534], %get3A_546 : memref<8x8x129xf32, #tpu.memory_space<vmem>>[vector<16xi32>, vector<16xi32>, vector<16xi32>], vector<16xf32>,
      %add3A_547 = arith.constant 5 : i32
      %add3A_548 = arith.addi %mul3A_458, %add3A_547 : i32
      %broadcast_in_dim3A_549 = arith.constant 0 : i32
      %broadcast_in_dim3A_550 = vector.broadcast %broadcast_in_dim3A_549 : i32 to vector<16xi32>
      %add3A_551 = vector.broadcast %add3A_548 : i32 to vector<16xi32>
      %add3A_552 = arith.addi %broadcast_in_dim3A_550, %add3A_551 : vector<16xi32>
      %get3A_553 = arith.index_cast %add3A_548 : i32 to index
      %get3A_554 = arith.constant 0 : index
      %get3A_555 = tpu.vector_load %arg7[%get3A_553, %get3A_554] {strides = array<i32>} : memref<128x64xf32, #tpu.memory_space<vmem>>, vector<16xf32>,
      tpu.vector_store_idx %arg9[%add3A_28, %select_n3A_48, %add3A_552], %get3A_555 : memref<8x8x129xf32, #tpu.memory_space<vmem>>[vector<16xi32>, vector<16xi32>, vector<16xi32>], vector<16xf32>,
      %get3A_556 = arith.index_cast %add3A_548 : i32 to index
      %get3A_557 = arith.constant 16 : index
      %get3A_558 = tpu.vector_load %arg7[%get3A_556, %get3A_557] {strides = array<i32>} : memref<128x64xf32, #tpu.memory_space<vmem>>, vector<16xf32>,
      tpu.vector_store_idx %arg9[%add3A_82, %select_n3A_104, %add3A_552], %get3A_558 : memref<8x8x129xf32, #tpu.memory_space<vmem>>[vector<16xi32>, vector<16xi32>, vector<16xi32>], vector<16xf32>,
      %get3A_559 = arith.index_cast %add3A_548 : i32 to index
      %get3A_560 = arith.constant 32 : index
      %get3A_561 = tpu.vector_load %arg7[%get3A_559, %get3A_560] {strides = array<i32>} : memref<128x64xf32, #tpu.memory_space<vmem>>, vector<16xf32>,
      tpu.vector_store_idx %arg9[%add3A_138, %select_n3A_160, %add3A_552], %get3A_561 : memref<8x8x129xf32, #tpu.memory_space<vmem>>[vector<16xi32>, vector<16xi32>, vector<16xi32>], vector<16xf32>,
      %get3A_562 = arith.index_cast %add3A_548 : i32 to index
      %get3A_563 = arith.constant 48 : index
      %get3A_564 = tpu.vector_load %arg7[%get3A_562, %get3A_563] {strides = array<i32>} : memref<128x64xf32, #tpu.memory_space<vmem>>, vector<16xf32>,
      tpu.vector_store_idx %arg9[%add3A_194, %select_n3A_216, %add3A_552], %get3A_564 : memref<8x8x129xf32, #tpu.memory_space<vmem>>[vector<16xi32>, vector<16xi32>, vector<16xi32>], vector<16xf32>,
      %add3A_565 = arith.constant 6 : i32
      %add3A_566 = arith.addi %mul3A_458, %add3A_565 : i32
      %broadcast_in_dim3A_567 = arith.constant 0 : i32
      %broadcast_in_dim3A_568 = vector.broadcast %broadcast_in_dim3A_567 : i32 to vector<16xi32>
      %add3A_569 = vector.broadcast %add3A_566 : i32 to vector<16xi32>
      %add3A_570 = arith.addi %broadcast_in_dim3A_568, %add3A_569 : vector<16xi32>
      %get3A_571 = arith.index_cast %add3A_566 : i32 to index
      %get3A_572 = arith.constant 0 : index
      %get3A_573 = tpu.vector_load %arg7[%get3A_571, %get3A_572] {strides = array<i32>} : memref<128x64xf32, #tpu.memory_space<vmem>>, vector<16xf32>,
      tpu.vector_store_idx %arg9[%add3A_28, %select_n3A_48, %add3A_570], %get3A_573 : memref<8x8x129xf32, #tpu.memory_space<vmem>>[vector<16xi32>, vector<16xi32>, vector<16xi32>], vector<16xf32>,
      %get3A_574 = arith.index_cast %add3A_566 : i32 to index
      %get3A_575 = arith.constant 16 : index
      %get3A_576 = tpu.vector_load %arg7[%get3A_574, %get3A_575] {strides = array<i32>} : memref<128x64xf32, #tpu.memory_space<vmem>>, vector<16xf32>,
      tpu.vector_store_idx %arg9[%add3A_82, %select_n3A_104, %add3A_570], %get3A_576 : memref<8x8x129xf32, #tpu.memory_space<vmem>>[vector<16xi32>, vector<16xi32>, vector<16xi32>], vector<16xf32>,
      %get3A_577 = arith.index_cast %add3A_566 : i32 to index
      %get3A_578 = arith.constant 32 : index
      %get3A_579 = tpu.vector_load %arg7[%get3A_577, %get3A_578] {strides = array<i32>} : memref<128x64xf32, #tpu.memory_space<vmem>>, vector<16xf32>,
      tpu.vector_store_idx %arg9[%add3A_138, %select_n3A_160, %add3A_570], %get3A_579 : memref<8x8x129xf32, #tpu.memory_space<vmem>>[vector<16xi32>, vector<16xi32>, vector<16xi32>], vector<16xf32>,
      %get3A_580 = arith.index_cast %add3A_566 : i32 to index
      %get3A_581 = arith.constant 48 : index
      %get3A_582 = tpu.vector_load %arg7[%get3A_580, %get3A_581] {strides = array<i32>} : memref<128x64xf32, #tpu.memory_space<vmem>>, vector<16xf32>,
      tpu.vector_store_idx %arg9[%add3A_194, %select_n3A_216, %add3A_570], %get3A_582 : memref<8x8x129xf32, #tpu.memory_space<vmem>>[vector<16xi32>, vector<16xi32>, vector<16xi32>], vector<16xf32>,
      %add3A_583 = arith.constant 7 : i32
      %add3A_584 = arith.addi %mul3A_458, %add3A_583 : i32
      %broadcast_in_dim3A_585 = arith.constant 0 : i32
      %broadcast_in_dim3A_586 = vector.broadcast %broadcast_in_dim3A_585 : i32 to vector<16xi32>
      %add3A_587 = vector.broadcast %add3A_584 : i32 to vector<16xi32>
      %add3A_588 = arith.addi %broadcast_in_dim3A_586, %add3A_587 : vector<16xi32>
      %get3A_589 = arith.index_cast %add3A_584 : i32 to index
      %get3A_590 = arith.constant 0 : index
      %get3A_591 = tpu.vector_load %arg7[%get3A_589, %get3A_590] {strides = array<i32>} : memref<128x64xf32, #tpu.memory_space<vmem>>, vector<16xf32>,
      tpu.vector_store_idx %arg9[%add3A_28, %select_n3A_48, %add3A_588], %get3A_591 : memref<8x8x129xf32, #tpu.memory_space<vmem>>[vector<16xi32>, vector<16xi32>, vector<16xi32>], vector<16xf32>,
      %get3A_592 = arith.index_cast %add3A_584 : i32 to index
      %get3A_593 = arith.constant 16 : index
      %get3A_594 = tpu.vector_load %arg7[%get3A_592, %get3A_593] {strides = array<i32>} : memref<128x64xf32, #tpu.memory_space<vmem>>, vector<16xf32>,
      tpu.vector_store_idx %arg9[%add3A_82, %select_n3A_104, %add3A_588], %get3A_594 : memref<8x8x129xf32, #tpu.memory_space<vmem>>[vector<16xi32>, vector<16xi32>, vector<16xi32>], vector<16xf32>,
      %get3A_595 = arith.index_cast %add3A_584 : i32 to index
      %get3A_596 = arith.constant 32 : index
      %get3A_597 = tpu.vector_load %arg7[%get3A_595, %get3A_596] {strides = array<i32>} : memref<128x64xf32, #tpu.memory_space<vmem>>, vector<16xf32>,
      tpu.vector_store_idx %arg9[%add3A_138, %select_n3A_160, %add3A_588], %get3A_597 : memref<8x8x129xf32, #tpu.memory_space<vmem>>[vector<16xi32>, vector<16xi32>, vector<16xi32>], vector<16xf32>,
      %get3A_598 = arith.index_cast %add3A_584 : i32 to index
      %get3A_599 = arith.constant 48 : index
      %get3A_600 = tpu.vector_load %arg7[%get3A_598, %get3A_599] {strides = array<i32>} : memref<128x64xf32, #tpu.memory_space<vmem>>, vector<16xf32>,
      tpu.vector_store_idx %arg9[%add3A_194, %select_n3A_216, %add3A_588], %get3A_600 : memref<8x8x129xf32, #tpu.memory_space<vmem>>[vector<16xi32>, vector<16xi32>, vector<16xi32>], vector<16xf32>,
    }
    %scan3A_279 = arith.constant 16 : i32
    %dma_start3A_280 = arith.constant 1 : i32
    %dma_start3A_281 = arith.constant 0 : i32
    %dma_start3A_282 = arith.constant 0 : i32
    %dma_start3A_283 = arith.constant 0 : i32
    %dma_start3A_284 = tpu.memref_slice %arg9[%dma_start3A_281, %dma_start3A_282, %dma_start3A_283] : memref<8x8x129xf32, #tpu.memory_space<vmem>> -> memref<8x8x128xf32, #tpu.memory_space<vmem>>
    %dma_start3A_285 = arith.constant 0 : i32
    %dma_start3A_286 = arith.constant 0 : i32
    %dma_start3A_287 = arith.constant 0 : i32
    %dma_start3A_288 = tpu.memref_slice %arg4[%dma_start3A_280, %dma_start3A_285, %add3A, %dma_start3A_286, %dma_start3A_287] : memref<200x8x32x8x128xf32, #tpu.memory_space<hbm>> -> memref<1x8x1x8x128xf32, #tpu.memory_space<hbm>>
    %dma_start3A_289 = tpu.memref_squeeze %dma_start3A_288 : memref<1x8x1x8x128xf32, #tpu.memory_space<hbm>> -> memref<8x8x128xf32, #tpu.memory_space<hbm>>
    %dma_start3A_290 = arith.constant 0 : i32
    %dma_start3A_291 = arith.constant 0 : i32
    %dma_start3A_292 = arith.constant 0 : i32
    %dma_start3A_293 = tpu.memref_slice %arg4[%dma_start3A_280, %dma_start3A_290, %add3A, %dma_start3A_291, %dma_start3A_292] : memref<200x8x32x8x128xf32, #tpu.memory_space<hbm>> -> memref<1x8x1x8x128xf32, #tpu.memory_space<hbm>>
    %dma_start3A_294 = tpu.memref_squeeze %dma_start3A_293 : memref<1x8x1x8x128xf32, #tpu.memory_space<hbm>> -> memref<8x8x128xf32, #tpu.memory_space<hbm>>
    %dma_start3A_295 = arith.constant 0 : i32
    %dma_start3A_296 = arith.constant 0 : i32
    %dma_start3A_297 = arith.constant 0 : i32
    %dma_start3A_298 = tpu.memref_slice %arg9[%dma_start3A_295, %dma_start3A_296, %dma_start3A_297] : memref<8x8x129xf32, #tpu.memory_space<vmem>> -> memref<8x8x128xf32, #tpu.memory_space<vmem>>
    tpu.enqueue_dma source(%dma_start3A_298 : memref<8x8x128xf32, #tpu.memory_space<vmem>>) target(%dma_start3A_294 : memref<8x8x128xf32, #tpu.memory_space<hbm>>) target_semaphore(%arg13 : memref<!tpu.dma_semaphore, #tpu.memory_space<semaphore_mem>>)
    %dma_start3A_299 = arith.constant 3 : i32
    %dma_start3A_300 = arith.constant 0 : i32
    %dma_start3A_301 = tpu.memref_slice %arg5[%dma_start3A_299, %dma_start3A_300] : memref<200x128xi32, #tpu.memory_space<vmem>> -> memref<1x128xi32, #tpu.memory_space<vmem>>
    %dma_start3A_302 = tpu.memref_squeeze %dma_start3A_301 : memref<1x128xi32, #tpu.memory_space<vmem>> -> memref<128xi32, #tpu.memory_space<vmem>>
    %dma_start3A_303 = arith.constant 0 : i32
    %dma_start3A_304 = arith.constant 0 : i32
    %dma_start3A_305 = tpu.memref_slice %arg3[%dma_start3A_303, %dma_start3A_304] : memref<1000000x64xf32, #tpu.memory_space<hbm>> -> memref<1000000x64xf32, #tpu.memory_space<hbm>>
    tpu.enqueue_indirect_dma source(%dma_start3A_305 : memref<1000000x64xf32, #tpu.memory_space<hbm>>) target(%arg7 : memref<128x64xf32, #tpu.memory_space<vmem>>) offsets(%dma_start3A_302 : memref<128xi32, #tpu.memory_space<vmem>>) semaphore(%arg11 : memref<!tpu.dma_semaphore, #tpu.memory_space<semaphore_mem>>)
    %scan3A_306 = arith.constant 0 : i32
    %scan3A_307 = arith.constant 1 : i32
    %scan3A_308 = arith.constant 98 : i32
    %scan3A_309 = arith.addi %scan3A_307, %scan3A_308 : i32
    %scan3A_310 = arith.constant 1 : i32
    scf.for %scan3A_456 = %scan3A_307 to %scan3A_309 step %scan3A_310  : i32 {
      %mul3A_457 = arith.constant 2 : i32
      %mul3A_458 = arith.muli %mul3A_457, %scan3A_456 : i32
      %add3A_459 = arith.constant 0 : i32
      %add3A_460 = arith.addi %mul3A_458, %add3A_459 : i32
      %dma_wait3A_461 = arith.constant 0 : i32
      %dma_wait3A_462 = arith.constant 0 : i32
      %dma_wait3A_463 = tpu.memref_slice %arg5[%dma_wait3A_461, %dma_wait3A_462] : memref<200x128xi32, #tpu.memory_space<vmem>> -> memref<1x128xi32, #tpu.memory_space<vmem>>
      %dma_wait3A_464 = tpu.memref_squeeze %dma_wait3A_463 : memref<1x128xi32, #tpu.memory_space<vmem>> -> memref<128xi32, #tpu.memory_space<vmem>>
      %dma_wait3A_465 = arith.constant 0 : i32
      %dma_wait3A_466 = arith.constant 0 : i32
      %dma_wait3A_467 = tpu.memref_slice %arg3[%dma_wait3A_465, %dma_wait3A_466] : memref<1000000x64xf32, #tpu.memory_space<hbm>> -> memref<1000000x64xf32, #tpu.memory_space<hbm>>
      tpu.wait_indirect_dma semaphore(%arg10 : memref<!tpu.dma_semaphore, #tpu.memory_space<semaphore_mem>>) src(%dma_wait3A_467 : memref<1000000x64xf32, #tpu.memory_space<hbm>>) dst(%arg6 : memref<128x64xf32, #tpu.memory_space<vmem>>)
      %dma_wait3A_468 = arith.constant 0 : i32
      %dma_wait3A_469 = arith.constant 0 : i32
      %dma_wait3A_470 = arith.constant 0 : i32
      %dma_wait3A_471 = arith.constant 0 : i32
      %dma_wait3A_472 = arith.constant 0 : i32
      %dma_wait3A_473 = tpu.memref_slice %arg8[%dma_wait3A_470, %dma_wait3A_471, %dma_wait3A_472] : memref<8x8x129xf32, #tpu.memory_space<vmem>> -> memref<8x8x128xf32, #tpu.memory_space<vmem>>
      %dma_wait3A_474 = arith.constant 0 : i32
      %dma_wait3A_475 = arith.constant 0 : i32
      %dma_wait3A_476 = arith.constant 0 : i32
      %dma_wait3A_477 = tpu.memref_slice %arg4[%dma_wait3A_468, %dma_wait3A_474, %dma_wait3A_469, %dma_wait3A_475, %dma_wait3A_476] : memref<200x8x32x8x128xf32, #tpu.memory_space<hbm>> -> memref<1x8x1x8x128xf32, #tpu.memory_space<hbm>>
      %dma_wait3A_478 = tpu.memref_squeeze %dma_wait3A_477 : memref<1x8x1x8x128xf32, #tpu.memory_space<hbm>> -> memref<8x8x128xf32, #tpu.memory_space<hbm>>
      %dma_wait3A_479 = arith.constant 0 : i32
      %dma_wait3A_480 = arith.constant 0 : i32
      %dma_wait3A_481 = arith.constant 0 : i32
      %dma_wait3A_482 = tpu.memref_slice %arg4[%dma_wait3A_468, %dma_wait3A_479, %dma_wait3A_469, %dma_wait3A_480, %dma_wait3A_481] : memref<200x8x32x8x128xf32, #tpu.memory_space<hbm>> -> memref<1x8x1x8x128xf32, #tpu.memory_space<hbm>>
      %dma_wait3A_483 = tpu.memref_squeeze %dma_wait3A_482 : memref<1x8x1x8x128xf32, #tpu.memory_space<hbm>> -> memref<8x8x128xf32, #tpu.memory_space<hbm>>
      %dma_wait3A_484 = arith.constant 0 : i32
      %dma_wait3A_485 = arith.constant 0 : i32
      %dma_wait3A_486 = arith.constant 0 : i32
      %dma_wait3A_487 = tpu.memref_slice %arg8[%dma_wait3A_484, %dma_wait3A_485, %dma_wait3A_486] : memref<8x8x129xf32, #tpu.memory_space<vmem>> -> memref<8x8x128xf32, #tpu.memory_space<vmem>>
      tpu.wait_dma2 semaphore(%arg12 : memref<!tpu.dma_semaphore, #tpu.memory_space<semaphore_mem>>) src(%dma_wait3A_487 : memref<8x8x128xf32, #tpu.memory_space<vmem>>) dst(%dma_wait3A_483 : memref<8x8x128xf32, #tpu.memory_space<hbm>>)
      %scan3A_488 = arith.constant 0 : i32
      %scan3A_489 = arith.constant 0 : i32
      %scan3A_490 = arith.constant 16 : i32
      %scan3A_491 = arith.addi %scan3A_489, %scan3A_490 : i32
      %scan3A_492 = arith.constant 1 : i32
      scf.for %scan3A_583 = %scan3A_489 to %scan3A_491 step %scan3A_492  : i32 {
        %mul3A_584 = arith.constant 8 : i32
        %mul3A_585 = arith.muli %mul3A_584, %scan3A_583 : i32
        %add3A_586 = arith.constant 0 : i32
        %add3A_587 = arith.addi %mul3A_585, %add3A_586 : i32
        %broadcast_in_dim3A = arith.constant 0 : i32
        %broadcast_in_dim3A_588 = vector.broadcast %broadcast_in_dim3A : i32 to vector<16xi32>
        %add3A_589 = vector.broadcast %add3A_587 : i32 to vector<16xi32>
        %add3A_590 = arith.addi %broadcast_in_dim3A_588, %add3A_589 : vector<16xi32>
        %get3A = arith.index_cast %add3A_587 : i32 to index
        %get3A_591 = arith.constant 0 : index
        %get3A_592 = tpu.vector_load %arg6[%get3A, %get3A_591] {strides = array<i32>} : memref<128x64xf32, #tpu.memory_space<vmem>>, vector<16xf32>,
        tpu.vector_store_idx %arg8[%add3A_28, %select_n3A_48, %add3A_590], %get3A_592 : memref<8x8x129xf32, #tpu.memory_space<vmem>>[vector<16xi32>, vector<16xi32>, vector<16xi32>], vector<16xf32>,
        %get3A_593 = arith.index_cast %add3A_587 : i32 to index
        %get3A_594 = arith.constant 16 : index
        %get3A_595 = tpu.vector_load %arg6[%get3A_593, %get3A_594] {strides = array<i32>} : memref<128x64xf32, #tpu.memory_space<vmem>>, vector<16xf32>,
        tpu.vector_store_idx %arg8[%add3A_82, %select_n3A_104, %add3A_590], %get3A_595 : memref<8x8x129xf32, #tpu.memory_space<vmem>>[vector<16xi32>, vector<16xi32>, vector<16xi32>], vector<16xf32>,
        %get3A_596 = arith.index_cast %add3A_587 : i32 to index
        %get3A_597 = arith.constant 32 : index
        %get3A_598 = tpu.vector_load %arg6[%get3A_596, %get3A_597] {strides = array<i32>} : memref<128x64xf32, #tpu.memory_space<vmem>>, vector<16xf32>,
        tpu.vector_store_idx %arg8[%add3A_138, %select_n3A_160, %add3A_590], %get3A_598 : memref<8x8x129xf32, #tpu.memory_space<vmem>>[vector<16xi32>, vector<16xi32>, vector<16xi32>], vector<16xf32>,
        %get3A_599 = arith.index_cast %add3A_587 : i32 to index
        %get3A_600 = arith.constant 48 : index
        %get3A_601 = tpu.vector_load %arg6[%get3A_599, %get3A_600] {strides = array<i32>} : memref<128x64xf32, #tpu.memory_space<vmem>>, vector<16xf32>,
        tpu.vector_store_idx %arg8[%add3A_194, %select_n3A_216, %add3A_590], %get3A_601 : memref<8x8x129xf32, #tpu.memory_space<vmem>>[vector<16xi32>, vector<16xi32>, vector<16xi32>], vector<16xf32>,
        %add3A_602 = arith.constant 1 : i32
        %add3A_603 = arith.addi %mul3A_585, %add3A_602 : i32
        %broadcast_in_dim3A_604 = arith.constant 0 : i32
        %broadcast_in_dim3A_605 = vector.broadcast %broadcast_in_dim3A_604 : i32 to vector<16xi32>
        %add3A_606 = vector.broadcast %add3A_603 : i32 to vector<16xi32>
        %add3A_607 = arith.addi %broadcast_in_dim3A_605, %add3A_606 : vector<16xi32>
        %get3A_608 = arith.index_cast %add3A_603 : i32 to index
        %get3A_609 = arith.constant 0 : index
        %get3A_610 = tpu.vector_load %arg6[%get3A_608, %get3A_609] {strides = array<i32>} : memref<128x64xf32, #tpu.memory_space<vmem>>, vector<16xf32>,
        tpu.vector_store_idx %arg8[%add3A_28, %select_n3A_48, %add3A_607], %get3A_610 : memref<8x8x129xf32, #tpu.memory_space<vmem>>[vector<16xi32>, vector<16xi32>, vector<16xi32>], vector<16xf32>,
        %get3A_611 = arith.index_cast %add3A_603 : i32 to index
        %get3A_612 = arith.constant 16 : index
        %get3A_613 = tpu.vector_load %arg6[%get3A_611, %get3A_612] {strides = array<i32>} : memref<128x64xf32, #tpu.memory_space<vmem>>, vector<16xf32>,
        tpu.vector_store_idx %arg8[%add3A_82, %select_n3A_104, %add3A_607], %get3A_613 : memref<8x8x129xf32, #tpu.memory_space<vmem>>[vector<16xi32>, vector<16xi32>, vector<16xi32>], vector<16xf32>,
        %get3A_614 = arith.index_cast %add3A_603 : i32 to index
        %get3A_615 = arith.constant 32 : index
        %get3A_616 = tpu.vector_load %arg6[%get3A_614, %get3A_615] {strides = array<i32>} : memref<128x64xf32, #tpu.memory_space<vmem>>, vector<16xf32>,
        tpu.vector_store_idx %arg8[%add3A_138, %select_n3A_160, %add3A_607], %get3A_616 : memref<8x8x129xf32, #tpu.memory_space<vmem>>[vector<16xi32>, vector<16xi32>, vector<16xi32>], vector<16xf32>,
        %get3A_617 = arith.index_cast %add3A_603 : i32 to index
        %get3A_618 = arith.constant 48 : index
        %get3A_619 = tpu.vector_load %arg6[%get3A_617, %get3A_618] {strides = array<i32>} : memref<128x64xf32, #tpu.memory_space<vmem>>, vector<16xf32>,
        tpu.vector_store_idx %arg8[%add3A_194, %select_n3A_216, %add3A_607], %get3A_619 : memref<8x8x129xf32, #tpu.memory_space<vmem>>[vector<16xi32>, vector<16xi32>, vector<16xi32>], vector<16xf32>,
        %add3A_620 = arith.constant 2 : i32
        %add3A_621 = arith.addi %mul3A_585, %add3A_620 : i32
        %broadcast_in_dim3A_622 = arith.constant 0 : i32
        %broadcast_in_dim3A_623 = vector.broadcast %broadcast_in_dim3A_622 : i32 to vector<16xi32>
        %add3A_624 = vector.broadcast %add3A_621 : i32 to vector<16xi32>
        %add3A_625 = arith.addi %broadcast_in_dim3A_623, %add3A_624 : vector<16xi32>
        %get3A_626 = arith.index_cast %add3A_621 : i32 to index
        %get3A_627 = arith.constant 0 : index
        %get3A_628 = tpu.vector_load %arg6[%get3A_626, %get3A_627] {strides = array<i32>} : memref<128x64xf32, #tpu.memory_space<vmem>>, vector<16xf32>,
        tpu.vector_store_idx %arg8[%add3A_28, %select_n3A_48, %add3A_625], %get3A_628 : memref<8x8x129xf32, #tpu.memory_space<vmem>>[vector<16xi32>, vector<16xi32>, vector<16xi32>], vector<16xf32>,
        %get3A_629 = arith.index_cast %add3A_621 : i32 to index
        %get3A_630 = arith.constant 16 : index
        %get3A_631 = tpu.vector_load %arg6[%get3A_629, %get3A_630] {strides = array<i32>} : memref<128x64xf32, #tpu.memory_space<vmem>>, vector<16xf32>,
        tpu.vector_store_idx %arg8[%add3A_82, %select_n3A_104, %add3A_625], %get3A_631 : memref<8x8x129xf32, #tpu.memory_space<vmem>>[vector<16xi32>, vector<16xi32>, vector<16xi32>], vector<16xf32>,
        %get3A_632 = arith.index_cast %add3A_621 : i32 to index
        %get3A_633 = arith.constant 32 : index
        %get3A_634 = tpu.vector_load %arg6[%get3A_632, %get3A_633] {strides = array<i32>} : memref<128x64xf32, #tpu.memory_space<vmem>>, vector<16xf32>,
        tpu.vector_store_idx %arg8[%add3A_138, %select_n3A_160, %add3A_625], %get3A_634 : memref<8x8x129xf32, #tpu.memory_space<vmem>>[vector<16xi32>, vector<16xi32>, vector<16xi32>], vector<16xf32>,
        %get3A_635 = arith.index_cast %add3A_621 : i32 to index
        %get3A_636 = arith.constant 48 : index
        %get3A_637 = tpu.vector_load %arg6[%get3A_635, %get3A_636] {strides = array<i32>} : memref<128x64xf32, #tpu.memory_space<vmem>>, vector<16xf32>,
        tpu.vector_store_idx %arg8[%add3A_194, %select_n3A_216, %add3A_625], %get3A_637 : memref<8x8x129xf32, #tpu.memory_space<vmem>>[vector<16xi32>, vector<16xi32>, vector<16xi32>], vector<16xf32>,
        %add3A_638 = arith.constant 3 : i32
        %add3A_639 = arith.addi %mul3A_585, %add3A_638 : i32
        %broadcast_in_dim3A_640 = arith.constant 0 : i32
        %broadcast_in_dim3A_641 = vector.broadcast %broadcast_in_dim3A_640 : i32 to vector<16xi32>
        %add3A_642 = vector.broadcast %add3A_639 : i32 to vector<16xi32>
        %add3A_643 = arith.addi %broadcast_in_dim3A_641, %add3A_642 : vector<16xi32>
        %get3A_644 = arith.index_cast %add3A_639 : i32 to index
        %get3A_645 = arith.constant 0 : index
        %get3A_646 = tpu.vector_load %arg6[%get3A_644, %get3A_645] {strides = array<i32>} : memref<128x64xf32, #tpu.memory_space<vmem>>, vector<16xf32>,
        tpu.vector_store_idx %arg8[%add3A_28, %select_n3A_48, %add3A_643], %get3A_646 : memref<8x8x129xf32, #tpu.memory_space<vmem>>[vector<16xi32>, vector<16xi32>, vector<16xi32>], vector<16xf32>,
        %get3A_647 = arith.index_cast %add3A_639 : i32 to index
        %get3A_648 = arith.constant 16 : index
        %get3A_649 = tpu.vector_load %arg6[%get3A_647, %get3A_648] {strides = array<i32>} : memref<128x64xf32, #tpu.memory_space<vmem>>, vector<16xf32>,
        tpu.vector_store_idx %arg8[%add3A_82, %select_n3A_104, %add3A_643], %get3A_649 : memref<8x8x129xf32, #tpu.memory_space<vmem>>[vector<16xi32>, vector<16xi32>, vector<16xi32>], vector<16xf32>,
        %get3A_650 = arith.index_cast %add3A_639 : i32 to index
        %get3A_651 = arith.constant 32 : index
        %get3A_652 = tpu.vector_load %arg6[%get3A_650, %get3A_651] {strides = array<i32>} : memref<128x64xf32, #tpu.memory_space<vmem>>, vector<16xf32>,
        tpu.vector_store_idx %arg8[%add3A_138, %select_n3A_160, %add3A_643], %get3A_652 : memref<8x8x129xf32, #tpu.memory_space<vmem>>[vector<16xi32>, vector<16xi32>, vector<16xi32>], vector<16xf32>,
        %get3A_653 = arith.index_cast %add3A_639 : i32 to index
        %get3A_654 = arith.constant 48 : index
        %get3A_655 = tpu.vector_load %arg6[%get3A_653, %get3A_654] {strides = array<i32>} : memref<128x64xf32, #tpu.memory_space<vmem>>, vector<16xf32>,
        tpu.vector_store_idx %arg8[%add3A_194, %select_n3A_216, %add3A_643], %get3A_655 : memref<8x8x129xf32, #tpu.memory_space<vmem>>[vector<16xi32>, vector<16xi32>, vector<16xi32>], vector<16xf32>,
        %add3A_656 = arith.constant 4 : i32
        %add3A_657 = arith.addi %mul3A_585, %add3A_656 : i32
        %broadcast_in_dim3A_658 = arith.constant 0 : i32
        %broadcast_in_dim3A_659 = vector.broadcast %broadcast_in_dim3A_658 : i32 to vector<16xi32>
        %add3A_660 = vector.broadcast %add3A_657 : i32 to vector<16xi32>
        %add3A_661 = arith.addi %broadcast_in_dim3A_659, %add3A_660 : vector<16xi32>
        %get3A_662 = arith.index_cast %add3A_657 : i32 to index
        %get3A_663 = arith.constant 0 : index
        %get3A_664 = tpu.vector_load %arg6[%get3A_662, %get3A_663] {strides = array<i32>} : memref<128x64xf32, #tpu.memory_space<vmem>>, vector<16xf32>,
        tpu.vector_store_idx %arg8[%add3A_28, %select_n3A_48, %add3A_661], %get3A_664 : memref<8x8x129xf32, #tpu.memory_space<vmem>>[vector<16xi32>, vector<16xi32>, vector<16xi32>], vector<16xf32>,
        %get3A_665 = arith.index_cast %add3A_657 : i32 to index
        %get3A_666 = arith.constant 16 : index
        %get3A_667 = tpu.vector_load %arg6[%get3A_665, %get3A_666] {strides = array<i32>} : memref<128x64xf32, #tpu.memory_space<vmem>>, vector<16xf32>,
        tpu.vector_store_idx %arg8[%add3A_82, %select_n3A_104, %add3A_661], %get3A_667 : memref<8x8x129xf32, #tpu.memory_space<vmem>>[vector<16xi32>, vector<16xi32>, vector<16xi32>], vector<16xf32>,
        %get3A_668 = arith.index_cast %add3A_657 : i32 to index
        %get3A_669 = arith.constant 32 : index
        %get3A_670 = tpu.vector_load %arg6[%get3A_668, %get3A_669] {strides = array<i32>} : memref<128x64xf32, #tpu.memory_space<vmem>>, vector<16xf32>,
        tpu.vector_store_idx %arg8[%add3A_138, %select_n3A_160, %add3A_661], %get3A_670 : memref<8x8x129xf32, #tpu.memory_space<vmem>>[vector<16xi32>, vector<16xi32>, vector<16xi32>], vector<16xf32>,
        %get3A_671 = arith.index_cast %add3A_657 : i32 to index
        %get3A_672 = arith.constant 48 : index
        %get3A_673 = tpu.vector_load %arg6[%get3A_671, %get3A_672] {strides = array<i32>} : memref<128x64xf32, #tpu.memory_space<vmem>>, vector<16xf32>,
        tpu.vector_store_idx %arg8[%add3A_194, %select_n3A_216, %add3A_661], %get3A_673 : memref<8x8x129xf32, #tpu.memory_space<vmem>>[vector<16xi32>, vector<16xi32>, vector<16xi32>], vector<16xf32>,
        %add3A_674 = arith.constant 5 : i32
        %add3A_675 = arith.addi %mul3A_585, %add3A_674 : i32
        %broadcast_in_dim3A_676 = arith.constant 0 : i32
        %broadcast_in_dim3A_677 = vector.broadcast %broadcast_in_dim3A_676 : i32 to vector<16xi32>
        %add3A_678 = vector.broadcast %add3A_675 : i32 to vector<16xi32>
        %add3A_679 = arith.addi %broadcast_in_dim3A_677, %add3A_678 : vector<16xi32>
        %get3A_680 = arith.index_cast %add3A_675 : i32 to index
        %get3A_681 = arith.constant 0 : index
        %get3A_682 = tpu.vector_load %arg6[%get3A_680, %get3A_681] {strides = array<i32>} : memref<128x64xf32, #tpu.memory_space<vmem>>, vector<16xf32>,
        tpu.vector_store_idx %arg8[%add3A_28, %select_n3A_48, %add3A_679], %get3A_682 : memref<8x8x129xf32, #tpu.memory_space<vmem>>[vector<16xi32>, vector<16xi32>, vector<16xi32>], vector<16xf32>,
        %get3A_683 = arith.index_cast %add3A_675 : i32 to index
        %get3A_684 = arith.constant 16 : index
        %get3A_685 = tpu.vector_load %arg6[%get3A_683, %get3A_684] {strides = array<i32>} : memref<128x64xf32, #tpu.memory_space<vmem>>, vector<16xf32>,
        tpu.vector_store_idx %arg8[%add3A_82, %select_n3A_104, %add3A_679], %get3A_685 : memref<8x8x129xf32, #tpu.memory_space<vmem>>[vector<16xi32>, vector<16xi32>, vector<16xi32>], vector<16xf32>,
        %get3A_686 = arith.index_cast %add3A_675 : i32 to index
        %get3A_687 = arith.constant 32 : index
        %get3A_688 = tpu.vector_load %arg6[%get3A_686, %get3A_687] {strides = array<i32>} : memref<128x64xf32, #tpu.memory_space<vmem>>, vector<16xf32>,
        tpu.vector_store_idx %arg8[%add3A_138, %select_n3A_160, %add3A_679], %get3A_688 : memref<8x8x129xf32, #tpu.memory_space<vmem>>[vector<16xi32>, vector<16xi32>, vector<16xi32>], vector<16xf32>,
        %get3A_689 = arith.index_cast %add3A_675 : i32 to index
        %get3A_690 = arith.constant 48 : index
        %get3A_691 = tpu.vector_load %arg6[%get3A_689, %get3A_690] {strides = array<i32>} : memref<128x64xf32, #tpu.memory_space<vmem>>, vector<16xf32>,
        tpu.vector_store_idx %arg8[%add3A_194, %select_n3A_216, %add3A_679], %get3A_691 : memref<8x8x129xf32, #tpu.memory_space<vmem>>[vector<16xi32>, vector<16xi32>, vector<16xi32>], vector<16xf32>,
        %add3A_692 = arith.constant 6 : i32
        %add3A_693 = arith.addi %mul3A_585, %add3A_692 : i32
        %broadcast_in_dim3A_694 = arith.constant 0 : i32
        %broadcast_in_dim3A_695 = vector.broadcast %broadcast_in_dim3A_694 : i32 to vector<16xi32>
        %add3A_696 = vector.broadcast %add3A_693 : i32 to vector<16xi32>
        %add3A_697 = arith.addi %broadcast_in_dim3A_695, %add3A_696 : vector<16xi32>
        %get3A_698 = arith.index_cast %add3A_693 : i32 to index
        %get3A_699 = arith.constant 0 : index
        %get3A_700 = tpu.vector_load %arg6[%get3A_698, %get3A_699] {strides = array<i32>} : memref<128x64xf32, #tpu.memory_space<vmem>>, vector<16xf32>,
        tpu.vector_store_idx %arg8[%add3A_28, %select_n3A_48, %add3A_697], %get3A_700 : memref<8x8x129xf32, #tpu.memory_space<vmem>>[vector<16xi32>, vector<16xi32>, vector<16xi32>], vector<16xf32>,
        %get3A_701 = arith.index_cast %add3A_693 : i32 to index
        %get3A_702 = arith.constant 16 : index
        %get3A_703 = tpu.vector_load %arg6[%get3A_701, %get3A_702] {strides = array<i32>} : memref<128x64xf32, #tpu.memory_space<vmem>>, vector<16xf32>,
        tpu.vector_store_idx %arg8[%add3A_82, %select_n3A_104, %add3A_697], %get3A_703 : memref<8x8x129xf32, #tpu.memory_space<vmem>>[vector<16xi32>, vector<16xi32>, vector<16xi32>], vector<16xf32>,
        %get3A_704 = arith.index_cast %add3A_693 : i32 to index
        %get3A_705 = arith.constant 32 : index
        %get3A_706 = tpu.vector_load %arg6[%get3A_704, %get3A_705] {strides = array<i32>} : memref<128x64xf32, #tpu.memory_space<vmem>>, vector<16xf32>,
        tpu.vector_store_idx %arg8[%add3A_138, %select_n3A_160, %add3A_697], %get3A_706 : memref<8x8x129xf32, #tpu.memory_space<vmem>>[vector<16xi32>, vector<16xi32>, vector<16xi32>], vector<16xf32>,
        %get3A_707 = arith.index_cast %add3A_693 : i32 to index
        %get3A_708 = arith.constant 48 : index
        %get3A_709 = tpu.vector_load %arg6[%get3A_707, %get3A_708] {strides = array<i32>} : memref<128x64xf32, #tpu.memory_space<vmem>>, vector<16xf32>,
        tpu.vector_store_idx %arg8[%add3A_194, %select_n3A_216, %add3A_697], %get3A_709 : memref<8x8x129xf32, #tpu.memory_space<vmem>>[vector<16xi32>, vector<16xi32>, vector<16xi32>], vector<16xf32>,
        %add3A_710 = arith.constant 7 : i32
        %add3A_711 = arith.addi %mul3A_585, %add3A_710 : i32
        %broadcast_in_dim3A_712 = arith.constant 0 : i32
        %broadcast_in_dim3A_713 = vector.broadcast %broadcast_in_dim3A_712 : i32 to vector<16xi32>
        %add3A_714 = vector.broadcast %add3A_711 : i32 to vector<16xi32>
        %add3A_715 = arith.addi %broadcast_in_dim3A_713, %add3A_714 : vector<16xi32>
        %get3A_716 = arith.index_cast %add3A_711 : i32 to index
        %get3A_717 = arith.constant 0 : index
        %get3A_718 = tpu.vector_load %arg6[%get3A_716, %get3A_717] {strides = array<i32>} : memref<128x64xf32, #tpu.memory_space<vmem>>, vector<16xf32>,
        tpu.vector_store_idx %arg8[%add3A_28, %select_n3A_48, %add3A_715], %get3A_718 : memref<8x8x129xf32, #tpu.memory_space<vmem>>[vector<16xi32>, vector<16xi32>, vector<16xi32>], vector<16xf32>,
        %get3A_719 = arith.index_cast %add3A_711 : i32 to index
        %get3A_720 = arith.constant 16 : index
        %get3A_721 = tpu.vector_load %arg6[%get3A_719, %get3A_720] {strides = array<i32>} : memref<128x64xf32, #tpu.memory_space<vmem>>, vector<16xf32>,
        tpu.vector_store_idx %arg8[%add3A_82, %select_n3A_104, %add3A_715], %get3A_721 : memref<8x8x129xf32, #tpu.memory_space<vmem>>[vector<16xi32>, vector<16xi32>, vector<16xi32>], vector<16xf32>,
        %get3A_722 = arith.index_cast %add3A_711 : i32 to index
        %get3A_723 = arith.constant 32 : index
        %get3A_724 = tpu.vector_load %arg6[%get3A_722, %get3A_723] {strides = array<i32>} : memref<128x64xf32, #tpu.memory_space<vmem>>, vector<16xf32>,
        tpu.vector_store_idx %arg8[%add3A_138, %select_n3A_160, %add3A_715], %get3A_724 : memref<8x8x129xf32, #tpu.memory_space<vmem>>[vector<16xi32>, vector<16xi32>, vector<16xi32>], vector<16xf32>,
        %get3A_725 = arith.index_cast %add3A_711 : i32 to index
        %get3A_726 = arith.constant 48 : index
        %get3A_727 = tpu.vector_load %arg6[%get3A_725, %get3A_726] {strides = array<i32>} : memref<128x64xf32, #tpu.memory_space<vmem>>, vector<16xf32>,
        tpu.vector_store_idx %arg8[%add3A_194, %select_n3A_216, %add3A_715], %get3A_727 : memref<8x8x129xf32, #tpu.memory_space<vmem>>[vector<16xi32>, vector<16xi32>, vector<16xi32>], vector<16xf32>,
      }
      %scan3A_493 = arith.constant 16 : i32
      %dma_start3A_494 = arith.constant 0 : i32
      %dma_start3A_495 = arith.constant 0 : i32
      %dma_start3A_496 = arith.constant 0 : i32
      %dma_start3A_497 = tpu.memref_slice %arg8[%dma_start3A_494, %dma_start3A_495, %dma_start3A_496] : memref<8x8x129xf32, #tpu.memory_space<vmem>> -> memref<8x8x128xf32, #tpu.memory_space<vmem>>
      %dma_start3A_498 = arith.constant 0 : i32
      %dma_start3A_499 = arith.constant 0 : i32
      %dma_start3A_500 = arith.constant 0 : i32
      %dma_start3A_501 = tpu.memref_slice %arg4[%add3A_460, %dma_start3A_498, %add3A, %dma_start3A_499, %dma_start3A_500] : memref<200x8x32x8x128xf32, #tpu.memory_space<hbm>> -> memref<1x8x1x8x128xf32, #tpu.memory_space<hbm>>
      %dma_start3A_502 = tpu.memref_squeeze %dma_start3A_501 : memref<1x8x1x8x128xf32, #tpu.memory_space<hbm>> -> memref<8x8x128xf32, #tpu.memory_space<hbm>>
      %dma_start3A_503 = arith.constant 0 : i32
      %dma_start3A_504 = arith.constant 0 : i32
      %dma_start3A_505 = arith.constant 0 : i32
      %dma_start3A_506 = tpu.memref_slice %arg4[%add3A_460, %dma_start3A_503, %add3A, %dma_start3A_504, %dma_start3A_505] : memref<200x8x32x8x128xf32, #tpu.memory_space<hbm>> -> memref<1x8x1x8x128xf32, #tpu.memory_space<hbm>>
      %dma_start3A_507 = tpu.memref_squeeze %dma_start3A_506 : memref<1x8x1x8x128xf32, #tpu.memory_space<hbm>> -> memref<8x8x128xf32, #tpu.memory_space<hbm>>
      %dma_start3A_508 = arith.constant 0 : i32
      %dma_start3A_509 = arith.constant 0 : i32
      %dma_start3A_510 = arith.constant 0 : i32
      %dma_start3A_511 = tpu.memref_slice %arg8[%dma_start3A_508, %dma_start3A_509, %dma_start3A_510] : memref<8x8x129xf32, #tpu.memory_space<vmem>> -> memref<8x8x128xf32, #tpu.memory_space<vmem>>
      tpu.enqueue_dma source(%dma_start3A_511 : memref<8x8x128xf32, #tpu.memory_space<vmem>>) target(%dma_start3A_507 : memref<8x8x128xf32, #tpu.memory_space<hbm>>) target_semaphore(%arg12 : memref<!tpu.dma_semaphore, #tpu.memory_space<semaphore_mem>>)
      %add3A_512 = arith.constant 2 : i32
      %add3A_513 = arith.addi %add3A_460, %add3A_512 : i32
      %dma_start3A_514 = arith.constant 0 : i32
      %dma_start3A_515 = tpu.memref_slice %arg5[%add3A_513, %dma_start3A_514] : memref<200x128xi32, #tpu.memory_space<vmem>> -> memref<1x128xi32, #tpu.memory_space<vmem>>
      %dma_start3A_516 = tpu.memref_squeeze %dma_start3A_515 : memref<1x128xi32, #tpu.memory_space<vmem>> -> memref<128xi32, #tpu.memory_space<vmem>>
      %dma_start3A_517 = arith.constant 0 : i32
      %dma_start3A_518 = arith.constant 0 : i32
      %dma_start3A_519 = tpu.memref_slice %arg3[%dma_start3A_517, %dma_start3A_518] : memref<1000000x64xf32, #tpu.memory_space<hbm>> -> memref<1000000x64xf32, #tpu.memory_space<hbm>>
      tpu.enqueue_indirect_dma source(%dma_start3A_519 : memref<1000000x64xf32, #tpu.memory_space<hbm>>) target(%arg6 : memref<128x64xf32, #tpu.memory_space<vmem>>) offsets(%dma_start3A_516 : memref<128xi32, #tpu.memory_space<vmem>>) semaphore(%arg10 : memref<!tpu.dma_semaphore, #tpu.memory_space<semaphore_mem>>)
      %mul3A_520 = arith.constant 2 : i32
      %mul3A_521 = arith.muli %mul3A_520, %scan3A_456 : i32
      %add3A_522 = arith.constant 1 : i32
      %add3A_523 = arith.addi %mul3A_521, %add3A_522 : i32
      %dma_wait3A_524 = arith.constant 0 : i32
      %dma_wait3A_525 = arith.constant 0 : i32
      %dma_wait3A_526 = tpu.memref_slice %arg5[%dma_wait3A_524, %dma_wait3A_525] : memref<200x128xi32, #tpu.memory_space<vmem>> -> memref<1x128xi32, #tpu.memory_space<vmem>>
      %dma_wait3A_527 = tpu.memref_squeeze %dma_wait3A_526 : memref<1x128xi32, #tpu.memory_space<vmem>> -> memref<128xi32, #tpu.memory_space<vmem>>
      %dma_wait3A_528 = arith.constant 0 : i32
      %dma_wait3A_529 = arith.constant 0 : i32
      %dma_wait3A_530 = tpu.memref_slice %arg3[%dma_wait3A_528, %dma_wait3A_529] : memref<1000000x64xf32, #tpu.memory_space<hbm>> -> memref<1000000x64xf32, #tpu.memory_space<hbm>>
      tpu.wait_indirect_dma semaphore(%arg11 : memref<!tpu.dma_semaphore, #tpu.memory_space<semaphore_mem>>) src(%dma_wait3A_530 : memref<1000000x64xf32, #tpu.memory_space<hbm>>) dst(%arg7 : memref<128x64xf32, #tpu.memory_space<vmem>>)
      %dma_wait3A_531 = arith.constant 0 : i32
      %dma_wait3A_532 = arith.constant 0 : i32
      %dma_wait3A_533 = arith.constant 0 : i32
      %dma_wait3A_534 = arith.constant 0 : i32
      %dma_wait3A_535 = arith.constant 0 : i32
      %dma_wait3A_536 = tpu.memref_slice %arg9[%dma_wait3A_533, %dma_wait3A_534, %dma_wait3A_535] : memref<8x8x129xf32, #tpu.memory_space<vmem>> -> memref<8x8x128xf32, #tpu.memory_space<vmem>>
      %dma_wait3A_537 = arith.constant 0 : i32
      %dma_wait3A_538 = arith.constant 0 : i32
      %dma_wait3A_539 = arith.constant 0 : i32
      %dma_wait3A_540 = tpu.memref_slice %arg4[%dma_wait3A_531, %dma_wait3A_537, %dma_wait3A_532, %dma_wait3A_538, %dma_wait3A_539] : memref<200x8x32x8x128xf32, #tpu.memory_space<hbm>> -> memref<1x8x1x8x128xf32, #tpu.memory_space<hbm>>
      %dma_wait3A_541 = tpu.memref_squeeze %dma_wait3A_540 : memref<1x8x1x8x128xf32, #tpu.memory_space<hbm>> -> memref<8x8x128xf32, #tpu.memory_space<hbm>>
      %dma_wait3A_542 = arith.constant 0 : i32
      %dma_wait3A_543 = arith.constant 0 : i32
      %dma_wait3A_544 = arith.constant 0 : i32
      %dma_wait3A_545 = tpu.memref_slice %arg4[%dma_wait3A_531, %dma_wait3A_542, %dma_wait3A_532, %dma_wait3A_543, %dma_wait3A_544] : memref<200x8x32x8x128xf32, #tpu.memory_space<hbm>> -> memref<1x8x1x8x128xf32, #tpu.memory_space<hbm>>
      %dma_wait3A_546 = tpu.memref_squeeze %dma_wait3A_545 : memref<1x8x1x8x128xf32, #tpu.memory_space<hbm>> -> memref<8x8x128xf32, #tpu.memory_space<hbm>>
      %dma_wait3A_547 = arith.constant 0 : i32
      %dma_wait3A_548 = arith.constant 0 : i32
      %dma_wait3A_549 = arith.constant 0 : i32
      %dma_wait3A_550 = tpu.memref_slice %arg9[%dma_wait3A_547, %dma_wait3A_548, %dma_wait3A_549] : memref<8x8x129xf32, #tpu.memory_space<vmem>> -> memref<8x8x128xf32, #tpu.memory_space<vmem>>
      tpu.wait_dma2 semaphore(%arg13 : memref<!tpu.dma_semaphore, #tpu.memory_space<semaphore_mem>>) src(%dma_wait3A_550 : memref<8x8x128xf32, #tpu.memory_space<vmem>>) dst(%dma_wait3A_546 : memref<8x8x128xf32, #tpu.memory_space<hbm>>)
      %scan3A_551 = arith.constant 0 : i32
      %scan3A_552 = arith.constant 0 : i32
      %scan3A_553 = arith.constant 16 : i32
      %scan3A_554 = arith.addi %scan3A_552, %scan3A_553 : i32
      %scan3A_555 = arith.constant 1 : i32
      scf.for %scan3A_583 = %scan3A_552 to %scan3A_554 step %scan3A_555  : i32 {
        %mul3A_584 = arith.constant 8 : i32
        %mul3A_585 = arith.muli %mul3A_584, %scan3A_583 : i32
        %add3A_586 = arith.constant 0 : i32
        %add3A_587 = arith.addi %mul3A_585, %add3A_586 : i32
        %broadcast_in_dim3A = arith.constant 0 : i32
        %broadcast_in_dim3A_588 = vector.broadcast %broadcast_in_dim3A : i32 to vector<16xi32>
        %add3A_589 = vector.broadcast %add3A_587 : i32 to vector<16xi32>
        %add3A_590 = arith.addi %broadcast_in_dim3A_588, %add3A_589 : vector<16xi32>
        %get3A = arith.index_cast %add3A_587 : i32 to index
        %get3A_591 = arith.constant 0 : index
        %get3A_592 = tpu.vector_load %arg7[%get3A, %get3A_591] {strides = array<i32>} : memref<128x64xf32, #tpu.memory_space<vmem>>, vector<16xf32>,
        tpu.vector_store_idx %arg9[%add3A_28, %select_n3A_48, %add3A_590], %get3A_592 : memref<8x8x129xf32, #tpu.memory_space<vmem>>[vector<16xi32>, vector<16xi32>, vector<16xi32>], vector<16xf32>,
        %get3A_593 = arith.index_cast %add3A_587 : i32 to index
        %get3A_594 = arith.constant 16 : index
        %get3A_595 = tpu.vector_load %arg7[%get3A_593, %get3A_594] {strides = array<i32>} : memref<128x64xf32, #tpu.memory_space<vmem>>, vector<16xf32>,
        tpu.vector_store_idx %arg9[%add3A_82, %select_n3A_104, %add3A_590], %get3A_595 : memref<8x8x129xf32, #tpu.memory_space<vmem>>[vector<16xi32>, vector<16xi32>, vector<16xi32>], vector<16xf32>,
        %get3A_596 = arith.index_cast %add3A_587 : i32 to index
        %get3A_597 = arith.constant 32 : index
        %get3A_598 = tpu.vector_load %arg7[%get3A_596, %get3A_597] {strides = array<i32>} : memref<128x64xf32, #tpu.memory_space<vmem>>, vector<16xf32>,
        tpu.vector_store_idx %arg9[%add3A_138, %select_n3A_160, %add3A_590], %get3A_598 : memref<8x8x129xf32, #tpu.memory_space<vmem>>[vector<16xi32>, vector<16xi32>, vector<16xi32>], vector<16xf32>,
        %get3A_599 = arith.index_cast %add3A_587 : i32 to index
        %get3A_600 = arith.constant 48 : index
        %get3A_601 = tpu.vector_load %arg7[%get3A_599, %get3A_600] {strides = array<i32>} : memref<128x64xf32, #tpu.memory_space<vmem>>, vector<16xf32>,
        tpu.vector_store_idx %arg9[%add3A_194, %select_n3A_216, %add3A_590], %get3A_601 : memref<8x8x129xf32, #tpu.memory_space<vmem>>[vector<16xi32>, vector<16xi32>, vector<16xi32>], vector<16xf32>,
        %add3A_602 = arith.constant 1 : i32
        %add3A_603 = arith.addi %mul3A_585, %add3A_602 : i32
        %broadcast_in_dim3A_604 = arith.constant 0 : i32
        %broadcast_in_dim3A_605 = vector.broadcast %broadcast_in_dim3A_604 : i32 to vector<16xi32>
        %add3A_606 = vector.broadcast %add3A_603 : i32 to vector<16xi32>
        %add3A_607 = arith.addi %broadcast_in_dim3A_605, %add3A_606 : vector<16xi32>
        %get3A_608 = arith.index_cast %add3A_603 : i32 to index
        %get3A_609 = arith.constant 0 : index
        %get3A_610 = tpu.vector_load %arg7[%get3A_608, %get3A_609] {strides = array<i32>} : memref<128x64xf32, #tpu.memory_space<vmem>>, vector<16xf32>,
        tpu.vector_store_idx %arg9[%add3A_28, %select_n3A_48, %add3A_607], %get3A_610 : memref<8x8x129xf32, #tpu.memory_space<vmem>>[vector<16xi32>, vector<16xi32>, vector<16xi32>], vector<16xf32>,
        %get3A_611 = arith.index_cast %add3A_603 : i32 to index
        %get3A_612 = arith.constant 16 : index
        %get3A_613 = tpu.vector_load %arg7[%get3A_611, %get3A_612] {strides = array<i32>} : memref<128x64xf32, #tpu.memory_space<vmem>>, vector<16xf32>,
        tpu.vector_store_idx %arg9[%add3A_82, %select_n3A_104, %add3A_607], %get3A_613 : memref<8x8x129xf32, #tpu.memory_space<vmem>>[vector<16xi32>, vector<16xi32>, vector<16xi32>], vector<16xf32>,
        %get3A_614 = arith.index_cast %add3A_603 : i32 to index
        %get3A_615 = arith.constant 32 : index
        %get3A_616 = tpu.vector_load %arg7[%get3A_614, %get3A_615] {strides = array<i32>} : memref<128x64xf32, #tpu.memory_space<vmem>>, vector<16xf32>,
        tpu.vector_store_idx %arg9[%add3A_138, %select_n3A_160, %add3A_607], %get3A_616 : memref<8x8x129xf32, #tpu.memory_space<vmem>>[vector<16xi32>, vector<16xi32>, vector<16xi32>], vector<16xf32>,
        %get3A_617 = arith.index_cast %add3A_603 : i32 to index
        %get3A_618 = arith.constant 48 : index
        %get3A_619 = tpu.vector_load %arg7[%get3A_617, %get3A_618] {strides = array<i32>} : memref<128x64xf32, #tpu.memory_space<vmem>>, vector<16xf32>,
        tpu.vector_store_idx %arg9[%add3A_194, %select_n3A_216, %add3A_607], %get3A_619 : memref<8x8x129xf32, #tpu.memory_space<vmem>>[vector<16xi32>, vector<16xi32>, vector<16xi32>], vector<16xf32>,
        %add3A_620 = arith.constant 2 : i32
        %add3A_621 = arith.addi %mul3A_585, %add3A_620 : i32
        %broadcast_in_dim3A_622 = arith.constant 0 : i32
        %broadcast_in_dim3A_623 = vector.broadcast %broadcast_in_dim3A_622 : i32 to vector<16xi32>
        %add3A_624 = vector.broadcast %add3A_621 : i32 to vector<16xi32>
        %add3A_625 = arith.addi %broadcast_in_dim3A_623, %add3A_624 : vector<16xi32>
        %get3A_626 = arith.index_cast %add3A_621 : i32 to index
        %get3A_627 = arith.constant 0 : index
        %get3A_628 = tpu.vector_load %arg7[%get3A_626, %get3A_627] {strides = array<i32>} : memref<128x64xf32, #tpu.memory_space<vmem>>, vector<16xf32>,
        tpu.vector_store_idx %arg9[%add3A_28, %select_n3A_48, %add3A_625], %get3A_628 : memref<8x8x129xf32, #tpu.memory_space<vmem>>[vector<16xi32>, vector<16xi32>, vector<16xi32>], vector<16xf32>,
        %get3A_629 = arith.index_cast %add3A_621 : i32 to index
        %get3A_630 = arith.constant 16 : index
        %get3A_631 = tpu.vector_load %arg7[%get3A_629, %get3A_630] {strides = array<i32>} : memref<128x64xf32, #tpu.memory_space<vmem>>, vector<16xf32>,
        tpu.vector_store_idx %arg9[%add3A_82, %select_n3A_104, %add3A_625], %get3A_631 : memref<8x8x129xf32, #tpu.memory_space<vmem>>[vector<16xi32>, vector<16xi32>, vector<16xi32>], vector<16xf32>,
        %get3A_632 = arith.index_cast %add3A_621 : i32 to index
        %get3A_633 = arith.constant 32 : index
        %get3A_634 = tpu.vector_load %arg7[%get3A_632, %get3A_633] {strides = array<i32>} : memref<128x64xf32, #tpu.memory_space<vmem>>, vector<16xf32>,
        tpu.vector_store_idx %arg9[%add3A_138, %select_n3A_160, %add3A_625], %get3A_634 : memref<8x8x129xf32, #tpu.memory_space<vmem>>[vector<16xi32>, vector<16xi32>, vector<16xi32>], vector<16xf32>,
        %get3A_635 = arith.index_cast %add3A_621 : i32 to index
        %get3A_636 = arith.constant 48 : index
        %get3A_637 = tpu.vector_load %arg7[%get3A_635, %get3A_636] {strides = array<i32>} : memref<128x64xf32, #tpu.memory_space<vmem>>, vector<16xf32>,
        tpu.vector_store_idx %arg9[%add3A_194, %select_n3A_216, %add3A_625], %get3A_637 : memref<8x8x129xf32, #tpu.memory_space<vmem>>[vector<16xi32>, vector<16xi32>, vector<16xi32>], vector<16xf32>,
        %add3A_638 = arith.constant 3 : i32
        %add3A_639 = arith.addi %mul3A_585, %add3A_638 : i32
        %broadcast_in_dim3A_640 = arith.constant 0 : i32
        %broadcast_in_dim3A_641 = vector.broadcast %broadcast_in_dim3A_640 : i32 to vector<16xi32>
        %add3A_642 = vector.broadcast %add3A_639 : i32 to vector<16xi32>
        %add3A_643 = arith.addi %broadcast_in_dim3A_641, %add3A_642 : vector<16xi32>
        %get3A_644 = arith.index_cast %add3A_639 : i32 to index
        %get3A_645 = arith.constant 0 : index
        %get3A_646 = tpu.vector_load %arg7[%get3A_644, %get3A_645] {strides = array<i32>} : memref<128x64xf32, #tpu.memory_space<vmem>>, vector<16xf32>,
        tpu.vector_store_idx %arg9[%add3A_28, %select_n3A_48, %add3A_643], %get3A_646 : memref<8x8x129xf32, #tpu.memory_space<vmem>>[vector<16xi32>, vector<16xi32>, vector<16xi32>], vector<16xf32>,
        %get3A_647 = arith.index_cast %add3A_639 : i32 to index
        %get3A_648 = arith.constant 16 : index
        %get3A_649 = tpu.vector_load %arg7[%get3A_647, %get3A_648] {strides = array<i32>} : memref<128x64xf32, #tpu.memory_space<vmem>>, vector<16xf32>,
        tpu.vector_store_idx %arg9[%add3A_82, %select_n3A_104, %add3A_643], %get3A_649 : memref<8x8x129xf32, #tpu.memory_space<vmem>>[vector<16xi32>, vector<16xi32>, vector<16xi32>], vector<16xf32>,
        %get3A_650 = arith.index_cast %add3A_639 : i32 to index
        %get3A_651 = arith.constant 32 : index
        %get3A_652 = tpu.vector_load %arg7[%get3A_650, %get3A_651] {strides = array<i32>} : memref<128x64xf32, #tpu.memory_space<vmem>>, vector<16xf32>,
        tpu.vector_store_idx %arg9[%add3A_138, %select_n3A_160, %add3A_643], %get3A_652 : memref<8x8x129xf32, #tpu.memory_space<vmem>>[vector<16xi32>, vector<16xi32>, vector<16xi32>], vector<16xf32>,
        %get3A_653 = arith.index_cast %add3A_639 : i32 to index
        %get3A_654 = arith.constant 48 : index
        %get3A_655 = tpu.vector_load %arg7[%get3A_653, %get3A_654] {strides = array<i32>} : memref<128x64xf32, #tpu.memory_space<vmem>>, vector<16xf32>,
        tpu.vector_store_idx %arg9[%add3A_194, %select_n3A_216, %add3A_643], %get3A_655 : memref<8x8x129xf32, #tpu.memory_space<vmem>>[vector<16xi32>, vector<16xi32>, vector<16xi32>], vector<16xf32>,
        %add3A_656 = arith.constant 4 : i32
        %add3A_657 = arith.addi %mul3A_585, %add3A_656 : i32
        %broadcast_in_dim3A_658 = arith.constant 0 : i32
        %broadcast_in_dim3A_659 = vector.broadcast %broadcast_in_dim3A_658 : i32 to vector<16xi32>
        %add3A_660 = vector.broadcast %add3A_657 : i32 to vector<16xi32>
        %add3A_661 = arith.addi %broadcast_in_dim3A_659, %add3A_660 : vector<16xi32>
        %get3A_662 = arith.index_cast %add3A_657 : i32 to index
        %get3A_663 = arith.constant 0 : index
        %get3A_664 = tpu.vector_load %arg7[%get3A_662, %get3A_663] {strides = array<i32>} : memref<128x64xf32, #tpu.memory_space<vmem>>, vector<16xf32>,
        tpu.vector_store_idx %arg9[%add3A_28, %select_n3A_48, %add3A_661], %get3A_664 : memref<8x8x129xf32, #tpu.memory_space<vmem>>[vector<16xi32>, vector<16xi32>, vector<16xi32>], vector<16xf32>,
        %get3A_665 = arith.index_cast %add3A_657 : i32 to index
        %get3A_666 = arith.constant 16 : index
        %get3A_667 = tpu.vector_load %arg7[%get3A_665, %get3A_666] {strides = array<i32>} : memref<128x64xf32, #tpu.memory_space<vmem>>, vector<16xf32>,
        tpu.vector_store_idx %arg9[%add3A_82, %select_n3A_104, %add3A_661], %get3A_667 : memref<8x8x129xf32, #tpu.memory_space<vmem>>[vector<16xi32>, vector<16xi32>, vector<16xi32>], vector<16xf32>,
        %get3A_668 = arith.index_cast %add3A_657 : i32 to index
        %get3A_669 = arith.constant 32 : index
        %get3A_670 = tpu.vector_load %arg7[%get3A_668, %get3A_669] {strides = array<i32>} : memref<128x64xf32, #tpu.memory_space<vmem>>, vector<16xf32>,
        tpu.vector_store_idx %arg9[%add3A_138, %select_n3A_160, %add3A_661], %get3A_670 : memref<8x8x129xf32, #tpu.memory_space<vmem>>[vector<16xi32>, vector<16xi32>, vector<16xi32>], vector<16xf32>,
        %get3A_671 = arith.index_cast %add3A_657 : i32 to index
        %get3A_672 = arith.constant 48 : index
        %get3A_673 = tpu.vector_load %arg7[%get3A_671, %get3A_672] {strides = array<i32>} : memref<128x64xf32, #tpu.memory_space<vmem>>, vector<16xf32>,
        tpu.vector_store_idx %arg9[%add3A_194, %select_n3A_216, %add3A_661], %get3A_673 : memref<8x8x129xf32, #tpu.memory_space<vmem>>[vector<16xi32>, vector<16xi32>, vector<16xi32>], vector<16xf32>,
        %add3A_674 = arith.constant 5 : i32
        %add3A_675 = arith.addi %mul3A_585, %add3A_674 : i32
        %broadcast_in_dim3A_676 = arith.constant 0 : i32
        %broadcast_in_dim3A_677 = vector.broadcast %broadcast_in_dim3A_676 : i32 to vector<16xi32>
        %add3A_678 = vector.broadcast %add3A_675 : i32 to vector<16xi32>
        %add3A_679 = arith.addi %broadcast_in_dim3A_677, %add3A_678 : vector<16xi32>
        %get3A_680 = arith.index_cast %add3A_675 : i32 to index
        %get3A_681 = arith.constant 0 : index
        %get3A_682 = tpu.vector_load %arg7[%get3A_680, %get3A_681] {strides = array<i32>} : memref<128x64xf32, #tpu.memory_space<vmem>>, vector<16xf32>,
        tpu.vector_store_idx %arg9[%add3A_28, %select_n3A_48, %add3A_679], %get3A_682 : memref<8x8x129xf32, #tpu.memory_space<vmem>>[vector<16xi32>, vector<16xi32>, vector<16xi32>], vector<16xf32>,
        %get3A_683 = arith.index_cast %add3A_675 : i32 to index
        %get3A_684 = arith.constant 16 : index
        %get3A_685 = tpu.vector_load %arg7[%get3A_683, %get3A_684] {strides = array<i32>} : memref<128x64xf32, #tpu.memory_space<vmem>>, vector<16xf32>,
        tpu.vector_store_idx %arg9[%add3A_82, %select_n3A_104, %add3A_679], %get3A_685 : memref<8x8x129xf32, #tpu.memory_space<vmem>>[vector<16xi32>, vector<16xi32>, vector<16xi32>], vector<16xf32>,
        %get3A_686 = arith.index_cast %add3A_675 : i32 to index
        %get3A_687 = arith.constant 32 : index
        %get3A_688 = tpu.vector_load %arg7[%get3A_686, %get3A_687] {strides = array<i32>} : memref<128x64xf32, #tpu.memory_space<vmem>>, vector<16xf32>,
        tpu.vector_store_idx %arg9[%add3A_138, %select_n3A_160, %add3A_679], %get3A_688 : memref<8x8x129xf32, #tpu.memory_space<vmem>>[vector<16xi32>, vector<16xi32>, vector<16xi32>], vector<16xf32>,
        %get3A_689 = arith.index_cast %add3A_675 : i32 to index
        %get3A_690 = arith.constant 48 : index
        %get3A_691 = tpu.vector_load %arg7[%get3A_689, %get3A_690] {strides = array<i32>} : memref<128x64xf32, #tpu.memory_space<vmem>>, vector<16xf32>,
        tpu.vector_store_idx %arg9[%add3A_194, %select_n3A_216, %add3A_679], %get3A_691 : memref<8x8x129xf32, #tpu.memory_space<vmem>>[vector<16xi32>, vector<16xi32>, vector<16xi32>], vector<16xf32>,
        %add3A_692 = arith.constant 6 : i32
        %add3A_693 = arith.addi %mul3A_585, %add3A_692 : i32
        %broadcast_in_dim3A_694 = arith.constant 0 : i32
        %broadcast_in_dim3A_695 = vector.broadcast %broadcast_in_dim3A_694 : i32 to vector<16xi32>
        %add3A_696 = vector.broadcast %add3A_693 : i32 to vector<16xi32>
        %add3A_697 = arith.addi %broadcast_in_dim3A_695, %add3A_696 : vector<16xi32>
        %get3A_698 = arith.index_cast %add3A_693 : i32 to index
        %get3A_699 = arith.constant 0 : index
        %get3A_700 = tpu.vector_load %arg7[%get3A_698, %get3A_699] {strides = array<i32>} : memref<128x64xf32, #tpu.memory_space<vmem>>, vector<16xf32>,
        tpu.vector_store_idx %arg9[%add3A_28, %select_n3A_48, %add3A_697], %get3A_700 : memref<8x8x129xf32, #tpu.memory_space<vmem>>[vector<16xi32>, vector<16xi32>, vector<16xi32>], vector<16xf32>,
        %get3A_701 = arith.index_cast %add3A_693 : i32 to index
        %get3A_702 = arith.constant 16 : index
        %get3A_703 = tpu.vector_load %arg7[%get3A_701, %get3A_702] {strides = array<i32>} : memref<128x64xf32, #tpu.memory_space<vmem>>, vector<16xf32>,
        tpu.vector_store_idx %arg9[%add3A_82, %select_n3A_104, %add3A_697], %get3A_703 : memref<8x8x129xf32, #tpu.memory_space<vmem>>[vector<16xi32>, vector<16xi32>, vector<16xi32>], vector<16xf32>,
        %get3A_704 = arith.index_cast %add3A_693 : i32 to index
        %get3A_705 = arith.constant 32 : index
        %get3A_706 = tpu.vector_load %arg7[%get3A_704, %get3A_705] {strides = array<i32>} : memref<128x64xf32, #tpu.memory_space<vmem>>, vector<16xf32>,
        tpu.vector_store_idx %arg9[%add3A_138, %select_n3A_160, %add3A_697], %get3A_706 : memref<8x8x129xf32, #tpu.memory_space<vmem>>[vector<16xi32>, vector<16xi32>, vector<16xi32>], vector<16xf32>,
        %get3A_707 = arith.index_cast %add3A_693 : i32 to index
        %get3A_708 = arith.constant 48 : index
        %get3A_709 = tpu.vector_load %arg7[%get3A_707, %get3A_708] {strides = array<i32>} : memref<128x64xf32, #tpu.memory_space<vmem>>, vector<16xf32>,
        tpu.vector_store_idx %arg9[%add3A_194, %select_n3A_216, %add3A_697], %get3A_709 : memref<8x8x129xf32, #tpu.memory_space<vmem>>[vector<16xi32>, vector<16xi32>, vector<16xi32>], vector<16xf32>,
        %add3A_710 = arith.constant 7 : i32
        %add3A_711 = arith.addi %mul3A_585, %add3A_710 : i32
        %broadcast_in_dim3A_712 = arith.constant 0 : i32
        %broadcast_in_dim3A_713 = vector.broadcast %broadcast_in_dim3A_712 : i32 to vector<16xi32>
        %add3A_714 = vector.broadcast %add3A_711 : i32 to vector<16xi32>
        %add3A_715 = arith.addi %broadcast_in_dim3A_713, %add3A_714 : vector<16xi32>
        %get3A_716 = arith.index_cast %add3A_711 : i32 to index
        %get3A_717 = arith.constant 0 : index
        %get3A_718 = tpu.vector_load %arg7[%get3A_716, %get3A_717] {strides = array<i32>} : memref<128x64xf32, #tpu.memory_space<vmem>>, vector<16xf32>,
        tpu.vector_store_idx %arg9[%add3A_28, %select_n3A_48, %add3A_715], %get3A_718 : memref<8x8x129xf32, #tpu.memory_space<vmem>>[vector<16xi32>, vector<16xi32>, vector<16xi32>], vector<16xf32>,
        %get3A_719 = arith.index_cast %add3A_711 : i32 to index
        %get3A_720 = arith.constant 16 : index
        %get3A_721 = tpu.vector_load %arg7[%get3A_719, %get3A_720] {strides = array<i32>} : memref<128x64xf32, #tpu.memory_space<vmem>>, vector<16xf32>,
        tpu.vector_store_idx %arg9[%add3A_82, %select_n3A_104, %add3A_715], %get3A_721 : memref<8x8x129xf32, #tpu.memory_space<vmem>>[vector<16xi32>, vector<16xi32>, vector<16xi32>], vector<16xf32>,
        %get3A_722 = arith.index_cast %add3A_711 : i32 to index
        %get3A_723 = arith.constant 32 : index
        %get3A_724 = tpu.vector_load %arg7[%get3A_722, %get3A_723] {strides = array<i32>} : memref<128x64xf32, #tpu.memory_space<vmem>>, vector<16xf32>,
        tpu.vector_store_idx %arg9[%add3A_138, %select_n3A_160, %add3A_715], %get3A_724 : memref<8x8x129xf32, #tpu.memory_space<vmem>>[vector<16xi32>, vector<16xi32>, vector<16xi32>], vector<16xf32>,
        %get3A_725 = arith.index_cast %add3A_711 : i32 to index
        %get3A_726 = arith.constant 48 : index
        %get3A_727 = tpu.vector_load %arg7[%get3A_725, %get3A_726] {strides = array<i32>} : memref<128x64xf32, #tpu.memory_space<vmem>>, vector<16xf32>,
        tpu.vector_store_idx %arg9[%add3A_194, %select_n3A_216, %add3A_715], %get3A_727 : memref<8x8x129xf32, #tpu.memory_space<vmem>>[vector<16xi32>, vector<16xi32>, vector<16xi32>], vector<16xf32>,
      }
      %scan3A_556 = arith.constant 16 : i32
      %dma_start3A_557 = arith.constant 0 : i32
      %dma_start3A_558 = arith.constant 0 : i32
      %dma_start3A_559 = arith.constant 0 : i32
      %dma_start3A_560 = tpu.memref_slice %arg9[%dma_start3A_557, %dma_start3A_558, %dma_start3A_559] : memref<8x8x129xf32, #tpu.memory_space<vmem>> -> memref<8x8x128xf32, #tpu.memory_space<vmem>>
      %dma_start3A_561 = arith.constant 0 : i32
      %dma_start3A_562 = arith.constant 0 : i32
      %dma_start3A_563 = arith.constant 0 : i32
      %dma_start3A_564 = tpu.memref_slice %arg4[%add3A_523, %dma_start3A_561, %add3A, %dma_start3A_562, %dma_start3A_563] : memref<200x8x32x8x128xf32, #tpu.memory_space<hbm>> -> memref<1x8x1x8x128xf32, #tpu.memory_space<hbm>>
      %dma_start3A_565 = tpu.memref_squeeze %dma_start3A_564 : memref<1x8x1x8x128xf32, #tpu.memory_space<hbm>> -> memref<8x8x128xf32, #tpu.memory_space<hbm>>
      %dma_start3A_566 = arith.constant 0 : i32
      %dma_start3A_567 = arith.constant 0 : i32
      %dma_start3A_568 = arith.constant 0 : i32
      %dma_start3A_569 = tpu.memref_slice %arg4[%add3A_523, %dma_start3A_566, %add3A, %dma_start3A_567, %dma_start3A_568] : memref<200x8x32x8x128xf32, #tpu.memory_space<hbm>> -> memref<1x8x1x8x128xf32, #tpu.memory_space<hbm>>
      %dma_start3A_570 = tpu.memref_squeeze %dma_start3A_569 : memref<1x8x1x8x128xf32, #tpu.memory_space<hbm>> -> memref<8x8x128xf32, #tpu.memory_space<hbm>>
      %dma_start3A_571 = arith.constant 0 : i32
      %dma_start3A_572 = arith.constant 0 : i32
      %dma_start3A_573 = arith.constant 0 : i32
      %dma_start3A_574 = tpu.memref_slice %arg9[%dma_start3A_571, %dma_start3A_572, %dma_start3A_573] : memref<8x8x129xf32, #tpu.memory_space<vmem>> -> memref<8x8x128xf32, #tpu.memory_space<vmem>>
      tpu.enqueue_dma source(%dma_start3A_574 : memref<8x8x128xf32, #tpu.memory_space<vmem>>) target(%dma_start3A_570 : memref<8x8x128xf32, #tpu.memory_space<hbm>>) target_semaphore(%arg13 : memref<!tpu.dma_semaphore, #tpu.memory_space<semaphore_mem>>)
      %add3A_575 = arith.constant 2 : i32
      %add3A_576 = arith.addi %add3A_523, %add3A_575 : i32
      %dma_start3A_577 = arith.constant 0 : i32
      %dma_start3A_578 = tpu.memref_slice %arg5[%add3A_576, %dma_start3A_577] : memref<200x128xi32, #tpu.memory_space<vmem>> -> memref<1x128xi32, #tpu.memory_space<vmem>>
      %dma_start3A_579 = tpu.memref_squeeze %dma_start3A_578 : memref<1x128xi32, #tpu.memory_space<vmem>> -> memref<128xi32, #tpu.memory_space<vmem>>
      %dma_start3A_580 = arith.constant 0 : i32
      %dma_start3A_581 = arith.constant 0 : i32
      %dma_start3A_582 = tpu.memref_slice %arg3[%dma_start3A_580, %dma_start3A_581] : memref<1000000x64xf32, #tpu.memory_space<hbm>> -> memref<1000000x64xf32, #tpu.memory_space<hbm>>
      tpu.enqueue_indirect_dma source(%dma_start3A_582 : memref<1000000x64xf32, #tpu.memory_space<hbm>>) target(%arg7 : memref<128x64xf32, #tpu.memory_space<vmem>>) offsets(%dma_start3A_579 : memref<128xi32, #tpu.memory_space<vmem>>) semaphore(%arg11 : memref<!tpu.dma_semaphore, #tpu.memory_space<semaphore_mem>>)
    }
    %scan3A_311 = arith.constant 98 : i32
    %dma_wait3A_312 = arith.constant 0 : i32
    %dma_wait3A_313 = arith.constant 0 : i32
    %dma_wait3A_314 = tpu.memref_slice %arg5[%dma_wait3A_312, %dma_wait3A_313] : memref<200x128xi32, #tpu.memory_space<vmem>> -> memref<1x128xi32, #tpu.memory_space<vmem>>
    %dma_wait3A_315 = tpu.memref_squeeze %dma_wait3A_314 : memref<1x128xi32, #tpu.memory_space<vmem>> -> memref<128xi32, #tpu.memory_space<vmem>>
    %dma_wait3A_316 = arith.constant 0 : i32
    %dma_wait3A_317 = arith.constant 0 : i32
    %dma_wait3A_318 = tpu.memref_slice %arg3[%dma_wait3A_316, %dma_wait3A_317] : memref<1000000x64xf32, #tpu.memory_space<hbm>> -> memref<1000000x64xf32, #tpu.memory_space<hbm>>
    tpu.wait_indirect_dma semaphore(%arg10 : memref<!tpu.dma_semaphore, #tpu.memory_space<semaphore_mem>>) src(%dma_wait3A_318 : memref<1000000x64xf32, #tpu.memory_space<hbm>>) dst(%arg6 : memref<128x64xf32, #tpu.memory_space<vmem>>)
    %dma_wait3A_319 = arith.constant 0 : i32
    %dma_wait3A_320 = arith.constant 0 : i32
    %dma_wait3A_321 = arith.constant 0 : i32
    %dma_wait3A_322 = arith.constant 0 : i32
    %dma_wait3A_323 = arith.constant 0 : i32
    %dma_wait3A_324 = tpu.memref_slice %arg8[%dma_wait3A_321, %dma_wait3A_322, %dma_wait3A_323] : memref<8x8x129xf32, #tpu.memory_space<vmem>> -> memref<8x8x128xf32, #tpu.memory_space<vmem>>
    %dma_wait3A_325 = arith.constant 0 : i32
    %dma_wait3A_326 = arith.constant 0 : i32
    %dma_wait3A_327 = arith.constant 0 : i32
    %dma_wait3A_328 = tpu.memref_slice %arg4[%dma_wait3A_319, %dma_wait3A_325, %dma_wait3A_320, %dma_wait3A_326, %dma_wait3A_327] : memref<200x8x32x8x128xf32, #tpu.memory_space<hbm>> -> memref<1x8x1x8x128xf32, #tpu.memory_space<hbm>>
    %dma_wait3A_329 = tpu.memref_squeeze %dma_wait3A_328 : memref<1x8x1x8x128xf32, #tpu.memory_space<hbm>> -> memref<8x8x128xf32, #tpu.memory_space<hbm>>
    %dma_wait3A_330 = arith.constant 0 : i32
    %dma_wait3A_331 = arith.constant 0 : i32
    %dma_wait3A_332 = arith.constant 0 : i32
    %dma_wait3A_333 = tpu.memref_slice %arg4[%dma_wait3A_319, %dma_wait3A_330, %dma_wait3A_320, %dma_wait3A_331, %dma_wait3A_332] : memref<200x8x32x8x128xf32, #tpu.memory_space<hbm>> -> memref<1x8x1x8x128xf32, #tpu.memory_space<hbm>>
    %dma_wait3A_334 = tpu.memref_squeeze %dma_wait3A_333 : memref<1x8x1x8x128xf32, #tpu.memory_space<hbm>> -> memref<8x8x128xf32, #tpu.memory_space<hbm>>
    %dma_wait3A_335 = arith.constant 0 : i32
    %dma_wait3A_336 = arith.constant 0 : i32
    %dma_wait3A_337 = arith.constant 0 : i32
    %dma_wait3A_338 = tpu.memref_slice %arg8[%dma_wait3A_335, %dma_wait3A_336, %dma_wait3A_337] : memref<8x8x129xf32, #tpu.memory_space<vmem>> -> memref<8x8x128xf32, #tpu.memory_space<vmem>>
    tpu.wait_dma2 semaphore(%arg12 : memref<!tpu.dma_semaphore, #tpu.memory_space<semaphore_mem>>) src(%dma_wait3A_338 : memref<8x8x128xf32, #tpu.memory_space<vmem>>) dst(%dma_wait3A_334 : memref<8x8x128xf32, #tpu.memory_space<hbm>>)
    %scan3A_339 = arith.constant 0 : i32
    %scan3A_340 = arith.constant 0 : i32
    %scan3A_341 = arith.constant 16 : i32
    %scan3A_342 = arith.addi %scan3A_340, %scan3A_341 : i32
    %scan3A_343 = arith.constant 1 : i32
    scf.for %scan3A_456 = %scan3A_340 to %scan3A_342 step %scan3A_343  : i32 {
      %mul3A_457 = arith.constant 8 : i32
      %mul3A_458 = arith.muli %mul3A_457, %scan3A_456 : i32
      %add3A_459 = arith.constant 0 : i32
      %add3A_460 = arith.addi %mul3A_458, %add3A_459 : i32
      %broadcast_in_dim3A = arith.constant 0 : i32
      %broadcast_in_dim3A_461 = vector.broadcast %broadcast_in_dim3A : i32 to vector<16xi32>
      %add3A_462 = vector.broadcast %add3A_460 : i32 to vector<16xi32>
      %add3A_463 = arith.addi %broadcast_in_dim3A_461, %add3A_462 : vector<16xi32>
      %get3A = arith.index_cast %add3A_460 : i32 to index
      %get3A_464 = arith.constant 0 : index
      %get3A_465 = tpu.vector_load %arg6[%get3A, %get3A_464] {strides = array<i32>} : memref<128x64xf32, #tpu.memory_space<vmem>>, vector<16xf32>,
      tpu.vector_store_idx %arg8[%add3A_28, %select_n3A_48, %add3A_463], %get3A_465 : memref<8x8x129xf32, #tpu.memory_space<vmem>>[vector<16xi32>, vector<16xi32>, vector<16xi32>], vector<16xf32>,
      %get3A_466 = arith.index_cast %add3A_460 : i32 to index
      %get3A_467 = arith.constant 16 : index
      %get3A_468 = tpu.vector_load %arg6[%get3A_466, %get3A_467] {strides = array<i32>} : memref<128x64xf32, #tpu.memory_space<vmem>>, vector<16xf32>,
      tpu.vector_store_idx %arg8[%add3A_82, %select_n3A_104, %add3A_463], %get3A_468 : memref<8x8x129xf32, #tpu.memory_space<vmem>>[vector<16xi32>, vector<16xi32>, vector<16xi32>], vector<16xf32>,
      %get3A_469 = arith.index_cast %add3A_460 : i32 to index
      %get3A_470 = arith.constant 32 : index
      %get3A_471 = tpu.vector_load %arg6[%get3A_469, %get3A_470] {strides = array<i32>} : memref<128x64xf32, #tpu.memory_space<vmem>>, vector<16xf32>,
      tpu.vector_store_idx %arg8[%add3A_138, %select_n3A_160, %add3A_463], %get3A_471 : memref<8x8x129xf32, #tpu.memory_space<vmem>>[vector<16xi32>, vector<16xi32>, vector<16xi32>], vector<16xf32>,
      %get3A_472 = arith.index_cast %add3A_460 : i32 to index
      %get3A_473 = arith.constant 48 : index
      %get3A_474 = tpu.vector_load %arg6[%get3A_472, %get3A_473] {strides = array<i32>} : memref<128x64xf32, #tpu.memory_space<vmem>>, vector<16xf32>,
      tpu.vector_store_idx %arg8[%add3A_194, %select_n3A_216, %add3A_463], %get3A_474 : memref<8x8x129xf32, #tpu.memory_space<vmem>>[vector<16xi32>, vector<16xi32>, vector<16xi32>], vector<16xf32>,
      %add3A_475 = arith.constant 1 : i32
      %add3A_476 = arith.addi %mul3A_458, %add3A_475 : i32
      %broadcast_in_dim3A_477 = arith.constant 0 : i32
      %broadcast_in_dim3A_478 = vector.broadcast %broadcast_in_dim3A_477 : i32 to vector<16xi32>
      %add3A_479 = vector.broadcast %add3A_476 : i32 to vector<16xi32>
      %add3A_480 = arith.addi %broadcast_in_dim3A_478, %add3A_479 : vector<16xi32>
      %get3A_481 = arith.index_cast %add3A_476 : i32 to index
      %get3A_482 = arith.constant 0 : index
      %get3A_483 = tpu.vector_load %arg6[%get3A_481, %get3A_482] {strides = array<i32>} : memref<128x64xf32, #tpu.memory_space<vmem>>, vector<16xf32>,
      tpu.vector_store_idx %arg8[%add3A_28, %select_n3A_48, %add3A_480], %get3A_483 : memref<8x8x129xf32, #tpu.memory_space<vmem>>[vector<16xi32>, vector<16xi32>, vector<16xi32>], vector<16xf32>,
      %get3A_484 = arith.index_cast %add3A_476 : i32 to index
      %get3A_485 = arith.constant 16 : index
      %get3A_486 = tpu.vector_load %arg6[%get3A_484, %get3A_485] {strides = array<i32>} : memref<128x64xf32, #tpu.memory_space<vmem>>, vector<16xf32>,
      tpu.vector_store_idx %arg8[%add3A_82, %select_n3A_104, %add3A_480], %get3A_486 : memref<8x8x129xf32, #tpu.memory_space<vmem>>[vector<16xi32>, vector<16xi32>, vector<16xi32>], vector<16xf32>,
      %get3A_487 = arith.index_cast %add3A_476 : i32 to index
      %get3A_488 = arith.constant 32 : index
      %get3A_489 = tpu.vector_load %arg6[%get3A_487, %get3A_488] {strides = array<i32>} : memref<128x64xf32, #tpu.memory_space<vmem>>, vector<16xf32>,
      tpu.vector_store_idx %arg8[%add3A_138, %select_n3A_160, %add3A_480], %get3A_489 : memref<8x8x129xf32, #tpu.memory_space<vmem>>[vector<16xi32>, vector<16xi32>, vector<16xi32>], vector<16xf32>,
      %get3A_490 = arith.index_cast %add3A_476 : i32 to index
      %get3A_491 = arith.constant 48 : index
      %get3A_492 = tpu.vector_load %arg6[%get3A_490, %get3A_491] {strides = array<i32>} : memref<128x64xf32, #tpu.memory_space<vmem>>, vector<16xf32>,
      tpu.vector_store_idx %arg8[%add3A_194, %select_n3A_216, %add3A_480], %get3A_492 : memref<8x8x129xf32, #tpu.memory_space<vmem>>[vector<16xi32>, vector<16xi32>, vector<16xi32>], vector<16xf32>,
      %add3A_493 = arith.constant 2 : i32
      %add3A_494 = arith.addi %mul3A_458, %add3A_493 : i32
      %broadcast_in_dim3A_495 = arith.constant 0 : i32
      %broadcast_in_dim3A_496 = vector.broadcast %broadcast_in_dim3A_495 : i32 to vector<16xi32>
      %add3A_497 = vector.broadcast %add3A_494 : i32 to vector<16xi32>
      %add3A_498 = arith.addi %broadcast_in_dim3A_496, %add3A_497 : vector<16xi32>
      %get3A_499 = arith.index_cast %add3A_494 : i32 to index
      %get3A_500 = arith.constant 0 : index
      %get3A_501 = tpu.vector_load %arg6[%get3A_499, %get3A_500] {strides = array<i32>} : memref<128x64xf32, #tpu.memory_space<vmem>>, vector<16xf32>,
      tpu.vector_store_idx %arg8[%add3A_28, %select_n3A_48, %add3A_498], %get3A_501 : memref<8x8x129xf32, #tpu.memory_space<vmem>>[vector<16xi32>, vector<16xi32>, vector<16xi32>], vector<16xf32>,
      %get3A_502 = arith.index_cast %add3A_494 : i32 to index
      %get3A_503 = arith.constant 16 : index
      %get3A_504 = tpu.vector_load %arg6[%get3A_502, %get3A_503] {strides = array<i32>} : memref<128x64xf32, #tpu.memory_space<vmem>>, vector<16xf32>,
      tpu.vector_store_idx %arg8[%add3A_82, %select_n3A_104, %add3A_498], %get3A_504 : memref<8x8x129xf32, #tpu.memory_space<vmem>>[vector<16xi32>, vector<16xi32>, vector<16xi32>], vector<16xf32>,
      %get3A_505 = arith.index_cast %add3A_494 : i32 to index
      %get3A_506 = arith.constant 32 : index
      %get3A_507 = tpu.vector_load %arg6[%get3A_505, %get3A_506] {strides = array<i32>} : memref<128x64xf32, #tpu.memory_space<vmem>>, vector<16xf32>,
      tpu.vector_store_idx %arg8[%add3A_138, %select_n3A_160, %add3A_498], %get3A_507 : memref<8x8x129xf32, #tpu.memory_space<vmem>>[vector<16xi32>, vector<16xi32>, vector<16xi32>], vector<16xf32>,
      %get3A_508 = arith.index_cast %add3A_494 : i32 to index
      %get3A_509 = arith.constant 48 : index
      %get3A_510 = tpu.vector_load %arg6[%get3A_508, %get3A_509] {strides = array<i32>} : memref<128x64xf32, #tpu.memory_space<vmem>>, vector<16xf32>,
      tpu.vector_store_idx %arg8[%add3A_194, %select_n3A_216, %add3A_498], %get3A_510 : memref<8x8x129xf32, #tpu.memory_space<vmem>>[vector<16xi32>, vector<16xi32>, vector<16xi32>], vector<16xf32>,
      %add3A_511 = arith.constant 3 : i32
      %add3A_512 = arith.addi %mul3A_458, %add3A_511 : i32
      %broadcast_in_dim3A_513 = arith.constant 0 : i32
      %broadcast_in_dim3A_514 = vector.broadcast %broadcast_in_dim3A_513 : i32 to vector<16xi32>
      %add3A_515 = vector.broadcast %add3A_512 : i32 to vector<16xi32>
      %add3A_516 = arith.addi %broadcast_in_dim3A_514, %add3A_515 : vector<16xi32>
      %get3A_517 = arith.index_cast %add3A_512 : i32 to index
      %get3A_518 = arith.constant 0 : index
      %get3A_519 = tpu.vector_load %arg6[%get3A_517, %get3A_518] {strides = array<i32>} : memref<128x64xf32, #tpu.memory_space<vmem>>, vector<16xf32>,
      tpu.vector_store_idx %arg8[%add3A_28, %select_n3A_48, %add3A_516], %get3A_519 : memref<8x8x129xf32, #tpu.memory_space<vmem>>[vector<16xi32>, vector<16xi32>, vector<16xi32>], vector<16xf32>,
      %get3A_520 = arith.index_cast %add3A_512 : i32 to index
      %get3A_521 = arith.constant 16 : index
      %get3A_522 = tpu.vector_load %arg6[%get3A_520, %get3A_521] {strides = array<i32>} : memref<128x64xf32, #tpu.memory_space<vmem>>, vector<16xf32>,
      tpu.vector_store_idx %arg8[%add3A_82, %select_n3A_104, %add3A_516], %get3A_522 : memref<8x8x129xf32, #tpu.memory_space<vmem>>[vector<16xi32>, vector<16xi32>, vector<16xi32>], vector<16xf32>,
      %get3A_523 = arith.index_cast %add3A_512 : i32 to index
      %get3A_524 = arith.constant 32 : index
      %get3A_525 = tpu.vector_load %arg6[%get3A_523, %get3A_524] {strides = array<i32>} : memref<128x64xf32, #tpu.memory_space<vmem>>, vector<16xf32>,
      tpu.vector_store_idx %arg8[%add3A_138, %select_n3A_160, %add3A_516], %get3A_525 : memref<8x8x129xf32, #tpu.memory_space<vmem>>[vector<16xi32>, vector<16xi32>, vector<16xi32>], vector<16xf32>,
      %get3A_526 = arith.index_cast %add3A_512 : i32 to index
      %get3A_527 = arith.constant 48 : index
      %get3A_528 = tpu.vector_load %arg6[%get3A_526, %get3A_527] {strides = array<i32>} : memref<128x64xf32, #tpu.memory_space<vmem>>, vector<16xf32>,
      tpu.vector_store_idx %arg8[%add3A_194, %select_n3A_216, %add3A_516], %get3A_528 : memref<8x8x129xf32, #tpu.memory_space<vmem>>[vector<16xi32>, vector<16xi32>, vector<16xi32>], vector<16xf32>,
      %add3A_529 = arith.constant 4 : i32
      %add3A_530 = arith.addi %mul3A_458, %add3A_529 : i32
      %broadcast_in_dim3A_531 = arith.constant 0 : i32
      %broadcast_in_dim3A_532 = vector.broadcast %broadcast_in_dim3A_531 : i32 to vector<16xi32>
      %add3A_533 = vector.broadcast %add3A_530 : i32 to vector<16xi32>
      %add3A_534 = arith.addi %broadcast_in_dim3A_532, %add3A_533 : vector<16xi32>
      %get3A_535 = arith.index_cast %add3A_530 : i32 to index
      %get3A_536 = arith.constant 0 : index
      %get3A_537 = tpu.vector_load %arg6[%get3A_535, %get3A_536] {strides = array<i32>} : memref<128x64xf32, #tpu.memory_space<vmem>>, vector<16xf32>,
      tpu.vector_store_idx %arg8[%add3A_28, %select_n3A_48, %add3A_534], %get3A_537 : memref<8x8x129xf32, #tpu.memory_space<vmem>>[vector<16xi32>, vector<16xi32>, vector<16xi32>], vector<16xf32>,
      %get3A_538 = arith.index_cast %add3A_530 : i32 to index
      %get3A_539 = arith.constant 16 : index
      %get3A_540 = tpu.vector_load %arg6[%get3A_538, %get3A_539] {strides = array<i32>} : memref<128x64xf32, #tpu.memory_space<vmem>>, vector<16xf32>,
      tpu.vector_store_idx %arg8[%add3A_82, %select_n3A_104, %add3A_534], %get3A_540 : memref<8x8x129xf32, #tpu.memory_space<vmem>>[vector<16xi32>, vector<16xi32>, vector<16xi32>], vector<16xf32>,
      %get3A_541 = arith.index_cast %add3A_530 : i32 to index
      %get3A_542 = arith.constant 32 : index
      %get3A_543 = tpu.vector_load %arg6[%get3A_541, %get3A_542] {strides = array<i32>} : memref<128x64xf32, #tpu.memory_space<vmem>>, vector<16xf32>,
      tpu.vector_store_idx %arg8[%add3A_138, %select_n3A_160, %add3A_534], %get3A_543 : memref<8x8x129xf32, #tpu.memory_space<vmem>>[vector<16xi32>, vector<16xi32>, vector<16xi32>], vector<16xf32>,
      %get3A_544 = arith.index_cast %add3A_530 : i32 to index
      %get3A_545 = arith.constant 48 : index
      %get3A_546 = tpu.vector_load %arg6[%get3A_544, %get3A_545] {strides = array<i32>} : memref<128x64xf32, #tpu.memory_space<vmem>>, vector<16xf32>,
      tpu.vector_store_idx %arg8[%add3A_194, %select_n3A_216, %add3A_534], %get3A_546 : memref<8x8x129xf32, #tpu.memory_space<vmem>>[vector<16xi32>, vector<16xi32>, vector<16xi32>], vector<16xf32>,
      %add3A_547 = arith.constant 5 : i32
      %add3A_548 = arith.addi %mul3A_458, %add3A_547 : i32
      %broadcast_in_dim3A_549 = arith.constant 0 : i32
      %broadcast_in_dim3A_550 = vector.broadcast %broadcast_in_dim3A_549 : i32 to vector<16xi32>
      %add3A_551 = vector.broadcast %add3A_548 : i32 to vector<16xi32>
      %add3A_552 = arith.addi %broadcast_in_dim3A_550, %add3A_551 : vector<16xi32>
      %get3A_553 = arith.index_cast %add3A_548 : i32 to index
      %get3A_554 = arith.constant 0 : index
      %get3A_555 = tpu.vector_load %arg6[%get3A_553, %get3A_554] {strides = array<i32>} : memref<128x64xf32, #tpu.memory_space<vmem>>, vector<16xf32>,
      tpu.vector_store_idx %arg8[%add3A_28, %select_n3A_48, %add3A_552], %get3A_555 : memref<8x8x129xf32, #tpu.memory_space<vmem>>[vector<16xi32>, vector<16xi32>, vector<16xi32>], vector<16xf32>,
      %get3A_556 = arith.index_cast %add3A_548 : i32 to index
      %get3A_557 = arith.constant 16 : index
      %get3A_558 = tpu.vector_load %arg6[%get3A_556, %get3A_557] {strides = array<i32>} : memref<128x64xf32, #tpu.memory_space<vmem>>, vector<16xf32>,
      tpu.vector_store_idx %arg8[%add3A_82, %select_n3A_104, %add3A_552], %get3A_558 : memref<8x8x129xf32, #tpu.memory_space<vmem>>[vector<16xi32>, vector<16xi32>, vector<16xi32>], vector<16xf32>,
      %get3A_559 = arith.index_cast %add3A_548 : i32 to index
      %get3A_560 = arith.constant 32 : index
      %get3A_561 = tpu.vector_load %arg6[%get3A_559, %get3A_560] {strides = array<i32>} : memref<128x64xf32, #tpu.memory_space<vmem>>, vector<16xf32>,
      tpu.vector_store_idx %arg8[%add3A_138, %select_n3A_160, %add3A_552], %get3A_561 : memref<8x8x129xf32, #tpu.memory_space<vmem>>[vector<16xi32>, vector<16xi32>, vector<16xi32>], vector<16xf32>,
      %get3A_562 = arith.index_cast %add3A_548 : i32 to index
      %get3A_563 = arith.constant 48 : index
      %get3A_564 = tpu.vector_load %arg6[%get3A_562, %get3A_563] {strides = array<i32>} : memref<128x64xf32, #tpu.memory_space<vmem>>, vector<16xf32>,
      tpu.vector_store_idx %arg8[%add3A_194, %select_n3A_216, %add3A_552], %get3A_564 : memref<8x8x129xf32, #tpu.memory_space<vmem>>[vector<16xi32>, vector<16xi32>, vector<16xi32>], vector<16xf32>,
      %add3A_565 = arith.constant 6 : i32
      %add3A_566 = arith.addi %mul3A_458, %add3A_565 : i32
      %broadcast_in_dim3A_567 = arith.constant 0 : i32
      %broadcast_in_dim3A_568 = vector.broadcast %broadcast_in_dim3A_567 : i32 to vector<16xi32>
      %add3A_569 = vector.broadcast %add3A_566 : i32 to vector<16xi32>
      %add3A_570 = arith.addi %broadcast_in_dim3A_568, %add3A_569 : vector<16xi32>
      %get3A_571 = arith.index_cast %add3A_566 : i32 to index
      %get3A_572 = arith.constant 0 : index
      %get3A_573 = tpu.vector_load %arg6[%get3A_571, %get3A_572] {strides = array<i32>} : memref<128x64xf32, #tpu.memory_space<vmem>>, vector<16xf32>,
      tpu.vector_store_idx %arg8[%add3A_28, %select_n3A_48, %add3A_570], %get3A_573 : memref<8x8x129xf32, #tpu.memory_space<vmem>>[vector<16xi32>, vector<16xi32>, vector<16xi32>], vector<16xf32>,
      %get3A_574 = arith.index_cast %add3A_566 : i32 to index
      %get3A_575 = arith.constant 16 : index
      %get3A_576 = tpu.vector_load %arg6[%get3A_574, %get3A_575] {strides = array<i32>} : memref<128x64xf32, #tpu.memory_space<vmem>>, vector<16xf32>,
      tpu.vector_store_idx %arg8[%add3A_82, %select_n3A_104, %add3A_570], %get3A_576 : memref<8x8x129xf32, #tpu.memory_space<vmem>>[vector<16xi32>, vector<16xi32>, vector<16xi32>], vector<16xf32>,
      %get3A_577 = arith.index_cast %add3A_566 : i32 to index
      %get3A_578 = arith.constant 32 : index
      %get3A_579 = tpu.vector_load %arg6[%get3A_577, %get3A_578] {strides = array<i32>} : memref<128x64xf32, #tpu.memory_space<vmem>>, vector<16xf32>,
      tpu.vector_store_idx %arg8[%add3A_138, %select_n3A_160, %add3A_570], %get3A_579 : memref<8x8x129xf32, #tpu.memory_space<vmem>>[vector<16xi32>, vector<16xi32>, vector<16xi32>], vector<16xf32>,
      %get3A_580 = arith.index_cast %add3A_566 : i32 to index
      %get3A_581 = arith.constant 48 : index
      %get3A_582 = tpu.vector_load %arg6[%get3A_580, %get3A_581] {strides = array<i32>} : memref<128x64xf32, #tpu.memory_space<vmem>>, vector<16xf32>,
      tpu.vector_store_idx %arg8[%add3A_194, %select_n3A_216, %add3A_570], %get3A_582 : memref<8x8x129xf32, #tpu.memory_space<vmem>>[vector<16xi32>, vector<16xi32>, vector<16xi32>], vector<16xf32>,
      %add3A_583 = arith.constant 7 : i32
      %add3A_584 = arith.addi %mul3A_458, %add3A_583 : i32
      %broadcast_in_dim3A_585 = arith.constant 0 : i32
      %broadcast_in_dim3A_586 = vector.broadcast %broadcast_in_dim3A_585 : i32 to vector<16xi32>
      %add3A_587 = vector.broadcast %add3A_584 : i32 to vector<16xi32>
      %add3A_588 = arith.addi %broadcast_in_dim3A_586, %add3A_587 : vector<16xi32>
      %get3A_589 = arith.index_cast %add3A_584 : i32 to index
      %get3A_590 = arith.constant 0 : index
      %get3A_591 = tpu.vector_load %arg6[%get3A_589, %get3A_590] {strides = array<i32>} : memref<128x64xf32, #tpu.memory_space<vmem>>, vector<16xf32>,
      tpu.vector_store_idx %arg8[%add3A_28, %select_n3A_48, %add3A_588], %get3A_591 : memref<8x8x129xf32, #tpu.memory_space<vmem>>[vector<16xi32>, vector<16xi32>, vector<16xi32>], vector<16xf32>,
      %get3A_592 = arith.index_cast %add3A_584 : i32 to index
      %get3A_593 = arith.constant 16 : index
      %get3A_594 = tpu.vector_load %arg6[%get3A_592, %get3A_593] {strides = array<i32>} : memref<128x64xf32, #tpu.memory_space<vmem>>, vector<16xf32>,
      tpu.vector_store_idx %arg8[%add3A_82, %select_n3A_104, %add3A_588], %get3A_594 : memref<8x8x129xf32, #tpu.memory_space<vmem>>[vector<16xi32>, vector<16xi32>, vector<16xi32>], vector<16xf32>,
      %get3A_595 = arith.index_cast %add3A_584 : i32 to index
      %get3A_596 = arith.constant 32 : index
      %get3A_597 = tpu.vector_load %arg6[%get3A_595, %get3A_596] {strides = array<i32>} : memref<128x64xf32, #tpu.memory_space<vmem>>, vector<16xf32>,
      tpu.vector_store_idx %arg8[%add3A_138, %select_n3A_160, %add3A_588], %get3A_597 : memref<8x8x129xf32, #tpu.memory_space<vmem>>[vector<16xi32>, vector<16xi32>, vector<16xi32>], vector<16xf32>,
      %get3A_598 = arith.index_cast %add3A_584 : i32 to index
      %get3A_599 = arith.constant 48 : index
      %get3A_600 = tpu.vector_load %arg6[%get3A_598, %get3A_599] {strides = array<i32>} : memref<128x64xf32, #tpu.memory_space<vmem>>, vector<16xf32>,
      tpu.vector_store_idx %arg8[%add3A_194, %select_n3A_216, %add3A_588], %get3A_600 : memref<8x8x129xf32, #tpu.memory_space<vmem>>[vector<16xi32>, vector<16xi32>, vector<16xi32>], vector<16xf32>,
    }
    %scan3A_344 = arith.constant 16 : i32
    %dma_start3A_345 = arith.constant 198 : i32
    %dma_start3A_346 = arith.constant 0 : i32
    %dma_start3A_347 = arith.constant 0 : i32
    %dma_start3A_348 = arith.constant 0 : i32
    %dma_start3A_349 = tpu.memref_slice %arg8[%dma_start3A_346, %dma_start3A_347, %dma_start3A_348] : memref<8x8x129xf32, #tpu.memory_space<vmem>> -> memref<8x8x128xf32, #tpu.memory_space<vmem>>
    %dma_start3A_350 = arith.constant 0 : i32
    %dma_start3A_351 = arith.constant 0 : i32
    %dma_start3A_352 = arith.constant 0 : i32
    %dma_start3A_353 = tpu.memref_slice %arg4[%dma_start3A_345, %dma_start3A_350, %add3A, %dma_start3A_351, %dma_start3A_352] : memref<200x8x32x8x128xf32, #tpu.memory_space<hbm>> -> memref<1x8x1x8x128xf32, #tpu.memory_space<hbm>>
    %dma_start3A_354 = tpu.memref_squeeze %dma_start3A_353 : memref<1x8x1x8x128xf32, #tpu.memory_space<hbm>> -> memref<8x8x128xf32, #tpu.memory_space<hbm>>
    %dma_start3A_355 = arith.constant 0 : i32
    %dma_start3A_356 = arith.constant 0 : i32
    %dma_start3A_357 = arith.constant 0 : i32
    %dma_start3A_358 = tpu.memref_slice %arg4[%dma_start3A_345, %dma_start3A_355, %add3A, %dma_start3A_356, %dma_start3A_357] : memref<200x8x32x8x128xf32, #tpu.memory_space<hbm>> -> memref<1x8x1x8x128xf32, #tpu.memory_space<hbm>>
    %dma_start3A_359 = tpu.memref_squeeze %dma_start3A_358 : memref<1x8x1x8x128xf32, #tpu.memory_space<hbm>> -> memref<8x8x128xf32, #tpu.memory_space<hbm>>
    %dma_start3A_360 = arith.constant 0 : i32
    %dma_start3A_361 = arith.constant 0 : i32
    %dma_start3A_362 = arith.constant 0 : i32
    %dma_start3A_363 = tpu.memref_slice %arg8[%dma_start3A_360, %dma_start3A_361, %dma_start3A_362] : memref<8x8x129xf32, #tpu.memory_space<vmem>> -> memref<8x8x128xf32, #tpu.memory_space<vmem>>
    tpu.enqueue_dma source(%dma_start3A_363 : memref<8x8x128xf32, #tpu.memory_space<vmem>>) target(%dma_start3A_359 : memref<8x8x128xf32, #tpu.memory_space<hbm>>) target_semaphore(%arg12 : memref<!tpu.dma_semaphore, #tpu.memory_space<semaphore_mem>>)
    %dma_wait3A_364 = arith.constant 0 : i32
    %dma_wait3A_365 = arith.constant 0 : i32
    %dma_wait3A_366 = tpu.memref_slice %arg5[%dma_wait3A_364, %dma_wait3A_365] : memref<200x128xi32, #tpu.memory_space<vmem>> -> memref<1x128xi32, #tpu.memory_space<vmem>>
    %dma_wait3A_367 = tpu.memref_squeeze %dma_wait3A_366 : memref<1x128xi32, #tpu.memory_space<vmem>> -> memref<128xi32, #tpu.memory_space<vmem>>
    %dma_wait3A_368 = arith.constant 0 : i32
    %dma_wait3A_369 = arith.constant 0 : i32
    %dma_wait3A_370 = tpu.memref_slice %arg3[%dma_wait3A_368, %dma_wait3A_369] : memref<1000000x64xf32, #tpu.memory_space<hbm>> -> memref<1000000x64xf32, #tpu.memory_space<hbm>>
    tpu.wait_indirect_dma semaphore(%arg11 : memref<!tpu.dma_semaphore, #tpu.memory_space<semaphore_mem>>) src(%dma_wait3A_370 : memref<1000000x64xf32, #tpu.memory_space<hbm>>) dst(%arg7 : memref<128x64xf32, #tpu.memory_space<vmem>>)
    %dma_wait3A_371 = arith.constant 0 : i32
    %dma_wait3A_372 = arith.constant 0 : i32
    %dma_wait3A_373 = arith.constant 0 : i32
    %dma_wait3A_374 = arith.constant 0 : i32
    %dma_wait3A_375 = arith.constant 0 : i32
    %dma_wait3A_376 = tpu.memref_slice %arg9[%dma_wait3A_373, %dma_wait3A_374, %dma_wait3A_375] : memref<8x8x129xf32, #tpu.memory_space<vmem>> -> memref<8x8x128xf32, #tpu.memory_space<vmem>>
    %dma_wait3A_377 = arith.constant 0 : i32
    %dma_wait3A_378 = arith.constant 0 : i32
    %dma_wait3A_379 = arith.constant 0 : i32
    %dma_wait3A_380 = tpu.memref_slice %arg4[%dma_wait3A_371, %dma_wait3A_377, %dma_wait3A_372, %dma_wait3A_378, %dma_wait3A_379] : memref<200x8x32x8x128xf32, #tpu.memory_space<hbm>> -> memref<1x8x1x8x128xf32, #tpu.memory_space<hbm>>
    %dma_wait3A_381 = tpu.memref_squeeze %dma_wait3A_380 : memref<1x8x1x8x128xf32, #tpu.memory_space<hbm>> -> memref<8x8x128xf32, #tpu.memory_space<hbm>>
    %dma_wait3A_382 = arith.constant 0 : i32
    %dma_wait3A_383 = arith.constant 0 : i32
    %dma_wait3A_384 = arith.constant 0 : i32
    %dma_wait3A_385 = tpu.memref_slice %arg4[%dma_wait3A_371, %dma_wait3A_382, %dma_wait3A_372, %dma_wait3A_383, %dma_wait3A_384] : memref<200x8x32x8x128xf32, #tpu.memory_space<hbm>> -> memref<1x8x1x8x128xf32, #tpu.memory_space<hbm>>
    %dma_wait3A_386 = tpu.memref_squeeze %dma_wait3A_385 : memref<1x8x1x8x128xf32, #tpu.memory_space<hbm>> -> memref<8x8x128xf32, #tpu.memory_space<hbm>>
    %dma_wait3A_387 = arith.constant 0 : i32
    %dma_wait3A_388 = arith.constant 0 : i32
    %dma_wait3A_389 = arith.constant 0 : i32
    %dma_wait3A_390 = tpu.memref_slice %arg9[%dma_wait3A_387, %dma_wait3A_388, %dma_wait3A_389] : memref<8x8x129xf32, #tpu.memory_space<vmem>> -> memref<8x8x128xf32, #tpu.memory_space<vmem>>
    tpu.wait_dma2 semaphore(%arg13 : memref<!tpu.dma_semaphore, #tpu.memory_space<semaphore_mem>>) src(%dma_wait3A_390 : memref<8x8x128xf32, #tpu.memory_space<vmem>>) dst(%dma_wait3A_386 : memref<8x8x128xf32, #tpu.memory_space<hbm>>)
    %scan3A_391 = arith.constant 0 : i32
    %scan3A_392 = arith.constant 0 : i32
    %scan3A_393 = arith.constant 16 : i32
    %scan3A_394 = arith.addi %scan3A_392, %scan3A_393 : i32
    %scan3A_395 = arith.constant 1 : i32
    scf.for %scan3A_456 = %scan3A_392 to %scan3A_394 step %scan3A_395  : i32 {
      %mul3A_457 = arith.constant 8 : i32
      %mul3A_458 = arith.muli %mul3A_457, %scan3A_456 : i32
      %add3A_459 = arith.constant 0 : i32
      %add3A_460 = arith.addi %mul3A_458, %add3A_459 : i32
      %broadcast_in_dim3A = arith.constant 0 : i32
      %broadcast_in_dim3A_461 = vector.broadcast %broadcast_in_dim3A : i32 to vector<16xi32>
      %add3A_462 = vector.broadcast %add3A_460 : i32 to vector<16xi32>
      %add3A_463 = arith.addi %broadcast_in_dim3A_461, %add3A_462 : vector<16xi32>
      %get3A = arith.index_cast %add3A_460 : i32 to index
      %get3A_464 = arith.constant 0 : index
      %get3A_465 = tpu.vector_load %arg7[%get3A, %get3A_464] {strides = array<i32>} : memref<128x64xf32, #tpu.memory_space<vmem>>, vector<16xf32>,
      tpu.vector_store_idx %arg9[%add3A_28, %select_n3A_48, %add3A_463], %get3A_465 : memref<8x8x129xf32, #tpu.memory_space<vmem>>[vector<16xi32>, vector<16xi32>, vector<16xi32>], vector<16xf32>,
      %get3A_466 = arith.index_cast %add3A_460 : i32 to index
      %get3A_467 = arith.constant 16 : index
      %get3A_468 = tpu.vector_load %arg7[%get3A_466, %get3A_467] {strides = array<i32>} : memref<128x64xf32, #tpu.memory_space<vmem>>, vector<16xf32>,
      tpu.vector_store_idx %arg9[%add3A_82, %select_n3A_104, %add3A_463], %get3A_468 : memref<8x8x129xf32, #tpu.memory_space<vmem>>[vector<16xi32>, vector<16xi32>, vector<16xi32>], vector<16xf32>,
      %get3A_469 = arith.index_cast %add3A_460 : i32 to index
      %get3A_470 = arith.constant 32 : index
      %get3A_471 = tpu.vector_load %arg7[%get3A_469, %get3A_470] {strides = array<i32>} : memref<128x64xf32, #tpu.memory_space<vmem>>, vector<16xf32>,
      tpu.vector_store_idx %arg9[%add3A_138, %select_n3A_160, %add3A_463], %get3A_471 : memref<8x8x129xf32, #tpu.memory_space<vmem>>[vector<16xi32>, vector<16xi32>, vector<16xi32>], vector<16xf32>,
      %get3A_472 = arith.index_cast %add3A_460 : i32 to index
      %get3A_473 = arith.constant 48 : index
      %get3A_474 = tpu.vector_load %arg7[%get3A_472, %get3A_473] {strides = array<i32>} : memref<128x64xf32, #tpu.memory_space<vmem>>, vector<16xf32>,
      tpu.vector_store_idx %arg9[%add3A_194, %select_n3A_216, %add3A_463], %get3A_474 : memref<8x8x129xf32, #tpu.memory_space<vmem>>[vector<16xi32>, vector<16xi32>, vector<16xi32>], vector<16xf32>,
      %add3A_475 = arith.constant 1 : i32
      %add3A_476 = arith.addi %mul3A_458, %add3A_475 : i32
      %broadcast_in_dim3A_477 = arith.constant 0 : i32
      %broadcast_in_dim3A_478 = vector.broadcast %broadcast_in_dim3A_477 : i32 to vector<16xi32>
      %add3A_479 = vector.broadcast %add3A_476 : i32 to vector<16xi32>
      %add3A_480 = arith.addi %broadcast_in_dim3A_478, %add3A_479 : vector<16xi32>
      %get3A_481 = arith.index_cast %add3A_476 : i32 to index
      %get3A_482 = arith.constant 0 : index
      %get3A_483 = tpu.vector_load %arg7[%get3A_481, %get3A_482] {strides = array<i32>} : memref<128x64xf32, #tpu.memory_space<vmem>>, vector<16xf32>,
      tpu.vector_store_idx %arg9[%add3A_28, %select_n3A_48, %add3A_480], %get3A_483 : memref<8x8x129xf32, #tpu.memory_space<vmem>>[vector<16xi32>, vector<16xi32>, vector<16xi32>], vector<16xf32>,
      %get3A_484 = arith.index_cast %add3A_476 : i32 to index
      %get3A_485 = arith.constant 16 : index
      %get3A_486 = tpu.vector_load %arg7[%get3A_484, %get3A_485] {strides = array<i32>} : memref<128x64xf32, #tpu.memory_space<vmem>>, vector<16xf32>,
      tpu.vector_store_idx %arg9[%add3A_82, %select_n3A_104, %add3A_480], %get3A_486 : memref<8x8x129xf32, #tpu.memory_space<vmem>>[vector<16xi32>, vector<16xi32>, vector<16xi32>], vector<16xf32>,
      %get3A_487 = arith.index_cast %add3A_476 : i32 to index
      %get3A_488 = arith.constant 32 : index
      %get3A_489 = tpu.vector_load %arg7[%get3A_487, %get3A_488] {strides = array<i32>} : memref<128x64xf32, #tpu.memory_space<vmem>>, vector<16xf32>,
      tpu.vector_store_idx %arg9[%add3A_138, %select_n3A_160, %add3A_480], %get3A_489 : memref<8x8x129xf32, #tpu.memory_space<vmem>>[vector<16xi32>, vector<16xi32>, vector<16xi32>], vector<16xf32>,
      %get3A_490 = arith.index_cast %add3A_476 : i32 to index
      %get3A_491 = arith.constant 48 : index
      %get3A_492 = tpu.vector_load %arg7[%get3A_490, %get3A_491] {strides = array<i32>} : memref<128x64xf32, #tpu.memory_space<vmem>>, vector<16xf32>,
      tpu.vector_store_idx %arg9[%add3A_194, %select_n3A_216, %add3A_480], %get3A_492 : memref<8x8x129xf32, #tpu.memory_space<vmem>>[vector<16xi32>, vector<16xi32>, vector<16xi32>], vector<16xf32>,
      %add3A_493 = arith.constant 2 : i32
      %add3A_494 = arith.addi %mul3A_458, %add3A_493 : i32
      %broadcast_in_dim3A_495 = arith.constant 0 : i32
      %broadcast_in_dim3A_496 = vector.broadcast %broadcast_in_dim3A_495 : i32 to vector<16xi32>
      %add3A_497 = vector.broadcast %add3A_494 : i32 to vector<16xi32>
      %add3A_498 = arith.addi %broadcast_in_dim3A_496, %add3A_497 : vector<16xi32>
      %get3A_499 = arith.index_cast %add3A_494 : i32 to index
      %get3A_500 = arith.constant 0 : index
      %get3A_501 = tpu.vector_load %arg7[%get3A_499, %get3A_500] {strides = array<i32>} : memref<128x64xf32, #tpu.memory_space<vmem>>, vector<16xf32>,
      tpu.vector_store_idx %arg9[%add3A_28, %select_n3A_48, %add3A_498], %get3A_501 : memref<8x8x129xf32, #tpu.memory_space<vmem>>[vector<16xi32>, vector<16xi32>, vector<16xi32>], vector<16xf32>,
      %get3A_502 = arith.index_cast %add3A_494 : i32 to index
      %get3A_503 = arith.constant 16 : index
      %get3A_504 = tpu.vector_load %arg7[%get3A_502, %get3A_503] {strides = array<i32>} : memref<128x64xf32, #tpu.memory_space<vmem>>, vector<16xf32>,
      tpu.vector_store_idx %arg9[%add3A_82, %select_n3A_104, %add3A_498], %get3A_504 : memref<8x8x129xf32, #tpu.memory_space<vmem>>[vector<16xi32>, vector<16xi32>, vector<16xi32>], vector<16xf32>,
      %get3A_505 = arith.index_cast %add3A_494 : i32 to index
      %get3A_506 = arith.constant 32 : index
      %get3A_507 = tpu.vector_load %arg7[%get3A_505, %get3A_506] {strides = array<i32>} : memref<128x64xf32, #tpu.memory_space<vmem>>, vector<16xf32>,
      tpu.vector_store_idx %arg9[%add3A_138, %select_n3A_160, %add3A_498], %get3A_507 : memref<8x8x129xf32, #tpu.memory_space<vmem>>[vector<16xi32>, vector<16xi32>, vector<16xi32>], vector<16xf32>,
      %get3A_508 = arith.index_cast %add3A_494 : i32 to index
      %get3A_509 = arith.constant 48 : index
      %get3A_510 = tpu.vector_load %arg7[%get3A_508, %get3A_509] {strides = array<i32>} : memref<128x64xf32, #tpu.memory_space<vmem>>, vector<16xf32>,
      tpu.vector_store_idx %arg9[%add3A_194, %select_n3A_216, %add3A_498], %get3A_510 : memref<8x8x129xf32, #tpu.memory_space<vmem>>[vector<16xi32>, vector<16xi32>, vector<16xi32>], vector<16xf32>,
      %add3A_511 = arith.constant 3 : i32
      %add3A_512 = arith.addi %mul3A_458, %add3A_511 : i32
      %broadcast_in_dim3A_513 = arith.constant 0 : i32
      %broadcast_in_dim3A_514 = vector.broadcast %broadcast_in_dim3A_513 : i32 to vector<16xi32>
      %add3A_515 = vector.broadcast %add3A_512 : i32 to vector<16xi32>
      %add3A_516 = arith.addi %broadcast_in_dim3A_514, %add3A_515 : vector<16xi32>
      %get3A_517 = arith.index_cast %add3A_512 : i32 to index
      %get3A_518 = arith.constant 0 : index
      %get3A_519 = tpu.vector_load %arg7[%get3A_517, %get3A_518] {strides = array<i32>} : memref<128x64xf32, #tpu.memory_space<vmem>>, vector<16xf32>,
      tpu.vector_store_idx %arg9[%add3A_28, %select_n3A_48, %add3A_516], %get3A_519 : memref<8x8x129xf32, #tpu.memory_space<vmem>>[vector<16xi32>, vector<16xi32>, vector<16xi32>], vector<16xf32>,
      %get3A_520 = arith.index_cast %add3A_512 : i32 to index
      %get3A_521 = arith.constant 16 : index
      %get3A_522 = tpu.vector_load %arg7[%get3A_520, %get3A_521] {strides = array<i32>} : memref<128x64xf32, #tpu.memory_space<vmem>>, vector<16xf32>,
      tpu.vector_store_idx %arg9[%add3A_82, %select_n3A_104, %add3A_516], %get3A_522 : memref<8x8x129xf32, #tpu.memory_space<vmem>>[vector<16xi32>, vector<16xi32>, vector<16xi32>], vector<16xf32>,
      %get3A_523 = arith.index_cast %add3A_512 : i32 to index
      %get3A_524 = arith.constant 32 : index
      %get3A_525 = tpu.vector_load %arg7[%get3A_523, %get3A_524] {strides = array<i32>} : memref<128x64xf32, #tpu.memory_space<vmem>>, vector<16xf32>,
      tpu.vector_store_idx %arg9[%add3A_138, %select_n3A_160, %add3A_516], %get3A_525 : memref<8x8x129xf32, #tpu.memory_space<vmem>>[vector<16xi32>, vector<16xi32>, vector<16xi32>], vector<16xf32>,
      %get3A_526 = arith.index_cast %add3A_512 : i32 to index
      %get3A_527 = arith.constant 48 : index
      %get3A_528 = tpu.vector_load %arg7[%get3A_526, %get3A_527] {strides = array<i32>} : memref<128x64xf32, #tpu.memory_space<vmem>>, vector<16xf32>,
      tpu.vector_store_idx %arg9[%add3A_194, %select_n3A_216, %add3A_516], %get3A_528 : memref<8x8x129xf32, #tpu.memory_space<vmem>>[vector<16xi32>, vector<16xi32>, vector<16xi32>], vector<16xf32>,
      %add3A_529 = arith.constant 4 : i32
      %add3A_530 = arith.addi %mul3A_458, %add3A_529 : i32
      %broadcast_in_dim3A_531 = arith.constant 0 : i32
      %broadcast_in_dim3A_532 = vector.broadcast %broadcast_in_dim3A_531 : i32 to vector<16xi32>
      %add3A_533 = vector.broadcast %add3A_530 : i32 to vector<16xi32>
      %add3A_534 = arith.addi %broadcast_in_dim3A_532, %add3A_533 : vector<16xi32>
      %get3A_535 = arith.index_cast %add3A_530 : i32 to index
      %get3A_536 = arith.constant 0 : index
      %get3A_537 = tpu.vector_load %arg7[%get3A_535, %get3A_536] {strides = array<i32>} : memref<128x64xf32, #tpu.memory_space<vmem>>, vector<16xf32>,
      tpu.vector_store_idx %arg9[%add3A_28, %select_n3A_48, %add3A_534], %get3A_537 : memref<8x8x129xf32, #tpu.memory_space<vmem>>[vector<16xi32>, vector<16xi32>, vector<16xi32>], vector<16xf32>,
      %get3A_538 = arith.index_cast %add3A_530 : i32 to index
      %get3A_539 = arith.constant 16 : index
      %get3A_540 = tpu.vector_load %arg7[%get3A_538, %get3A_539] {strides = array<i32>} : memref<128x64xf32, #tpu.memory_space<vmem>>, vector<16xf32>,
      tpu.vector_store_idx %arg9[%add3A_82, %select_n3A_104, %add3A_534], %get3A_540 : memref<8x8x129xf32, #tpu.memory_space<vmem>>[vector<16xi32>, vector<16xi32>, vector<16xi32>], vector<16xf32>,
      %get3A_541 = arith.index_cast %add3A_530 : i32 to index
      %get3A_542 = arith.constant 32 : index
      %get3A_543 = tpu.vector_load %arg7[%get3A_541, %get3A_542] {strides = array<i32>} : memref<128x64xf32, #tpu.memory_space<vmem>>, vector<16xf32>,
      tpu.vector_store_idx %arg9[%add3A_138, %select_n3A_160, %add3A_534], %get3A_543 : memref<8x8x129xf32, #tpu.memory_space<vmem>>[vector<16xi32>, vector<16xi32>, vector<16xi32>], vector<16xf32>,
      %get3A_544 = arith.index_cast %add3A_530 : i32 to index
      %get3A_545 = arith.constant 48 : index
      %get3A_546 = tpu.vector_load %arg7[%get3A_544, %get3A_545] {strides = array<i32>} : memref<128x64xf32, #tpu.memory_space<vmem>>, vector<16xf32>,
      tpu.vector_store_idx %arg9[%add3A_194, %select_n3A_216, %add3A_534], %get3A_546 : memref<8x8x129xf32, #tpu.memory_space<vmem>>[vector<16xi32>, vector<16xi32>, vector<16xi32>], vector<16xf32>,
      %add3A_547 = arith.constant 5 : i32
      %add3A_548 = arith.addi %mul3A_458, %add3A_547 : i32
      %broadcast_in_dim3A_549 = arith.constant 0 : i32
      %broadcast_in_dim3A_550 = vector.broadcast %broadcast_in_dim3A_549 : i32 to vector<16xi32>
      %add3A_551 = vector.broadcast %add3A_548 : i32 to vector<16xi32>
      %add3A_552 = arith.addi %broadcast_in_dim3A_550, %add3A_551 : vector<16xi32>
      %get3A_553 = arith.index_cast %add3A_548 : i32 to index
      %get3A_554 = arith.constant 0 : index
      %get3A_555 = tpu.vector_load %arg7[%get3A_553, %get3A_554] {strides = array<i32>} : memref<128x64xf32, #tpu.memory_space<vmem>>, vector<16xf32>,
      tpu.vector_store_idx %arg9[%add3A_28, %select_n3A_48, %add3A_552], %get3A_555 : memref<8x8x129xf32, #tpu.memory_space<vmem>>[vector<16xi32>, vector<16xi32>, vector<16xi32>], vector<16xf32>,
      %get3A_556 = arith.index_cast %add3A_548 : i32 to index
      %get3A_557 = arith.constant 16 : index
      %get3A_558 = tpu.vector_load %arg7[%get3A_556, %get3A_557] {strides = array<i32>} : memref<128x64xf32, #tpu.memory_space<vmem>>, vector<16xf32>,
      tpu.vector_store_idx %arg9[%add3A_82, %select_n3A_104, %add3A_552], %get3A_558 : memref<8x8x129xf32, #tpu.memory_space<vmem>>[vector<16xi32>, vector<16xi32>, vector<16xi32>], vector<16xf32>,
      %get3A_559 = arith.index_cast %add3A_548 : i32 to index
      %get3A_560 = arith.constant 32 : index
      %get3A_561 = tpu.vector_load %arg7[%get3A_559, %get3A_560] {strides = array<i32>} : memref<128x64xf32, #tpu.memory_space<vmem>>, vector<16xf32>,
      tpu.vector_store_idx %arg9[%add3A_138, %select_n3A_160, %add3A_552], %get3A_561 : memref<8x8x129xf32, #tpu.memory_space<vmem>>[vector<16xi32>, vector<16xi32>, vector<16xi32>], vector<16xf32>,
      %get3A_562 = arith.index_cast %add3A_548 : i32 to index
      %get3A_563 = arith.constant 48 : index
      %get3A_564 = tpu.vector_load %arg7[%get3A_562, %get3A_563] {strides = array<i32>} : memref<128x64xf32, #tpu.memory_space<vmem>>, vector<16xf32>,
      tpu.vector_store_idx %arg9[%add3A_194, %select_n3A_216, %add3A_552], %get3A_564 : memref<8x8x129xf32, #tpu.memory_space<vmem>>[vector<16xi32>, vector<16xi32>, vector<16xi32>], vector<16xf32>,
      %add3A_565 = arith.constant 6 : i32
      %add3A_566 = arith.addi %mul3A_458, %add3A_565 : i32
      %broadcast_in_dim3A_567 = arith.constant 0 : i32
      %broadcast_in_dim3A_568 = vector.broadcast %broadcast_in_dim3A_567 : i32 to vector<16xi32>
      %add3A_569 = vector.broadcast %add3A_566 : i32 to vector<16xi32>
      %add3A_570 = arith.addi %broadcast_in_dim3A_568, %add3A_569 : vector<16xi32>
      %get3A_571 = arith.index_cast %add3A_566 : i32 to index
      %get3A_572 = arith.constant 0 : index
      %get3A_573 = tpu.vector_load %arg7[%get3A_571, %get3A_572] {strides = array<i32>} : memref<128x64xf32, #tpu.memory_space<vmem>>, vector<16xf32>,
      tpu.vector_store_idx %arg9[%add3A_28, %select_n3A_48, %add3A_570], %get3A_573 : memref<8x8x129xf32, #tpu.memory_space<vmem>>[vector<16xi32>, vector<16xi32>, vector<16xi32>], vector<16xf32>,
      %get3A_574 = arith.index_cast %add3A_566 : i32 to index
      %get3A_575 = arith.constant 16 : index
      %get3A_576 = tpu.vector_load %arg7[%get3A_574, %get3A_575] {strides = array<i32>} : memref<128x64xf32, #tpu.memory_space<vmem>>, vector<16xf32>,
      tpu.vector_store_idx %arg9[%add3A_82, %select_n3A_104, %add3A_570], %get3A_576 : memref<8x8x129xf32, #tpu.memory_space<vmem>>[vector<16xi32>, vector<16xi32>, vector<16xi32>], vector<16xf32>,
      %get3A_577 = arith.index_cast %add3A_566 : i32 to index
      %get3A_578 = arith.constant 32 : index
      %get3A_579 = tpu.vector_load %arg7[%get3A_577, %get3A_578] {strides = array<i32>} : memref<128x64xf32, #tpu.memory_space<vmem>>, vector<16xf32>,
      tpu.vector_store_idx %arg9[%add3A_138, %select_n3A_160, %add3A_570], %get3A_579 : memref<8x8x129xf32, #tpu.memory_space<vmem>>[vector<16xi32>, vector<16xi32>, vector<16xi32>], vector<16xf32>,
      %get3A_580 = arith.index_cast %add3A_566 : i32 to index
      %get3A_581 = arith.constant 48 : index
      %get3A_582 = tpu.vector_load %arg7[%get3A_580, %get3A_581] {strides = array<i32>} : memref<128x64xf32, #tpu.memory_space<vmem>>, vector<16xf32>,
      tpu.vector_store_idx %arg9[%add3A_194, %select_n3A_216, %add3A_570], %get3A_582 : memref<8x8x129xf32, #tpu.memory_space<vmem>>[vector<16xi32>, vector<16xi32>, vector<16xi32>], vector<16xf32>,
      %add3A_583 = arith.constant 7 : i32
      %add3A_584 = arith.addi %mul3A_458, %add3A_583 : i32
      %broadcast_in_dim3A_585 = arith.constant 0 : i32
      %broadcast_in_dim3A_586 = vector.broadcast %broadcast_in_dim3A_585 : i32 to vector<16xi32>
      %add3A_587 = vector.broadcast %add3A_584 : i32 to vector<16xi32>
      %add3A_588 = arith.addi %broadcast_in_dim3A_586, %add3A_587 : vector<16xi32>
      %get3A_589 = arith.index_cast %add3A_584 : i32 to index
      %get3A_590 = arith.constant 0 : index
      %get3A_591 = tpu.vector_load %arg7[%get3A_589, %get3A_590] {strides = array<i32>} : memref<128x64xf32, #tpu.memory_space<vmem>>, vector<16xf32>,
      tpu.vector_store_idx %arg9[%add3A_28, %select_n3A_48, %add3A_588], %get3A_591 : memref<8x8x129xf32, #tpu.memory_space<vmem>>[vector<16xi32>, vector<16xi32>, vector<16xi32>], vector<16xf32>,
      %get3A_592 = arith.index_cast %add3A_584 : i32 to index
      %get3A_593 = arith.constant 16 : index
      %get3A_594 = tpu.vector_load %arg7[%get3A_592, %get3A_593] {strides = array<i32>} : memref<128x64xf32, #tpu.memory_space<vmem>>, vector<16xf32>,
      tpu.vector_store_idx %arg9[%add3A_82, %select_n3A_104, %add3A_588], %get3A_594 : memref<8x8x129xf32, #tpu.memory_space<vmem>>[vector<16xi32>, vector<16xi32>, vector<16xi32>], vector<16xf32>,
      %get3A_595 = arith.index_cast %add3A_584 : i32 to index
      %get3A_596 = arith.constant 32 : index
      %get3A_597 = tpu.vector_load %arg7[%get3A_595, %get3A_596] {strides = array<i32>} : memref<128x64xf32, #tpu.memory_space<vmem>>, vector<16xf32>,
      tpu.vector_store_idx %arg9[%add3A_138, %select_n3A_160, %add3A_588], %get3A_597 : memref<8x8x129xf32, #tpu.memory_space<vmem>>[vector<16xi32>, vector<16xi32>, vector<16xi32>], vector<16xf32>,
      %get3A_598 = arith.index_cast %add3A_584 : i32 to index
      %get3A_599 = arith.constant 48 : index
      %get3A_600 = tpu.vector_load %arg7[%get3A_598, %get3A_599] {strides = array<i32>} : memref<128x64xf32, #tpu.memory_space<vmem>>, vector<16xf32>,
      tpu.vector_store_idx %arg9[%add3A_194, %select_n3A_216, %add3A_588], %get3A_600 : memref<8x8x129xf32, #tpu.memory_space<vmem>>[vector<16xi32>, vector<16xi32>, vector<16xi32>], vector<16xf32>,
    }
    %scan3A_396 = arith.constant 16 : i32
    %dma_start3A_397 = arith.constant 199 : i32
    %dma_start3A_398 = arith.constant 0 : i32
    %dma_start3A_399 = arith.constant 0 : i32
    %dma_start3A_400 = arith.constant 0 : i32
    %dma_start3A_401 = tpu.memref_slice %arg9[%dma_start3A_398, %dma_start3A_399, %dma_start3A_400] : memref<8x8x129xf32, #tpu.memory_space<vmem>> -> memref<8x8x128xf32, #tpu.memory_space<vmem>>
    %dma_start3A_402 = arith.constant 0 : i32
    %dma_start3A_403 = arith.constant 0 : i32
    %dma_start3A_404 = arith.constant 0 : i32
    %dma_start3A_405 = tpu.memref_slice %arg4[%dma_start3A_397, %dma_start3A_402, %add3A, %dma_start3A_403, %dma_start3A_404] : memref<200x8x32x8x128xf32, #tpu.memory_space<hbm>> -> memref<1x8x1x8x128xf32, #tpu.memory_space<hbm>>
    %dma_start3A_406 = tpu.memref_squeeze %dma_start3A_405 : memref<1x8x1x8x128xf32, #tpu.memory_space<hbm>> -> memref<8x8x128xf32, #tpu.memory_space<hbm>>
    %dma_start3A_407 = arith.constant 0 : i32
    %dma_start3A_408 = arith.constant 0 : i32
    %dma_start3A_409 = arith.constant 0 : i32
    %dma_start3A_410 = tpu.memref_slice %arg4[%dma_start3A_397, %dma_start3A_407, %add3A, %dma_start3A_408, %dma_start3A_409] : memref<200x8x32x8x128xf32, #tpu.memory_space<hbm>> -> memref<1x8x1x8x128xf32, #tpu.memory_space<hbm>>
    %dma_start3A_411 = tpu.memref_squeeze %dma_start3A_410 : memref<1x8x1x8x128xf32, #tpu.memory_space<hbm>> -> memref<8x8x128xf32, #tpu.memory_space<hbm>>
    %dma_start3A_412 = arith.constant 0 : i32
    %dma_start3A_413 = arith.constant 0 : i32
    %dma_start3A_414 = arith.constant 0 : i32
    %dma_start3A_415 = tpu.memref_slice %arg9[%dma_start3A_412, %dma_start3A_413, %dma_start3A_414] : memref<8x8x129xf32, #tpu.memory_space<vmem>> -> memref<8x8x128xf32, #tpu.memory_space<vmem>>
    tpu.enqueue_dma source(%dma_start3A_415 : memref<8x8x128xf32, #tpu.memory_space<vmem>>) target(%dma_start3A_411 : memref<8x8x128xf32, #tpu.memory_space<hbm>>) target_semaphore(%arg13 : memref<!tpu.dma_semaphore, #tpu.memory_space<semaphore_mem>>)
    %dma_wait3A_416 = arith.constant 0 : i32
    %dma_wait3A_417 = arith.constant 0 : i32
    %dma_wait3A_418 = arith.constant 0 : i32
    %dma_wait3A_419 = arith.constant 0 : i32
    %dma_wait3A_420 = arith.constant 0 : i32
    %dma_wait3A_421 = tpu.memref_slice %arg8[%dma_wait3A_418, %dma_wait3A_419, %dma_wait3A_420] : memref<8x8x129xf32, #tpu.memory_space<vmem>> -> memref<8x8x128xf32, #tpu.memory_space<vmem>>
    %dma_wait3A_422 = arith.constant 0 : i32
    %dma_wait3A_423 = arith.constant 0 : i32
    %dma_wait3A_424 = arith.constant 0 : i32
    %dma_wait3A_425 = tpu.memref_slice %arg4[%dma_wait3A_416, %dma_wait3A_422, %dma_wait3A_417, %dma_wait3A_423, %dma_wait3A_424] : memref<200x8x32x8x128xf32, #tpu.memory_space<hbm>> -> memref<1x8x1x8x128xf32, #tpu.memory_space<hbm>>
    %dma_wait3A_426 = tpu.memref_squeeze %dma_wait3A_425 : memref<1x8x1x8x128xf32, #tpu.memory_space<hbm>> -> memref<8x8x128xf32, #tpu.memory_space<hbm>>
    %dma_wait3A_427 = arith.constant 0 : i32
    %dma_wait3A_428 = arith.constant 0 : i32
    %dma_wait3A_429 = arith.constant 0 : i32
    %dma_wait3A_430 = tpu.memref_slice %arg4[%dma_wait3A_416, %dma_wait3A_427, %dma_wait3A_417, %dma_wait3A_428, %dma_wait3A_429] : memref<200x8x32x8x128xf32, #tpu.memory_space<hbm>> -> memref<1x8x1x8x128xf32, #tpu.memory_space<hbm>>
    %dma_wait3A_431 = tpu.memref_squeeze %dma_wait3A_430 : memref<1x8x1x8x128xf32, #tpu.memory_space<hbm>> -> memref<8x8x128xf32, #tpu.memory_space<hbm>>
    %dma_wait3A_432 = arith.constant 0 : i32
    %dma_wait3A_433 = arith.constant 0 : i32
    %dma_wait3A_434 = arith.constant 0 : i32
    %dma_wait3A_435 = tpu.memref_slice %arg8[%dma_wait3A_432, %dma_wait3A_433, %dma_wait3A_434] : memref<8x8x129xf32, #tpu.memory_space<vmem>> -> memref<8x8x128xf32, #tpu.memory_space<vmem>>
    tpu.wait_dma2 semaphore(%arg12 : memref<!tpu.dma_semaphore, #tpu.memory_space<semaphore_mem>>) src(%dma_wait3A_435 : memref<8x8x128xf32, #tpu.memory_space<vmem>>) dst(%dma_wait3A_431 : memref<8x8x128xf32, #tpu.memory_space<hbm>>)
    %dma_wait3A_436 = arith.constant 0 : i32
    %dma_wait3A_437 = arith.constant 0 : i32
    %dma_wait3A_438 = arith.constant 0 : i32
    %dma_wait3A_439 = arith.constant 0 : i32
    %dma_wait3A_440 = arith.constant 0 : i32
    %dma_wait3A_441 = tpu.memref_slice %arg9[%dma_wait3A_438, %dma_wait3A_439, %dma_wait3A_440] : memref<8x8x129xf32, #tpu.memory_space<vmem>> -> memref<8x8x128xf32, #tpu.memory_space<vmem>>
    %dma_wait3A_442 = arith.constant 0 : i32
    %dma_wait3A_443 = arith.constant 0 : i32
    %dma_wait3A_444 = arith.constant 0 : i32
    %dma_wait3A_445 = tpu.memref_slice %arg4[%dma_wait3A_436, %dma_wait3A_442, %dma_wait3A_437, %dma_wait3A_443, %dma_wait3A_444] : memref<200x8x32x8x128xf32, #tpu.memory_space<hbm>> -> memref<1x8x1x8x128xf32, #tpu.memory_space<hbm>>
    %dma_wait3A_446 = tpu.memref_squeeze %dma_wait3A_445 : memref<1x8x1x8x128xf32, #tpu.memory_space<hbm>> -> memref<8x8x128xf32, #tpu.memory_space<hbm>>
    %dma_wait3A_447 = arith.constant 0 : i32
    %dma_wait3A_448 = arith.constant 0 : i32
    %dma_wait3A_449 = arith.constant 0 : i32
    %dma_wait3A_450 = tpu.memref_slice %arg4[%dma_wait3A_436, %dma_wait3A_447, %dma_wait3A_437, %dma_wait3A_448, %dma_wait3A_449] : memref<200x8x32x8x128xf32, #tpu.memory_space<hbm>> -> memref<1x8x1x8x128xf32, #tpu.memory_space<hbm>>
    %dma_wait3A_451 = tpu.memref_squeeze %dma_wait3A_450 : memref<1x8x1x8x128xf32, #tpu.memory_space<hbm>> -> memref<8x8x128xf32, #tpu.memory_space<hbm>>
    %dma_wait3A_452 = arith.constant 0 : i32
    %dma_wait3A_453 = arith.constant 0 : i32
    %dma_wait3A_454 = arith.constant 0 : i32
    %dma_wait3A_455 = tpu.memref_slice %arg9[%dma_wait3A_452, %dma_wait3A_453, %dma_wait3A_454] : memref<8x8x129xf32, #tpu.memory_space<vmem>> -> memref<8x8x128xf32, #tpu.memory_space<vmem>>
    tpu.wait_dma2 semaphore(%arg13 : memref<!tpu.dma_semaphore, #tpu.memory_space<semaphore_mem>>) src(%dma_wait3A_455 : memref<8x8x128xf32, #tpu.memory_space<vmem>>) dst(%dma_wait3A_451 : memref<8x8x128xf32, #tpu.memory_space<hbm>>)
    return
  }
}

</mosaic_0001>

<sc_bundles>
// kernel: kernel.3.cloned.1.call-start
scs
__scs_entry_jumppad:
0x0: {  	(pc) =	sbr.rel $0x88, $3  }
0x1: {  	(tag) =	ssettag $0x0;
	lr =	simm.s32 $0x1  }
0x2: {  	[smem:$0x3F9F] =	sst lr;
	_ =	strace $0xD0000000  }
0x3: {  	_ = 	snop  }
0x4: {  	_ = 	snop  }
0x5: {  	_ = 	snop  }
0x6: {  	_ = 	snop  }
0x7: {  	_ = 	snop  }
__scs_overlays_trampoline_lowered:
0x8: {  	[smem:$0x3FAE] =	sst s0  }
0x9: {  	[smem:$0x3FAF] =	sst s1  }
0xa: {  	[smem:$0x3FB0] =	sst s2  }
0xb: {  	[smem:$0x3FB1] =	sst s3  }
0xc: {  	[smem:$0x3FB2] =	sst s4  }
0xd: {  	[smem:$0x3FB3] =	sst s5  }
0xe: {  	[smem:$0x3FB4] =	sst s6  }
0xf: {  	[smem:$0x3FB5] =	sst s7  }
0x10: {  	[smem:$0x3FB6] =	sst s8  }
0x11: {  	[smem:$0x3FB7] =	sst s9;
	s0 =	simm.s32 @!p0 $0x0  }
0x12: {  	s1 =	sld [smem:$0x3F9D];
	s0 =	simm.s32 @p0 $0x1  }
0x13: {  	[smem:$0x3FB8] =	sst s0;
	s0 =	simm.s32 @!p1 $0x0  }
0x14: {  	s2 =	sld [smem:$0x3F9C];
	s0 =	simm.s32 @p1 $0x1  }
0x15: {  	[smem:$0x3FB9] =	sst s0;
	s0 =	simm.s32 @!p2 $0x0  }
0x16: {  	s3 =	sld [smem:$0x3FDB];
	s0 =	simm.s32 @p2 $0x1  }
0x17: {  	s4 =	simm.s32 $0x1BF5;
	[smem:$0x3FBB] =	sst s0  }
0x18: {  	s0 =	sld [smem:$0x3F9E];
	_ =	swait.ge [sflag:s4], $0x0  }
0x19: {  	s7 =	sld [smem:$0x3F9F]  }
0x1a: {  	s8 =	sadd.s32 $0xFFFFE003, lr  }
0x1b: {  	s9 =	sadd.s32 $0xFFFFFEF7, lr;
	s5 =	simm.s32 $0xFFFFFFFF;
	p2 =	slt.u32 s8, $0xFFFFF086  }
0x1c: {  	p1 =	slt.u32 s9, $0xF7A;
	s5 =	simm.s32 @!p2 $0x0  }
0x1d: {  	s5 =	simm.s32 @p1 $0x1;
	p0 =	seq.s32 s7, s2  }
0x1e: {  	s7 =	smul.u32 @!p0 $0xF7A, s2;
	p2 =	seq.s32 @!p0 s5, $0x0  }
0x1f: {  	s9 =	smul.u32 $0xF7A, s1;
	s8 =	simm.s32 @!p0 $0x1BF5;
	p2 =	por !p2, p0  }
0x20: {  	[sflag:s8] =	ssyncset.s32 @!p0 $0xFFFFF086;
	s6 =	sadd.s32 @!p0 s3, s7;
	s7 =	simm.s32 @!p0 $0x108  }
0x21: {  	s3 =	sadd.s32 s3, s9;
	s6 =	sadd.s32 @!p0 $0x88, s6;
	s7 =	simm.s32 @p2 $0x1082  }
0x22: {  	[simem:s7], [sflag:s8] =	dma.local @!p0 [hbm:s6], $0xF7A  }
0x23: {  	s9 =	sor.u32 $0xD0000000, s2;
	s6 =	simm.s32 $0x108;
	_ =	swait.ge @!p0 [sflag:s8], $0x0  }
0x24: {  	s3 =	sadd.s32 $0x88, s3;
	s6 =	simm.s32 @!p1 $0x1082;
	[sflag:s4] =	ssyncset.s32 $0xFFFFF086  }
0x25: {  	[simem:s6], [sflag:s4] =	dma.local [hbm:s3], $0xF7A  }
0x26: {  	[smem:$0x3F9F] =	sst s1;
	(tag) =	ssettag s2;
	_ =	strace s9  }
0x27: {  	s1 =	sld [smem:$0x3FAF]  }
0x28: {  	s2 =	sld [smem:$0x3FB0]  }
0x29: {  	s4 =	sld [smem:$0x3FB2]  }
0x2a: {  	p0 =	seq.s32 s5, $0x0;
	s5 =	sld [smem:$0x3FB3]  }
0x2b: {  	s6 =	sld [smem:$0x3FB4]  }
0x2c: {  	s7 =	sld [smem:$0x3FB5]  }
0x2d: {  	s3 =	simm.s32 $0x108;
	s8 =	sld [smem:$0x3FB6]  }
0x2e: {  	s3 =	simm.s32 @!p0 $0x1082;
	s9 =	sld [smem:$0x3FB7]  }
0x2f: {  	lr =	sadd.s32 s0, s3;
	s0 =	sld [smem:$0x3FAE]  }
0x30: {  	s3 =	sld [smem:$0x3FB1]  }
0x31: {  	[smem:$0x3FBA] =	sst s10  }
0x32: {  	s10 =	sld [smem:$0x3FB8];
	_ =	sdelay $0x3  }
0x33: {  	p0 =	seq.s32 s10, $0x1;
	s10 =	sld [smem:$0x3FBA];
	_ =	sdelay $0x3  }
0x34: {  	[smem:$0x3FBA] =	sst s10  }
0x35: {  	s10 =	sld [smem:$0x3FB9];
	_ =	sdelay $0x3  }
0x36: {  	p1 =	seq.s32 s10, $0x1;
	s10 =	sld [smem:$0x3FBA];
	_ =	sdelay $0x3  }
0x37: {  	[smem:$0x3FBA] =	sst s10  }
0x38: {  	s10 =	sld [smem:$0x3FBB]  }
0x39: {  	_ = 	snop;
	(pc) =	sbr.ind lr, $3  }
0x3a: {  	_ = 	snop  }
0x3b: {  	_ = 	snop  }
0x3c: {  	p2 =	seq.s32 s10, $0x1;
	s10 =	sld [smem:$0x3FBA]  }
0x3d: {  	_ =	shalt  }
0x3e: {  	_ =	shalt  }
0x3f: {  	_ =	shalt  }
0x40: {  	_ =	shalt  }
0x41: {  	_ =	shalt  }
0x42: {  	_ =	shalt  }
0x43: {  	_ =	shalt  }
0x44: {  	_ =	shalt  }
0x45: {  	_ =	shalt  }
0x46: {  	_ =	shalt  }
0x47: {  	_ =	shalt  }
0x48: {  	_ =	shalt  }
0x49: {  	_ =	shalt  }
0x4a: {  	_ =	shalt  }
0x4b: {  	_ =	shalt  }
0x4c: {  	_ =	shalt  }
0x4d: {  	_ =	shalt  }
0x4e: {  	_ =	shalt  }
0x4f: {  	_ =	shalt  }
0x50: {  	_ =	shalt  }
0x51: {  	_ =	shalt  }
0x52: {  	_ =	shalt  }
0x53: {  	_ =	shalt  }
0x54: {  	_ =	shalt  }
0x55: {  	_ =	shalt  }
0x56: {  	_ =	shalt  }
0x57: {  	_ =	shalt  }
0x58: {  	_ =	shalt  }
0x59: {  	_ =	shalt  }
0x5a: {  	_ =	shalt  }
0x5b: {  	_ =	shalt  }
0x5c: {  	_ =	shalt  }
0x5d: {  	_ =	shalt  }
0x5e: {  	_ =	shalt  }
0x5f: {  	_ =	shalt  }
0x60: {  	_ =	shalt  }
0x61: {  	_ =	shalt  }
0x62: {  	_ =	shalt  }
0x63: {  	_ =	shalt  }
0x64: {  	_ =	shalt  }
0x65: {  	_ =	shalt  }
0x66: {  	_ =	shalt  }
0x67: {  	_ =	shalt  }
0x68: {  	_ =	shalt  }
0x69: {  	_ =	shalt  }
0x6a: {  	_ =	shalt  }
0x6b: {  	_ =	shalt  }
0x6c: {  	_ =	shalt  }
0x6d: {  	_ =	shalt  }
0x6e: {  	_ =	shalt  }
0x6f: {  	_ =	shalt  }
0x70: {  	_ =	shalt  }
0x71: {  	_ =	shalt  }
0x72: {  	_ =	shalt  }
0x73: {  	_ =	shalt  }
0x74: {  	_ =	shalt  }
0x75: {  	_ =	shalt  }
0x76: {  	_ =	shalt  }
0x77: {  	_ =	shalt  }
0x78: {  	_ =	shalt  }
0x79: {  	_ =	shalt  }
0x7a: {  	_ =	shalt  }
0x7b: {  	_ =	shalt  }
0x7c: {  	_ =	shalt  }
0x7d: {  	_ =	shalt  }
0x7e: {  	_ =	shalt  }
0x7f: {  	_ =	shalt  }
0x80: {  	_ =	shalt  }
0x81: {  	_ =	shalt  }
0x82: {  	_ =	shalt  }
0x83: {  	_ =	shalt  }
0x84: {  	_ =	shalt  }
0x85: {  	_ =	shalt  }
0x86: {  	_ =	shalt  }
0x87: {  	_ =	shalt  }
.Lfunc_end0:
.L_simem_size_0:
called_computation_lowered:
.L_overlay_start_0:
0x88: {  	s2 =	sld [smem:$0x3FD9]  }
0x89: {  	s3 =	sld [smem:$0x3FFE];
	_ =	sdelay $0x1  }
0x8a: {  	s1 =	srdreg.scid  }
0x8b: {  	s0 =	sand.u32 $0x1, s1  }
0x8c: {  	s17 =	sshll.u32 s0, $0xA;
	s2 =	sadd.s32 s3, s2  }
0x8d: {  	s2 =	sadd.s32 s2, s17  }
0x8e: {  	[smem:$0x3FC6] =	sst s2  }
0x8f: {  	_ = 	snop  }
0x90: {  	s2 =	sld [smem:$0x3FD0];
	(tm) =	ssettm $0x1  }
0x91: {  	s18 =	sld [smem:$0x3FFB];
	_ =	sdelay $0x3  }
0x92: {  	_ =	strace s18  }
0x93: {  	s3 =	sld [smem:$0x3FFC];
	_ =	sdelay $0x3  }
0x94: {  	_ =	strace s3  }
0x95: {  	s3 =	sld [smem:$0x3FFD];
	_ =	sdelay $0x3  }
0x96: {  	_ =	strace s3  }
0x97: {  	_ =	strace $0x8FFFFFFF  }
0x98: {  	s19 =	sld [smem:$0x3FDB];
	_ =	sdelay $0x1  }
0x99: {  	s4 =	simm.s32 $_scs_section_size  }
0x9a: {  	s5 =	simm.s32 $_size__tile_overlayer_lowered;
	s6 =	simm.s32 $_tile_overlayer_lowered  }
0x9b: {  	s22 =	simm.s32 $0x1BFF;
	s21 =	sshll.u32 s6, $0x1;
	s3 =	sadd.s32 s4, s19  }
0x9c: {  	s7 =	simm.s32 $0x0;
	s20 =	sshll.u32 s5, $0x1;
	s5 =	sadd.s32 s21, s3  }
0x9d: {  	[timem:s7], [sflag:s22] =	dma.local [hbm:s5], s20  }
0x9e: {  	_ =	swait.ge [sflag:s22], s20  }
0x9f: {  	s4 =	ssub.s32 $0x0, s20;
	[sflag:s22] =	ssyncset.done $0x0  }
0xa0: {  	[sflag:s22] =	ssyncadd.s32 s4;
	_ =	sdelay $0x1  }
0xa1: {  	s23 =	simm.s32 $0x1B8B  }
0xa2: {  	_ =	swait.ge [sflag:s23], $0x1  }
0xa3: {  	[sflag:s23] =	ssyncset.done $0x0  }
0xa4: {  	s25 =	simm.s32 $0x1B8E;
	s24 =	sld [smem:$0x3FFE];
	[sflag:s23] =	ssyncadd.s32 $0xFFFFFFFF  }
0xa5: {  	s26 =	simm.s32 $execute0_lowered;
	[smem:$0x3FD2] =	sst s25  }
0xa6: {  	s5 =	sshll.u32 s26, $0x1;
	_ =	strace $0x80000046;
	[dreg:$0x1] =	wrdreg $0xFFFFFFFF  }
0xa7: {  	s28 =	simm.s32 $_size_execute0_lowered;
	s3 =	sadd.s32 s3, s5;
	[dreg:$0x0] =	wrdreg $0x0  }
0xa8: {  	s5 =	sshll.u32 s28, $0x1;
	[dreg:$0x2] =	wrdreg s3  }
0xa9: {  	[dreg:$0x3] =	wrdreg s5  }
0xaa: {  	[dreg:$0x4] =	wrdreg $0xC0  }
0xab: {  	_ =	task [dreg:s7], $0x5FFFF  }
0xac: {  	[dreg:$0x1] =	wrdreg $0xFFFFFFFF  }
0xad: {  	[dreg:$0x0] =	wrdreg $0x60  }
0xae: {  	[dreg:$0x2] =	wrdreg s24  }
0xaf: {  	[dreg:$0x3] =	wrdreg s2  }
0xb0: {  	[dreg:$0x4] =	wrdreg $0x9  }
0xb1: {  	_ =	task.clear_ibuf [dreg:s7], $0x5FFFF;
	_ =	strace $0x90000046  }
0xb2: {  	s29 =	simm.s32 $0x9;
	_ =	strace $0x80000048  }
0xb3: {  	_ =	swait.ge [sflag:s29], $0x1  }
0xb4: {  	[sflag:s29] =	ssyncadd.s32 $0xFFFFFFFF  }
0xb5: {  	_ =	strace $0x90000048  }
0xb6: {  	_ =	sfence  }
0xb7: {  	s30 =	sld [smem:$0x0];
	_ =	sdelay $0x2  }
0xb8: {  	s31 =	sshll.u32 s1, $0xD;
	s1 =	sshrl.u32 s1, $0x2  }
0xb9: {  	s3 =	sand.u32 $0x4000, s31;
	s1 =	sadd.s32 s1, s30  }
0xba: {  	s0 =	sor.u32 s3, s0;
	s1 =	sshll.u32 s1, $0x11  }
0xbb: {  	s0 =	sor.u32 s1, s0  }
0xbc: {  	s0 =	sadd.s32 $0x8F2B, s0  }
0xbd: {  	[sflag:s0] =	ssyncadd.remote.s32 $0x1  }
0xbe: {  	_ =	sfence.sel $0xFFFF  }
0xbf: {  	[dreg:$0x0] =	wrdreg $0xFFFFFFFF;
	(pc) =	sbr.abs _section_cstart, $3  }
0xc0: {  	[dreg:$0x1] =	wrdreg $0xFFFFFFFF  }
0xc1: {  	_ =	task.clear_ibuf [dreg:s7], $0x2FFFF;
	_ =	strace $0x9FFFFFFF  }
0xc2: {  	(tm) =	ssettm $0x7FFFFFFF  }
0xc3: {  	_ =	shalt  }
tec
execute0_lowered:
.L_overlay_start_1:
0x0: {  	(tag) =	ssettag $0x1  }
0x1: {  	v0 =	vlaneseq.u32  }
0x2: {  	s0 =	rddreg [dreg:$0x0];
	v0 =	vmul.u32 $0x88, v0  }
0x3: {  	s1 =	srdreg.scid;
	s3 =	stileid.u32;
	v1 =	vimm.s32 $0x0;
	vm0 =	vcmask $0x300  }
0x4: {  	s2 =	rddreg [dreg:$0x1];
	s13 =	simm.s32 $0x80;
	s15 =	simm.s32 $0x5;
	v1 =	vsel vm0, $0x3, v1;
	v2 =	vadd.s32 $0x880, v0  }
0x5: {  	s16 =	simm.s32 $0x6400;
	s17 =	simm.s32 $0x8400;
	s18 =	simm.s32 $0x1;
	v3 =	vadd.s32 $0x1100, v0;
	v4 =	vadd.s32 $0x1980, v0;
	v5 =	vor.u32 $0x1, v0  }
0x6: {  	s19 =	simm.s32 $0xA400;
	s21 =	simm.s32 $0x2;
	s22 =	simm.s32 $0xC600;
	v6 =	vadd.s32 $0x881, v0;
	v7 =	vadd.s32 $0x1101, v0;
	v8 =	vadd.s32 $0x1981, v0  }
0x7: {  	s23 =	simm.s32 $0x180;
	s24 =	simm.s32 $0x3;
	s25 =	simm.s32 $0x4;
	v9 =	vor.u32 $0x2, v0;
	v10 =	vadd.s32 $0x882, v0;
	v11 =	vadd.s32 $0x1102, v0  }
0x8: {  	s26 =	simm.s32 $0x0;
	s1 =	sand.u32 $0x1, s1;
	s4 =	sshll.u32 s3, $0x1;
	v12 =	vadd.s32 $0x1982, v0;
	v13 =	vor.u32 $0x3, v0;
	v14 =	vadd.s32 $0x883, v0  }
0x9: {  	s3 =	simm.s32 $0x0;
	s8 =	sadd.s32 $0x8000, s2;
	s5 =	sor.u32 s1, s4;
	v15 =	vadd.s32 $0x1103, v0;
	v16 =	vadd.s32 $0x1983, v0;
	v17 =	vor.u32 $0x4, v0  }
0xa: {  	[smem:$0x7FF] =	sst s3;
	s1 =	ssub.s32 $0x2, s1;
	s4 =	sshll.u32 s5, $0x4;
	v18 =	vadd.s32 $0x884, v0;
	v19 =	vadd.s32 $0x1104, v0;
	v20 =	vadd.s32 $0x1984, v0  }
0xb: {  	_ =	strace $0x80000047;
	s7 =	sshrl.u32 s1, $0x1;
	s5 =	sshll.u32 s5, $0x7;
	v21 =	vor.u32 $0x5, v0;
	v22 =	vadd.s32 $0x885, v0;
	v23 =	vadd.s32 $0x1105, v0  }
0xc: {  	v24 =	vadd.s32 $0x1985, v0;
	v25 =	vor.u32 $0x6, v0;
	v26 =	vadd.s32 $0x886, v0;
	s6 =	sadd.s32 s4, s0;
	s4 =	sadd.s32 $0xF42A00, s0;
	s31 =	ssub.s32 s1, s7  }
0xd: {  	v27 =	vadd.s32 $0x1106, v0;
	v28 =	vadd.s32 $0x1986, v0;
	v29 =	vor.u32 $0x7, v0;
	s7 =	sadd.s32 s2, s5;
	s9 =	sadd.s32 s5, s8;
	s6 =	sadd.s32 $0x600, s6  }
0xe: {  	v30 =	vadd.s32 $0x887, v0;
	v31 =	vadd.s32 $0x1107, v0;
	v32 =	vadd.s32 $0x1987, v0;
	s10 =	sadd.s32 $0x630000, s7;
	s11 =	sadd.s32 $0x638000, s7;
	s12 =	smax.u32 s31, $0x1  }
.LBB2_1:
0xf: {  	s0 =	simm.s32 $0x1000  }
0x10: {  	[tilespmem:s3], [sflag:$0x5] =	stream.strided.gather [hbm4b:s6+s13], $0x6400, s0, s13, $0x38;
	[tilespmem:$0xE800] =	vst v63  }
0x11: {  	_ =	swait.ge [sflag:s15], $0x6400  }
0x12: {  	[sflag:s15] =	ssyncset.done $0x0  }
0x13: {  	s20 =	simm.s32 $0x0;
	[sflag:s15] =	ssyncadd.s32 $0xFFFF9C00  }
0x14: {  	[tilespmem:s16], [sflag:$0x1] =	stream.indirect.gather [hbm4b:s4+s13], $0x40, s3, s13, $0xb8;
	[tilespmem:$0xE800] =	vst v63  }
0x15: {  	v33 =	vmov s20  }
0x16: {  	v33 =	vshrl.u32 v33, $0x3;
	[tilespmem:s17], [sflag:$0x2] =	stream.indirect.gather [hbm4b:s4+s13], $0x40, s13, s13, $0xb8;
	[tilespmem:$0xE800] =	vst v63  }
0x17: {  	v33 =	vshll.u32 v33, v1;
	_ =	swait.ge [sflag:s18], $0x2000  }
0x18: {  	v33 =	vbroadcast v33, $0x0;
	[sflag:s18] =	ssyncset.done $0x0  }
0x19: {  	s28 =	simm.s32 $0x6500;
	[sflag:s18] =	ssyncadd.s32 $0xFFFFE000  }
0x1a: {  	v35 =	vadd.s32 v0, v33;
	v34 =	vld [tilespmem:s28+$0xFFFFFF00];
	_ =	sdelay $0x4  }
0x1b: {  	[tilespmem:v35+s19+$0x0] =	vst.idx.msk $0xffff, v34  }
0x1c: {  	v56 =	vadd.s32 v2, v33;
	v34 =	vld [tilespmem:s28+$0xFFFFFF10];
	_ =	sdelay $0x4  }
0x1d: {  	[tilespmem:v56+s19+$0x0] =	vst.idx.msk $0xffff, v34  }
0x1e: {  	v57 =	vadd.s32 v3, v33;
	v34 =	vld [tilespmem:s28+$0xFFFFFF20];
	_ =	sdelay $0x4  }
0x1f: {  	[tilespmem:v57+s19+$0x0] =	vst.idx.msk $0xffff, v34  }
0x20: {  	s30 =	simm.s32 $0x1;
	v33 =	vadd.s32 v4, v33;
	v34 =	vld [tilespmem:s28+$0xFFFFFF30]  }
0x21: {  	v58 =	vmov s30  }
0x22: {  	v35 =	vshrl.u32 v58, $0x3  }
0x23: {  	v35 =	vshll.u32 v35, v1  }
0x24: {  	v35 =	vbroadcast v35, $0x0  }
0x25: {  	[tilespmem:v33+s19+$0x0] =	vst.idx.msk $0xffff, v34  }
0x26: {  	v59 =	vadd.s32 v5, v35;
	v33 =	vld [tilespmem:s28+$0xFFFFFF40];
	_ =	sdelay $0x4  }
0x27: {  	[tilespmem:v59+s19+$0x0] =	vst.idx.msk $0xffff, v33  }
0x28: {  	v60 =	vadd.s32 v6, v35;
	v33 =	vld [tilespmem:s28+$0xFFFFFF50];
	_ =	sdelay $0x4  }
0x29: {  	[tilespmem:v60+s19+$0x0] =	vst.idx.msk $0xffff, v33  }
0x2a: {  	v61 =	vadd.s32 v7, v35;
	v33 =	vld [tilespmem:s28+$0xFFFFFF60];
	_ =	sdelay $0x4  }
0x2b: {  	[tilespmem:v61+s19+$0x0] =	vst.idx.msk $0xffff, v33  }
0x2c: {  	s31 =	simm.s32 $0x2;
	v62 =	vadd.s32 v8, v35;
	v33 =	vld [tilespmem:s28+$0xFFFFFF70]  }
0x2d: {  	v63 =	vmov s31  }
0x2e: {  	v35 =	vshrl.u32 v63, $0x3  }
0x2f: {  	v35 =	vshll.u32 v35, v1  }
0x30: {  	v35 =	vbroadcast v35, $0x0  }
0x31: {  	[tilespmem:v62+s19+$0x0] =	vst.idx.msk $0xffff, v33  }
0x32: {  	v36 =	vadd.s32 v9, v35;
	v33 =	vld [tilespmem:s28+$0xFFFFFF80];
	_ =	sdelay $0x4  }
0x33: {  	[tilespmem:v36+s19+$0x0] =	vst.idx.msk $0xffff, v33  }
0x34: {  	v37 =	vadd.s32 v10, v35;
	v33 =	vld [tilespmem:s28+$0xFFFFFF90];
	_ =	sdelay $0x4  }
0x35: {  	[tilespmem:v37+s19+$0x0] =	vst.idx.msk $0xffff, v33  }
0x36: {  	v38 =	vadd.s32 v11, v35;
	v33 =	vld [tilespmem:s28+$0xFFFFFFA0];
	_ =	sdelay $0x4  }
0x37: {  	[tilespmem:v38+s19+$0x0] =	vst.idx.msk $0xffff, v33  }
0x38: {  	s1 =	simm.s32 $0x3;
	v39 =	vadd.s32 v12, v35;
	v33 =	vld [tilespmem:s28+$0xFFFFFFB0]  }
0x39: {  	v40 =	vmov s1  }
0x3a: {  	v35 =	vshrl.u32 v40, $0x3  }
0x3b: {  	v35 =	vshll.u32 v35, v1  }
0x3c: {  	v35 =	vbroadcast v35, $0x0  }
0x3d: {  	[tilespmem:v39+s19+$0x0] =	vst.idx.msk $0xffff, v33  }
0x3e: {  	v41 =	vadd.s32 v13, v35;
	v33 =	vld [tilespmem:s28+$0xFFFFFFC0];
	_ =	sdelay $0x4  }
0x3f: {  	[tilespmem:v41+s19+$0x0] =	vst.idx.msk $0xffff, v33  }
0x40: {  	v42 =	vadd.s32 v14, v35;
	v33 =	vld [tilespmem:s28+$0xFFFFFFD0];
	_ =	sdelay $0x4  }
0x41: {  	[tilespmem:v42+s19+$0x0] =	vst.idx.msk $0xffff, v33  }
0x42: {  	v43 =	vadd.s32 v15, v35;
	v33 =	vld [tilespmem:s28+$0xFFFFFFE0];
	_ =	sdelay $0x4  }
0x43: {  	[tilespmem:v43+s19+$0x0] =	vst.idx.msk $0xffff, v33  }
0x44: {  	s14 =	simm.s32 $0x4;
	v44 =	vadd.s32 v16, v35;
	v33 =	vld [tilespmem:s28+$0xFFFFFFF0]  }
0x45: {  	v45 =	vmov s14  }
0x46: {  	v35 =	vshrl.u32 v45, $0x3  }
0x47: {  	v35 =	vshll.u32 v35, v1  }
0x48: {  	v35 =	vbroadcast v35, $0x0  }
0x49: {  	[tilespmem:v44+s19+$0x0] =	vst.idx.msk $0xffff, v33  }
0x4a: {  	v46 =	vadd.s32 v17, v35;
	v33 =	vld [tilespmem:s28+$0x0];
	_ =	sdelay $0x4  }
0x4b: {  	[tilespmem:v46+s19+$0x0] =	vst.idx.msk $0xffff, v33  }
0x4c: {  	v47 =	vadd.s32 v18, v35;
	v33 =	vld [tilespmem:s28+$0x10];
	_ =	sdelay $0x4  }
0x4d: {  	[tilespmem:v47+s19+$0x0] =	vst.idx.msk $0xffff, v33  }
0x4e: {  	v48 =	vadd.s32 v19, v35;
	v33 =	vld [tilespmem:s28+$0x20];
	_ =	sdelay $0x4  }
0x4f: {  	[tilespmem:v48+s19+$0x0] =	vst.idx.msk $0xffff, v33  }
0x50: {  	s20 =	simm.s32 $0x5;
	v49 =	vadd.s32 v20, v35;
	v33 =	vld [tilespmem:s28+$0x30]  }
0x51: {  	v50 =	vmov s20  }
0x52: {  	v35 =	vshrl.u32 v50, $0x3  }
0x53: {  	v35 =	vshll.u32 v35, v1  }
0x54: {  	v35 =	vbroadcast v35, $0x0  }
0x55: {  	[tilespmem:v49+s19+$0x0] =	vst.idx.msk $0xffff, v33  }
0x56: {  	v51 =	vadd.s32 v21, v35;
	v33 =	vld [tilespmem:s28+$0x40];
	_ =	sdelay $0x4  }
0x57: {  	[tilespmem:v51+s19+$0x0] =	vst.idx.msk $0xffff, v33  }
0x58: {  	v52 =	vadd.s32 v22, v35;
	v33 =	vld [tilespmem:s28+$0x50];
	_ =	sdelay $0x4  }
0x59: {  	[tilespmem:v52+s19+$0x0] =	vst.idx.msk $0xffff, v33  }
0x5a: {  	v53 =	vadd.s32 v23, v35;
	v33 =	vld [tilespmem:s28+$0x60];
	_ =	sdelay $0x4  }
0x5b: {  	[tilespmem:v53+s19+$0x0] =	vst.idx.msk $0xffff, v33  }
0x5c: {  	s30 =	simm.s32 $0x6;
	v54 =	vadd.s32 v24, v35;
	v33 =	vld [tilespmem:s28+$0x70]  }
0x5d: {  	v55 =	vmov s30  }
0x5e: {  	v35 =	vshrl.u32 v55, $0x3  }
0x5f: {  	v35 =	vshll.u32 v35, v1  }
0x60: {  	v35 =	vbroadcast v35, $0x0  }
0x61: {  	[tilespmem:v54+s19+$0x0] =	vst.idx.msk $0xffff, v33  }
0x62: {  	v56 =	vadd.s32 v25, v35;
	v33 =	vld [tilespmem:s28+$0x80];
	_ =	sdelay $0x4  }
0x63: {  	[tilespmem:v56+s19+$0x0] =	vst.idx.msk $0xffff, v33  }
0x64: {  	v57 =	vadd.s32 v26, v35;
	v33 =	vld [tilespmem:s28+$0x90];
	_ =	sdelay $0x4  }
0x65: {  	[tilespmem:v57+s19+$0x0] =	vst.idx.msk $0xffff, v33  }
0x66: {  	v58 =	vadd.s32 v27, v35;
	v33 =	vld [tilespmem:s28+$0xA0];
	_ =	sdelay $0x4  }
0x67: {  	[tilespmem:v58+s19+$0x0] =	vst.idx.msk $0xffff, v33  }
0x68: {  	s31 =	simm.s32 $0x7;
	v59 =	vadd.s32 v28, v35;
	v33 =	vld [tilespmem:s28+$0xB0]  }
0x69: {  	v60 =	vmov s31  }
0x6a: {  	v35 =	vshrl.u32 v60, $0x3  }
0x6b: {  	v35 =	vshll.u32 v35, v1  }
0x6c: {  	v35 =	vbroadcast v35, $0x0  }
0x6d: {  	[tilespmem:v59+s19+$0x0] =	vst.idx.msk $0xffff, v33  }
0x6e: {  	v61 =	vadd.s32 v29, v35;
	v33 =	vld [tilespmem:s28+$0xC0];
	_ =	sdelay $0x4  }
0x6f: {  	[tilespmem:v61+s19+$0x0] =	vst.idx.msk $0xffff, v33  }
0x70: {  	v62 =	vadd.s32 v30, v35;
	v33 =	vld [tilespmem:s28+$0xD0];
	_ =	sdelay $0x4  }
0x71: {  	[tilespmem:v62+s19+$0x0] =	vst.idx.msk $0xffff, v33  }
0x72: {  	v63 =	vadd.s32 v31, v35;
	v33 =	vld [tilespmem:s28+$0xE0];
	_ =	sdelay $0x4  }
0x73: {  	[tilespmem:v63+s19+$0x0] =	vst.idx.msk $0xffff, v33  }
0x74: {  	s29 =	simm.s32 $0xF;
	s0 =	simm.s32 $0x8;
	s1 =	simm.s32 $0x17;
	v34 =	vadd.s32 v32, v35;
	v33 =	vld [tilespmem:s28+$0xF0]  }
.LBB2_2:
0x75: {  	p0 =	sne.s32 s1, $0x7F;
	v35 =	vmov s0  }
0x76: {  	v35 =	vshrl.u32 v35, $0x3  }
0x77: {  	v35 =	vshll.u32 v35, v1  }
0x78: {  	v35 =	vbroadcast v35, $0x0  }
0x79: {  	s28 =	sadd.s32 $0x200, s28;
	[tilespmem:v34+s19+$0x0] =	vst.idx.msk $0xffff, v33  }
0x7a: {  	v33 =	vld [tilespmem:s28+$0xFFFFFF00];
	v34 =	vadd.s32 v0, v35;
	_ =	sdelay $0x4  }
0x7b: {  	[tilespmem:v34+s19+$0x0] =	vst.idx.msk $0xffff, v33  }
0x7c: {  	v34 =	vadd.s32 v2, v35;
	v33 =	vld [tilespmem:s28+$0xFFFFFF10];
	_ =	sdelay $0x4  }
0x7d: {  	[tilespmem:v34+s19+$0x0] =	vst.idx.msk $0xffff, v33  }
0x7e: {  	v34 =	vadd.s32 v3, v35;
	v33 =	vld [tilespmem:s28+$0xFFFFFF20];
	_ =	sdelay $0x4  }
0x7f: {  	[tilespmem:v34+s19+$0x0] =	vst.idx.msk $0xffff, v33  }
0x80: {  	s0 =	sadd.s32 $0xFFFFFFFA, s29;
	v34 =	vadd.s32 v4, v35;
	v33 =	vld [tilespmem:s28+$0xFFFFFF30]  }
0x81: {  	v35 =	vmov s0  }
0x82: {  	v35 =	vshrl.u32 v35, $0x3  }
0x83: {  	v35 =	vshll.u32 v35, v1  }
0x84: {  	v35 =	vbroadcast v35, $0x0  }
0x85: {  	[tilespmem:v34+s19+$0x0] =	vst.idx.msk $0xffff, v33  }
0x86: {  	v34 =	vadd.s32 v5, v35;
	v33 =	vld [tilespmem:s28+$0xFFFFFF40];
	_ =	sdelay $0x4  }
0x87: {  	[tilespmem:v34+s19+$0x0] =	vst.idx.msk $0xffff, v33  }
0x88: {  	v34 =	vadd.s32 v6, v35;
	v33 =	vld [tilespmem:s28+$0xFFFFFF50];
	_ =	sdelay $0x4  }
0x89: {  	[tilespmem:v34+s19+$0x0] =	vst.idx.msk $0xffff, v33  }
0x8a: {  	v34 =	vadd.s32 v7, v35;
	v33 =	vld [tilespmem:s28+$0xFFFFFF60];
	_ =	sdelay $0x4  }
0x8b: {  	[tilespmem:v34+s19+$0x0] =	vst.idx.msk $0xffff, v33  }
0x8c: {  	s0 =	sadd.s32 $0xFFFFFFFB, s29;
	v34 =	vadd.s32 v8, v35;
	v33 =	vld [tilespmem:s28+$0xFFFFFF70]  }
0x8d: {  	v35 =	vmov s0  }
0x8e: {  	v35 =	vshrl.u32 v35, $0x3  }
0x8f: {  	v35 =	vshll.u32 v35, v1  }
0x90: {  	v35 =	vbroadcast v35, $0x0  }
0x91: {  	[tilespmem:v34+s19+$0x0] =	vst.idx.msk $0xffff, v33  }
0x92: {  	v34 =	vadd.s32 v9, v35;
	v33 =	vld [tilespmem:s28+$0xFFFFFF80];
	_ =	sdelay $0x4  }
0x93: {  	[tilespmem:v34+s19+$0x0] =	vst.idx.msk $0xffff, v33  }
0x94: {  	v34 =	vadd.s32 v10, v35;
	v33 =	vld [tilespmem:s28+$0xFFFFFF90];
	_ =	sdelay $0x4  }
0x95: {  	[tilespmem:v34+s19+$0x0] =	vst.idx.msk $0xffff, v33  }
0x96: {  	v34 =	vadd.s32 v11, v35;
	v33 =	vld [tilespmem:s28+$0xFFFFFFA0];
	_ =	sdelay $0x4  }
0x97: {  	[tilespmem:v34+s19+$0x0] =	vst.idx.msk $0xffff, v33  }
0x98: {  	s0 =	sadd.s32 $0xFFFFFFFC, s29;
	v34 =	vadd.s32 v12, v35;
	v33 =	vld [tilespmem:s28+$0xFFFFFFB0]  }
0x99: {  	v35 =	vmov s0  }
0x9a: {  	v35 =	vshrl.u32 v35, $0x3  }
0x9b: {  	v35 =	vshll.u32 v35, v1  }
0x9c: {  	v35 =	vbroadcast v35, $0x0  }
0x9d: {  	[tilespmem:v34+s19+$0x0] =	vst.idx.msk $0xffff, v33  }
0x9e: {  	v34 =	vadd.s32 v13, v35;
	v33 =	vld [tilespmem:s28+$0xFFFFFFC0];
	_ =	sdelay $0x4  }
0x9f: {  	[tilespmem:v34+s19+$0x0] =	vst.idx.msk $0xffff, v33  }
0xa0: {  	v34 =	vadd.s32 v14, v35;
	v33 =	vld [tilespmem:s28+$0xFFFFFFD0];
	_ =	sdelay $0x4  }
0xa1: {  	[tilespmem:v34+s19+$0x0] =	vst.idx.msk $0xffff, v33  }
0xa2: {  	v34 =	vadd.s32 v15, v35;
	v33 =	vld [tilespmem:s28+$0xFFFFFFE0];
	_ =	sdelay $0x4  }
0xa3: {  	[tilespmem:v34+s19+$0x0] =	vst.idx.msk $0xffff, v33  }
0xa4: {  	s0 =	sadd.s32 $0xFFFFFFFD, s29;
	v34 =	vadd.s32 v16, v35;
	v33 =	vld [tilespmem:s28+$0xFFFFFFF0]  }
0xa5: {  	v35 =	vmov s0  }
0xa6: {  	v35 =	vshrl.u32 v35, $0x3  }
0xa7: {  	v35 =	vshll.u32 v35, v1  }
0xa8: {  	v35 =	vbroadcast v35, $0x0  }
0xa9: {  	[tilespmem:v34+s19+$0x0] =	vst.idx.msk $0xffff, v33  }
0xaa: {  	v34 =	vadd.s32 v17, v35;
	v33 =	vld [tilespmem:s28+$0x0];
	_ =	sdelay $0x4  }
0xab: {  	[tilespmem:v34+s19+$0x0] =	vst.idx.msk $0xffff, v33  }
0xac: {  	v34 =	vadd.s32 v18, v35;
	v33 =	vld [tilespmem:s28+$0x10];
	_ =	sdelay $0x4  }
0xad: {  	[tilespmem:v34+s19+$0x0] =	vst.idx.msk $0xffff, v33  }
0xae: {  	v34 =	vadd.s32 v19, v35;
	v33 =	vld [tilespmem:s28+$0x20];
	_ =	sdelay $0x4  }
0xaf: {  	[tilespmem:v34+s19+$0x0] =	vst.idx.msk $0xffff, v33  }
0xb0: {  	s0 =	sadd.s32 $0xFFFFFFFE, s29;
	v34 =	vadd.s32 v20, v35;
	v33 =	vld [tilespmem:s28+$0x30]  }
0xb1: {  	v35 =	vmov s0  }
0xb2: {  	v35 =	vshrl.u32 v35, $0x3  }
0xb3: {  	v35 =	vshll.u32 v35, v1  }
0xb4: {  	v35 =	vbroadcast v35, $0x0  }
0xb5: {  	[tilespmem:v34+s19+$0x0] =	vst.idx.msk $0xffff, v33  }
0xb6: {  	v34 =	vadd.s32 v21, v35;
	v33 =	vld [tilespmem:s28+$0x40];
	_ =	sdelay $0x4  }
0xb7: {  	[tilespmem:v34+s19+$0x0] =	vst.idx.msk $0xffff, v33  }
0xb8: {  	v34 =	vadd.s32 v22, v35;
	v33 =	vld [tilespmem:s28+$0x50];
	_ =	sdelay $0x4  }
0xb9: {  	[tilespmem:v34+s19+$0x0] =	vst.idx.msk $0xffff, v33  }
0xba: {  	v34 =	vadd.s32 v23, v35;
	v33 =	vld [tilespmem:s28+$0x60];
	_ =	sdelay $0x4  }
0xbb: {  	[tilespmem:v34+s19+$0x0] =	vst.idx.msk $0xffff, v33  }
0xbc: {  	s0 =	sadd.s32 $0xFFFFFFFF, s29;
	v34 =	vadd.s32 v24, v35;
	v33 =	vld [tilespmem:s28+$0x70]  }
0xbd: {  	v35 =	vmov s0  }
0xbe: {  	v35 =	vshrl.u32 v35, $0x3  }
0xbf: {  	v35 =	vshll.u32 v35, v1  }
0xc0: {  	v35 =	vbroadcast v35, $0x0  }
0xc1: {  	[tilespmem:v34+s19+$0x0] =	vst.idx.msk $0xffff, v33  }
0xc2: {  	v34 =	vadd.s32 v25, v35;
	v33 =	vld [tilespmem:s28+$0x80];
	_ =	sdelay $0x4  }
0xc3: {  	[tilespmem:v34+s19+$0x0] =	vst.idx.msk $0xffff, v33  }
0xc4: {  	v34 =	vadd.s32 v26, v35;
	v33 =	vld [tilespmem:s28+$0x90];
	_ =	sdelay $0x4  }
0xc5: {  	[tilespmem:v34+s19+$0x0] =	vst.idx.msk $0xffff, v33  }
0xc6: {  	v34 =	vadd.s32 v27, v35;
	v33 =	vld [tilespmem:s28+$0xA0];
	_ =	sdelay $0x4  }
0xc7: {  	[tilespmem:v34+s19+$0x0] =	vst.idx.msk $0xffff, v33  }
0xc8: {  	v34 =	vadd.s32 v28, v35;
	v33 =	vld [tilespmem:s28+$0xB0]  }
0xc9: {  	v35 =	vmov s29;
	s29 =	smov.u32 s1  }
0xca: {  	v35 =	vshrl.u32 v35, $0x3  }
0xcb: {  	v35 =	vshll.u32 v35, v1  }
0xcc: {  	v35 =	vbroadcast v35, $0x0  }
0xcd: {  	[tilespmem:v34+s19+$0x0] =	vst.idx.msk $0xffff, v33  }
0xce: {  	v34 =	vadd.s32 v29, v35;
	v33 =	vld [tilespmem:s28+$0xC0];
	_ =	sdelay $0x4  }
0xcf: {  	[tilespmem:v34+s19+$0x0] =	vst.idx.msk $0xffff, v33  }
0xd0: {  	v34 =	vadd.s32 v30, v35;
	v33 =	vld [tilespmem:s28+$0xD0];
	_ =	sdelay $0x4  }
0xd1: {  	[tilespmem:v34+s19+$0x0] =	vst.idx.msk $0xffff, v33  }
0xd2: {  	v34 =	vadd.s32 v31, v35;
	v33 =	vld [tilespmem:s28+$0xE0];
	_ =	sdelay $0x1  }
.Ltmp0:
0xd3: {  	(pc) =	sbr.rel @p0 .LBB2_2-.Ltmp0, $3  }
0xd4: {  	_ =	sdelay $0x1  }
0xd5: {  	[tilespmem:v34+s19+$0x0] =	vst.idx.msk $0xffff, v33  }
0xd6: {  	s1 =	sadd.s32 $0x8, s1;
	s0 =	sadd.s32 $0xFFFFFFF9, s29;
	v34 =	vadd.s32 v32, v35;
	v33 =	vld [tilespmem:s28+$0xF0]  }
0xd7: {  	v35 =	vmov s0  }
0xd8: {  	v35 =	vshrl.u32 v35, $0x3  }
0xd9: {  	v35 =	vshll.u32 v35, v1  }
0xda: {  	v35 =	vbroadcast v35, $0x0  }
0xdb: {  	s0 =	sadd.s32 $0x200, s28;
	[tilespmem:v34+s19+$0x0] =	vst.idx.msk $0xffff, v33  }
0xdc: {  	v33 =	vld [tilespmem:s0+$0xFFFFFF00];
	v53 =	vadd.s32 v0, v35;
	_ =	sdelay $0x4  }
0xdd: {  	[tilespmem:v53+s19+$0x0] =	vst.idx.msk $0xffff, v33  }
0xde: {  	v54 =	vadd.s32 v2, v35;
	v33 =	vld [tilespmem:s0+$0xFFFFFF10];
	_ =	sdelay $0x4  }
0xdf: {  	[tilespmem:v54+s19+$0x0] =	vst.idx.msk $0xffff, v33  }
0xe0: {  	v55 =	vadd.s32 v3, v35;
	v33 =	vld [tilespmem:s0+$0xFFFFFF20];
	_ =	sdelay $0x4  }
0xe1: {  	[tilespmem:v55+s19+$0x0] =	vst.idx.msk $0xffff, v33  }
0xe2: {  	s1 =	sadd.s32 $0xFFFFFFFA, s29;
	v56 =	vadd.s32 v4, v35;
	v33 =	vld [tilespmem:s0+$0xFFFFFF30]  }
0xe3: {  	v57 =	vmov s1  }
0xe4: {  	v35 =	vshrl.u32 v57, $0x3  }
0xe5: {  	v35 =	vshll.u32 v35, v1  }
0xe6: {  	v35 =	vbroadcast v35, $0x0  }
0xe7: {  	[tilespmem:v56+s19+$0x0] =	vst.idx.msk $0xffff, v33  }
0xe8: {  	v58 =	vadd.s32 v5, v35;
	v33 =	vld [tilespmem:s0+$0xFFFFFF40];
	_ =	sdelay $0x4  }
0xe9: {  	[tilespmem:v58+s19+$0x0] =	vst.idx.msk $0xffff, v33  }
0xea: {  	v59 =	vadd.s32 v6, v35;
	v33 =	vld [tilespmem:s0+$0xFFFFFF50];
	_ =	sdelay $0x4  }
0xeb: {  	[tilespmem:v59+s19+$0x0] =	vst.idx.msk $0xffff, v33  }
0xec: {  	v60 =	vadd.s32 v7, v35;
	v33 =	vld [tilespmem:s0+$0xFFFFFF60];
	_ =	sdelay $0x4  }
0xed: {  	[tilespmem:v60+s19+$0x0] =	vst.idx.msk $0xffff, v33  }
0xee: {  	s31 =	sadd.s32 $0xFFFFFFFB, s29;
	v61 =	vadd.s32 v8, v35;
	v33 =	vld [tilespmem:s0+$0xFFFFFF70]  }
0xef: {  	v62 =	vmov s31  }
0xf0: {  	v35 =	vshrl.u32 v62, $0x3  }
0xf1: {  	v35 =	vshll.u32 v35, v1  }
0xf2: {  	v35 =	vbroadcast v35, $0x0  }
0xf3: {  	[tilespmem:v61+s19+$0x0] =	vst.idx.msk $0xffff, v33  }
0xf4: {  	v63 =	vadd.s32 v9, v35;
	v33 =	vld [tilespmem:s0+$0xFFFFFF80];
	_ =	sdelay $0x4  }
0xf5: {  	[tilespmem:v63+s19+$0x0] =	vst.idx.msk $0xffff, v33  }
0xf6: {  	v36 =	vadd.s32 v10, v35;
	v33 =	vld [tilespmem:s0+$0xFFFFFF90];
	_ =	sdelay $0x4  }
0xf7: {  	[tilespmem:v36+s19+$0x0] =	vst.idx.msk $0xffff, v33  }
0xf8: {  	v37 =	vadd.s32 v11, v35;
	v33 =	vld [tilespmem:s0+$0xFFFFFFA0];
	_ =	sdelay $0x4  }
0xf9: {  	[tilespmem:v37+s19+$0x0] =	vst.idx.msk $0xffff, v33  }
0xfa: {  	s14 =	sadd.s32 $0xFFFFFFFC, s29;
	v38 =	vadd.s32 v12, v35;
	v33 =	vld [tilespmem:s0+$0xFFFFFFB0]  }
0xfb: {  	v39 =	vmov s14  }
0xfc: {  	v35 =	vshrl.u32 v39, $0x3  }
0xfd: {  	v35 =	vshll.u32 v35, v1  }
0xfe: {  	v35 =	vbroadcast v35, $0x0  }
0xff: {  	[tilespmem:v38+s19+$0x0] =	vst.idx.msk $0xffff, v33  }
0x100: {  	v40 =	vadd.s32 v13, v35;
	v33 =	vld [tilespmem:s0+$0xFFFFFFC0];
	_ =	sdelay $0x4  }
0x101: {  	[tilespmem:v40+s19+$0x0] =	vst.idx.msk $0xffff, v33  }
0x102: {  	v41 =	vadd.s32 v14, v35;
	v33 =	vld [tilespmem:s0+$0xFFFFFFD0];
	_ =	sdelay $0x4  }
0x103: {  	[tilespmem:v41+s19+$0x0] =	vst.idx.msk $0xffff, v33  }
0x104: {  	v42 =	vadd.s32 v15, v35;
	v33 =	vld [tilespmem:s0+$0xFFFFFFE0];
	_ =	sdelay $0x4  }
0x105: {  	[tilespmem:v42+s19+$0x0] =	vst.idx.msk $0xffff, v33  }
0x106: {  	s20 =	sadd.s32 $0xFFFFFFFD, s29;
	v43 =	vadd.s32 v16, v35;
	v33 =	vld [tilespmem:s0+$0xFFFFFFF0]  }
0x107: {  	v44 =	vmov s20  }
0x108: {  	v35 =	vshrl.u32 v44, $0x3  }
0x109: {  	v35 =	vshll.u32 v35, v1  }
0x10a: {  	v35 =	vbroadcast v35, $0x0  }
0x10b: {  	[tilespmem:v43+s19+$0x0] =	vst.idx.msk $0xffff, v33  }
0x10c: {  	v45 =	vadd.s32 v17, v35;
	v33 =	vld [tilespmem:s0+$0x0];
	_ =	sdelay $0x4  }
0x10d: {  	[tilespmem:v45+s19+$0x0] =	vst.idx.msk $0xffff, v33  }
0x10e: {  	v46 =	vadd.s32 v18, v35;
	v33 =	vld [tilespmem:s0+$0x10];
	_ =	sdelay $0x4  }
0x10f: {  	[tilespmem:v46+s19+$0x0] =	vst.idx.msk $0xffff, v33  }
0x110: {  	v47 =	vadd.s32 v19, v35;
	v33 =	vld [tilespmem:s0+$0x20];
	_ =	sdelay $0x4  }
0x111: {  	[tilespmem:v47+s19+$0x0] =	vst.idx.msk $0xffff, v33  }
0x112: {  	s30 =	sadd.s32 $0xFFFFFFFE, s29;
	v48 =	vadd.s32 v20, v35;
	v33 =	vld [tilespmem:s0+$0x30]  }
0x113: {  	v49 =	vmov s30  }
0x114: {  	v35 =	vshrl.u32 v49, $0x3  }
0x115: {  	v35 =	vshll.u32 v35, v1  }
0x116: {  	v35 =	vbroadcast v35, $0x0  }
0x117: {  	[tilespmem:v48+s19+$0x0] =	vst.idx.msk $0xffff, v33  }
0x118: {  	v50 =	vadd.s32 v21, v35;
	v33 =	vld [tilespmem:s0+$0x40];
	_ =	sdelay $0x4  }
0x119: {  	[tilespmem:v50+s19+$0x0] =	vst.idx.msk $0xffff, v33  }
0x11a: {  	v51 =	vadd.s32 v22, v35;
	v33 =	vld [tilespmem:s0+$0x50];
	_ =	sdelay $0x4  }
0x11b: {  	[tilespmem:v51+s19+$0x0] =	vst.idx.msk $0xffff, v33  }
0x11c: {  	v52 =	vadd.s32 v23, v35;
	v33 =	vld [tilespmem:s0+$0x60];
	_ =	sdelay $0x4  }
0x11d: {  	[tilespmem:v52+s19+$0x0] =	vst.idx.msk $0xffff, v33  }
0x11e: {  	s31 =	sadd.s32 $0xFFFFFFFF, s29;
	v53 =	vadd.s32 v24, v35;
	v33 =	vld [tilespmem:s0+$0x70]  }
0x11f: {  	v54 =	vmov s31  }
0x120: {  	v35 =	vshrl.u32 v54, $0x3  }
0x121: {  	v35 =	vshll.u32 v35, v1  }
0x122: {  	v35 =	vbroadcast v35, $0x0  }
0x123: {  	[tilespmem:v53+s19+$0x0] =	vst.idx.msk $0xffff, v33  }
0x124: {  	v55 =	vadd.s32 v25, v35;
	v33 =	vld [tilespmem:s0+$0x80];
	_ =	sdelay $0x4  }
0x125: {  	[tilespmem:v55+s19+$0x0] =	vst.idx.msk $0xffff, v33  }
0x126: {  	v56 =	vadd.s32 v26, v35;
	v33 =	vld [tilespmem:s0+$0x90];
	_ =	sdelay $0x4  }
0x127: {  	[tilespmem:v56+s19+$0x0] =	vst.idx.msk $0xffff, v33  }
0x128: {  	v57 =	vadd.s32 v27, v35;
	v33 =	vld [tilespmem:s0+$0xA0];
	_ =	sdelay $0x4  }
0x129: {  	[tilespmem:v57+s19+$0x0] =	vst.idx.msk $0xffff, v33  }
0x12a: {  	v58 =	vadd.s32 v28, v35;
	v33 =	vld [tilespmem:s0+$0xB0]  }
0x12b: {  	v59 =	vmov s29  }
0x12c: {  	v35 =	vshrl.u32 v59, $0x3  }
0x12d: {  	v35 =	vshll.u32 v35, v1  }
0x12e: {  	v35 =	vbroadcast v35, $0x0  }
0x12f: {  	[tilespmem:v58+s19+$0x0] =	vst.idx.msk $0xffff, v33  }
0x130: {  	v60 =	vadd.s32 v29, v35;
	v33 =	vld [tilespmem:s0+$0xC0];
	_ =	sdelay $0x4  }
0x131: {  	[tilespmem:v60+s19+$0x0] =	vst.idx.msk $0xffff, v33  }
0x132: {  	v61 =	vadd.s32 v30, v35;
	v33 =	vld [tilespmem:s0+$0xD0];
	_ =	sdelay $0x4  }
0x133: {  	[tilespmem:v61+s19+$0x0] =	vst.idx.msk $0xffff, v33  }
0x134: {  	v62 =	vadd.s32 v31, v35;
	v33 =	vld [tilespmem:s0+$0xE0];
	_ =	sdelay $0x4  }
0x135: {  	[tilespmem:v62+s19+$0x0] =	vst.idx.msk $0xffff, v33  }
0x136: {  	v63 =	vadd.s32 v32, v35;
	v33 =	vld [tilespmem:s0+$0xF0];
	_ =	sdelay $0x4  }
0x137: {  	s1 =	simm.s32 $0xA400;
	[tilespmem:v63+s19+$0x0] =	vst.idx.msk $0xffff, v33  }
0x138: {  	[hbm4b:s7+s3] =	stream.linear.scatter [tilespmem:s1], [sflag:$0x3], $0x80, $0x38;
	[tilespmem:$0xE800] =	vst v63  }
0x139: {  	s14 =	simm.s32 $0xA488;
	s20 =	sadd.s32 $0x10, s7  }
0x13a: {  	[hbm4b:s20+s3] =	stream.linear.scatter [tilespmem:s14], [sflag:$0x3], $0x80, $0x38;
	[tilespmem:$0xE800] =	vst v63  }
0x13b: {  	s28 =	simm.s32 $0x2200;
	s30 =	simm.s32 $0xA510;
	s31 =	sadd.s32 $0x20, s7  }
0x13c: {  	[hbm4b:s31+s3] =	stream.linear.scatter [tilespmem:s30], [sflag:$0x3], $0x80, $0x38;
	[tilespmem:$0xE800] =	vst v63  }
0x13d: {  	s29 =	sadd.s32 $0x70, s7;
	s14 =	simm.s32 $0xA598;
	s20 =	sadd.s32 $0x30, s7  }
0x13e: {  	[hbm4b:s20+s3] =	stream.linear.scatter [tilespmem:s14], [sflag:$0x3], $0x80, $0x38;
	[tilespmem:$0xE800] =	vst v63  }
0x13f: {  	s0 =	simm.s32 $0x440;
	s30 =	simm.s32 $0xA620;
	s31 =	sadd.s32 $0x40, s7  }
0x140: {  	[hbm4b:s31+s3] =	stream.linear.scatter [tilespmem:s30], [sflag:$0x3], $0x80, $0x38;
	[tilespmem:$0xE800] =	vst v63  }
0x141: {  	s1 =	sadd.s32 $0x1000, s7;
	s14 =	simm.s32 $0xA6A8;
	s20 =	sadd.s32 $0x50, s7  }
0x142: {  	[hbm4b:s20+s3] =	stream.linear.scatter [tilespmem:s14], [sflag:$0x3], $0x80, $0x38;
	[tilespmem:$0xE800] =	vst v63  }
0x143: {  	s30 =	simm.s32 $0xA730;
	s31 =	sadd.s32 $0x60, s7;
	s14 =	simm.s32 $0xA7B8  }
0x144: {  	[hbm4b:s31+s3] =	stream.linear.scatter [tilespmem:s30], [sflag:$0x3], $0x80, $0x38;
	[tilespmem:$0xE800] =	vst v63  }
.LBB2_4:
0x145: {  	[hbm4b:s29+s3] =	stream.linear.scatter [tilespmem:s14], [sflag:$0x3], $0x80, $0x38;
	[tilespmem:$0xE800] =	vst v63  }
0x146: {  	s14 =	smov.u32 s0;
	s0 =	smov.u32 s28  }
0x147: {  	s30 =	sadd.s32 $0x1100, s28;
	s0 =	sshra.s32 s0, $0x2;
	s29 =	sadd.s32 $0xA400, s14  }
0x148: {  	[hbm4b:s1+s3] =	stream.linear.scatter [tilespmem:s29], [sflag:$0x3], $0x80, $0x38;
	[tilespmem:$0xE800] =	vst v63  }
0x149: {  	p0 =	sne.s32 s28, $0x7700;
	s28 =	sadd.s32 $0xA488, s14;
	s29 =	sadd.s32 $0x10, s1  }
0x14a: {  	[hbm4b:s29+s3] =	stream.linear.scatter [tilespmem:s28], [sflag:$0x3], $0x80, $0x38;
	[tilespmem:$0xE800] =	vst v63  }
0x14b: {  	s28 =	sadd.s32 $0xA510, s14;
	s29 =	sadd.s32 $0x20, s1  }
0x14c: {  	[hbm4b:s29+s3] =	stream.linear.scatter [tilespmem:s28], [sflag:$0x3], $0x80, $0x38;
	[tilespmem:$0xE800] =	vst v63  }
0x14d: {  	s28 =	sadd.s32 $0xA598, s14;
	s29 =	sadd.s32 $0x30, s1  }
0x14e: {  	[hbm4b:s29+s3] =	stream.linear.scatter [tilespmem:s28], [sflag:$0x3], $0x80, $0x38;
	[tilespmem:$0xE800] =	vst v63  }
0x14f: {  	s28 =	sadd.s32 $0xA620, s14;
	s29 =	sadd.s32 $0x40, s1  }
0x150: {  	[hbm4b:s29+s3] =	stream.linear.scatter [tilespmem:s28], [sflag:$0x3], $0x80, $0x38;
	[tilespmem:$0xE800] =	vst v63  }
.Ltmp1:
0x151: {  	s28 =	sadd.s32 $0xA6A8, s14;
	s29 =	sadd.s32 $0x50, s1;
	(pc) =	sbr.rel @p0 .LBB2_4-.Ltmp1, $4  }
0x152: {  	[hbm4b:s29+s3] =	stream.linear.scatter [tilespmem:s28], [sflag:$0x3], $0x80, $0x38;
	[tilespmem:$0xE800] =	vst v63  }
0x153: {  	s28 =	sadd.s32 $0xA730, s14;
	s29 =	sadd.s32 $0x60, s1;
	s14 =	sadd.s32 $0xA7B8, s14  }
0x154: {  	[hbm4b:s29+s3] =	stream.linear.scatter [tilespmem:s28], [sflag:$0x3], $0x80, $0x38;
	[tilespmem:$0xE800] =	vst v63  }
0x155: {  	s29 =	sadd.s32 $0x70, s1;
	s1 =	sadd.s32 $0x1000, s1;
	s28 =	smov.u32 s30  }
0x156: {  	[hbm4b:s29+s3] =	stream.linear.scatter [tilespmem:s14], [sflag:$0x3], $0x80, $0x38;
	[tilespmem:$0xE800] =	vst v63  }
0x157: {  	s20 =	sadd.s32 $0xA400, s0  }
0x158: {  	[hbm4b:s1+s3] =	stream.linear.scatter [tilespmem:s20], [sflag:$0x3], $0x80, $0x38;
	[tilespmem:$0xE800] =	vst v63  }
0x159: {  	s30 =	sadd.s32 $0xA488, s0;
	s28 =	sadd.s32 $0x10, s1  }
0x15a: {  	[hbm4b:s28+s3] =	stream.linear.scatter [tilespmem:s30], [sflag:$0x3], $0x80, $0x38;
	[tilespmem:$0xE800] =	vst v63  }
0x15b: {  	s31 =	sadd.s32 $0xA510, s0;
	s28 =	sadd.s32 $0x20, s1  }
0x15c: {  	[hbm4b:s28+s3] =	stream.linear.scatter [tilespmem:s31], [sflag:$0x3], $0x80, $0x38;
	[tilespmem:$0xE800] =	vst v63  }
0x15d: {  	s20 =	sadd.s32 $0xA598, s0;
	s28 =	sadd.s32 $0x30, s1  }
0x15e: {  	[hbm4b:s28+s3] =	stream.linear.scatter [tilespmem:s20], [sflag:$0x3], $0x80, $0x38;
	[tilespmem:$0xE800] =	vst v63  }
0x15f: {  	s30 =	sadd.s32 $0xA620, s0;
	s28 =	sadd.s32 $0x40, s1  }
0x160: {  	[hbm4b:s28+s3] =	stream.linear.scatter [tilespmem:s30], [sflag:$0x3], $0x80, $0x38;
	[tilespmem:$0xE800] =	vst v63  }
0x161: {  	s31 =	sadd.s32 $0xA6A8, s0;
	s28 =	sadd.s32 $0x50, s1  }
0x162: {  	[hbm4b:s28+s3] =	stream.linear.scatter [tilespmem:s31], [sflag:$0x3], $0x80, $0x38;
	[tilespmem:$0xE800] =	vst v63  }
0x163: {  	s20 =	sadd.s32 $0xA730, s0;
	s28 =	sadd.s32 $0x60, s1  }
0x164: {  	[hbm4b:s28+s3] =	stream.linear.scatter [tilespmem:s20], [sflag:$0x3], $0x80, $0x38;
	[tilespmem:$0xE800] =	vst v63  }
0x165: {  	s14 =	simm.s32 $0x0;
	s30 =	sadd.s32 $0xA7B8, s0;
	s31 =	sadd.s32 $0x70, s1  }
0x166: {  	[hbm4b:s31+s3] =	stream.linear.scatter [tilespmem:s30], [sflag:$0x3], $0x80, $0x38;
	[tilespmem:$0xE800] =	vst v63  }
0x167: {  	v33 =	vmov s14;
	s20 =	simm.s32 $0x100  }
0x168: {  	v33 =	vshrl.u32 v33, $0x3;
	[tilespmem:s16], [sflag:$0x1] =	stream.indirect.gather [hbm4b:s4+s13], $0x40, s20, s13, $0xb8;
	[tilespmem:$0xE800] =	vst v63  }
0x169: {  	v33 =	vshll.u32 v33, v1;
	_ =	swait.ge [sflag:s21], $0x2000  }
0x16a: {  	v33 =	vbroadcast v33, $0x0;
	[sflag:s21] =	ssyncset.done $0x0  }
0x16b: {  	s28 =	simm.s32 $0x8500;
	[sflag:s21] =	ssyncadd.s32 $0xFFFFE000  }
0x16c: {  	v35 =	vadd.s32 v0, v33;
	v34 =	vld [tilespmem:s28+$0xFFFFFF00];
	_ =	sdelay $0x4  }
0x16d: {  	[tilespmem:v35+s22+$0x0] =	vst.idx.msk $0xffff, v34  }
0x16e: {  	v56 =	vadd.s32 v2, v33;
	v34 =	vld [tilespmem:s28+$0xFFFFFF10];
	_ =	sdelay $0x4  }
0x16f: {  	[tilespmem:v56+s22+$0x0] =	vst.idx.msk $0xffff, v34  }
0x170: {  	v57 =	vadd.s32 v3, v33;
	v34 =	vld [tilespmem:s28+$0xFFFFFF20];
	_ =	sdelay $0x4  }
0x171: {  	[tilespmem:v57+s22+$0x0] =	vst.idx.msk $0xffff, v34  }
0x172: {  	v33 =	vadd.s32 v4, v33;
	s30 =	simm.s32 $0x1;
	v34 =	vld [tilespmem:s28+$0xFFFFFF30]  }
0x173: {  	v58 =	vmov s30  }
0x174: {  	v35 =	vshrl.u32 v58, $0x3  }
0x175: {  	v35 =	vshll.u32 v35, v1  }
0x176: {  	v35 =	vbroadcast v35, $0x0  }
0x177: {  	[tilespmem:v33+s22+$0x0] =	vst.idx.msk $0xffff, v34  }
0x178: {  	v59 =	vadd.s32 v5, v35;
	v33 =	vld [tilespmem:s28+$0xFFFFFF40];
	_ =	sdelay $0x4  }
0x179: {  	[tilespmem:v59+s22+$0x0] =	vst.idx.msk $0xffff, v33  }
0x17a: {  	v60 =	vadd.s32 v6, v35;
	v33 =	vld [tilespmem:s28+$0xFFFFFF50];
	_ =	sdelay $0x4  }
0x17b: {  	[tilespmem:v60+s22+$0x0] =	vst.idx.msk $0xffff, v33  }
0x17c: {  	v61 =	vadd.s32 v7, v35;
	v33 =	vld [tilespmem:s28+$0xFFFFFF60];
	_ =	sdelay $0x4  }
0x17d: {  	[tilespmem:v61+s22+$0x0] =	vst.idx.msk $0xffff, v33  }
0x17e: {  	s31 =	simm.s32 $0x2;
	v62 =	vadd.s32 v8, v35;
	v33 =	vld [tilespmem:s28+$0xFFFFFF70]  }
0x17f: {  	v63 =	vmov s31  }
0x180: {  	v35 =	vshrl.u32 v63, $0x3  }
0x181: {  	v35 =	vshll.u32 v35, v1  }
0x182: {  	v35 =	vbroadcast v35, $0x0  }
0x183: {  	[tilespmem:v62+s22+$0x0] =	vst.idx.msk $0xffff, v33  }
0x184: {  	v36 =	vadd.s32 v9, v35;
	v33 =	vld [tilespmem:s28+$0xFFFFFF80];
	_ =	sdelay $0x4  }
0x185: {  	[tilespmem:v36+s22+$0x0] =	vst.idx.msk $0xffff, v33  }
0x186: {  	v37 =	vadd.s32 v10, v35;
	v33 =	vld [tilespmem:s28+$0xFFFFFF90];
	_ =	sdelay $0x4  }
0x187: {  	[tilespmem:v37+s22+$0x0] =	vst.idx.msk $0xffff, v33  }
0x188: {  	v38 =	vadd.s32 v11, v35;
	v33 =	vld [tilespmem:s28+$0xFFFFFFA0];
	_ =	sdelay $0x4  }
0x189: {  	[tilespmem:v38+s22+$0x0] =	vst.idx.msk $0xffff, v33  }
0x18a: {  	s1 =	simm.s32 $0x3;
	v39 =	vadd.s32 v12, v35;
	v33 =	vld [tilespmem:s28+$0xFFFFFFB0]  }
0x18b: {  	v40 =	vmov s1  }
0x18c: {  	v35 =	vshrl.u32 v40, $0x3  }
0x18d: {  	v35 =	vshll.u32 v35, v1  }
0x18e: {  	v35 =	vbroadcast v35, $0x0  }
0x18f: {  	[tilespmem:v39+s22+$0x0] =	vst.idx.msk $0xffff, v33  }
0x190: {  	v41 =	vadd.s32 v13, v35;
	v33 =	vld [tilespmem:s28+$0xFFFFFFC0];
	_ =	sdelay $0x4  }
0x191: {  	[tilespmem:v41+s22+$0x0] =	vst.idx.msk $0xffff, v33  }
0x192: {  	v42 =	vadd.s32 v14, v35;
	v33 =	vld [tilespmem:s28+$0xFFFFFFD0];
	_ =	sdelay $0x4  }
0x193: {  	[tilespmem:v42+s22+$0x0] =	vst.idx.msk $0xffff, v33  }
0x194: {  	v43 =	vadd.s32 v15, v35;
	v33 =	vld [tilespmem:s28+$0xFFFFFFE0];
	_ =	sdelay $0x4  }
0x195: {  	[tilespmem:v43+s22+$0x0] =	vst.idx.msk $0xffff, v33  }
0x196: {  	s14 =	simm.s32 $0x4;
	v44 =	vadd.s32 v16, v35;
	v33 =	vld [tilespmem:s28+$0xFFFFFFF0]  }
0x197: {  	v45 =	vmov s14  }
0x198: {  	v35 =	vshrl.u32 v45, $0x3  }
0x199: {  	v35 =	vshll.u32 v35, v1  }
0x19a: {  	v35 =	vbroadcast v35, $0x0  }
0x19b: {  	[tilespmem:v44+s22+$0x0] =	vst.idx.msk $0xffff, v33  }
0x19c: {  	v46 =	vadd.s32 v17, v35;
	v33 =	vld [tilespmem:s28+$0x0];
	_ =	sdelay $0x4  }
0x19d: {  	[tilespmem:v46+s22+$0x0] =	vst.idx.msk $0xffff, v33  }
0x19e: {  	v47 =	vadd.s32 v18, v35;
	v33 =	vld [tilespmem:s28+$0x10];
	_ =	sdelay $0x4  }
0x19f: {  	[tilespmem:v47+s22+$0x0] =	vst.idx.msk $0xffff, v33  }
0x1a0: {  	v48 =	vadd.s32 v19, v35;
	v33 =	vld [tilespmem:s28+$0x20];
	_ =	sdelay $0x4  }
0x1a1: {  	[tilespmem:v48+s22+$0x0] =	vst.idx.msk $0xffff, v33  }
0x1a2: {  	s20 =	simm.s32 $0x5;
	v49 =	vadd.s32 v20, v35;
	v33 =	vld [tilespmem:s28+$0x30]  }
0x1a3: {  	v50 =	vmov s20  }
0x1a4: {  	v35 =	vshrl.u32 v50, $0x3  }
0x1a5: {  	v35 =	vshll.u32 v35, v1  }
0x1a6: {  	v35 =	vbroadcast v35, $0x0  }
0x1a7: {  	[tilespmem:v49+s22+$0x0] =	vst.idx.msk $0xffff, v33  }
0x1a8: {  	v51 =	vadd.s32 v21, v35;
	v33 =	vld [tilespmem:s28+$0x40];
	_ =	sdelay $0x4  }
0x1a9: {  	[tilespmem:v51+s22+$0x0] =	vst.idx.msk $0xffff, v33  }
0x1aa: {  	v52 =	vadd.s32 v22, v35;
	v33 =	vld [tilespmem:s28+$0x50];
	_ =	sdelay $0x4  }
0x1ab: {  	[tilespmem:v52+s22+$0x0] =	vst.idx.msk $0xffff, v33  }
0x1ac: {  	v53 =	vadd.s32 v23, v35;
	v33 =	vld [tilespmem:s28+$0x60];
	_ =	sdelay $0x4  }
0x1ad: {  	[tilespmem:v53+s22+$0x0] =	vst.idx.msk $0xffff, v33  }
0x1ae: {  	s30 =	simm.s32 $0x6;
	v54 =	vadd.s32 v24, v35;
	v33 =	vld [tilespmem:s28+$0x70]  }
0x1af: {  	v55 =	vmov s30  }
0x1b0: {  	v35 =	vshrl.u32 v55, $0x3  }
0x1b1: {  	v35 =	vshll.u32 v35, v1  }
0x1b2: {  	v35 =	vbroadcast v35, $0x0  }
0x1b3: {  	[tilespmem:v54+s22+$0x0] =	vst.idx.msk $0xffff, v33  }
0x1b4: {  	v56 =	vadd.s32 v25, v35;
	v33 =	vld [tilespmem:s28+$0x80];
	_ =	sdelay $0x4  }
0x1b5: {  	[tilespmem:v56+s22+$0x0] =	vst.idx.msk $0xffff, v33  }
0x1b6: {  	v57 =	vadd.s32 v26, v35;
	v33 =	vld [tilespmem:s28+$0x90];
	_ =	sdelay $0x4  }
0x1b7: {  	[tilespmem:v57+s22+$0x0] =	vst.idx.msk $0xffff, v33  }
0x1b8: {  	v58 =	vadd.s32 v27, v35;
	v33 =	vld [tilespmem:s28+$0xA0];
	_ =	sdelay $0x4  }
0x1b9: {  	[tilespmem:v58+s22+$0x0] =	vst.idx.msk $0xffff, v33  }
0x1ba: {  	s31 =	simm.s32 $0x7;
	v59 =	vadd.s32 v28, v35;
	v33 =	vld [tilespmem:s28+$0xB0]  }
0x1bb: {  	v60 =	vmov s31  }
0x1bc: {  	v35 =	vshrl.u32 v60, $0x3  }
0x1bd: {  	v35 =	vshll.u32 v35, v1  }
0x1be: {  	v35 =	vbroadcast v35, $0x0  }
0x1bf: {  	[tilespmem:v59+s22+$0x0] =	vst.idx.msk $0xffff, v33  }
0x1c0: {  	v61 =	vadd.s32 v29, v35;
	v33 =	vld [tilespmem:s28+$0xC0];
	_ =	sdelay $0x4  }
0x1c1: {  	[tilespmem:v61+s22+$0x0] =	vst.idx.msk $0xffff, v33  }
0x1c2: {  	v62 =	vadd.s32 v30, v35;
	v33 =	vld [tilespmem:s28+$0xD0];
	_ =	sdelay $0x4  }
0x1c3: {  	[tilespmem:v62+s22+$0x0] =	vst.idx.msk $0xffff, v33  }
0x1c4: {  	v63 =	vadd.s32 v31, v35;
	v33 =	vld [tilespmem:s28+$0xE0];
	_ =	sdelay $0x4  }
0x1c5: {  	[tilespmem:v63+s22+$0x0] =	vst.idx.msk $0xffff, v33  }
0x1c6: {  	s29 =	simm.s32 $0xF;
	s0 =	simm.s32 $0x8;
	s1 =	simm.s32 $0x17;
	v34 =	vadd.s32 v32, v35;
	v33 =	vld [tilespmem:s28+$0xF0]  }
.LBB2_6:
0x1c7: {  	p0 =	sne.s32 s1, $0x7F;
	v35 =	vmov s0  }
0x1c8: {  	v35 =	vshrl.u32 v35, $0x3  }
0x1c9: {  	v35 =	vshll.u32 v35, v1  }
0x1ca: {  	v35 =	vbroadcast v35, $0x0  }
0x1cb: {  	s28 =	sadd.s32 $0x200, s28;
	[tilespmem:v34+s22+$0x0] =	vst.idx.msk $0xffff, v33  }
0x1cc: {  	v33 =	vld [tilespmem:s28+$0xFFFFFF00];
	v34 =	vadd.s32 v0, v35;
	_ =	sdelay $0x4  }
0x1cd: {  	[tilespmem:v34+s22+$0x0] =	vst.idx.msk $0xffff, v33  }
0x1ce: {  	v34 =	vadd.s32 v2, v35;
	v33 =	vld [tilespmem:s28+$0xFFFFFF10];
	_ =	sdelay $0x4  }
0x1cf: {  	[tilespmem:v34+s22+$0x0] =	vst.idx.msk $0xffff, v33  }
0x1d0: {  	v34 =	vadd.s32 v3, v35;
	v33 =	vld [tilespmem:s28+$0xFFFFFF20];
	_ =	sdelay $0x4  }
0x1d1: {  	[tilespmem:v34+s22+$0x0] =	vst.idx.msk $0xffff, v33  }
0x1d2: {  	s0 =	sadd.s32 $0xFFFFFFFA, s29;
	v34 =	vadd.s32 v4, v35;
	v33 =	vld [tilespmem:s28+$0xFFFFFF30]  }
0x1d3: {  	v35 =	vmov s0  }
0x1d4: {  	v35 =	vshrl.u32 v35, $0x3  }
0x1d5: {  	v35 =	vshll.u32 v35, v1  }
0x1d6: {  	v35 =	vbroadcast v35, $0x0  }
0x1d7: {  	[tilespmem:v34+s22+$0x0] =	vst.idx.msk $0xffff, v33  }
0x1d8: {  	v34 =	vadd.s32 v5, v35;
	v33 =	vld [tilespmem:s28+$0xFFFFFF40];
	_ =	sdelay $0x4  }
0x1d9: {  	[tilespmem:v34+s22+$0x0] =	vst.idx.msk $0xffff, v33  }
0x1da: {  	v34 =	vadd.s32 v6, v35;
	v33 =	vld [tilespmem:s28+$0xFFFFFF50];
	_ =	sdelay $0x4  }
0x1db: {  	[tilespmem:v34+s22+$0x0] =	vst.idx.msk $0xffff, v33  }
0x1dc: {  	v34 =	vadd.s32 v7, v35;
	v33 =	vld [tilespmem:s28+$0xFFFFFF60];
	_ =	sdelay $0x4  }
0x1dd: {  	[tilespmem:v34+s22+$0x0] =	vst.idx.msk $0xffff, v33  }
0x1de: {  	s0 =	sadd.s32 $0xFFFFFFFB, s29;
	v34 =	vadd.s32 v8, v35;
	v33 =	vld [tilespmem:s28+$0xFFFFFF70]  }
0x1df: {  	v35 =	vmov s0  }
0x1e0: {  	v35 =	vshrl.u32 v35, $0x3  }
0x1e1: {  	v35 =	vshll.u32 v35, v1  }
0x1e2: {  	v35 =	vbroadcast v35, $0x0  }
0x1e3: {  	[tilespmem:v34+s22+$0x0] =	vst.idx.msk $0xffff, v33  }
0x1e4: {  	v34 =	vadd.s32 v9, v35;
	v33 =	vld [tilespmem:s28+$0xFFFFFF80];
	_ =	sdelay $0x4  }
0x1e5: {  	[tilespmem:v34+s22+$0x0] =	vst.idx.msk $0xffff, v33  }
0x1e6: {  	v34 =	vadd.s32 v10, v35;
	v33 =	vld [tilespmem:s28+$0xFFFFFF90];
	_ =	sdelay $0x4  }
0x1e7: {  	[tilespmem:v34+s22+$0x0] =	vst.idx.msk $0xffff, v33  }
0x1e8: {  	v34 =	vadd.s32 v11, v35;
	v33 =	vld [tilespmem:s28+$0xFFFFFFA0];
	_ =	sdelay $0x4  }
0x1e9: {  	[tilespmem:v34+s22+$0x0] =	vst.idx.msk $0xffff, v33  }
0x1ea: {  	s0 =	sadd.s32 $0xFFFFFFFC, s29;
	v34 =	vadd.s32 v12, v35;
	v33 =	vld [tilespmem:s28+$0xFFFFFFB0]  }
0x1eb: {  	v35 =	vmov s0  }
0x1ec: {  	v35 =	vshrl.u32 v35, $0x3  }
0x1ed: {  	v35 =	vshll.u32 v35, v1  }
0x1ee: {  	v35 =	vbroadcast v35, $0x0  }
0x1ef: {  	[tilespmem:v34+s22+$0x0] =	vst.idx.msk $0xffff, v33  }
0x1f0: {  	v34 =	vadd.s32 v13, v35;
	v33 =	vld [tilespmem:s28+$0xFFFFFFC0];
	_ =	sdelay $0x4  }
0x1f1: {  	[tilespmem:v34+s22+$0x0] =	vst.idx.msk $0xffff, v33  }
0x1f2: {  	v34 =	vadd.s32 v14, v35;
	v33 =	vld [tilespmem:s28+$0xFFFFFFD0];
	_ =	sdelay $0x4  }
0x1f3: {  	[tilespmem:v34+s22+$0x0] =	vst.idx.msk $0xffff, v33  }
0x1f4: {  	v34 =	vadd.s32 v15, v35;
	v33 =	vld [tilespmem:s28+$0xFFFFFFE0];
	_ =	sdelay $0x4  }
0x1f5: {  	[tilespmem:v34+s22+$0x0] =	vst.idx.msk $0xffff, v33  }
0x1f6: {  	s0 =	sadd.s32 $0xFFFFFFFD, s29;
	v34 =	vadd.s32 v16, v35;
	v33 =	vld [tilespmem:s28+$0xFFFFFFF0]  }
0x1f7: {  	v35 =	vmov s0  }
0x1f8: {  	v35 =	vshrl.u32 v35, $0x3  }
0x1f9: {  	v35 =	vshll.u32 v35, v1  }
0x1fa: {  	v35 =	vbroadcast v35, $0x0  }
0x1fb: {  	[tilespmem:v34+s22+$0x0] =	vst.idx.msk $0xffff, v33  }
0x1fc: {  	v34 =	vadd.s32 v17, v35;
	v33 =	vld [tilespmem:s28+$0x0];
	_ =	sdelay $0x4  }
0x1fd: {  	[tilespmem:v34+s22+$0x0] =	vst.idx.msk $0xffff, v33  }
0x1fe: {  	v34 =	vadd.s32 v18, v35;
	v33 =	vld [tilespmem:s28+$0x10];
	_ =	sdelay $0x4  }
0x1ff: {  	[tilespmem:v34+s22+$0x0] =	vst.idx.msk $0xffff, v33  }
0x200: {  	v34 =	vadd.s32 v19, v35;
	v33 =	vld [tilespmem:s28+$0x20];
	_ =	sdelay $0x4  }
0x201: {  	[tilespmem:v34+s22+$0x0] =	vst.idx.msk $0xffff, v33  }
0x202: {  	s0 =	sadd.s32 $0xFFFFFFFE, s29;
	v34 =	vadd.s32 v20, v35;
	v33 =	vld [tilespmem:s28+$0x30]  }
0x203: {  	v35 =	vmov s0  }
0x204: {  	v35 =	vshrl.u32 v35, $0x3  }
0x205: {  	v35 =	vshll.u32 v35, v1  }
0x206: {  	v35 =	vbroadcast v35, $0x0  }
0x207: {  	[tilespmem:v34+s22+$0x0] =	vst.idx.msk $0xffff, v33  }
0x208: {  	v34 =	vadd.s32 v21, v35;
	v33 =	vld [tilespmem:s28+$0x40];
	_ =	sdelay $0x4  }
0x209: {  	[tilespmem:v34+s22+$0x0] =	vst.idx.msk $0xffff, v33  }
0x20a: {  	v34 =	vadd.s32 v22, v35;
	v33 =	vld [tilespmem:s28+$0x50];
	_ =	sdelay $0x4  }
0x20b: {  	[tilespmem:v34+s22+$0x0] =	vst.idx.msk $0xffff, v33  }
0x20c: {  	v34 =	vadd.s32 v23, v35;
	v33 =	vld [tilespmem:s28+$0x60];
	_ =	sdelay $0x4  }
0x20d: {  	[tilespmem:v34+s22+$0x0] =	vst.idx.msk $0xffff, v33  }
0x20e: {  	s0 =	sadd.s32 $0xFFFFFFFF, s29;
	v34 =	vadd.s32 v24, v35;
	v33 =	vld [tilespmem:s28+$0x70]  }
0x20f: {  	v35 =	vmov s0  }
0x210: {  	v35 =	vshrl.u32 v35, $0x3  }
0x211: {  	v35 =	vshll.u32 v35, v1  }
0x212: {  	v35 =	vbroadcast v35, $0x0  }
0x213: {  	[tilespmem:v34+s22+$0x0] =	vst.idx.msk $0xffff, v33  }
0x214: {  	v34 =	vadd.s32 v25, v35;
	v33 =	vld [tilespmem:s28+$0x80];
	_ =	sdelay $0x4  }
0x215: {  	[tilespmem:v34+s22+$0x0] =	vst.idx.msk $0xffff, v33  }
0x216: {  	v34 =	vadd.s32 v26, v35;
	v33 =	vld [tilespmem:s28+$0x90];
	_ =	sdelay $0x4  }
0x217: {  	[tilespmem:v34+s22+$0x0] =	vst.idx.msk $0xffff, v33  }
0x218: {  	v34 =	vadd.s32 v27, v35;
	v33 =	vld [tilespmem:s28+$0xA0];
	_ =	sdelay $0x4  }
0x219: {  	[tilespmem:v34+s22+$0x0] =	vst.idx.msk $0xffff, v33  }
0x21a: {  	v34 =	vadd.s32 v28, v35;
	v33 =	vld [tilespmem:s28+$0xB0]  }
0x21b: {  	v35 =	vmov s29;
	s29 =	smov.u32 s1  }
0x21c: {  	v35 =	vshrl.u32 v35, $0x3  }
0x21d: {  	v35 =	vshll.u32 v35, v1  }
0x21e: {  	v35 =	vbroadcast v35, $0x0  }
0x21f: {  	[tilespmem:v34+s22+$0x0] =	vst.idx.msk $0xffff, v33  }
0x220: {  	v34 =	vadd.s32 v29, v35;
	v33 =	vld [tilespmem:s28+$0xC0];
	_ =	sdelay $0x4  }
0x221: {  	[tilespmem:v34+s22+$0x0] =	vst.idx.msk $0xffff, v33  }
0x222: {  	v34 =	vadd.s32 v30, v35;
	v33 =	vld [tilespmem:s28+$0xD0];
	_ =	sdelay $0x4  }
0x223: {  	[tilespmem:v34+s22+$0x0] =	vst.idx.msk $0xffff, v33  }
0x224: {  	v34 =	vadd.s32 v31, v35;
	v33 =	vld [tilespmem:s28+$0xE0];
	_ =	sdelay $0x1  }
.Ltmp2:
0x225: {  	(pc) =	sbr.rel @p0 .LBB2_6-.Ltmp2, $3  }
0x226: {  	_ =	sdelay $0x1  }
0x227: {  	[tilespmem:v34+s22+$0x0] =	vst.idx.msk $0xffff, v33  }
0x228: {  	s1 =	sadd.s32 $0x8, s1;
	s0 =	sadd.s32 $0xFFFFFFF9, s29;
	v34 =	vadd.s32 v32, v35;
	v33 =	vld [tilespmem:s28+$0xF0]  }
0x229: {  	v35 =	vmov s0  }
0x22a: {  	v35 =	vshrl.u32 v35, $0x3  }
0x22b: {  	v35 =	vshll.u32 v35, v1  }
0x22c: {  	v35 =	vbroadcast v35, $0x0  }
0x22d: {  	s0 =	sadd.s32 $0x200, s28;
	[tilespmem:v34+s22+$0x0] =	vst.idx.msk $0xffff, v33  }
0x22e: {  	v33 =	vld [tilespmem:s0+$0xFFFFFF00];
	v53 =	vadd.s32 v0, v35;
	_ =	sdelay $0x4  }
0x22f: {  	[tilespmem:v53+s22+$0x0] =	vst.idx.msk $0xffff, v33  }
0x230: {  	v54 =	vadd.s32 v2, v35;
	v33 =	vld [tilespmem:s0+$0xFFFFFF10];
	_ =	sdelay $0x4  }
0x231: {  	[tilespmem:v54+s22+$0x0] =	vst.idx.msk $0xffff, v33  }
0x232: {  	v55 =	vadd.s32 v3, v35;
	v33 =	vld [tilespmem:s0+$0xFFFFFF20];
	_ =	sdelay $0x4  }
0x233: {  	[tilespmem:v55+s22+$0x0] =	vst.idx.msk $0xffff, v33  }
0x234: {  	s1 =	sadd.s32 $0xFFFFFFFA, s29;
	v56 =	vadd.s32 v4, v35;
	v33 =	vld [tilespmem:s0+$0xFFFFFF30]  }
0x235: {  	v57 =	vmov s1  }
0x236: {  	v35 =	vshrl.u32 v57, $0x3  }
0x237: {  	v35 =	vshll.u32 v35, v1  }
0x238: {  	v35 =	vbroadcast v35, $0x0  }
0x239: {  	[tilespmem:v56+s22+$0x0] =	vst.idx.msk $0xffff, v33  }
0x23a: {  	v58 =	vadd.s32 v5, v35;
	v33 =	vld [tilespmem:s0+$0xFFFFFF40];
	_ =	sdelay $0x4  }
0x23b: {  	[tilespmem:v58+s22+$0x0] =	vst.idx.msk $0xffff, v33  }
0x23c: {  	v59 =	vadd.s32 v6, v35;
	v33 =	vld [tilespmem:s0+$0xFFFFFF50];
	_ =	sdelay $0x4  }
0x23d: {  	[tilespmem:v59+s22+$0x0] =	vst.idx.msk $0xffff, v33  }
0x23e: {  	v60 =	vadd.s32 v7, v35;
	v33 =	vld [tilespmem:s0+$0xFFFFFF60];
	_ =	sdelay $0x4  }
0x23f: {  	[tilespmem:v60+s22+$0x0] =	vst.idx.msk $0xffff, v33  }
0x240: {  	s31 =	sadd.s32 $0xFFFFFFFB, s29;
	v61 =	vadd.s32 v8, v35;
	v33 =	vld [tilespmem:s0+$0xFFFFFF70]  }
0x241: {  	v62 =	vmov s31  }
0x242: {  	v35 =	vshrl.u32 v62, $0x3  }
0x243: {  	v35 =	vshll.u32 v35, v1  }
0x244: {  	v35 =	vbroadcast v35, $0x0  }
0x245: {  	[tilespmem:v61+s22+$0x0] =	vst.idx.msk $0xffff, v33  }
0x246: {  	v63 =	vadd.s32 v9, v35;
	v33 =	vld [tilespmem:s0+$0xFFFFFF80];
	_ =	sdelay $0x4  }
0x247: {  	[tilespmem:v63+s22+$0x0] =	vst.idx.msk $0xffff, v33  }
0x248: {  	v36 =	vadd.s32 v10, v35;
	v33 =	vld [tilespmem:s0+$0xFFFFFF90];
	_ =	sdelay $0x4  }
0x249: {  	[tilespmem:v36+s22+$0x0] =	vst.idx.msk $0xffff, v33  }
0x24a: {  	v37 =	vadd.s32 v11, v35;
	v33 =	vld [tilespmem:s0+$0xFFFFFFA0];
	_ =	sdelay $0x4  }
0x24b: {  	[tilespmem:v37+s22+$0x0] =	vst.idx.msk $0xffff, v33  }
0x24c: {  	s14 =	sadd.s32 $0xFFFFFFFC, s29;
	v38 =	vadd.s32 v12, v35;
	v33 =	vld [tilespmem:s0+$0xFFFFFFB0]  }
0x24d: {  	v39 =	vmov s14  }
0x24e: {  	v35 =	vshrl.u32 v39, $0x3  }
0x24f: {  	v35 =	vshll.u32 v35, v1  }
0x250: {  	v35 =	vbroadcast v35, $0x0  }
0x251: {  	[tilespmem:v38+s22+$0x0] =	vst.idx.msk $0xffff, v33  }
0x252: {  	v40 =	vadd.s32 v13, v35;
	v33 =	vld [tilespmem:s0+$0xFFFFFFC0];
	_ =	sdelay $0x4  }
0x253: {  	[tilespmem:v40+s22+$0x0] =	vst.idx.msk $0xffff, v33  }
0x254: {  	v41 =	vadd.s32 v14, v35;
	v33 =	vld [tilespmem:s0+$0xFFFFFFD0];
	_ =	sdelay $0x4  }
0x255: {  	[tilespmem:v41+s22+$0x0] =	vst.idx.msk $0xffff, v33  }
0x256: {  	v42 =	vadd.s32 v15, v35;
	v33 =	vld [tilespmem:s0+$0xFFFFFFE0];
	_ =	sdelay $0x4  }
0x257: {  	[tilespmem:v42+s22+$0x0] =	vst.idx.msk $0xffff, v33  }
0x258: {  	s20 =	sadd.s32 $0xFFFFFFFD, s29;
	v43 =	vadd.s32 v16, v35;
	v33 =	vld [tilespmem:s0+$0xFFFFFFF0]  }
0x259: {  	v44 =	vmov s20  }
0x25a: {  	v35 =	vshrl.u32 v44, $0x3  }
0x25b: {  	v35 =	vshll.u32 v35, v1  }
0x25c: {  	v35 =	vbroadcast v35, $0x0  }
0x25d: {  	[tilespmem:v43+s22+$0x0] =	vst.idx.msk $0xffff, v33  }
0x25e: {  	v45 =	vadd.s32 v17, v35;
	v33 =	vld [tilespmem:s0+$0x0];
	_ =	sdelay $0x4  }
0x25f: {  	[tilespmem:v45+s22+$0x0] =	vst.idx.msk $0xffff, v33  }
0x260: {  	v46 =	vadd.s32 v18, v35;
	v33 =	vld [tilespmem:s0+$0x10];
	_ =	sdelay $0x4  }
0x261: {  	[tilespmem:v46+s22+$0x0] =	vst.idx.msk $0xffff, v33  }
0x262: {  	v47 =	vadd.s32 v19, v35;
	v33 =	vld [tilespmem:s0+$0x20];
	_ =	sdelay $0x4  }
0x263: {  	[tilespmem:v47+s22+$0x0] =	vst.idx.msk $0xffff, v33  }
0x264: {  	s30 =	sadd.s32 $0xFFFFFFFE, s29;
	v48 =	vadd.s32 v20, v35;
	v33 =	vld [tilespmem:s0+$0x30]  }
0x265: {  	v49 =	vmov s30  }
0x266: {  	v35 =	vshrl.u32 v49, $0x3  }
0x267: {  	v35 =	vshll.u32 v35, v1  }
0x268: {  	v35 =	vbroadcast v35, $0x0  }
0x269: {  	[tilespmem:v48+s22+$0x0] =	vst.idx.msk $0xffff, v33  }
0x26a: {  	v50 =	vadd.s32 v21, v35;
	v33 =	vld [tilespmem:s0+$0x40];
	_ =	sdelay $0x4  }
0x26b: {  	[tilespmem:v50+s22+$0x0] =	vst.idx.msk $0xffff, v33  }
0x26c: {  	v51 =	vadd.s32 v22, v35;
	v33 =	vld [tilespmem:s0+$0x50];
	_ =	sdelay $0x4  }
0x26d: {  	[tilespmem:v51+s22+$0x0] =	vst.idx.msk $0xffff, v33  }
0x26e: {  	v52 =	vadd.s32 v23, v35;
	v33 =	vld [tilespmem:s0+$0x60];
	_ =	sdelay $0x4  }
0x26f: {  	[tilespmem:v52+s22+$0x0] =	vst.idx.msk $0xffff, v33  }
0x270: {  	s31 =	sadd.s32 $0xFFFFFFFF, s29;
	v53 =	vadd.s32 v24, v35;
	v33 =	vld [tilespmem:s0+$0x70]  }
0x271: {  	v54 =	vmov s31  }
0x272: {  	v35 =	vshrl.u32 v54, $0x3  }
0x273: {  	v35 =	vshll.u32 v35, v1  }
0x274: {  	v35 =	vbroadcast v35, $0x0  }
0x275: {  	[tilespmem:v53+s22+$0x0] =	vst.idx.msk $0xffff, v33  }
0x276: {  	v55 =	vadd.s32 v25, v35;
	v33 =	vld [tilespmem:s0+$0x80];
	_ =	sdelay $0x4  }
0x277: {  	[tilespmem:v55+s22+$0x0] =	vst.idx.msk $0xffff, v33  }
0x278: {  	v56 =	vadd.s32 v26, v35;
	v33 =	vld [tilespmem:s0+$0x90];
	_ =	sdelay $0x4  }
0x279: {  	[tilespmem:v56+s22+$0x0] =	vst.idx.msk $0xffff, v33  }
0x27a: {  	v57 =	vadd.s32 v27, v35;
	v33 =	vld [tilespmem:s0+$0xA0];
	_ =	sdelay $0x4  }
0x27b: {  	[tilespmem:v57+s22+$0x0] =	vst.idx.msk $0xffff, v33  }
0x27c: {  	v58 =	vadd.s32 v28, v35;
	v33 =	vld [tilespmem:s0+$0xB0]  }
0x27d: {  	v59 =	vmov s29  }
0x27e: {  	v35 =	vshrl.u32 v59, $0x3  }
0x27f: {  	v35 =	vshll.u32 v35, v1  }
0x280: {  	v35 =	vbroadcast v35, $0x0  }
0x281: {  	[tilespmem:v58+s22+$0x0] =	vst.idx.msk $0xffff, v33  }
0x282: {  	v60 =	vadd.s32 v29, v35;
	v33 =	vld [tilespmem:s0+$0xC0];
	_ =	sdelay $0x4  }
0x283: {  	[tilespmem:v60+s22+$0x0] =	vst.idx.msk $0xffff, v33  }
0x284: {  	v61 =	vadd.s32 v30, v35;
	v33 =	vld [tilespmem:s0+$0xD0];
	_ =	sdelay $0x4  }
0x285: {  	[tilespmem:v61+s22+$0x0] =	vst.idx.msk $0xffff, v33  }
0x286: {  	v62 =	vadd.s32 v31, v35;
	v33 =	vld [tilespmem:s0+$0xE0];
	_ =	sdelay $0x4  }
0x287: {  	[tilespmem:v62+s22+$0x0] =	vst.idx.msk $0xffff, v33  }
0x288: {  	v63 =	vadd.s32 v32, v35;
	v33 =	vld [tilespmem:s0+$0xF0];
	_ =	sdelay $0x4  }
0x289: {  	s1 =	simm.s32 $0xC600;
	[tilespmem:v63+s22+$0x0] =	vst.idx.msk $0xffff, v33  }
0x28a: {  	[hbm4b:s9+s3] =	stream.linear.scatter [tilespmem:s1], [sflag:$0x4], $0x80, $0x38;
	[tilespmem:$0xE800] =	vst v63  }
0x28b: {  	s14 =	simm.s32 $0xC688;
	s20 =	sadd.s32 $0x10, s9  }
0x28c: {  	[hbm4b:s20+s3] =	stream.linear.scatter [tilespmem:s14], [sflag:$0x4], $0x80, $0x38;
	[tilespmem:$0xE800] =	vst v63  }
0x28d: {  	s28 =	simm.s32 $0x2200;
	s30 =	simm.s32 $0xC710;
	s31 =	sadd.s32 $0x20, s9  }
0x28e: {  	[hbm4b:s31+s3] =	stream.linear.scatter [tilespmem:s30], [sflag:$0x4], $0x80, $0x38;
	[tilespmem:$0xE800] =	vst v63  }
0x28f: {  	s29 =	sadd.s32 $0x70, s9;
	s14 =	simm.s32 $0xC798;
	s20 =	sadd.s32 $0x30, s9  }
0x290: {  	[hbm4b:s20+s3] =	stream.linear.scatter [tilespmem:s14], [sflag:$0x4], $0x80, $0x38;
	[tilespmem:$0xE800] =	vst v63  }
0x291: {  	s0 =	simm.s32 $0x440;
	s30 =	simm.s32 $0xC820;
	s31 =	sadd.s32 $0x40, s9  }
0x292: {  	[hbm4b:s31+s3] =	stream.linear.scatter [tilespmem:s30], [sflag:$0x4], $0x80, $0x38;
	[tilespmem:$0xE800] =	vst v63  }
0x293: {  	s1 =	sadd.s32 $0x1000, s9;
	s14 =	simm.s32 $0xC8A8;
	s20 =	sadd.s32 $0x50, s9  }
0x294: {  	[hbm4b:s20+s3] =	stream.linear.scatter [tilespmem:s14], [sflag:$0x4], $0x80, $0x38;
	[tilespmem:$0xE800] =	vst v63  }
0x295: {  	s30 =	simm.s32 $0xC930;
	s31 =	sadd.s32 $0x60, s9;
	s14 =	simm.s32 $0xC9B8  }
0x296: {  	[hbm4b:s31+s3] =	stream.linear.scatter [tilespmem:s30], [sflag:$0x4], $0x80, $0x38;
	[tilespmem:$0xE800] =	vst v63  }
.LBB2_8:
0x297: {  	[hbm4b:s29+s3] =	stream.linear.scatter [tilespmem:s14], [sflag:$0x4], $0x80, $0x38;
	[tilespmem:$0xE800] =	vst v63  }
0x298: {  	s14 =	smov.u32 s0;
	s0 =	smov.u32 s28  }
0x299: {  	s30 =	sadd.s32 $0x1100, s28;
	s0 =	sshra.s32 s0, $0x2;
	s29 =	sadd.s32 $0xC600, s14  }
0x29a: {  	[hbm4b:s1+s3] =	stream.linear.scatter [tilespmem:s29], [sflag:$0x4], $0x80, $0x38;
	[tilespmem:$0xE800] =	vst v63  }
0x29b: {  	p0 =	sne.s32 s28, $0x7700;
	s28 =	sadd.s32 $0xC688, s14;
	s29 =	sadd.s32 $0x10, s1  }
0x29c: {  	[hbm4b:s29+s3] =	stream.linear.scatter [tilespmem:s28], [sflag:$0x4], $0x80, $0x38;
	[tilespmem:$0xE800] =	vst v63  }
0x29d: {  	s28 =	sadd.s32 $0xC710, s14;
	s29 =	sadd.s32 $0x20, s1  }
0x29e: {  	[hbm4b:s29+s3] =	stream.linear.scatter [tilespmem:s28], [sflag:$0x4], $0x80, $0x38;
	[tilespmem:$0xE800] =	vst v63  }
0x29f: {  	s28 =	sadd.s32 $0xC798, s14;
	s29 =	sadd.s32 $0x30, s1  }
0x2a0: {  	[hbm4b:s29+s3] =	stream.linear.scatter [tilespmem:s28], [sflag:$0x4], $0x80, $0x38;
	[tilespmem:$0xE800] =	vst v63  }
0x2a1: {  	s28 =	sadd.s32 $0xC820, s14;
	s29 =	sadd.s32 $0x40, s1  }
0x2a2: {  	[hbm4b:s29+s3] =	stream.linear.scatter [tilespmem:s28], [sflag:$0x4], $0x80, $0x38;
	[tilespmem:$0xE800] =	vst v63  }
.Ltmp3:
0x2a3: {  	s28 =	sadd.s32 $0xC8A8, s14;
	s29 =	sadd.s32 $0x50, s1;
	(pc) =	sbr.rel @p0 .LBB2_8-.Ltmp3, $4  }
0x2a4: {  	[hbm4b:s29+s3] =	stream.linear.scatter [tilespmem:s28], [sflag:$0x4], $0x80, $0x38;
	[tilespmem:$0xE800] =	vst v63  }
0x2a5: {  	s28 =	sadd.s32 $0xC930, s14;
	s29 =	sadd.s32 $0x60, s1;
	s14 =	sadd.s32 $0xC9B8, s14  }
0x2a6: {  	[hbm4b:s29+s3] =	stream.linear.scatter [tilespmem:s28], [sflag:$0x4], $0x80, $0x38;
	[tilespmem:$0xE800] =	vst v63  }
0x2a7: {  	s29 =	sadd.s32 $0x70, s1;
	s1 =	sadd.s32 $0x1000, s1;
	s28 =	smov.u32 s30  }
0x2a8: {  	[hbm4b:s29+s3] =	stream.linear.scatter [tilespmem:s14], [sflag:$0x4], $0x80, $0x38;
	[tilespmem:$0xE800] =	vst v63  }
0x2a9: {  	s31 =	sadd.s32 $0xC600, s0  }
0x2aa: {  	[hbm4b:s1+s3] =	stream.linear.scatter [tilespmem:s31], [sflag:$0x4], $0x80, $0x38;
	[tilespmem:$0xE800] =	vst v63  }
0x2ab: {  	s20 =	sadd.s32 $0xC688, s0;
	s28 =	sadd.s32 $0x10, s1  }
0x2ac: {  	[hbm4b:s28+s3] =	stream.linear.scatter [tilespmem:s20], [sflag:$0x4], $0x80, $0x38;
	[tilespmem:$0xE800] =	vst v63  }
0x2ad: {  	s29 =	sadd.s32 $0xC710, s0;
	s28 =	sadd.s32 $0x20, s1  }
0x2ae: {  	[hbm4b:s28+s3] =	stream.linear.scatter [tilespmem:s29], [sflag:$0x4], $0x80, $0x38;
	[tilespmem:$0xE800] =	vst v63  }
0x2af: {  	s30 =	sadd.s32 $0xC798, s0;
	s28 =	sadd.s32 $0x30, s1  }
0x2b0: {  	[hbm4b:s28+s3] =	stream.linear.scatter [tilespmem:s30], [sflag:$0x4], $0x80, $0x38;
	[tilespmem:$0xE800] =	vst v63  }
0x2b1: {  	s31 =	sadd.s32 $0xC820, s0;
	s28 =	sadd.s32 $0x40, s1  }
0x2b2: {  	[hbm4b:s28+s3] =	stream.linear.scatter [tilespmem:s31], [sflag:$0x4], $0x80, $0x38;
	[tilespmem:$0xE800] =	vst v63  }
0x2b3: {  	s20 =	sadd.s32 $0xC8A8, s0;
	s28 =	sadd.s32 $0x50, s1  }
0x2b4: {  	[hbm4b:s28+s3] =	stream.linear.scatter [tilespmem:s20], [sflag:$0x4], $0x80, $0x38;
	[tilespmem:$0xE800] =	vst v63  }
0x2b5: {  	s29 =	sadd.s32 $0xC930, s0;
	s28 =	sadd.s32 $0x60, s1  }
0x2b6: {  	[hbm4b:s28+s3] =	stream.linear.scatter [tilespmem:s29], [sflag:$0x4], $0x80, $0x38;
	[tilespmem:$0xE800] =	vst v63  }
0x2b7: {  	s30 =	sadd.s32 $0xC9B8, s0;
	s31 =	sadd.s32 $0x70, s1  }
0x2b8: {  	[hbm4b:s31+s3] =	stream.linear.scatter [tilespmem:s30], [sflag:$0x4], $0x80, $0x38;
	[tilespmem:$0xE800] =	vst v63  }
0x2b9: {  	s28 =	simm.s32 $0x1  }
0x2ba: {  	[tilespmem:s17], [sflag:$0x2] =	stream.indirect.gather [hbm4b:s4+s13], $0x40, s23, s13, $0xb8;
	[tilespmem:$0xE800] =	vst v63  }
.LBB2_10:
0x2bb: {  	_ =	swait.ge [sflag:s18], $0x2000;
	s0 =	simm.s32 $0x0  }
0x2bc: {  	[sflag:s18] =	ssyncset.done $0x0;
	v33 =	vmov s0  }
0x2bd: {  	[sflag:s18] =	ssyncadd.s32 $0xFFFFE000;
	v33 =	vshrl.u32 v33, $0x3  }
0x2be: {  	_ =	swait.ge [sflag:s24], $0x2000;
	v33 =	vshll.u32 v33, v1  }
0x2bf: {  	[sflag:s24] =	ssyncset.done $0x0;
	v33 =	vbroadcast v33, $0x0  }
0x2c0: {  	s29 =	simm.s32 $0x6500;
	[sflag:s24] =	ssyncadd.s32 $0xFFFFE000  }
0x2c1: {  	v34 =	vld [tilespmem:s29+$0xFFFFFF00];
	v35 =	vadd.s32 v0, v33;
	_ =	sdelay $0x4  }
0x2c2: {  	[tilespmem:v35+s19+$0x0] =	vst.idx.msk $0xffff, v34  }
0x2c3: {  	v56 =	vadd.s32 v2, v33;
	v34 =	vld [tilespmem:s29+$0xFFFFFF10];
	_ =	sdelay $0x4  }
0x2c4: {  	[tilespmem:v56+s19+$0x0] =	vst.idx.msk $0xffff, v34  }
0x2c5: {  	v57 =	vadd.s32 v3, v33;
	v34 =	vld [tilespmem:s29+$0xFFFFFF20];
	_ =	sdelay $0x4  }
0x2c6: {  	[tilespmem:v57+s19+$0x0] =	vst.idx.msk $0xffff, v34  }
0x2c7: {  	s14 =	simm.s32 $0x1;
	v33 =	vadd.s32 v4, v33;
	v34 =	vld [tilespmem:s29+$0xFFFFFF30]  }
0x2c8: {  	v58 =	vmov s14  }
0x2c9: {  	v35 =	vshrl.u32 v58, $0x3  }
0x2ca: {  	v35 =	vshll.u32 v35, v1  }
0x2cb: {  	v35 =	vbroadcast v35, $0x0  }
0x2cc: {  	[tilespmem:v33+s19+$0x0] =	vst.idx.msk $0xffff, v34  }
0x2cd: {  	v59 =	vadd.s32 v5, v35;
	v33 =	vld [tilespmem:s29+$0xFFFFFF40];
	_ =	sdelay $0x4  }
0x2ce: {  	[tilespmem:v59+s19+$0x0] =	vst.idx.msk $0xffff, v33  }
0x2cf: {  	v60 =	vadd.s32 v6, v35;
	v33 =	vld [tilespmem:s29+$0xFFFFFF50];
	_ =	sdelay $0x4  }
0x2d0: {  	[tilespmem:v60+s19+$0x0] =	vst.idx.msk $0xffff, v33  }
0x2d1: {  	v61 =	vadd.s32 v7, v35;
	v33 =	vld [tilespmem:s29+$0xFFFFFF60];
	_ =	sdelay $0x4  }
0x2d2: {  	[tilespmem:v61+s19+$0x0] =	vst.idx.msk $0xffff, v33  }
0x2d3: {  	s20 =	simm.s32 $0x2;
	v62 =	vadd.s32 v8, v35;
	v33 =	vld [tilespmem:s29+$0xFFFFFF70]  }
0x2d4: {  	v63 =	vmov s20  }
0x2d5: {  	v35 =	vshrl.u32 v63, $0x3  }
0x2d6: {  	v35 =	vshll.u32 v35, v1  }
0x2d7: {  	v35 =	vbroadcast v35, $0x0  }
0x2d8: {  	[tilespmem:v62+s19+$0x0] =	vst.idx.msk $0xffff, v33  }
0x2d9: {  	v36 =	vadd.s32 v9, v35;
	v33 =	vld [tilespmem:s29+$0xFFFFFF80];
	_ =	sdelay $0x4  }
0x2da: {  	[tilespmem:v36+s19+$0x0] =	vst.idx.msk $0xffff, v33  }
0x2db: {  	v37 =	vadd.s32 v10, v35;
	v33 =	vld [tilespmem:s29+$0xFFFFFF90];
	_ =	sdelay $0x4  }
0x2dc: {  	[tilespmem:v37+s19+$0x0] =	vst.idx.msk $0xffff, v33  }
0x2dd: {  	v38 =	vadd.s32 v11, v35;
	v33 =	vld [tilespmem:s29+$0xFFFFFFA0];
	_ =	sdelay $0x4  }
0x2de: {  	[tilespmem:v38+s19+$0x0] =	vst.idx.msk $0xffff, v33  }
0x2df: {  	s31 =	simm.s32 $0x3;
	v39 =	vadd.s32 v12, v35;
	v33 =	vld [tilespmem:s29+$0xFFFFFFB0]  }
0x2e0: {  	v40 =	vmov s31  }
0x2e1: {  	v35 =	vshrl.u32 v40, $0x3  }
0x2e2: {  	v35 =	vshll.u32 v35, v1  }
0x2e3: {  	v35 =	vbroadcast v35, $0x0  }
0x2e4: {  	[tilespmem:v39+s19+$0x0] =	vst.idx.msk $0xffff, v33  }
0x2e5: {  	v41 =	vadd.s32 v13, v35;
	v33 =	vld [tilespmem:s29+$0xFFFFFFC0];
	_ =	sdelay $0x4  }
0x2e6: {  	[tilespmem:v41+s19+$0x0] =	vst.idx.msk $0xffff, v33  }
0x2e7: {  	v42 =	vadd.s32 v14, v35;
	v33 =	vld [tilespmem:s29+$0xFFFFFFD0];
	_ =	sdelay $0x4  }
0x2e8: {  	[tilespmem:v42+s19+$0x0] =	vst.idx.msk $0xffff, v33  }
0x2e9: {  	v43 =	vadd.s32 v15, v35;
	v33 =	vld [tilespmem:s29+$0xFFFFFFE0];
	_ =	sdelay $0x4  }
0x2ea: {  	[tilespmem:v43+s19+$0x0] =	vst.idx.msk $0xffff, v33  }
0x2eb: {  	s1 =	simm.s32 $0x4;
	v44 =	vadd.s32 v16, v35;
	v33 =	vld [tilespmem:s29+$0xFFFFFFF0]  }
0x2ec: {  	v45 =	vmov s1  }
0x2ed: {  	v35 =	vshrl.u32 v45, $0x3  }
0x2ee: {  	v35 =	vshll.u32 v35, v1  }
0x2ef: {  	v35 =	vbroadcast v35, $0x0  }
0x2f0: {  	[tilespmem:v44+s19+$0x0] =	vst.idx.msk $0xffff, v33  }
0x2f1: {  	v46 =	vadd.s32 v17, v35;
	v33 =	vld [tilespmem:s29+$0x0];
	_ =	sdelay $0x4  }
0x2f2: {  	[tilespmem:v46+s19+$0x0] =	vst.idx.msk $0xffff, v33  }
0x2f3: {  	v47 =	vadd.s32 v18, v35;
	v33 =	vld [tilespmem:s29+$0x10];
	_ =	sdelay $0x4  }
0x2f4: {  	[tilespmem:v47+s19+$0x0] =	vst.idx.msk $0xffff, v33  }
0x2f5: {  	v48 =	vadd.s32 v19, v35;
	v33 =	vld [tilespmem:s29+$0x20];
	_ =	sdelay $0x4  }
0x2f6: {  	[tilespmem:v48+s19+$0x0] =	vst.idx.msk $0xffff, v33  }
0x2f7: {  	s14 =	simm.s32 $0x5;
	v49 =	vadd.s32 v20, v35;
	v33 =	vld [tilespmem:s29+$0x30]  }
0x2f8: {  	v50 =	vmov s14  }
0x2f9: {  	v35 =	vshrl.u32 v50, $0x3  }
0x2fa: {  	v35 =	vshll.u32 v35, v1  }
0x2fb: {  	v35 =	vbroadcast v35, $0x0  }
0x2fc: {  	[tilespmem:v49+s19+$0x0] =	vst.idx.msk $0xffff, v33  }
0x2fd: {  	v51 =	vadd.s32 v21, v35;
	v33 =	vld [tilespmem:s29+$0x40];
	_ =	sdelay $0x4  }
0x2fe: {  	[tilespmem:v51+s19+$0x0] =	vst.idx.msk $0xffff, v33  }
0x2ff: {  	v52 =	vadd.s32 v22, v35;
	v33 =	vld [tilespmem:s29+$0x50];
	_ =	sdelay $0x4  }
0x300: {  	[tilespmem:v52+s19+$0x0] =	vst.idx.msk $0xffff, v33  }
0x301: {  	v53 =	vadd.s32 v23, v35;
	v33 =	vld [tilespmem:s29+$0x60];
	_ =	sdelay $0x4  }
0x302: {  	[tilespmem:v53+s19+$0x0] =	vst.idx.msk $0xffff, v33  }
0x303: {  	s20 =	simm.s32 $0x6;
	v54 =	vadd.s32 v24, v35;
	v33 =	vld [tilespmem:s29+$0x70]  }
0x304: {  	v55 =	vmov s20  }
0x305: {  	v35 =	vshrl.u32 v55, $0x3  }
0x306: {  	v35 =	vshll.u32 v35, v1  }
0x307: {  	v35 =	vbroadcast v35, $0x0  }
0x308: {  	[tilespmem:v54+s19+$0x0] =	vst.idx.msk $0xffff, v33  }
0x309: {  	v56 =	vadd.s32 v25, v35;
	v33 =	vld [tilespmem:s29+$0x80];
	_ =	sdelay $0x4  }
0x30a: {  	[tilespmem:v56+s19+$0x0] =	vst.idx.msk $0xffff, v33  }
0x30b: {  	v57 =	vadd.s32 v26, v35;
	v33 =	vld [tilespmem:s29+$0x90];
	_ =	sdelay $0x4  }
0x30c: {  	[tilespmem:v57+s19+$0x0] =	vst.idx.msk $0xffff, v33  }
0x30d: {  	v58 =	vadd.s32 v27, v35;
	v33 =	vld [tilespmem:s29+$0xA0];
	_ =	sdelay $0x4  }
0x30e: {  	[tilespmem:v58+s19+$0x0] =	vst.idx.msk $0xffff, v33  }
0x30f: {  	s31 =	simm.s32 $0x7;
	v59 =	vadd.s32 v28, v35;
	v33 =	vld [tilespmem:s29+$0xB0]  }
0x310: {  	v60 =	vmov s31  }
0x311: {  	v35 =	vshrl.u32 v60, $0x3  }
0x312: {  	v35 =	vshll.u32 v35, v1  }
0x313: {  	v35 =	vbroadcast v35, $0x0  }
0x314: {  	[tilespmem:v59+s19+$0x0] =	vst.idx.msk $0xffff, v33  }
0x315: {  	v61 =	vadd.s32 v29, v35;
	v33 =	vld [tilespmem:s29+$0xC0];
	_ =	sdelay $0x4  }
0x316: {  	[tilespmem:v61+s19+$0x0] =	vst.idx.msk $0xffff, v33  }
0x317: {  	v62 =	vadd.s32 v30, v35;
	v33 =	vld [tilespmem:s29+$0xD0];
	_ =	sdelay $0x4  }
0x318: {  	[tilespmem:v62+s19+$0x0] =	vst.idx.msk $0xffff, v33  }
0x319: {  	v63 =	vadd.s32 v31, v35;
	v33 =	vld [tilespmem:s29+$0xE0];
	_ =	sdelay $0x4  }
0x31a: {  	[tilespmem:v63+s19+$0x0] =	vst.idx.msk $0xffff, v33  }
0x31b: {  	s30 =	simm.s32 $0xF;
	s0 =	simm.s32 $0x8;
	s1 =	simm.s32 $0x17;
	v34 =	vadd.s32 v32, v35;
	v33 =	vld [tilespmem:s29+$0xF0]  }
.LBB2_11:
0x31c: {  	p0 =	sne.s32 s1, $0x7F;
	v35 =	vmov s0  }
0x31d: {  	v35 =	vshrl.u32 v35, $0x3  }
0x31e: {  	v35 =	vshll.u32 v35, v1  }
0x31f: {  	v35 =	vbroadcast v35, $0x0  }
0x320: {  	s29 =	sadd.s32 $0x200, s29;
	[tilespmem:v34+s19+$0x0] =	vst.idx.msk $0xffff, v33  }
0x321: {  	v33 =	vld [tilespmem:s29+$0xFFFFFF00];
	v34 =	vadd.s32 v0, v35;
	_ =	sdelay $0x4  }
0x322: {  	[tilespmem:v34+s19+$0x0] =	vst.idx.msk $0xffff, v33  }
0x323: {  	v34 =	vadd.s32 v2, v35;
	v33 =	vld [tilespmem:s29+$0xFFFFFF10];
	_ =	sdelay $0x4  }
0x324: {  	[tilespmem:v34+s19+$0x0] =	vst.idx.msk $0xffff, v33  }
0x325: {  	v34 =	vadd.s32 v3, v35;
	v33 =	vld [tilespmem:s29+$0xFFFFFF20];
	_ =	sdelay $0x4  }
0x326: {  	[tilespmem:v34+s19+$0x0] =	vst.idx.msk $0xffff, v33  }
0x327: {  	s0 =	sadd.s32 $0xFFFFFFFA, s30;
	v34 =	vadd.s32 v4, v35;
	v33 =	vld [tilespmem:s29+$0xFFFFFF30]  }
0x328: {  	v35 =	vmov s0  }
0x329: {  	v35 =	vshrl.u32 v35, $0x3  }
0x32a: {  	v35 =	vshll.u32 v35, v1  }
0x32b: {  	v35 =	vbroadcast v35, $0x0  }
0x32c: {  	[tilespmem:v34+s19+$0x0] =	vst.idx.msk $0xffff, v33  }
0x32d: {  	v34 =	vadd.s32 v5, v35;
	v33 =	vld [tilespmem:s29+$0xFFFFFF40];
	_ =	sdelay $0x4  }
0x32e: {  	[tilespmem:v34+s19+$0x0] =	vst.idx.msk $0xffff, v33  }
0x32f: {  	v34 =	vadd.s32 v6, v35;
	v33 =	vld [tilespmem:s29+$0xFFFFFF50];
	_ =	sdelay $0x4  }
0x330: {  	[tilespmem:v34+s19+$0x0] =	vst.idx.msk $0xffff, v33  }
0x331: {  	v34 =	vadd.s32 v7, v35;
	v33 =	vld [tilespmem:s29+$0xFFFFFF60];
	_ =	sdelay $0x4  }
0x332: {  	[tilespmem:v34+s19+$0x0] =	vst.idx.msk $0xffff, v33  }
0x333: {  	s0 =	sadd.s32 $0xFFFFFFFB, s30;
	v34 =	vadd.s32 v8, v35;
	v33 =	vld [tilespmem:s29+$0xFFFFFF70]  }
0x334: {  	v35 =	vmov s0  }
0x335: {  	v35 =	vshrl.u32 v35, $0x3  }
0x336: {  	v35 =	vshll.u32 v35, v1  }
0x337: {  	v35 =	vbroadcast v35, $0x0  }
0x338: {  	[tilespmem:v34+s19+$0x0] =	vst.idx.msk $0xffff, v33  }
0x339: {  	v34 =	vadd.s32 v9, v35;
	v33 =	vld [tilespmem:s29+$0xFFFFFF80];
	_ =	sdelay $0x4  }
0x33a: {  	[tilespmem:v34+s19+$0x0] =	vst.idx.msk $0xffff, v33  }
0x33b: {  	v34 =	vadd.s32 v10, v35;
	v33 =	vld [tilespmem:s29+$0xFFFFFF90];
	_ =	sdelay $0x4  }
0x33c: {  	[tilespmem:v34+s19+$0x0] =	vst.idx.msk $0xffff, v33  }
0x33d: {  	v34 =	vadd.s32 v11, v35;
	v33 =	vld [tilespmem:s29+$0xFFFFFFA0];
	_ =	sdelay $0x4  }
0x33e: {  	[tilespmem:v34+s19+$0x0] =	vst.idx.msk $0xffff, v33  }
0x33f: {  	s0 =	sadd.s32 $0xFFFFFFFC, s30;
	v34 =	vadd.s32 v12, v35;
	v33 =	vld [tilespmem:s29+$0xFFFFFFB0]  }
0x340: {  	v35 =	vmov s0  }
0x341: {  	v35 =	vshrl.u32 v35, $0x3  }
0x342: {  	v35 =	vshll.u32 v35, v1  }
0x343: {  	v35 =	vbroadcast v35, $0x0  }
0x344: {  	[tilespmem:v34+s19+$0x0] =	vst.idx.msk $0xffff, v33  }
0x345: {  	v34 =	vadd.s32 v13, v35;
	v33 =	vld [tilespmem:s29+$0xFFFFFFC0];
	_ =	sdelay $0x4  }
0x346: {  	[tilespmem:v34+s19+$0x0] =	vst.idx.msk $0xffff, v33  }
0x347: {  	v34 =	vadd.s32 v14, v35;
	v33 =	vld [tilespmem:s29+$0xFFFFFFD0];
	_ =	sdelay $0x4  }
0x348: {  	[tilespmem:v34+s19+$0x0] =	vst.idx.msk $0xffff, v33  }
0x349: {  	v34 =	vadd.s32 v15, v35;
	v33 =	vld [tilespmem:s29+$0xFFFFFFE0];
	_ =	sdelay $0x4  }
0x34a: {  	[tilespmem:v34+s19+$0x0] =	vst.idx.msk $0xffff, v33  }
0x34b: {  	s0 =	sadd.s32 $0xFFFFFFFD, s30;
	v34 =	vadd.s32 v16, v35;
	v33 =	vld [tilespmem:s29+$0xFFFFFFF0]  }
0x34c: {  	v35 =	vmov s0  }
0x34d: {  	v35 =	vshrl.u32 v35, $0x3  }
0x34e: {  	v35 =	vshll.u32 v35, v1  }
0x34f: {  	v35 =	vbroadcast v35, $0x0  }
0x350: {  	[tilespmem:v34+s19+$0x0] =	vst.idx.msk $0xffff, v33  }
0x351: {  	v34 =	vadd.s32 v17, v35;
	v33 =	vld [tilespmem:s29+$0x0];
	_ =	sdelay $0x4  }
0x352: {  	[tilespmem:v34+s19+$0x0] =	vst.idx.msk $0xffff, v33  }
0x353: {  	v34 =	vadd.s32 v18, v35;
	v33 =	vld [tilespmem:s29+$0x10];
	_ =	sdelay $0x4  }
0x354: {  	[tilespmem:v34+s19+$0x0] =	vst.idx.msk $0xffff, v33  }
0x355: {  	v34 =	vadd.s32 v19, v35;
	v33 =	vld [tilespmem:s29+$0x20];
	_ =	sdelay $0x4  }
0x356: {  	[tilespmem:v34+s19+$0x0] =	vst.idx.msk $0xffff, v33  }
0x357: {  	s0 =	sadd.s32 $0xFFFFFFFE, s30;
	v34 =	vadd.s32 v20, v35;
	v33 =	vld [tilespmem:s29+$0x30]  }
0x358: {  	v35 =	vmov s0  }
0x359: {  	v35 =	vshrl.u32 v35, $0x3  }
0x35a: {  	v35 =	vshll.u32 v35, v1  }
0x35b: {  	v35 =	vbroadcast v35, $0x0  }
0x35c: {  	[tilespmem:v34+s19+$0x0] =	vst.idx.msk $0xffff, v33  }
0x35d: {  	v34 =	vadd.s32 v21, v35;
	v33 =	vld [tilespmem:s29+$0x40];
	_ =	sdelay $0x4  }
0x35e: {  	[tilespmem:v34+s19+$0x0] =	vst.idx.msk $0xffff, v33  }
0x35f: {  	v34 =	vadd.s32 v22, v35;
	v33 =	vld [tilespmem:s29+$0x50];
	_ =	sdelay $0x4  }
0x360: {  	[tilespmem:v34+s19+$0x0] =	vst.idx.msk $0xffff, v33  }
0x361: {  	v34 =	vadd.s32 v23, v35;
	v33 =	vld [tilespmem:s29+$0x60];
	_ =	sdelay $0x4  }
0x362: {  	[tilespmem:v34+s19+$0x0] =	vst.idx.msk $0xffff, v33  }
0x363: {  	s0 =	sadd.s32 $0xFFFFFFFF, s30;
	v34 =	vadd.s32 v24, v35;
	v33 =	vld [tilespmem:s29+$0x70]  }
0x364: {  	v35 =	vmov s0  }
0x365: {  	v35 =	vshrl.u32 v35, $0x3  }
0x366: {  	v35 =	vshll.u32 v35, v1  }
0x367: {  	v35 =	vbroadcast v35, $0x0  }
0x368: {  	[tilespmem:v34+s19+$0x0] =	vst.idx.msk $0xffff, v33  }
0x369: {  	v34 =	vadd.s32 v25, v35;
	v33 =	vld [tilespmem:s29+$0x80];
	_ =	sdelay $0x4  }
0x36a: {  	[tilespmem:v34+s19+$0x0] =	vst.idx.msk $0xffff, v33  }
0x36b: {  	v34 =	vadd.s32 v26, v35;
	v33 =	vld [tilespmem:s29+$0x90];
	_ =	sdelay $0x4  }
0x36c: {  	[tilespmem:v34+s19+$0x0] =	vst.idx.msk $0xffff, v33  }
0x36d: {  	v34 =	vadd.s32 v27, v35;
	v33 =	vld [tilespmem:s29+$0xA0];
	_ =	sdelay $0x4  }
0x36e: {  	[tilespmem:v34+s19+$0x0] =	vst.idx.msk $0xffff, v33  }
0x36f: {  	v34 =	vadd.s32 v28, v35;
	v33 =	vld [tilespmem:s29+$0xB0]  }
0x370: {  	v35 =	vmov s30;
	s30 =	smov.u32 s1  }
0x371: {  	v35 =	vshrl.u32 v35, $0x3  }
0x372: {  	v35 =	vshll.u32 v35, v1  }
0x373: {  	v35 =	vbroadcast v35, $0x0  }
0x374: {  	[tilespmem:v34+s19+$0x0] =	vst.idx.msk $0xffff, v33  }
0x375: {  	v34 =	vadd.s32 v29, v35;
	v33 =	vld [tilespmem:s29+$0xC0];
	_ =	sdelay $0x4  }
0x376: {  	[tilespmem:v34+s19+$0x0] =	vst.idx.msk $0xffff, v33  }
0x377: {  	v34 =	vadd.s32 v30, v35;
	v33 =	vld [tilespmem:s29+$0xD0];
	_ =	sdelay $0x4  }
0x378: {  	[tilespmem:v34+s19+$0x0] =	vst.idx.msk $0xffff, v33  }
0x379: {  	v34 =	vadd.s32 v31, v35;
	v33 =	vld [tilespmem:s29+$0xE0];
	_ =	sdelay $0x1  }
.Ltmp4:
0x37a: {  	(pc) =	sbr.rel @p0 .LBB2_11-.Ltmp4, $3  }
0x37b: {  	_ =	sdelay $0x1  }
0x37c: {  	[tilespmem:v34+s19+$0x0] =	vst.idx.msk $0xffff, v33  }
0x37d: {  	s1 =	sadd.s32 $0x8, s1;
	s0 =	sadd.s32 $0xFFFFFFF9, s30;
	v34 =	vadd.s32 v32, v35;
	v33 =	vld [tilespmem:s29+$0xF0]  }
0x37e: {  	v35 =	vmov s0  }
0x37f: {  	v35 =	vshrl.u32 v35, $0x3  }
0x380: {  	v35 =	vshll.u32 v35, v1  }
0x381: {  	v35 =	vbroadcast v35, $0x0  }
0x382: {  	s0 =	sadd.s32 $0x200, s29;
	[tilespmem:v34+s19+$0x0] =	vst.idx.msk $0xffff, v33  }
0x383: {  	v33 =	vld [tilespmem:s0+$0xFFFFFF00];
	v53 =	vadd.s32 v0, v35;
	_ =	sdelay $0x4  }
0x384: {  	[tilespmem:v53+s19+$0x0] =	vst.idx.msk $0xffff, v33  }
0x385: {  	v54 =	vadd.s32 v2, v35;
	v33 =	vld [tilespmem:s0+$0xFFFFFF10];
	_ =	sdelay $0x4  }
0x386: {  	[tilespmem:v54+s19+$0x0] =	vst.idx.msk $0xffff, v33  }
0x387: {  	v55 =	vadd.s32 v3, v35;
	v33 =	vld [tilespmem:s0+$0xFFFFFF20];
	_ =	sdelay $0x4  }
0x388: {  	[tilespmem:v55+s19+$0x0] =	vst.idx.msk $0xffff, v33  }
0x389: {  	s1 =	sadd.s32 $0xFFFFFFFA, s30;
	v56 =	vadd.s32 v4, v35;
	v33 =	vld [tilespmem:s0+$0xFFFFFF30]  }
0x38a: {  	v57 =	vmov s1  }
0x38b: {  	v35 =	vshrl.u32 v57, $0x3  }
0x38c: {  	v35 =	vshll.u32 v35, v1  }
0x38d: {  	v35 =	vbroadcast v35, $0x0  }
0x38e: {  	[tilespmem:v56+s19+$0x0] =	vst.idx.msk $0xffff, v33  }
0x38f: {  	v58 =	vadd.s32 v5, v35;
	v33 =	vld [tilespmem:s0+$0xFFFFFF40];
	_ =	sdelay $0x4  }
0x390: {  	[tilespmem:v58+s19+$0x0] =	vst.idx.msk $0xffff, v33  }
0x391: {  	v59 =	vadd.s32 v6, v35;
	v33 =	vld [tilespmem:s0+$0xFFFFFF50];
	_ =	sdelay $0x4  }
0x392: {  	[tilespmem:v59+s19+$0x0] =	vst.idx.msk $0xffff, v33  }
0x393: {  	v60 =	vadd.s32 v7, v35;
	v33 =	vld [tilespmem:s0+$0xFFFFFF60];
	_ =	sdelay $0x4  }
0x394: {  	[tilespmem:v60+s19+$0x0] =	vst.idx.msk $0xffff, v33  }
0x395: {  	s20 =	sadd.s32 $0xFFFFFFFB, s30;
	v61 =	vadd.s32 v8, v35;
	v33 =	vld [tilespmem:s0+$0xFFFFFF70]  }
0x396: {  	v62 =	vmov s20  }
0x397: {  	v35 =	vshrl.u32 v62, $0x3  }
0x398: {  	v35 =	vshll.u32 v35, v1  }
0x399: {  	v35 =	vbroadcast v35, $0x0  }
0x39a: {  	[tilespmem:v61+s19+$0x0] =	vst.idx.msk $0xffff, v33  }
0x39b: {  	v63 =	vadd.s32 v9, v35;
	v33 =	vld [tilespmem:s0+$0xFFFFFF80];
	_ =	sdelay $0x4  }
0x39c: {  	[tilespmem:v63+s19+$0x0] =	vst.idx.msk $0xffff, v33  }
0x39d: {  	v36 =	vadd.s32 v10, v35;
	v33 =	vld [tilespmem:s0+$0xFFFFFF90];
	_ =	sdelay $0x4  }
0x39e: {  	[tilespmem:v36+s19+$0x0] =	vst.idx.msk $0xffff, v33  }
0x39f: {  	v37 =	vadd.s32 v11, v35;
	v33 =	vld [tilespmem:s0+$0xFFFFFFA0];
	_ =	sdelay $0x4  }
0x3a0: {  	[tilespmem:v37+s19+$0x0] =	vst.idx.msk $0xffff, v33  }
0x3a1: {  	s14 =	sadd.s32 $0xFFFFFFFC, s30;
	v38 =	vadd.s32 v12, v35;
	v33 =	vld [tilespmem:s0+$0xFFFFFFB0]  }
0x3a2: {  	v39 =	vmov s14  }
0x3a3: {  	v35 =	vshrl.u32 v39, $0x3  }
0x3a4: {  	v35 =	vshll.u32 v35, v1  }
0x3a5: {  	v35 =	vbroadcast v35, $0x0  }
0x3a6: {  	[tilespmem:v38+s19+$0x0] =	vst.idx.msk $0xffff, v33  }
0x3a7: {  	v40 =	vadd.s32 v13, v35;
	v33 =	vld [tilespmem:s0+$0xFFFFFFC0];
	_ =	sdelay $0x4  }
0x3a8: {  	[tilespmem:v40+s19+$0x0] =	vst.idx.msk $0xffff, v33  }
0x3a9: {  	v41 =	vadd.s32 v14, v35;
	v33 =	vld [tilespmem:s0+$0xFFFFFFD0];
	_ =	sdelay $0x4  }
0x3aa: {  	[tilespmem:v41+s19+$0x0] =	vst.idx.msk $0xffff, v33  }
0x3ab: {  	v42 =	vadd.s32 v15, v35;
	v33 =	vld [tilespmem:s0+$0xFFFFFFE0];
	_ =	sdelay $0x4  }
0x3ac: {  	[tilespmem:v42+s19+$0x0] =	vst.idx.msk $0xffff, v33  }
0x3ad: {  	s20 =	sadd.s32 $0xFFFFFFFD, s30;
	v43 =	vadd.s32 v16, v35;
	v33 =	vld [tilespmem:s0+$0xFFFFFFF0]  }
0x3ae: {  	v44 =	vmov s20  }
0x3af: {  	v35 =	vshrl.u32 v44, $0x3  }
0x3b0: {  	v35 =	vshll.u32 v35, v1  }
0x3b1: {  	v35 =	vbroadcast v35, $0x0  }
0x3b2: {  	[tilespmem:v43+s19+$0x0] =	vst.idx.msk $0xffff, v33  }
0x3b3: {  	v45 =	vadd.s32 v17, v35;
	v33 =	vld [tilespmem:s0+$0x0];
	_ =	sdelay $0x4  }
0x3b4: {  	[tilespmem:v45+s19+$0x0] =	vst.idx.msk $0xffff, v33  }
0x3b5: {  	v46 =	vadd.s32 v18, v35;
	v33 =	vld [tilespmem:s0+$0x10];
	_ =	sdelay $0x4  }
0x3b6: {  	[tilespmem:v46+s19+$0x0] =	vst.idx.msk $0xffff, v33  }
0x3b7: {  	v47 =	vadd.s32 v19, v35;
	v33 =	vld [tilespmem:s0+$0x20];
	_ =	sdelay $0x4  }
0x3b8: {  	[tilespmem:v47+s19+$0x0] =	vst.idx.msk $0xffff, v33  }
0x3b9: {  	s14 =	sadd.s32 $0xFFFFFFFE, s30;
	v48 =	vadd.s32 v20, v35;
	v33 =	vld [tilespmem:s0+$0x30]  }
0x3ba: {  	v49 =	vmov s14  }
0x3bb: {  	v35 =	vshrl.u32 v49, $0x3  }
0x3bc: {  	v35 =	vshll.u32 v35, v1  }
0x3bd: {  	v35 =	vbroadcast v35, $0x0  }
0x3be: {  	[tilespmem:v48+s19+$0x0] =	vst.idx.msk $0xffff, v33  }
0x3bf: {  	v50 =	vadd.s32 v21, v35;
	v33 =	vld [tilespmem:s0+$0x40];
	_ =	sdelay $0x4  }
0x3c0: {  	[tilespmem:v50+s19+$0x0] =	vst.idx.msk $0xffff, v33  }
0x3c1: {  	v51 =	vadd.s32 v22, v35;
	v33 =	vld [tilespmem:s0+$0x50];
	_ =	sdelay $0x4  }
0x3c2: {  	[tilespmem:v51+s19+$0x0] =	vst.idx.msk $0xffff, v33  }
0x3c3: {  	v52 =	vadd.s32 v23, v35;
	v33 =	vld [tilespmem:s0+$0x60];
	_ =	sdelay $0x4  }
0x3c4: {  	[tilespmem:v52+s19+$0x0] =	vst.idx.msk $0xffff, v33  }
0x3c5: {  	s20 =	sadd.s32 $0xFFFFFFFF, s30;
	v53 =	vadd.s32 v24, v35;
	v33 =	vld [tilespmem:s0+$0x70]  }
0x3c6: {  	v54 =	vmov s20  }
0x3c7: {  	v35 =	vshrl.u32 v54, $0x3  }
0x3c8: {  	v35 =	vshll.u32 v35, v1  }
0x3c9: {  	v35 =	vbroadcast v35, $0x0  }
0x3ca: {  	[tilespmem:v53+s19+$0x0] =	vst.idx.msk $0xffff, v33  }
0x3cb: {  	v55 =	vadd.s32 v25, v35;
	v33 =	vld [tilespmem:s0+$0x80];
	_ =	sdelay $0x4  }
0x3cc: {  	[tilespmem:v55+s19+$0x0] =	vst.idx.msk $0xffff, v33  }
0x3cd: {  	v56 =	vadd.s32 v26, v35;
	v33 =	vld [tilespmem:s0+$0x90];
	_ =	sdelay $0x4  }
0x3ce: {  	[tilespmem:v56+s19+$0x0] =	vst.idx.msk $0xffff, v33  }
0x3cf: {  	v57 =	vadd.s32 v27, v35;
	v33 =	vld [tilespmem:s0+$0xA0];
	_ =	sdelay $0x4  }
0x3d0: {  	[tilespmem:v57+s19+$0x0] =	vst.idx.msk $0xffff, v33  }
0x3d1: {  	v58 =	vadd.s32 v28, v35;
	v33 =	vld [tilespmem:s0+$0xB0]  }
0x3d2: {  	v59 =	vmov s30  }
0x3d3: {  	v35 =	vshrl.u32 v59, $0x3  }
0x3d4: {  	v35 =	vshll.u32 v35, v1  }
0x3d5: {  	v35 =	vbroadcast v35, $0x0  }
0x3d6: {  	[tilespmem:v58+s19+$0x0] =	vst.idx.msk $0xffff, v33  }
0x3d7: {  	v60 =	vadd.s32 v29, v35;
	v33 =	vld [tilespmem:s0+$0xC0];
	_ =	sdelay $0x4  }
0x3d8: {  	[tilespmem:v60+s19+$0x0] =	vst.idx.msk $0xffff, v33  }
0x3d9: {  	v61 =	vadd.s32 v30, v35;
	v33 =	vld [tilespmem:s0+$0xD0];
	_ =	sdelay $0x4  }
0x3da: {  	[tilespmem:v61+s19+$0x0] =	vst.idx.msk $0xffff, v33  }
0x3db: {  	v62 =	vadd.s32 v31, v35;
	v33 =	vld [tilespmem:s0+$0xE0];
	_ =	sdelay $0x4  }
0x3dc: {  	[tilespmem:v62+s19+$0x0] =	vst.idx.msk $0xffff, v33  }
0x3dd: {  	v63 =	vadd.s32 v32, v35;
	v33 =	vld [tilespmem:s0+$0xF0];
	_ =	sdelay $0x2  }
0x3de: {  	s1 =	sshll.u32 s28, $0x10  }
0x3df: {  	s29 =	sor.u32 s5, s1  }
0x3e0: {  	s14 =	simm.s32 $0xA400;
	s1 =	sadd.s32 s2, s29;
	[tilespmem:v63+s19+$0x0] =	vst.idx.msk $0xffff, v33  }
0x3e1: {  	[hbm4b:s1+s3] =	stream.linear.scatter [tilespmem:s14], [sflag:$0x3], $0x80, $0x38;
	[tilespmem:$0xE800] =	vst v63  }
0x3e2: {  	s20 =	simm.s32 $0xA488;
	s14 =	sadd.s32 $0x10, s1  }
0x3e3: {  	[hbm4b:s14+s3] =	stream.linear.scatter [tilespmem:s20], [sflag:$0x3], $0x80, $0x38;
	[tilespmem:$0xE800] =	vst v63  }
0x3e4: {  	s14 =	simm.s32 $0xA510;
	s20 =	sadd.s32 $0x20, s1  }
0x3e5: {  	[hbm4b:s20+s3] =	stream.linear.scatter [tilespmem:s14], [sflag:$0x3], $0x80, $0x38;
	[tilespmem:$0xE800] =	vst v63  }
0x3e6: {  	s14 =	simm.s32 $0xA598;
	s20 =	sadd.s32 $0x30, s1  }
0x3e7: {  	[hbm4b:s20+s3] =	stream.linear.scatter [tilespmem:s14], [sflag:$0x3], $0x80, $0x38;
	[tilespmem:$0xE800] =	vst v63  }
0x3e8: {  	s14 =	simm.s32 $0xA620;
	s20 =	sadd.s32 $0x40, s1  }
0x3e9: {  	[hbm4b:s20+s3] =	stream.linear.scatter [tilespmem:s14], [sflag:$0x3], $0x80, $0x38;
	[tilespmem:$0xE800] =	vst v63  }
0x3ea: {  	s31 =	sadd.s32 $0x70, s1;
	s14 =	simm.s32 $0xA6A8;
	s20 =	sadd.s32 $0x50, s1  }
0x3eb: {  	[hbm4b:s20+s3] =	stream.linear.scatter [tilespmem:s14], [sflag:$0x3], $0x80, $0x38;
	[tilespmem:$0xE800] =	vst v63  }
0x3ec: {  	s30 =	simm.s32 $0x2200;
	s14 =	simm.s32 $0xA730;
	s20 =	sadd.s32 $0x60, s1  }
0x3ed: {  	[hbm4b:s20+s3] =	stream.linear.scatter [tilespmem:s14], [sflag:$0x3], $0x80, $0x38;
	[tilespmem:$0xE800] =	vst v63  }
0x3ee: {  	s0 =	simm.s32 $0x440;
	s1 =	sadd.s32 $0x1000, s1;
	s14 =	simm.s32 $0xA7B8  }
.LBB2_13:
0x3ef: {  	[hbm4b:s31+s3] =	stream.linear.scatter [tilespmem:s14], [sflag:$0x3], $0x80, $0x38;
	[tilespmem:$0xE800] =	vst v63  }
0x3f0: {  	s14 =	smov.u32 s0;
	s0 =	smov.u32 s30  }
0x3f1: {  	s20 =	sadd.s32 $0x1100, s30;
	s0 =	sshra.s32 s0, $0x2;
	s31 =	sadd.s32 $0xA400, s14  }
0x3f2: {  	[hbm4b:s1+s3] =	stream.linear.scatter [tilespmem:s31], [sflag:$0x3], $0x80, $0x38;
	[tilespmem:$0xE800] =	vst v63  }
0x3f3: {  	p0 =	sne.s32 s30, $0x7700;
	s30 =	sadd.s32 $0xA488, s14;
	s31 =	sadd.s32 $0x10, s1  }
0x3f4: {  	[hbm4b:s31+s3] =	stream.linear.scatter [tilespmem:s30], [sflag:$0x3], $0x80, $0x38;
	[tilespmem:$0xE800] =	vst v63  }
0x3f5: {  	s30 =	sadd.s32 $0xA510, s14;
	s31 =	sadd.s32 $0x20, s1  }
0x3f6: {  	[hbm4b:s31+s3] =	stream.linear.scatter [tilespmem:s30], [sflag:$0x3], $0x80, $0x38;
	[tilespmem:$0xE800] =	vst v63  }
0x3f7: {  	s30 =	sadd.s32 $0xA598, s14;
	s31 =	sadd.s32 $0x30, s1  }
0x3f8: {  	[hbm4b:s31+s3] =	stream.linear.scatter [tilespmem:s30], [sflag:$0x3], $0x80, $0x38;
	[tilespmem:$0xE800] =	vst v63  }
0x3f9: {  	s30 =	sadd.s32 $0xA620, s14;
	s31 =	sadd.s32 $0x40, s1  }
0x3fa: {  	[hbm4b:s31+s3] =	stream.linear.scatter [tilespmem:s30], [sflag:$0x3], $0x80, $0x38;
	[tilespmem:$0xE800] =	vst v63  }
.Ltmp5:
0x3fb: {  	s30 =	sadd.s32 $0xA6A8, s14;
	s31 =	sadd.s32 $0x50, s1;
	(pc) =	sbr.rel @p0 .LBB2_13-.Ltmp5, $4  }
0x3fc: {  	[hbm4b:s31+s3] =	stream.linear.scatter [tilespmem:s30], [sflag:$0x3], $0x80, $0x38;
	[tilespmem:$0xE800] =	vst v63  }
0x3fd: {  	s30 =	sadd.s32 $0xA730, s14;
	s31 =	sadd.s32 $0x60, s1;
	s14 =	sadd.s32 $0xA7B8, s14  }
0x3fe: {  	[hbm4b:s31+s3] =	stream.linear.scatter [tilespmem:s30], [sflag:$0x3], $0x80, $0x38;
	[tilespmem:$0xE800] =	vst v63  }
0x3ff: {  	s31 =	sadd.s32 $0x70, s1;
	s1 =	sadd.s32 $0x1000, s1;
	s30 =	smov.u32 s20  }
0x400: {  	[hbm4b:s31+s3] =	stream.linear.scatter [tilespmem:s14], [sflag:$0x3], $0x80, $0x38;
	[tilespmem:$0xE800] =	vst v63  }
0x401: {  	s20 =	sadd.s32 $0xA400, s0  }
0x402: {  	[hbm4b:s1+s3] =	stream.linear.scatter [tilespmem:s20], [sflag:$0x3], $0x80, $0x38;
	[tilespmem:$0xE800] =	vst v63  }
0x403: {  	s14 =	sadd.s32 $0xA488, s0;
	s20 =	sadd.s32 $0x10, s1  }
0x404: {  	[hbm4b:s20+s3] =	stream.linear.scatter [tilespmem:s14], [sflag:$0x3], $0x80, $0x38;
	[tilespmem:$0xE800] =	vst v63  }
0x405: {  	s14 =	sadd.s32 $0xA510, s0;
	s20 =	sadd.s32 $0x20, s1  }
0x406: {  	[hbm4b:s20+s3] =	stream.linear.scatter [tilespmem:s14], [sflag:$0x3], $0x80, $0x38;
	[tilespmem:$0xE800] =	vst v63  }
0x407: {  	s14 =	sadd.s32 $0xA598, s0;
	s20 =	sadd.s32 $0x30, s1  }
0x408: {  	[hbm4b:s20+s3] =	stream.linear.scatter [tilespmem:s14], [sflag:$0x3], $0x80, $0x38;
	[tilespmem:$0xE800] =	vst v63  }
0x409: {  	s14 =	sadd.s32 $0xA620, s0;
	s20 =	sadd.s32 $0x40, s1  }
0x40a: {  	[hbm4b:s20+s3] =	stream.linear.scatter [tilespmem:s14], [sflag:$0x3], $0x80, $0x38;
	[tilespmem:$0xE800] =	vst v63  }
0x40b: {  	s14 =	sadd.s32 $0xA6A8, s0;
	s20 =	sadd.s32 $0x50, s1  }
0x40c: {  	[hbm4b:s20+s3] =	stream.linear.scatter [tilespmem:s14], [sflag:$0x3], $0x80, $0x38;
	[tilespmem:$0xE800] =	vst v63  }
0x40d: {  	s14 =	sadd.s32 $0xA730, s0;
	s20 =	sadd.s32 $0x60, s1  }
0x40e: {  	[hbm4b:s20+s3] =	stream.linear.scatter [tilespmem:s14], [sflag:$0x3], $0x80, $0x38;
	[tilespmem:$0xE800] =	vst v63  }
0x40f: {  	s20 =	sadd.s32 $0x70, s1;
	s1 =	sshll.u32 s28, $0x8  }
0x410: {  	s14 =	sadd.s32 $0xA7B8, s0;
	s30 =	sand.u32 $0x3FFFFF00, s1  }
0x411: {  	[hbm4b:s20+s3] =	stream.linear.scatter [tilespmem:s14], [sflag:$0x3], $0x80, $0x38;
	[tilespmem:$0xE800] =	vst v63  }
0x412: {  	s0 =	sadd.s32 $0x100, s30  }
0x413: {  	[tilespmem:s16], [sflag:$0x1] =	stream.indirect.gather [hbm4b:s4+s13], $0x40, s0, s13, $0xb8;
	[tilespmem:$0xE800] =	vst v63  }
0x414: {  	s14 =	simm.s32 $0x0;
	_ =	swait.ge [sflag:s21], $0x2000  }
0x415: {  	v33 =	vmov s14;
	[sflag:s21] =	ssyncset.done $0x0  }
0x416: {  	v33 =	vshrl.u32 v33, $0x3;
	[sflag:s21] =	ssyncadd.s32 $0xFFFFE000  }
0x417: {  	v33 =	vshll.u32 v33, v1;
	_ =	swait.ge [sflag:s25], $0x2000  }
0x418: {  	v33 =	vbroadcast v33, $0x0;
	[sflag:s25] =	ssyncset.done $0x0  }
0x419: {  	s31 =	simm.s32 $0x8500;
	[sflag:s25] =	ssyncadd.s32 $0xFFFFE000  }
0x41a: {  	v35 =	vadd.s32 v0, v33;
	v34 =	vld [tilespmem:s31+$0xFFFFFF00];
	_ =	sdelay $0x4  }
0x41b: {  	[tilespmem:v35+s22+$0x0] =	vst.idx.msk $0xffff, v34  }
0x41c: {  	v56 =	vadd.s32 v2, v33;
	v34 =	vld [tilespmem:s31+$0xFFFFFF10];
	_ =	sdelay $0x4  }
0x41d: {  	[tilespmem:v56+s22+$0x0] =	vst.idx.msk $0xffff, v34  }
0x41e: {  	v57 =	vadd.s32 v3, v33;
	v34 =	vld [tilespmem:s31+$0xFFFFFF20];
	_ =	sdelay $0x4  }
0x41f: {  	[tilespmem:v57+s22+$0x0] =	vst.idx.msk $0xffff, v34  }
0x420: {  	s20 =	simm.s32 $0x1;
	v33 =	vadd.s32 v4, v33;
	v34 =	vld [tilespmem:s31+$0xFFFFFF30]  }
0x421: {  	v58 =	vmov s20  }
0x422: {  	v35 =	vshrl.u32 v58, $0x3  }
0x423: {  	v35 =	vshll.u32 v35, v1  }
0x424: {  	v35 =	vbroadcast v35, $0x0  }
0x425: {  	[tilespmem:v33+s22+$0x0] =	vst.idx.msk $0xffff, v34  }
0x426: {  	v59 =	vadd.s32 v5, v35;
	v33 =	vld [tilespmem:s31+$0xFFFFFF40];
	_ =	sdelay $0x4  }
0x427: {  	[tilespmem:v59+s22+$0x0] =	vst.idx.msk $0xffff, v33  }
0x428: {  	v60 =	vadd.s32 v6, v35;
	v33 =	vld [tilespmem:s31+$0xFFFFFF50];
	_ =	sdelay $0x4  }
0x429: {  	[tilespmem:v60+s22+$0x0] =	vst.idx.msk $0xffff, v33  }
0x42a: {  	v61 =	vadd.s32 v7, v35;
	v33 =	vld [tilespmem:s31+$0xFFFFFF60];
	_ =	sdelay $0x4  }
0x42b: {  	[tilespmem:v61+s22+$0x0] =	vst.idx.msk $0xffff, v33  }
0x42c: {  	s1 =	simm.s32 $0x2;
	v62 =	vadd.s32 v8, v35;
	v33 =	vld [tilespmem:s31+$0xFFFFFF70]  }
0x42d: {  	v63 =	vmov s1  }
0x42e: {  	v35 =	vshrl.u32 v63, $0x3  }
0x42f: {  	v35 =	vshll.u32 v35, v1  }
0x430: {  	v35 =	vbroadcast v35, $0x0  }
0x431: {  	[tilespmem:v62+s22+$0x0] =	vst.idx.msk $0xffff, v33  }
0x432: {  	v36 =	vadd.s32 v9, v35;
	v33 =	vld [tilespmem:s31+$0xFFFFFF80];
	_ =	sdelay $0x4  }
0x433: {  	[tilespmem:v36+s22+$0x0] =	vst.idx.msk $0xffff, v33  }
0x434: {  	v37 =	vadd.s32 v10, v35;
	v33 =	vld [tilespmem:s31+$0xFFFFFF90];
	_ =	sdelay $0x4  }
0x435: {  	[tilespmem:v37+s22+$0x0] =	vst.idx.msk $0xffff, v33  }
0x436: {  	v38 =	vadd.s32 v11, v35;
	v33 =	vld [tilespmem:s31+$0xFFFFFFA0];
	_ =	sdelay $0x4  }
0x437: {  	[tilespmem:v38+s22+$0x0] =	vst.idx.msk $0xffff, v33  }
0x438: {  	s14 =	simm.s32 $0x3;
	v39 =	vadd.s32 v12, v35;
	v33 =	vld [tilespmem:s31+$0xFFFFFFB0]  }
0x439: {  	v40 =	vmov s14  }
0x43a: {  	v35 =	vshrl.u32 v40, $0x3  }
0x43b: {  	v35 =	vshll.u32 v35, v1  }
0x43c: {  	v35 =	vbroadcast v35, $0x0  }
0x43d: {  	[tilespmem:v39+s22+$0x0] =	vst.idx.msk $0xffff, v33  }
0x43e: {  	v41 =	vadd.s32 v13, v35;
	v33 =	vld [tilespmem:s31+$0xFFFFFFC0];
	_ =	sdelay $0x4  }
0x43f: {  	[tilespmem:v41+s22+$0x0] =	vst.idx.msk $0xffff, v33  }
0x440: {  	v42 =	vadd.s32 v14, v35;
	v33 =	vld [tilespmem:s31+$0xFFFFFFD0];
	_ =	sdelay $0x4  }
0x441: {  	[tilespmem:v42+s22+$0x0] =	vst.idx.msk $0xffff, v33  }
0x442: {  	v43 =	vadd.s32 v15, v35;
	v33 =	vld [tilespmem:s31+$0xFFFFFFE0];
	_ =	sdelay $0x4  }
0x443: {  	[tilespmem:v43+s22+$0x0] =	vst.idx.msk $0xffff, v33  }
0x444: {  	s20 =	simm.s32 $0x4;
	v44 =	vadd.s32 v16, v35;
	v33 =	vld [tilespmem:s31+$0xFFFFFFF0]  }
0x445: {  	v45 =	vmov s20  }
0x446: {  	v35 =	vshrl.u32 v45, $0x3  }
0x447: {  	v35 =	vshll.u32 v35, v1  }
0x448: {  	v35 =	vbroadcast v35, $0x0  }
0x449: {  	[tilespmem:v44+s22+$0x0] =	vst.idx.msk $0xffff, v33  }
0x44a: {  	v46 =	vadd.s32 v17, v35;
	v33 =	vld [tilespmem:s31+$0x0];
	_ =	sdelay $0x4  }
0x44b: {  	[tilespmem:v46+s22+$0x0] =	vst.idx.msk $0xffff, v33  }
0x44c: {  	v47 =	vadd.s32 v18, v35;
	v33 =	vld [tilespmem:s31+$0x10];
	_ =	sdelay $0x4  }
0x44d: {  	[tilespmem:v47+s22+$0x0] =	vst.idx.msk $0xffff, v33  }
0x44e: {  	v48 =	vadd.s32 v19, v35;
	v33 =	vld [tilespmem:s31+$0x20];
	_ =	sdelay $0x4  }
0x44f: {  	[tilespmem:v48+s22+$0x0] =	vst.idx.msk $0xffff, v33  }
0x450: {  	s1 =	simm.s32 $0x5;
	v49 =	vadd.s32 v20, v35;
	v33 =	vld [tilespmem:s31+$0x30]  }
0x451: {  	v50 =	vmov s1  }
0x452: {  	v35 =	vshrl.u32 v50, $0x3  }
0x453: {  	v35 =	vshll.u32 v35, v1  }
0x454: {  	v35 =	vbroadcast v35, $0x0  }
0x455: {  	[tilespmem:v49+s22+$0x0] =	vst.idx.msk $0xffff, v33  }
0x456: {  	v51 =	vadd.s32 v21, v35;
	v33 =	vld [tilespmem:s31+$0x40];
	_ =	sdelay $0x4  }
0x457: {  	[tilespmem:v51+s22+$0x0] =	vst.idx.msk $0xffff, v33  }
0x458: {  	v52 =	vadd.s32 v22, v35;
	v33 =	vld [tilespmem:s31+$0x50];
	_ =	sdelay $0x4  }
0x459: {  	[tilespmem:v52+s22+$0x0] =	vst.idx.msk $0xffff, v33  }
0x45a: {  	v53 =	vadd.s32 v23, v35;
	v33 =	vld [tilespmem:s31+$0x60];
	_ =	sdelay $0x4  }
0x45b: {  	[tilespmem:v53+s22+$0x0] =	vst.idx.msk $0xffff, v33  }
0x45c: {  	s14 =	simm.s32 $0x6;
	v54 =	vadd.s32 v24, v35;
	v33 =	vld [tilespmem:s31+$0x70]  }
0x45d: {  	v55 =	vmov s14  }
0x45e: {  	v35 =	vshrl.u32 v55, $0x3  }
0x45f: {  	v35 =	vshll.u32 v35, v1  }
0x460: {  	v35 =	vbroadcast v35, $0x0  }
0x461: {  	[tilespmem:v54+s22+$0x0] =	vst.idx.msk $0xffff, v33  }
0x462: {  	v56 =	vadd.s32 v25, v35;
	v33 =	vld [tilespmem:s31+$0x80];
	_ =	sdelay $0x4  }
0x463: {  	[tilespmem:v56+s22+$0x0] =	vst.idx.msk $0xffff, v33  }
0x464: {  	v57 =	vadd.s32 v26, v35;
	v33 =	vld [tilespmem:s31+$0x90];
	_ =	sdelay $0x4  }
0x465: {  	[tilespmem:v57+s22+$0x0] =	vst.idx.msk $0xffff, v33  }
0x466: {  	v58 =	vadd.s32 v27, v35;
	v33 =	vld [tilespmem:s31+$0xA0];
	_ =	sdelay $0x4  }
0x467: {  	[tilespmem:v58+s22+$0x0] =	vst.idx.msk $0xffff, v33  }
0x468: {  	s20 =	simm.s32 $0x7;
	v59 =	vadd.s32 v28, v35;
	v33 =	vld [tilespmem:s31+$0xB0]  }
0x469: {  	v60 =	vmov s20  }
0x46a: {  	v35 =	vshrl.u32 v60, $0x3  }
0x46b: {  	v35 =	vshll.u32 v35, v1  }
0x46c: {  	v35 =	vbroadcast v35, $0x0  }
0x46d: {  	[tilespmem:v59+s22+$0x0] =	vst.idx.msk $0xffff, v33  }
0x46e: {  	v61 =	vadd.s32 v29, v35;
	v33 =	vld [tilespmem:s31+$0xC0];
	_ =	sdelay $0x4  }
0x46f: {  	[tilespmem:v61+s22+$0x0] =	vst.idx.msk $0xffff, v33  }
0x470: {  	v62 =	vadd.s32 v30, v35;
	v33 =	vld [tilespmem:s31+$0xD0];
	_ =	sdelay $0x4  }
0x471: {  	[tilespmem:v62+s22+$0x0] =	vst.idx.msk $0xffff, v33  }
0x472: {  	v63 =	vadd.s32 v31, v35;
	v33 =	vld [tilespmem:s31+$0xE0];
	_ =	sdelay $0x4  }
0x473: {  	[tilespmem:v63+s22+$0x0] =	vst.idx.msk $0xffff, v33  }
0x474: {  	s1 =	simm.s32 $0xF;
	s0 =	simm.s32 $0x17;
	s14 =	simm.s32 $0x8;
	v34 =	vadd.s32 v32, v35;
	v33 =	vld [tilespmem:s31+$0xF0]  }
.LBB2_15:
0x475: {  	p0 =	sne.s32 s0, $0x7F;
	v35 =	vmov s14  }
0x476: {  	v35 =	vshrl.u32 v35, $0x3  }
0x477: {  	v35 =	vshll.u32 v35, v1  }
0x478: {  	v35 =	vbroadcast v35, $0x0  }
0x479: {  	s31 =	sadd.s32 $0x200, s31;
	[tilespmem:v34+s22+$0x0] =	vst.idx.msk $0xffff, v33  }
0x47a: {  	v33 =	vld [tilespmem:s31+$0xFFFFFF00];
	v34 =	vadd.s32 v0, v35;
	_ =	sdelay $0x4  }
0x47b: {  	[tilespmem:v34+s22+$0x0] =	vst.idx.msk $0xffff, v33  }
0x47c: {  	v34 =	vadd.s32 v2, v35;
	v33 =	vld [tilespmem:s31+$0xFFFFFF10];
	_ =	sdelay $0x4  }
0x47d: {  	[tilespmem:v34+s22+$0x0] =	vst.idx.msk $0xffff, v33  }
0x47e: {  	v34 =	vadd.s32 v3, v35;
	v33 =	vld [tilespmem:s31+$0xFFFFFF20];
	_ =	sdelay $0x4  }
0x47f: {  	[tilespmem:v34+s22+$0x0] =	vst.idx.msk $0xffff, v33  }
0x480: {  	s14 =	sadd.s32 $0xFFFFFFFA, s1;
	v34 =	vadd.s32 v4, v35;
	v33 =	vld [tilespmem:s31+$0xFFFFFF30]  }
0x481: {  	v35 =	vmov s14  }
0x482: {  	v35 =	vshrl.u32 v35, $0x3  }
0x483: {  	v35 =	vshll.u32 v35, v1  }
0x484: {  	v35 =	vbroadcast v35, $0x0  }
0x485: {  	[tilespmem:v34+s22+$0x0] =	vst.idx.msk $0xffff, v33  }
0x486: {  	v34 =	vadd.s32 v5, v35;
	v33 =	vld [tilespmem:s31+$0xFFFFFF40];
	_ =	sdelay $0x4  }
0x487: {  	[tilespmem:v34+s22+$0x0] =	vst.idx.msk $0xffff, v33  }
0x488: {  	v34 =	vadd.s32 v6, v35;
	v33 =	vld [tilespmem:s31+$0xFFFFFF50];
	_ =	sdelay $0x4  }
0x489: {  	[tilespmem:v34+s22+$0x0] =	vst.idx.msk $0xffff, v33  }
0x48a: {  	v34 =	vadd.s32 v7, v35;
	v33 =	vld [tilespmem:s31+$0xFFFFFF60];
	_ =	sdelay $0x4  }
0x48b: {  	[tilespmem:v34+s22+$0x0] =	vst.idx.msk $0xffff, v33  }
0x48c: {  	s14 =	sadd.s32 $0xFFFFFFFB, s1;
	v34 =	vadd.s32 v8, v35;
	v33 =	vld [tilespmem:s31+$0xFFFFFF70]  }
0x48d: {  	v35 =	vmov s14  }
0x48e: {  	v35 =	vshrl.u32 v35, $0x3  }
0x48f: {  	v35 =	vshll.u32 v35, v1  }
0x490: {  	v35 =	vbroadcast v35, $0x0  }
0x491: {  	[tilespmem:v34+s22+$0x0] =	vst.idx.msk $0xffff, v33  }
0x492: {  	v34 =	vadd.s32 v9, v35;
	v33 =	vld [tilespmem:s31+$0xFFFFFF80];
	_ =	sdelay $0x4  }
0x493: {  	[tilespmem:v34+s22+$0x0] =	vst.idx.msk $0xffff, v33  }
0x494: {  	v34 =	vadd.s32 v10, v35;
	v33 =	vld [tilespmem:s31+$0xFFFFFF90];
	_ =	sdelay $0x4  }
0x495: {  	[tilespmem:v34+s22+$0x0] =	vst.idx.msk $0xffff, v33  }
0x496: {  	v34 =	vadd.s32 v11, v35;
	v33 =	vld [tilespmem:s31+$0xFFFFFFA0];
	_ =	sdelay $0x4  }
0x497: {  	[tilespmem:v34+s22+$0x0] =	vst.idx.msk $0xffff, v33  }
0x498: {  	s14 =	sadd.s32 $0xFFFFFFFC, s1;
	v34 =	vadd.s32 v12, v35;
	v33 =	vld [tilespmem:s31+$0xFFFFFFB0]  }
0x499: {  	v35 =	vmov s14  }
0x49a: {  	v35 =	vshrl.u32 v35, $0x3  }
0x49b: {  	v35 =	vshll.u32 v35, v1  }
0x49c: {  	v35 =	vbroadcast v35, $0x0  }
0x49d: {  	[tilespmem:v34+s22+$0x0] =	vst.idx.msk $0xffff, v33  }
0x49e: {  	v34 =	vadd.s32 v13, v35;
	v33 =	vld [tilespmem:s31+$0xFFFFFFC0];
	_ =	sdelay $0x4  }
0x49f: {  	[tilespmem:v34+s22+$0x0] =	vst.idx.msk $0xffff, v33  }
0x4a0: {  	v34 =	vadd.s32 v14, v35;
	v33 =	vld [tilespmem:s31+$0xFFFFFFD0];
	_ =	sdelay $0x4  }
0x4a1: {  	[tilespmem:v34+s22+$0x0] =	vst.idx.msk $0xffff, v33  }
0x4a2: {  	v34 =	vadd.s32 v15, v35;
	v33 =	vld [tilespmem:s31+$0xFFFFFFE0];
	_ =	sdelay $0x4  }
0x4a3: {  	[tilespmem:v34+s22+$0x0] =	vst.idx.msk $0xffff, v33  }
0x4a4: {  	s14 =	sadd.s32 $0xFFFFFFFD, s1;
	v34 =	vadd.s32 v16, v35;
	v33 =	vld [tilespmem:s31+$0xFFFFFFF0]  }
0x4a5: {  	v35 =	vmov s14  }
0x4a6: {  	v35 =	vshrl.u32 v35, $0x3  }
0x4a7: {  	v35 =	vshll.u32 v35, v1  }
0x4a8: {  	v35 =	vbroadcast v35, $0x0  }
0x4a9: {  	[tilespmem:v34+s22+$0x0] =	vst.idx.msk $0xffff, v33  }
0x4aa: {  	v34 =	vadd.s32 v17, v35;
	v33 =	vld [tilespmem:s31+$0x0];
	_ =	sdelay $0x4  }
0x4ab: {  	[tilespmem:v34+s22+$0x0] =	vst.idx.msk $0xffff, v33  }
0x4ac: {  	v34 =	vadd.s32 v18, v35;
	v33 =	vld [tilespmem:s31+$0x10];
	_ =	sdelay $0x4  }
0x4ad: {  	[tilespmem:v34+s22+$0x0] =	vst.idx.msk $0xffff, v33  }
0x4ae: {  	v34 =	vadd.s32 v19, v35;
	v33 =	vld [tilespmem:s31+$0x20];
	_ =	sdelay $0x4  }
0x4af: {  	[tilespmem:v34+s22+$0x0] =	vst.idx.msk $0xffff, v33  }
0x4b0: {  	s14 =	sadd.s32 $0xFFFFFFFE, s1;
	v34 =	vadd.s32 v20, v35;
	v33 =	vld [tilespmem:s31+$0x30]  }
0x4b1: {  	v35 =	vmov s14  }
0x4b2: {  	v35 =	vshrl.u32 v35, $0x3  }
0x4b3: {  	v35 =	vshll.u32 v35, v1  }
0x4b4: {  	v35 =	vbroadcast v35, $0x0  }
0x4b5: {  	[tilespmem:v34+s22+$0x0] =	vst.idx.msk $0xffff, v33  }
0x4b6: {  	v34 =	vadd.s32 v21, v35;
	v33 =	vld [tilespmem:s31+$0x40];
	_ =	sdelay $0x4  }
0x4b7: {  	[tilespmem:v34+s22+$0x0] =	vst.idx.msk $0xffff, v33  }
0x4b8: {  	v34 =	vadd.s32 v22, v35;
	v33 =	vld [tilespmem:s31+$0x50];
	_ =	sdelay $0x4  }
0x4b9: {  	[tilespmem:v34+s22+$0x0] =	vst.idx.msk $0xffff, v33  }
0x4ba: {  	v34 =	vadd.s32 v23, v35;
	v33 =	vld [tilespmem:s31+$0x60];
	_ =	sdelay $0x4  }
0x4bb: {  	[tilespmem:v34+s22+$0x0] =	vst.idx.msk $0xffff, v33  }
0x4bc: {  	s14 =	sadd.s32 $0xFFFFFFFF, s1;
	v34 =	vadd.s32 v24, v35;
	v33 =	vld [tilespmem:s31+$0x70]  }
0x4bd: {  	v35 =	vmov s14  }
0x4be: {  	v35 =	vshrl.u32 v35, $0x3  }
0x4bf: {  	v35 =	vshll.u32 v35, v1  }
0x4c0: {  	v35 =	vbroadcast v35, $0x0  }
0x4c1: {  	[tilespmem:v34+s22+$0x0] =	vst.idx.msk $0xffff, v33  }
0x4c2: {  	v34 =	vadd.s32 v25, v35;
	v33 =	vld [tilespmem:s31+$0x80];
	_ =	sdelay $0x4  }
0x4c3: {  	[tilespmem:v34+s22+$0x0] =	vst.idx.msk $0xffff, v33  }
0x4c4: {  	v34 =	vadd.s32 v26, v35;
	v33 =	vld [tilespmem:s31+$0x90];
	_ =	sdelay $0x4  }
0x4c5: {  	[tilespmem:v34+s22+$0x0] =	vst.idx.msk $0xffff, v33  }
0x4c6: {  	v34 =	vadd.s32 v27, v35;
	v33 =	vld [tilespmem:s31+$0xA0];
	_ =	sdelay $0x4  }
0x4c7: {  	[tilespmem:v34+s22+$0x0] =	vst.idx.msk $0xffff, v33  }
0x4c8: {  	v34 =	vadd.s32 v28, v35;
	v33 =	vld [tilespmem:s31+$0xB0]  }
0x4c9: {  	v35 =	vmov s1;
	s1 =	smov.u32 s0  }
0x4ca: {  	v35 =	vshrl.u32 v35, $0x3  }
0x4cb: {  	v35 =	vshll.u32 v35, v1  }
0x4cc: {  	v35 =	vbroadcast v35, $0x0  }
0x4cd: {  	[tilespmem:v34+s22+$0x0] =	vst.idx.msk $0xffff, v33  }
0x4ce: {  	v34 =	vadd.s32 v29, v35;
	v33 =	vld [tilespmem:s31+$0xC0];
	_ =	sdelay $0x4  }
0x4cf: {  	[tilespmem:v34+s22+$0x0] =	vst.idx.msk $0xffff, v33  }
0x4d0: {  	v34 =	vadd.s32 v30, v35;
	v33 =	vld [tilespmem:s31+$0xD0];
	_ =	sdelay $0x4  }
0x4d1: {  	[tilespmem:v34+s22+$0x0] =	vst.idx.msk $0xffff, v33  }
0x4d2: {  	v34 =	vadd.s32 v31, v35;
	v33 =	vld [tilespmem:s31+$0xE0];
	_ =	sdelay $0x1  }
.Ltmp6:
0x4d3: {  	(pc) =	sbr.rel @p0 .LBB2_15-.Ltmp6, $3  }
0x4d4: {  	_ =	sdelay $0x1  }
0x4d5: {  	[tilespmem:v34+s22+$0x0] =	vst.idx.msk $0xffff, v33  }
0x4d6: {  	s0 =	sadd.s32 $0x8, s0;
	s14 =	sadd.s32 $0xFFFFFFF9, s1;
	v34 =	vadd.s32 v32, v35;
	v33 =	vld [tilespmem:s31+$0xF0]  }
0x4d7: {  	v35 =	vmov s14  }
0x4d8: {  	v35 =	vshrl.u32 v35, $0x3  }
0x4d9: {  	v35 =	vshll.u32 v35, v1  }
0x4da: {  	v35 =	vbroadcast v35, $0x0  }
0x4db: {  	s0 =	sadd.s32 $0x200, s31;
	[tilespmem:v34+s22+$0x0] =	vst.idx.msk $0xffff, v33  }
0x4dc: {  	v33 =	vld [tilespmem:s0+$0xFFFFFF00];
	v53 =	vadd.s32 v0, v35;
	_ =	sdelay $0x4  }
0x4dd: {  	[tilespmem:v53+s22+$0x0] =	vst.idx.msk $0xffff, v33  }
0x4de: {  	v54 =	vadd.s32 v2, v35;
	v33 =	vld [tilespmem:s0+$0xFFFFFF10];
	_ =	sdelay $0x4  }
0x4df: {  	[tilespmem:v54+s22+$0x0] =	vst.idx.msk $0xffff, v33  }
0x4e0: {  	v55 =	vadd.s32 v3, v35;
	v33 =	vld [tilespmem:s0+$0xFFFFFF20];
	_ =	sdelay $0x4  }
0x4e1: {  	[tilespmem:v55+s22+$0x0] =	vst.idx.msk $0xffff, v33  }
0x4e2: {  	s20 =	sadd.s32 $0xFFFFFFFA, s1;
	v56 =	vadd.s32 v4, v35;
	v33 =	vld [tilespmem:s0+$0xFFFFFF30]  }
0x4e3: {  	v57 =	vmov s20  }
0x4e4: {  	v35 =	vshrl.u32 v57, $0x3  }
0x4e5: {  	v35 =	vshll.u32 v35, v1  }
0x4e6: {  	v35 =	vbroadcast v35, $0x0  }
0x4e7: {  	[tilespmem:v56+s22+$0x0] =	vst.idx.msk $0xffff, v33  }
0x4e8: {  	v58 =	vadd.s32 v5, v35;
	v33 =	vld [tilespmem:s0+$0xFFFFFF40];
	_ =	sdelay $0x4  }
0x4e9: {  	[tilespmem:v58+s22+$0x0] =	vst.idx.msk $0xffff, v33  }
0x4ea: {  	v59 =	vadd.s32 v6, v35;
	v33 =	vld [tilespmem:s0+$0xFFFFFF50];
	_ =	sdelay $0x4  }
0x4eb: {  	[tilespmem:v59+s22+$0x0] =	vst.idx.msk $0xffff, v33  }
0x4ec: {  	v60 =	vadd.s32 v7, v35;
	v33 =	vld [tilespmem:s0+$0xFFFFFF60];
	_ =	sdelay $0x4  }
0x4ed: {  	[tilespmem:v60+s22+$0x0] =	vst.idx.msk $0xffff, v33  }
0x4ee: {  	s20 =	sadd.s32 $0xFFFFFFFB, s1;
	v61 =	vadd.s32 v8, v35;
	v33 =	vld [tilespmem:s0+$0xFFFFFF70]  }
0x4ef: {  	v62 =	vmov s20  }
0x4f0: {  	v35 =	vshrl.u32 v62, $0x3  }
0x4f1: {  	v35 =	vshll.u32 v35, v1  }
0x4f2: {  	v35 =	vbroadcast v35, $0x0  }
0x4f3: {  	[tilespmem:v61+s22+$0x0] =	vst.idx.msk $0xffff, v33  }
0x4f4: {  	v63 =	vadd.s32 v9, v35;
	v33 =	vld [tilespmem:s0+$0xFFFFFF80];
	_ =	sdelay $0x4  }
0x4f5: {  	[tilespmem:v63+s22+$0x0] =	vst.idx.msk $0xffff, v33  }
0x4f6: {  	v36 =	vadd.s32 v10, v35;
	v33 =	vld [tilespmem:s0+$0xFFFFFF90];
	_ =	sdelay $0x4  }
0x4f7: {  	[tilespmem:v36+s22+$0x0] =	vst.idx.msk $0xffff, v33  }
0x4f8: {  	v37 =	vadd.s32 v11, v35;
	v33 =	vld [tilespmem:s0+$0xFFFFFFA0];
	_ =	sdelay $0x4  }
0x4f9: {  	[tilespmem:v37+s22+$0x0] =	vst.idx.msk $0xffff, v33  }
0x4fa: {  	s20 =	sadd.s32 $0xFFFFFFFC, s1;
	v38 =	vadd.s32 v12, v35;
	v33 =	vld [tilespmem:s0+$0xFFFFFFB0]  }
0x4fb: {  	v39 =	vmov s20  }
0x4fc: {  	v35 =	vshrl.u32 v39, $0x3  }
0x4fd: {  	v35 =	vshll.u32 v35, v1  }
0x4fe: {  	v35 =	vbroadcast v35, $0x0  }
0x4ff: {  	[tilespmem:v38+s22+$0x0] =	vst.idx.msk $0xffff, v33  }
0x500: {  	v40 =	vadd.s32 v13, v35;
	v33 =	vld [tilespmem:s0+$0xFFFFFFC0];
	_ =	sdelay $0x4  }
0x501: {  	[tilespmem:v40+s22+$0x0] =	vst.idx.msk $0xffff, v33  }
0x502: {  	v41 =	vadd.s32 v14, v35;
	v33 =	vld [tilespmem:s0+$0xFFFFFFD0];
	_ =	sdelay $0x4  }
0x503: {  	[tilespmem:v41+s22+$0x0] =	vst.idx.msk $0xffff, v33  }
0x504: {  	v42 =	vadd.s32 v15, v35;
	v33 =	vld [tilespmem:s0+$0xFFFFFFE0];
	_ =	sdelay $0x4  }
0x505: {  	[tilespmem:v42+s22+$0x0] =	vst.idx.msk $0xffff, v33  }
0x506: {  	s20 =	sadd.s32 $0xFFFFFFFD, s1;
	v43 =	vadd.s32 v16, v35;
	v33 =	vld [tilespmem:s0+$0xFFFFFFF0]  }
0x507: {  	v44 =	vmov s20  }
0x508: {  	v35 =	vshrl.u32 v44, $0x3  }
0x509: {  	v35 =	vshll.u32 v35, v1  }
0x50a: {  	v35 =	vbroadcast v35, $0x0  }
0x50b: {  	[tilespmem:v43+s22+$0x0] =	vst.idx.msk $0xffff, v33  }
0x50c: {  	v45 =	vadd.s32 v17, v35;
	v33 =	vld [tilespmem:s0+$0x0];
	_ =	sdelay $0x4  }
0x50d: {  	[tilespmem:v45+s22+$0x0] =	vst.idx.msk $0xffff, v33  }
0x50e: {  	v46 =	vadd.s32 v18, v35;
	v33 =	vld [tilespmem:s0+$0x10];
	_ =	sdelay $0x4  }
0x50f: {  	[tilespmem:v46+s22+$0x0] =	vst.idx.msk $0xffff, v33  }
0x510: {  	v47 =	vadd.s32 v19, v35;
	v33 =	vld [tilespmem:s0+$0x20];
	_ =	sdelay $0x4  }
0x511: {  	[tilespmem:v47+s22+$0x0] =	vst.idx.msk $0xffff, v33  }
0x512: {  	s20 =	sadd.s32 $0xFFFFFFFE, s1;
	v48 =	vadd.s32 v20, v35;
	v33 =	vld [tilespmem:s0+$0x30]  }
0x513: {  	v49 =	vmov s20  }
0x514: {  	v35 =	vshrl.u32 v49, $0x3  }
0x515: {  	v35 =	vshll.u32 v35, v1  }
0x516: {  	v35 =	vbroadcast v35, $0x0  }
0x517: {  	[tilespmem:v48+s22+$0x0] =	vst.idx.msk $0xffff, v33  }
0x518: {  	v50 =	vadd.s32 v21, v35;
	v33 =	vld [tilespmem:s0+$0x40];
	_ =	sdelay $0x4  }
0x519: {  	[tilespmem:v50+s22+$0x0] =	vst.idx.msk $0xffff, v33  }
0x51a: {  	v51 =	vadd.s32 v22, v35;
	v33 =	vld [tilespmem:s0+$0x50];
	_ =	sdelay $0x4  }
0x51b: {  	[tilespmem:v51+s22+$0x0] =	vst.idx.msk $0xffff, v33  }
0x51c: {  	v52 =	vadd.s32 v23, v35;
	v33 =	vld [tilespmem:s0+$0x60];
	_ =	sdelay $0x4  }
0x51d: {  	[tilespmem:v52+s22+$0x0] =	vst.idx.msk $0xffff, v33  }
0x51e: {  	s20 =	sadd.s32 $0xFFFFFFFF, s1;
	v53 =	vadd.s32 v24, v35;
	v33 =	vld [tilespmem:s0+$0x70]  }
0x51f: {  	v54 =	vmov s20  }
0x520: {  	v35 =	vshrl.u32 v54, $0x3  }
0x521: {  	v35 =	vshll.u32 v35, v1  }
0x522: {  	v35 =	vbroadcast v35, $0x0  }
0x523: {  	[tilespmem:v53+s22+$0x0] =	vst.idx.msk $0xffff, v33  }
0x524: {  	v55 =	vadd.s32 v25, v35;
	v33 =	vld [tilespmem:s0+$0x80];
	_ =	sdelay $0x4  }
0x525: {  	[tilespmem:v55+s22+$0x0] =	vst.idx.msk $0xffff, v33  }
0x526: {  	v56 =	vadd.s32 v26, v35;
	v33 =	vld [tilespmem:s0+$0x90];
	_ =	sdelay $0x4  }
0x527: {  	[tilespmem:v56+s22+$0x0] =	vst.idx.msk $0xffff, v33  }
0x528: {  	v57 =	vadd.s32 v27, v35;
	v33 =	vld [tilespmem:s0+$0xA0];
	_ =	sdelay $0x4  }
0x529: {  	[tilespmem:v57+s22+$0x0] =	vst.idx.msk $0xffff, v33  }
0x52a: {  	v58 =	vadd.s32 v28, v35;
	v33 =	vld [tilespmem:s0+$0xB0]  }
0x52b: {  	v59 =	vmov s1  }
0x52c: {  	v35 =	vshrl.u32 v59, $0x3  }
0x52d: {  	v35 =	vshll.u32 v35, v1  }
0x52e: {  	v35 =	vbroadcast v35, $0x0  }
0x52f: {  	[tilespmem:v58+s22+$0x0] =	vst.idx.msk $0xffff, v33  }
0x530: {  	v60 =	vadd.s32 v29, v35;
	v33 =	vld [tilespmem:s0+$0xC0];
	_ =	sdelay $0x4  }
0x531: {  	[tilespmem:v60+s22+$0x0] =	vst.idx.msk $0xffff, v33  }
0x532: {  	v61 =	vadd.s32 v30, v35;
	v33 =	vld [tilespmem:s0+$0xD0];
	_ =	sdelay $0x4  }
0x533: {  	[tilespmem:v61+s22+$0x0] =	vst.idx.msk $0xffff, v33  }
0x534: {  	v62 =	vadd.s32 v31, v35;
	v33 =	vld [tilespmem:s0+$0xE0];
	_ =	sdelay $0x4  }
0x535: {  	[tilespmem:v62+s22+$0x0] =	vst.idx.msk $0xffff, v33  }
0x536: {  	v63 =	vadd.s32 v32, v35;
	v33 =	vld [tilespmem:s0+$0xF0];
	_ =	sdelay $0x4  }
0x537: {  	s20 =	simm.s32 $0xC600;
	s1 =	sadd.s32 s29, s8;
	[tilespmem:v63+s22+$0x0] =	vst.idx.msk $0xffff, v33  }
0x538: {  	[hbm4b:s1+s3] =	stream.linear.scatter [tilespmem:s20], [sflag:$0x4], $0x80, $0x38;
	[tilespmem:$0xE800] =	vst v63  }
0x539: {  	s14 =	simm.s32 $0xC688;
	s20 =	sadd.s32 $0x10, s1  }
0x53a: {  	[hbm4b:s20+s3] =	stream.linear.scatter [tilespmem:s14], [sflag:$0x4], $0x80, $0x38;
	[tilespmem:$0xE800] =	vst v63  }
0x53b: {  	s14 =	simm.s32 $0xC710;
	s20 =	sadd.s32 $0x20, s1  }
0x53c: {  	[hbm4b:s20+s3] =	stream.linear.scatter [tilespmem:s14], [sflag:$0x4], $0x80, $0x38;
	[tilespmem:$0xE800] =	vst v63  }
0x53d: {  	s14 =	simm.s32 $0xC798;
	s20 =	sadd.s32 $0x30, s1  }
0x53e: {  	[hbm4b:s20+s3] =	stream.linear.scatter [tilespmem:s14], [sflag:$0x4], $0x80, $0x38;
	[tilespmem:$0xE800] =	vst v63  }
0x53f: {  	s14 =	simm.s32 $0xC820;
	s20 =	sadd.s32 $0x40, s1  }
0x540: {  	[hbm4b:s20+s3] =	stream.linear.scatter [tilespmem:s14], [sflag:$0x4], $0x80, $0x38;
	[tilespmem:$0xE800] =	vst v63  }
0x541: {  	s29 =	simm.s32 $0x2200;
	s14 =	simm.s32 $0xC8A8;
	s20 =	sadd.s32 $0x50, s1  }
0x542: {  	[hbm4b:s20+s3] =	stream.linear.scatter [tilespmem:s14], [sflag:$0x4], $0x80, $0x38;
	[tilespmem:$0xE800] =	vst v63  }
0x543: {  	s31 =	sadd.s32 $0x70, s1;
	s14 =	simm.s32 $0xC930;
	s20 =	sadd.s32 $0x60, s1  }
0x544: {  	[hbm4b:s20+s3] =	stream.linear.scatter [tilespmem:s14], [sflag:$0x4], $0x80, $0x38;
	[tilespmem:$0xE800] =	vst v63  }
0x545: {  	s0 =	simm.s32 $0x440;
	s1 =	sadd.s32 $0x1000, s1;
	s14 =	simm.s32 $0xC9B8  }
.LBB2_17:
0x546: {  	[hbm4b:s31+s3] =	stream.linear.scatter [tilespmem:s14], [sflag:$0x4], $0x80, $0x38;
	[tilespmem:$0xE800] =	vst v63  }
0x547: {  	s14 =	smov.u32 s0;
	s0 =	smov.u32 s29  }
0x548: {  	s20 =	sadd.s32 $0x1100, s29;
	s0 =	sshra.s32 s0, $0x2;
	s31 =	sadd.s32 $0xC600, s14  }
0x549: {  	[hbm4b:s1+s3] =	stream.linear.scatter [tilespmem:s31], [sflag:$0x4], $0x80, $0x38;
	[tilespmem:$0xE800] =	vst v63  }
0x54a: {  	p0 =	sne.s32 s29, $0x7700;
	s29 =	sadd.s32 $0xC688, s14;
	s31 =	sadd.s32 $0x10, s1  }
0x54b: {  	[hbm4b:s31+s3] =	stream.linear.scatter [tilespmem:s29], [sflag:$0x4], $0x80, $0x38;
	[tilespmem:$0xE800] =	vst v63  }
0x54c: {  	s29 =	sadd.s32 $0xC710, s14;
	s31 =	sadd.s32 $0x20, s1  }
0x54d: {  	[hbm4b:s31+s3] =	stream.linear.scatter [tilespmem:s29], [sflag:$0x4], $0x80, $0x38;
	[tilespmem:$0xE800] =	vst v63  }
0x54e: {  	s29 =	sadd.s32 $0xC798, s14;
	s31 =	sadd.s32 $0x30, s1  }
0x54f: {  	[hbm4b:s31+s3] =	stream.linear.scatter [tilespmem:s29], [sflag:$0x4], $0x80, $0x38;
	[tilespmem:$0xE800] =	vst v63  }
0x550: {  	s29 =	sadd.s32 $0xC820, s14;
	s31 =	sadd.s32 $0x40, s1  }
0x551: {  	[hbm4b:s31+s3] =	stream.linear.scatter [tilespmem:s29], [sflag:$0x4], $0x80, $0x38;
	[tilespmem:$0xE800] =	vst v63  }
.Ltmp7:
0x552: {  	s29 =	sadd.s32 $0xC8A8, s14;
	s31 =	sadd.s32 $0x50, s1;
	(pc) =	sbr.rel @p0 .LBB2_17-.Ltmp7, $4  }
0x553: {  	[hbm4b:s31+s3] =	stream.linear.scatter [tilespmem:s29], [sflag:$0x4], $0x80, $0x38;
	[tilespmem:$0xE800] =	vst v63  }
0x554: {  	s29 =	sadd.s32 $0xC930, s14;
	s31 =	sadd.s32 $0x60, s1;
	s14 =	sadd.s32 $0xC9B8, s14  }
0x555: {  	[hbm4b:s31+s3] =	stream.linear.scatter [tilespmem:s29], [sflag:$0x4], $0x80, $0x38;
	[tilespmem:$0xE800] =	vst v63  }
0x556: {  	s31 =	sadd.s32 $0x70, s1;
	s1 =	sadd.s32 $0x1000, s1;
	s29 =	smov.u32 s20  }
0x557: {  	[hbm4b:s31+s3] =	stream.linear.scatter [tilespmem:s14], [sflag:$0x4], $0x80, $0x38;
	[tilespmem:$0xE800] =	vst v63  }
0x558: {  	s29 =	sadd.s32 $0xC600, s0  }
0x559: {  	[hbm4b:s1+s3] =	stream.linear.scatter [tilespmem:s29], [sflag:$0x4], $0x80, $0x38;
	[tilespmem:$0xE800] =	vst v63  }
0x55a: {  	s31 =	sadd.s32 $0xC688, s0;
	s20 =	sadd.s32 $0x10, s1  }
0x55b: {  	[hbm4b:s20+s3] =	stream.linear.scatter [tilespmem:s31], [sflag:$0x4], $0x80, $0x38;
	[tilespmem:$0xE800] =	vst v63  }
0x55c: {  	s29 =	sadd.s32 $0xC710, s0;
	s31 =	sadd.s32 $0x20, s1  }
0x55d: {  	[hbm4b:s31+s3] =	stream.linear.scatter [tilespmem:s29], [sflag:$0x4], $0x80, $0x38;
	[tilespmem:$0xE800] =	vst v63  }
0x55e: {  	s29 =	sadd.s32 $0xC798, s0;
	s31 =	sadd.s32 $0x30, s1  }
0x55f: {  	[hbm4b:s31+s3] =	stream.linear.scatter [tilespmem:s29], [sflag:$0x4], $0x80, $0x38;
	[tilespmem:$0xE800] =	vst v63  }
0x560: {  	s29 =	sadd.s32 $0xC820, s0;
	s31 =	sadd.s32 $0x40, s1  }
0x561: {  	[hbm4b:s31+s3] =	stream.linear.scatter [tilespmem:s29], [sflag:$0x4], $0x80, $0x38;
	[tilespmem:$0xE800] =	vst v63  }
0x562: {  	s28 =	sadd.s32 $0x1, s28;
	s29 =	sadd.s32 $0xC8A8, s0;
	s31 =	sadd.s32 $0x50, s1  }
0x563: {  	[hbm4b:s31+s3] =	stream.linear.scatter [tilespmem:s29], [sflag:$0x4], $0x80, $0x38;
	[tilespmem:$0xE800] =	vst v63  }
0x564: {  	p0 =	sne.s32 s28, $0x63;
	s29 =	sadd.s32 $0xC930, s0;
	s31 =	sadd.s32 $0x60, s1  }
0x565: {  	[hbm4b:s31+s3] =	stream.linear.scatter [tilespmem:s29], [sflag:$0x4], $0x80, $0x38;
	[tilespmem:$0xE800] =	vst v63  }
.Ltmp8:
0x566: {  	_ = 	snop;
	(pc) =	sbr.rel @p0 .LBB2_10-.Ltmp8, $4  }
0x567: {  	s20 =	sadd.s32 $0xC9B8, s0;
	s29 =	sadd.s32 $0x70, s1  }
0x568: {  	[hbm4b:s29+s3] =	stream.linear.scatter [tilespmem:s20], [sflag:$0x4], $0x80, $0x38;
	[tilespmem:$0xE800] =	vst v63  }
0x569: {  	s31 =	sadd.s32 $0x180, s30  }
0x56a: {  	[tilespmem:s17], [sflag:$0x2] =	stream.indirect.gather [hbm4b:s4+s13], $0x40, s31, s13, $0xb8;
	[tilespmem:$0xE800] =	vst v63  }
0x56b: {  	_ =	swait.ge [sflag:s18], $0x2000;
	s0 =	simm.s32 $0x0  }
0x56c: {  	[sflag:s18] =	ssyncset.done $0x0;
	v33 =	vmov s0  }
0x56d: {  	[sflag:s18] =	ssyncadd.s32 $0xFFFFE000;
	v33 =	vshrl.u32 v33, $0x3  }
0x56e: {  	_ =	swait.ge [sflag:s24], $0x2000;
	v33 =	vshll.u32 v33, v1  }
0x56f: {  	[sflag:s24] =	ssyncset.done $0x0;
	v33 =	vbroadcast v33, $0x0  }
0x570: {  	s28 =	simm.s32 $0x6500;
	[sflag:s24] =	ssyncadd.s32 $0xFFFFE000  }
0x571: {  	v34 =	vld [tilespmem:s28+$0xFFFFFF00];
	v35 =	vadd.s32 v0, v33;
	_ =	sdelay $0x4  }
0x572: {  	[tilespmem:v35+s19+$0x0] =	vst.idx.msk $0xffff, v34  }
0x573: {  	v56 =	vadd.s32 v2, v33;
	v34 =	vld [tilespmem:s28+$0xFFFFFF10];
	_ =	sdelay $0x4  }
0x574: {  	[tilespmem:v56+s19+$0x0] =	vst.idx.msk $0xffff, v34  }
0x575: {  	v57 =	vadd.s32 v3, v33;
	v34 =	vld [tilespmem:s28+$0xFFFFFF20];
	_ =	sdelay $0x4  }
0x576: {  	[tilespmem:v57+s19+$0x0] =	vst.idx.msk $0xffff, v34  }
0x577: {  	s31 =	simm.s32 $0x1;
	v33 =	vadd.s32 v4, v33;
	v34 =	vld [tilespmem:s28+$0xFFFFFF30]  }
0x578: {  	v58 =	vmov s31  }
0x579: {  	v35 =	vshrl.u32 v58, $0x3  }
0x57a: {  	v35 =	vshll.u32 v35, v1  }
0x57b: {  	v35 =	vbroadcast v35, $0x0  }
0x57c: {  	[tilespmem:v33+s19+$0x0] =	vst.idx.msk $0xffff, v34  }
0x57d: {  	v59 =	vadd.s32 v5, v35;
	v33 =	vld [tilespmem:s28+$0xFFFFFF40];
	_ =	sdelay $0x4  }
0x57e: {  	[tilespmem:v59+s19+$0x0] =	vst.idx.msk $0xffff, v33  }
0x57f: {  	v60 =	vadd.s32 v6, v35;
	v33 =	vld [tilespmem:s28+$0xFFFFFF50];
	_ =	sdelay $0x4  }
0x580: {  	[tilespmem:v60+s19+$0x0] =	vst.idx.msk $0xffff, v33  }
0x581: {  	v61 =	vadd.s32 v7, v35;
	v33 =	vld [tilespmem:s28+$0xFFFFFF60];
	_ =	sdelay $0x4  }
0x582: {  	[tilespmem:v61+s19+$0x0] =	vst.idx.msk $0xffff, v33  }
0x583: {  	s1 =	simm.s32 $0x2;
	v62 =	vadd.s32 v8, v35;
	v33 =	vld [tilespmem:s28+$0xFFFFFF70]  }
0x584: {  	v63 =	vmov s1  }
0x585: {  	v35 =	vshrl.u32 v63, $0x3  }
0x586: {  	v35 =	vshll.u32 v35, v1  }
0x587: {  	v35 =	vbroadcast v35, $0x0  }
0x588: {  	[tilespmem:v62+s19+$0x0] =	vst.idx.msk $0xffff, v33  }
0x589: {  	v36 =	vadd.s32 v9, v35;
	v33 =	vld [tilespmem:s28+$0xFFFFFF80];
	_ =	sdelay $0x4  }
0x58a: {  	[tilespmem:v36+s19+$0x0] =	vst.idx.msk $0xffff, v33  }
0x58b: {  	v37 =	vadd.s32 v10, v35;
	v33 =	vld [tilespmem:s28+$0xFFFFFF90];
	_ =	sdelay $0x4  }
0x58c: {  	[tilespmem:v37+s19+$0x0] =	vst.idx.msk $0xffff, v33  }
0x58d: {  	v38 =	vadd.s32 v11, v35;
	v33 =	vld [tilespmem:s28+$0xFFFFFFA0];
	_ =	sdelay $0x4  }
0x58e: {  	[tilespmem:v38+s19+$0x0] =	vst.idx.msk $0xffff, v33  }
0x58f: {  	s14 =	simm.s32 $0x3;
	v39 =	vadd.s32 v12, v35;
	v33 =	vld [tilespmem:s28+$0xFFFFFFB0]  }
0x590: {  	v40 =	vmov s14  }
0x591: {  	v35 =	vshrl.u32 v40, $0x3  }
0x592: {  	v35 =	vshll.u32 v35, v1  }
0x593: {  	v35 =	vbroadcast v35, $0x0  }
0x594: {  	[tilespmem:v39+s19+$0x0] =	vst.idx.msk $0xffff, v33  }
0x595: {  	v41 =	vadd.s32 v13, v35;
	v33 =	vld [tilespmem:s28+$0xFFFFFFC0];
	_ =	sdelay $0x4  }
0x596: {  	[tilespmem:v41+s19+$0x0] =	vst.idx.msk $0xffff, v33  }
0x597: {  	v42 =	vadd.s32 v14, v35;
	v33 =	vld [tilespmem:s28+$0xFFFFFFD0];
	_ =	sdelay $0x4  }
0x598: {  	[tilespmem:v42+s19+$0x0] =	vst.idx.msk $0xffff, v33  }
0x599: {  	v43 =	vadd.s32 v15, v35;
	v33 =	vld [tilespmem:s28+$0xFFFFFFE0];
	_ =	sdelay $0x4  }
0x59a: {  	[tilespmem:v43+s19+$0x0] =	vst.idx.msk $0xffff, v33  }
0x59b: {  	s20 =	simm.s32 $0x4;
	v44 =	vadd.s32 v16, v35;
	v33 =	vld [tilespmem:s28+$0xFFFFFFF0]  }
0x59c: {  	v45 =	vmov s20  }
0x59d: {  	v35 =	vshrl.u32 v45, $0x3  }
0x59e: {  	v35 =	vshll.u32 v35, v1  }
0x59f: {  	v35 =	vbroadcast v35, $0x0  }
0x5a0: {  	[tilespmem:v44+s19+$0x0] =	vst.idx.msk $0xffff, v33  }
0x5a1: {  	v46 =	vadd.s32 v17, v35;
	v33 =	vld [tilespmem:s28+$0x0];
	_ =	sdelay $0x4  }
0x5a2: {  	[tilespmem:v46+s19+$0x0] =	vst.idx.msk $0xffff, v33  }
0x5a3: {  	v47 =	vadd.s32 v18, v35;
	v33 =	vld [tilespmem:s28+$0x10];
	_ =	sdelay $0x4  }
0x5a4: {  	[tilespmem:v47+s19+$0x0] =	vst.idx.msk $0xffff, v33  }
0x5a5: {  	v48 =	vadd.s32 v19, v35;
	v33 =	vld [tilespmem:s28+$0x20];
	_ =	sdelay $0x4  }
0x5a6: {  	[tilespmem:v48+s19+$0x0] =	vst.idx.msk $0xffff, v33  }
0x5a7: {  	s29 =	simm.s32 $0x5;
	v49 =	vadd.s32 v20, v35;
	v33 =	vld [tilespmem:s28+$0x30]  }
0x5a8: {  	v50 =	vmov s29  }
0x5a9: {  	v35 =	vshrl.u32 v50, $0x3  }
0x5aa: {  	v35 =	vshll.u32 v35, v1  }
0x5ab: {  	v35 =	vbroadcast v35, $0x0  }
0x5ac: {  	[tilespmem:v49+s19+$0x0] =	vst.idx.msk $0xffff, v33  }
0x5ad: {  	v51 =	vadd.s32 v21, v35;
	v33 =	vld [tilespmem:s28+$0x40];
	_ =	sdelay $0x4  }
0x5ae: {  	[tilespmem:v51+s19+$0x0] =	vst.idx.msk $0xffff, v33  }
0x5af: {  	v52 =	vadd.s32 v22, v35;
	v33 =	vld [tilespmem:s28+$0x50];
	_ =	sdelay $0x4  }
0x5b0: {  	[tilespmem:v52+s19+$0x0] =	vst.idx.msk $0xffff, v33  }
0x5b1: {  	v53 =	vadd.s32 v23, v35;
	v33 =	vld [tilespmem:s28+$0x60];
	_ =	sdelay $0x4  }
0x5b2: {  	[tilespmem:v53+s19+$0x0] =	vst.idx.msk $0xffff, v33  }
0x5b3: {  	s30 =	simm.s32 $0x6;
	v54 =	vadd.s32 v24, v35;
	v33 =	vld [tilespmem:s28+$0x70]  }
0x5b4: {  	v55 =	vmov s30  }
0x5b5: {  	v35 =	vshrl.u32 v55, $0x3  }
0x5b6: {  	v35 =	vshll.u32 v35, v1  }
0x5b7: {  	v35 =	vbroadcast v35, $0x0  }
0x5b8: {  	[tilespmem:v54+s19+$0x0] =	vst.idx.msk $0xffff, v33  }
0x5b9: {  	v56 =	vadd.s32 v25, v35;
	v33 =	vld [tilespmem:s28+$0x80];
	_ =	sdelay $0x4  }
0x5ba: {  	[tilespmem:v56+s19+$0x0] =	vst.idx.msk $0xffff, v33  }
0x5bb: {  	v57 =	vadd.s32 v26, v35;
	v33 =	vld [tilespmem:s28+$0x90];
	_ =	sdelay $0x4  }
0x5bc: {  	[tilespmem:v57+s19+$0x0] =	vst.idx.msk $0xffff, v33  }
0x5bd: {  	v58 =	vadd.s32 v27, v35;
	v33 =	vld [tilespmem:s28+$0xA0];
	_ =	sdelay $0x4  }
0x5be: {  	[tilespmem:v58+s19+$0x0] =	vst.idx.msk $0xffff, v33  }
0x5bf: {  	s31 =	simm.s32 $0x7;
	v59 =	vadd.s32 v28, v35;
	v33 =	vld [tilespmem:s28+$0xB0]  }
0x5c0: {  	v60 =	vmov s31  }
0x5c1: {  	v35 =	vshrl.u32 v60, $0x3  }
0x5c2: {  	v35 =	vshll.u32 v35, v1  }
0x5c3: {  	v35 =	vbroadcast v35, $0x0  }
0x5c4: {  	[tilespmem:v59+s19+$0x0] =	vst.idx.msk $0xffff, v33  }
0x5c5: {  	v61 =	vadd.s32 v29, v35;
	v33 =	vld [tilespmem:s28+$0xC0];
	_ =	sdelay $0x4  }
0x5c6: {  	[tilespmem:v61+s19+$0x0] =	vst.idx.msk $0xffff, v33  }
0x5c7: {  	v62 =	vadd.s32 v30, v35;
	v33 =	vld [tilespmem:s28+$0xD0];
	_ =	sdelay $0x4  }
0x5c8: {  	[tilespmem:v62+s19+$0x0] =	vst.idx.msk $0xffff, v33  }
0x5c9: {  	v63 =	vadd.s32 v31, v35;
	v33 =	vld [tilespmem:s28+$0xE0];
	_ =	sdelay $0x4  }
0x5ca: {  	[tilespmem:v63+s19+$0x0] =	vst.idx.msk $0xffff, v33  }
0x5cb: {  	s1 =	simm.s32 $0xF;
	s14 =	simm.s32 $0x8;
	s0 =	simm.s32 $0x17;
	v34 =	vadd.s32 v32, v35;
	v33 =	vld [tilespmem:s28+$0xF0]  }
.LBB2_20:
0x5cc: {  	p0 =	sne.s32 s0, $0x7F;
	v35 =	vmov s14  }
0x5cd: {  	v35 =	vshrl.u32 v35, $0x3  }
0x5ce: {  	v35 =	vshll.u32 v35, v1  }
0x5cf: {  	v35 =	vbroadcast v35, $0x0  }
0x5d0: {  	s28 =	sadd.s32 $0x200, s28;
	[tilespmem:v34+s19+$0x0] =	vst.idx.msk $0xffff, v33  }
0x5d1: {  	v33 =	vld [tilespmem:s28+$0xFFFFFF00];
	v34 =	vadd.s32 v0, v35;
	_ =	sdelay $0x4  }
0x5d2: {  	[tilespmem:v34+s19+$0x0] =	vst.idx.msk $0xffff, v33  }
0x5d3: {  	v34 =	vadd.s32 v2, v35;
	v33 =	vld [tilespmem:s28+$0xFFFFFF10];
	_ =	sdelay $0x4  }
0x5d4: {  	[tilespmem:v34+s19+$0x0] =	vst.idx.msk $0xffff, v33  }
0x5d5: {  	v34 =	vadd.s32 v3, v35;
	v33 =	vld [tilespmem:s28+$0xFFFFFF20];
	_ =	sdelay $0x4  }
0x5d6: {  	[tilespmem:v34+s19+$0x0] =	vst.idx.msk $0xffff, v33  }
0x5d7: {  	s14 =	sadd.s32 $0xFFFFFFFA, s1;
	v34 =	vadd.s32 v4, v35;
	v33 =	vld [tilespmem:s28+$0xFFFFFF30]  }
0x5d8: {  	v35 =	vmov s14  }
0x5d9: {  	v35 =	vshrl.u32 v35, $0x3  }
0x5da: {  	v35 =	vshll.u32 v35, v1  }
0x5db: {  	v35 =	vbroadcast v35, $0x0  }
0x5dc: {  	[tilespmem:v34+s19+$0x0] =	vst.idx.msk $0xffff, v33  }
0x5dd: {  	v34 =	vadd.s32 v5, v35;
	v33 =	vld [tilespmem:s28+$0xFFFFFF40];
	_ =	sdelay $0x4  }
0x5de: {  	[tilespmem:v34+s19+$0x0] =	vst.idx.msk $0xffff, v33  }
0x5df: {  	v34 =	vadd.s32 v6, v35;
	v33 =	vld [tilespmem:s28+$0xFFFFFF50];
	_ =	sdelay $0x4  }
0x5e0: {  	[tilespmem:v34+s19+$0x0] =	vst.idx.msk $0xffff, v33  }
0x5e1: {  	v34 =	vadd.s32 v7, v35;
	v33 =	vld [tilespmem:s28+$0xFFFFFF60];
	_ =	sdelay $0x4  }
0x5e2: {  	[tilespmem:v34+s19+$0x0] =	vst.idx.msk $0xffff, v33  }
0x5e3: {  	s14 =	sadd.s32 $0xFFFFFFFB, s1;
	v34 =	vadd.s32 v8, v35;
	v33 =	vld [tilespmem:s28+$0xFFFFFF70]  }
0x5e4: {  	v35 =	vmov s14  }
0x5e5: {  	v35 =	vshrl.u32 v35, $0x3  }
0x5e6: {  	v35 =	vshll.u32 v35, v1  }
0x5e7: {  	v35 =	vbroadcast v35, $0x0  }
0x5e8: {  	[tilespmem:v34+s19+$0x0] =	vst.idx.msk $0xffff, v33  }
0x5e9: {  	v34 =	vadd.s32 v9, v35;
	v33 =	vld [tilespmem:s28+$0xFFFFFF80];
	_ =	sdelay $0x4  }
0x5ea: {  	[tilespmem:v34+s19+$0x0] =	vst.idx.msk $0xffff, v33  }
0x5eb: {  	v34 =	vadd.s32 v10, v35;
	v33 =	vld [tilespmem:s28+$0xFFFFFF90];
	_ =	sdelay $0x4  }
0x5ec: {  	[tilespmem:v34+s19+$0x0] =	vst.idx.msk $0xffff, v33  }
0x5ed: {  	v34 =	vadd.s32 v11, v35;
	v33 =	vld [tilespmem:s28+$0xFFFFFFA0];
	_ =	sdelay $0x4  }
0x5ee: {  	[tilespmem:v34+s19+$0x0] =	vst.idx.msk $0xffff, v33  }
0x5ef: {  	s14 =	sadd.s32 $0xFFFFFFFC, s1;
	v34 =	vadd.s32 v12, v35;
	v33 =	vld [tilespmem:s28+$0xFFFFFFB0]  }
0x5f0: {  	v35 =	vmov s14  }
0x5f1: {  	v35 =	vshrl.u32 v35, $0x3  }
0x5f2: {  	v35 =	vshll.u32 v35, v1  }
0x5f3: {  	v35 =	vbroadcast v35, $0x0  }
0x5f4: {  	[tilespmem:v34+s19+$0x0] =	vst.idx.msk $0xffff, v33  }
0x5f5: {  	v34 =	vadd.s32 v13, v35;
	v33 =	vld [tilespmem:s28+$0xFFFFFFC0];
	_ =	sdelay $0x4  }
0x5f6: {  	[tilespmem:v34+s19+$0x0] =	vst.idx.msk $0xffff, v33  }
0x5f7: {  	v34 =	vadd.s32 v14, v35;
	v33 =	vld [tilespmem:s28+$0xFFFFFFD0];
	_ =	sdelay $0x4  }
0x5f8: {  	[tilespmem:v34+s19+$0x0] =	vst.idx.msk $0xffff, v33  }
0x5f9: {  	v34 =	vadd.s32 v15, v35;
	v33 =	vld [tilespmem:s28+$0xFFFFFFE0];
	_ =	sdelay $0x4  }
0x5fa: {  	[tilespmem:v34+s19+$0x0] =	vst.idx.msk $0xffff, v33  }
0x5fb: {  	s14 =	sadd.s32 $0xFFFFFFFD, s1;
	v34 =	vadd.s32 v16, v35;
	v33 =	vld [tilespmem:s28+$0xFFFFFFF0]  }
0x5fc: {  	v35 =	vmov s14  }
0x5fd: {  	v35 =	vshrl.u32 v35, $0x3  }
0x5fe: {  	v35 =	vshll.u32 v35, v1  }
0x5ff: {  	v35 =	vbroadcast v35, $0x0  }
0x600: {  	[tilespmem:v34+s19+$0x0] =	vst.idx.msk $0xffff, v33  }
0x601: {  	v34 =	vadd.s32 v17, v35;
	v33 =	vld [tilespmem:s28+$0x0];
	_ =	sdelay $0x4  }
0x602: {  	[tilespmem:v34+s19+$0x0] =	vst.idx.msk $0xffff, v33  }
0x603: {  	v34 =	vadd.s32 v18, v35;
	v33 =	vld [tilespmem:s28+$0x10];
	_ =	sdelay $0x4  }
0x604: {  	[tilespmem:v34+s19+$0x0] =	vst.idx.msk $0xffff, v33  }
0x605: {  	v34 =	vadd.s32 v19, v35;
	v33 =	vld [tilespmem:s28+$0x20];
	_ =	sdelay $0x4  }
0x606: {  	[tilespmem:v34+s19+$0x0] =	vst.idx.msk $0xffff, v33  }
0x607: {  	s14 =	sadd.s32 $0xFFFFFFFE, s1;
	v34 =	vadd.s32 v20, v35;
	v33 =	vld [tilespmem:s28+$0x30]  }
0x608: {  	v35 =	vmov s14  }
0x609: {  	v35 =	vshrl.u32 v35, $0x3  }
0x60a: {  	v35 =	vshll.u32 v35, v1  }
0x60b: {  	v35 =	vbroadcast v35, $0x0  }
0x60c: {  	[tilespmem:v34+s19+$0x0] =	vst.idx.msk $0xffff, v33  }
0x60d: {  	v34 =	vadd.s32 v21, v35;
	v33 =	vld [tilespmem:s28+$0x40];
	_ =	sdelay $0x4  }
0x60e: {  	[tilespmem:v34+s19+$0x0] =	vst.idx.msk $0xffff, v33  }
0x60f: {  	v34 =	vadd.s32 v22, v35;
	v33 =	vld [tilespmem:s28+$0x50];
	_ =	sdelay $0x4  }
0x610: {  	[tilespmem:v34+s19+$0x0] =	vst.idx.msk $0xffff, v33  }
0x611: {  	v34 =	vadd.s32 v23, v35;
	v33 =	vld [tilespmem:s28+$0x60];
	_ =	sdelay $0x4  }
0x612: {  	[tilespmem:v34+s19+$0x0] =	vst.idx.msk $0xffff, v33  }
0x613: {  	s14 =	sadd.s32 $0xFFFFFFFF, s1;
	v34 =	vadd.s32 v24, v35;
	v33 =	vld [tilespmem:s28+$0x70]  }
0x614: {  	v35 =	vmov s14  }
0x615: {  	v35 =	vshrl.u32 v35, $0x3  }
0x616: {  	v35 =	vshll.u32 v35, v1  }
0x617: {  	v35 =	vbroadcast v35, $0x0  }
0x618: {  	[tilespmem:v34+s19+$0x0] =	vst.idx.msk $0xffff, v33  }
0x619: {  	v34 =	vadd.s32 v25, v35;
	v33 =	vld [tilespmem:s28+$0x80];
	_ =	sdelay $0x4  }
0x61a: {  	[tilespmem:v34+s19+$0x0] =	vst.idx.msk $0xffff, v33  }
0x61b: {  	v34 =	vadd.s32 v26, v35;
	v33 =	vld [tilespmem:s28+$0x90];
	_ =	sdelay $0x4  }
0x61c: {  	[tilespmem:v34+s19+$0x0] =	vst.idx.msk $0xffff, v33  }
0x61d: {  	v34 =	vadd.s32 v27, v35;
	v33 =	vld [tilespmem:s28+$0xA0];
	_ =	sdelay $0x4  }
0x61e: {  	[tilespmem:v34+s19+$0x0] =	vst.idx.msk $0xffff, v33  }
0x61f: {  	v34 =	vadd.s32 v28, v35;
	v33 =	vld [tilespmem:s28+$0xB0]  }
0x620: {  	v35 =	vmov s1;
	s1 =	smov.u32 s0  }
0x621: {  	v35 =	vshrl.u32 v35, $0x3  }
0x622: {  	v35 =	vshll.u32 v35, v1  }
0x623: {  	v35 =	vbroadcast v35, $0x0  }
0x624: {  	[tilespmem:v34+s19+$0x0] =	vst.idx.msk $0xffff, v33  }
0x625: {  	v34 =	vadd.s32 v29, v35;
	v33 =	vld [tilespmem:s28+$0xC0];
	_ =	sdelay $0x4  }
0x626: {  	[tilespmem:v34+s19+$0x0] =	vst.idx.msk $0xffff, v33  }
0x627: {  	v34 =	vadd.s32 v30, v35;
	v33 =	vld [tilespmem:s28+$0xD0];
	_ =	sdelay $0x4  }
0x628: {  	[tilespmem:v34+s19+$0x0] =	vst.idx.msk $0xffff, v33  }
0x629: {  	v34 =	vadd.s32 v31, v35;
	v33 =	vld [tilespmem:s28+$0xE0];
	_ =	sdelay $0x1  }
.Ltmp9:
0x62a: {  	(pc) =	sbr.rel @p0 .LBB2_20-.Ltmp9, $3  }
0x62b: {  	_ =	sdelay $0x1  }
0x62c: {  	[tilespmem:v34+s19+$0x0] =	vst.idx.msk $0xffff, v33  }
0x62d: {  	s0 =	sadd.s32 $0x8, s0;
	s14 =	sadd.s32 $0xFFFFFFF9, s1;
	v34 =	vadd.s32 v32, v35;
	v33 =	vld [tilespmem:s28+$0xF0]  }
0x62e: {  	v35 =	vmov s14  }
0x62f: {  	v35 =	vshrl.u32 v35, $0x3  }
0x630: {  	v35 =	vshll.u32 v35, v1  }
0x631: {  	v35 =	vbroadcast v35, $0x0  }
0x632: {  	s0 =	sadd.s32 $0x200, s28;
	[tilespmem:v34+s19+$0x0] =	vst.idx.msk $0xffff, v33  }
0x633: {  	v33 =	vld [tilespmem:s0+$0xFFFFFF00];
	v53 =	vadd.s32 v0, v35;
	_ =	sdelay $0x4  }
0x634: {  	[tilespmem:v53+s19+$0x0] =	vst.idx.msk $0xffff, v33  }
0x635: {  	v54 =	vadd.s32 v2, v35;
	v33 =	vld [tilespmem:s0+$0xFFFFFF10];
	_ =	sdelay $0x4  }
0x636: {  	[tilespmem:v54+s19+$0x0] =	vst.idx.msk $0xffff, v33  }
0x637: {  	v55 =	vadd.s32 v3, v35;
	v33 =	vld [tilespmem:s0+$0xFFFFFF20];
	_ =	sdelay $0x4  }
0x638: {  	[tilespmem:v55+s19+$0x0] =	vst.idx.msk $0xffff, v33  }
0x639: {  	s20 =	sadd.s32 $0xFFFFFFFA, s1;
	v56 =	vadd.s32 v4, v35;
	v33 =	vld [tilespmem:s0+$0xFFFFFF30]  }
0x63a: {  	v57 =	vmov s20  }
0x63b: {  	v35 =	vshrl.u32 v57, $0x3  }
0x63c: {  	v35 =	vshll.u32 v35, v1  }
0x63d: {  	v35 =	vbroadcast v35, $0x0  }
0x63e: {  	[tilespmem:v56+s19+$0x0] =	vst.idx.msk $0xffff, v33  }
0x63f: {  	v58 =	vadd.s32 v5, v35;
	v33 =	vld [tilespmem:s0+$0xFFFFFF40];
	_ =	sdelay $0x4  }
0x640: {  	[tilespmem:v58+s19+$0x0] =	vst.idx.msk $0xffff, v33  }
0x641: {  	v59 =	vadd.s32 v6, v35;
	v33 =	vld [tilespmem:s0+$0xFFFFFF50];
	_ =	sdelay $0x4  }
0x642: {  	[tilespmem:v59+s19+$0x0] =	vst.idx.msk $0xffff, v33  }
0x643: {  	v60 =	vadd.s32 v7, v35;
	v33 =	vld [tilespmem:s0+$0xFFFFFF60];
	_ =	sdelay $0x4  }
0x644: {  	[tilespmem:v60+s19+$0x0] =	vst.idx.msk $0xffff, v33  }
0x645: {  	s30 =	sadd.s32 $0xFFFFFFFB, s1;
	v61 =	vadd.s32 v8, v35;
	v33 =	vld [tilespmem:s0+$0xFFFFFF70]  }
0x646: {  	v62 =	vmov s30  }
0x647: {  	v35 =	vshrl.u32 v62, $0x3  }
0x648: {  	v35 =	vshll.u32 v35, v1  }
0x649: {  	v35 =	vbroadcast v35, $0x0  }
0x64a: {  	[tilespmem:v61+s19+$0x0] =	vst.idx.msk $0xffff, v33  }
0x64b: {  	v63 =	vadd.s32 v9, v35;
	v33 =	vld [tilespmem:s0+$0xFFFFFF80];
	_ =	sdelay $0x4  }
0x64c: {  	[tilespmem:v63+s19+$0x0] =	vst.idx.msk $0xffff, v33  }
0x64d: {  	v36 =	vadd.s32 v10, v35;
	v33 =	vld [tilespmem:s0+$0xFFFFFF90];
	_ =	sdelay $0x4  }
0x64e: {  	[tilespmem:v36+s19+$0x0] =	vst.idx.msk $0xffff, v33  }
0x64f: {  	v37 =	vadd.s32 v11, v35;
	v33 =	vld [tilespmem:s0+$0xFFFFFFA0];
	_ =	sdelay $0x4  }
0x650: {  	[tilespmem:v37+s19+$0x0] =	vst.idx.msk $0xffff, v33  }
0x651: {  	s31 =	sadd.s32 $0xFFFFFFFC, s1;
	v38 =	vadd.s32 v12, v35;
	v33 =	vld [tilespmem:s0+$0xFFFFFFB0]  }
0x652: {  	v39 =	vmov s31  }
0x653: {  	v35 =	vshrl.u32 v39, $0x3  }
0x654: {  	v35 =	vshll.u32 v35, v1  }
0x655: {  	v35 =	vbroadcast v35, $0x0  }
0x656: {  	[tilespmem:v38+s19+$0x0] =	vst.idx.msk $0xffff, v33  }
0x657: {  	v40 =	vadd.s32 v13, v35;
	v33 =	vld [tilespmem:s0+$0xFFFFFFC0];
	_ =	sdelay $0x4  }
0x658: {  	[tilespmem:v40+s19+$0x0] =	vst.idx.msk $0xffff, v33  }
0x659: {  	v41 =	vadd.s32 v14, v35;
	v33 =	vld [tilespmem:s0+$0xFFFFFFD0];
	_ =	sdelay $0x4  }
0x65a: {  	[tilespmem:v41+s19+$0x0] =	vst.idx.msk $0xffff, v33  }
0x65b: {  	v42 =	vadd.s32 v15, v35;
	v33 =	vld [tilespmem:s0+$0xFFFFFFE0];
	_ =	sdelay $0x4  }
0x65c: {  	[tilespmem:v42+s19+$0x0] =	vst.idx.msk $0xffff, v33  }
0x65d: {  	s20 =	sadd.s32 $0xFFFFFFFD, s1;
	v43 =	vadd.s32 v16, v35;
	v33 =	vld [tilespmem:s0+$0xFFFFFFF0]  }
0x65e: {  	v44 =	vmov s20  }
0x65f: {  	v35 =	vshrl.u32 v44, $0x3  }
0x660: {  	v35 =	vshll.u32 v35, v1  }
0x661: {  	v35 =	vbroadcast v35, $0x0  }
0x662: {  	[tilespmem:v43+s19+$0x0] =	vst.idx.msk $0xffff, v33  }
0x663: {  	v45 =	vadd.s32 v17, v35;
	v33 =	vld [tilespmem:s0+$0x0];
	_ =	sdelay $0x4  }
0x664: {  	[tilespmem:v45+s19+$0x0] =	vst.idx.msk $0xffff, v33  }
0x665: {  	v46 =	vadd.s32 v18, v35;
	v33 =	vld [tilespmem:s0+$0x10];
	_ =	sdelay $0x4  }
0x666: {  	[tilespmem:v46+s19+$0x0] =	vst.idx.msk $0xffff, v33  }
0x667: {  	v47 =	vadd.s32 v19, v35;
	v33 =	vld [tilespmem:s0+$0x20];
	_ =	sdelay $0x4  }
0x668: {  	[tilespmem:v47+s19+$0x0] =	vst.idx.msk $0xffff, v33  }
0x669: {  	s30 =	sadd.s32 $0xFFFFFFFE, s1;
	v48 =	vadd.s32 v20, v35;
	v33 =	vld [tilespmem:s0+$0x30]  }
0x66a: {  	v49 =	vmov s30  }
0x66b: {  	v35 =	vshrl.u32 v49, $0x3  }
0x66c: {  	v35 =	vshll.u32 v35, v1  }
0x66d: {  	v35 =	vbroadcast v35, $0x0  }
0x66e: {  	[tilespmem:v48+s19+$0x0] =	vst.idx.msk $0xffff, v33  }
0x66f: {  	v50 =	vadd.s32 v21, v35;
	v33 =	vld [tilespmem:s0+$0x40];
	_ =	sdelay $0x4  }
0x670: {  	[tilespmem:v50+s19+$0x0] =	vst.idx.msk $0xffff, v33  }
0x671: {  	v51 =	vadd.s32 v22, v35;
	v33 =	vld [tilespmem:s0+$0x50];
	_ =	sdelay $0x4  }
0x672: {  	[tilespmem:v51+s19+$0x0] =	vst.idx.msk $0xffff, v33  }
0x673: {  	v52 =	vadd.s32 v23, v35;
	v33 =	vld [tilespmem:s0+$0x60];
	_ =	sdelay $0x4  }
0x674: {  	[tilespmem:v52+s19+$0x0] =	vst.idx.msk $0xffff, v33  }
0x675: {  	s31 =	sadd.s32 $0xFFFFFFFF, s1;
	v53 =	vadd.s32 v24, v35;
	v33 =	vld [tilespmem:s0+$0x70]  }
0x676: {  	v54 =	vmov s31  }
0x677: {  	v35 =	vshrl.u32 v54, $0x3  }
0x678: {  	v35 =	vshll.u32 v35, v1  }
0x679: {  	v35 =	vbroadcast v35, $0x0  }
0x67a: {  	[tilespmem:v53+s19+$0x0] =	vst.idx.msk $0xffff, v33  }
0x67b: {  	v55 =	vadd.s32 v25, v35;
	v33 =	vld [tilespmem:s0+$0x80];
	_ =	sdelay $0x4  }
0x67c: {  	[tilespmem:v55+s19+$0x0] =	vst.idx.msk $0xffff, v33  }
0x67d: {  	v56 =	vadd.s32 v26, v35;
	v33 =	vld [tilespmem:s0+$0x90];
	_ =	sdelay $0x4  }
0x67e: {  	[tilespmem:v56+s19+$0x0] =	vst.idx.msk $0xffff, v33  }
0x67f: {  	v57 =	vadd.s32 v27, v35;
	v33 =	vld [tilespmem:s0+$0xA0];
	_ =	sdelay $0x4  }
0x680: {  	[tilespmem:v57+s19+$0x0] =	vst.idx.msk $0xffff, v33  }
0x681: {  	v58 =	vadd.s32 v28, v35;
	v33 =	vld [tilespmem:s0+$0xB0]  }
0x682: {  	v59 =	vmov s1  }
0x683: {  	v35 =	vshrl.u32 v59, $0x3  }
0x684: {  	v35 =	vshll.u32 v35, v1  }
0x685: {  	v35 =	vbroadcast v35, $0x0  }
0x686: {  	[tilespmem:v58+s19+$0x0] =	vst.idx.msk $0xffff, v33  }
0x687: {  	v60 =	vadd.s32 v29, v35;
	v33 =	vld [tilespmem:s0+$0xC0];
	_ =	sdelay $0x4  }
0x688: {  	[tilespmem:v60+s19+$0x0] =	vst.idx.msk $0xffff, v33  }
0x689: {  	v61 =	vadd.s32 v30, v35;
	v33 =	vld [tilespmem:s0+$0xD0];
	_ =	sdelay $0x4  }
0x68a: {  	[tilespmem:v61+s19+$0x0] =	vst.idx.msk $0xffff, v33  }
0x68b: {  	v62 =	vadd.s32 v31, v35;
	v33 =	vld [tilespmem:s0+$0xE0];
	_ =	sdelay $0x4  }
0x68c: {  	[tilespmem:v62+s19+$0x0] =	vst.idx.msk $0xffff, v33  }
0x68d: {  	v63 =	vadd.s32 v32, v35;
	v33 =	vld [tilespmem:s0+$0xF0];
	_ =	sdelay $0x4  }
0x68e: {  	s1 =	simm.s32 $0xA400;
	[tilespmem:v63+s19+$0x0] =	vst.idx.msk $0xffff, v33  }
0x68f: {  	[hbm4b:s10+s3] =	stream.linear.scatter [tilespmem:s1], [sflag:$0x3], $0x80, $0x38;
	[tilespmem:$0xE800] =	vst v63  }
0x690: {  	s14 =	simm.s32 $0xA488;
	s20 =	sadd.s32 $0x10, s10  }
0x691: {  	[hbm4b:s20+s3] =	stream.linear.scatter [tilespmem:s14], [sflag:$0x3], $0x80, $0x38;
	[tilespmem:$0xE800] =	vst v63  }
0x692: {  	s28 =	simm.s32 $0x2200;
	s30 =	simm.s32 $0xA510;
	s31 =	sadd.s32 $0x20, s10  }
0x693: {  	[hbm4b:s31+s3] =	stream.linear.scatter [tilespmem:s30], [sflag:$0x3], $0x80, $0x38;
	[tilespmem:$0xE800] =	vst v63  }
0x694: {  	s29 =	sadd.s32 $0x70, s10;
	s14 =	simm.s32 $0xA598;
	s20 =	sadd.s32 $0x30, s10  }
0x695: {  	[hbm4b:s20+s3] =	stream.linear.scatter [tilespmem:s14], [sflag:$0x3], $0x80, $0x38;
	[tilespmem:$0xE800] =	vst v63  }
0x696: {  	s0 =	simm.s32 $0x440;
	s30 =	simm.s32 $0xA620;
	s31 =	sadd.s32 $0x40, s10  }
0x697: {  	[hbm4b:s31+s3] =	stream.linear.scatter [tilespmem:s30], [sflag:$0x3], $0x80, $0x38;
	[tilespmem:$0xE800] =	vst v63  }
0x698: {  	s1 =	sadd.s32 $0x1000, s10;
	s14 =	simm.s32 $0xA6A8;
	s20 =	sadd.s32 $0x50, s10  }
0x699: {  	[hbm4b:s20+s3] =	stream.linear.scatter [tilespmem:s14], [sflag:$0x3], $0x80, $0x38;
	[tilespmem:$0xE800] =	vst v63  }
0x69a: {  	s30 =	simm.s32 $0xA730;
	s31 =	sadd.s32 $0x60, s10;
	s14 =	simm.s32 $0xA7B8  }
0x69b: {  	[hbm4b:s31+s3] =	stream.linear.scatter [tilespmem:s30], [sflag:$0x3], $0x80, $0x38;
	[tilespmem:$0xE800] =	vst v63  }
.LBB2_22:
0x69c: {  	[hbm4b:s29+s3] =	stream.linear.scatter [tilespmem:s14], [sflag:$0x3], $0x80, $0x38;
	[tilespmem:$0xE800] =	vst v63  }
0x69d: {  	s14 =	smov.u32 s0;
	s0 =	smov.u32 s28  }
0x69e: {  	s20 =	sadd.s32 $0x1100, s28;
	s0 =	sshra.s32 s0, $0x2;
	s29 =	sadd.s32 $0xA400, s14  }
0x69f: {  	[hbm4b:s1+s3] =	stream.linear.scatter [tilespmem:s29], [sflag:$0x3], $0x80, $0x38;
	[tilespmem:$0xE800] =	vst v63  }
0x6a0: {  	p0 =	sne.s32 s28, $0x7700;
	s28 =	sadd.s32 $0xA488, s14;
	s29 =	sadd.s32 $0x10, s1  }
0x6a1: {  	[hbm4b:s29+s3] =	stream.linear.scatter [tilespmem:s28], [sflag:$0x3], $0x80, $0x38;
	[tilespmem:$0xE800] =	vst v63  }
0x6a2: {  	s28 =	sadd.s32 $0xA510, s14;
	s29 =	sadd.s32 $0x20, s1  }
0x6a3: {  	[hbm4b:s29+s3] =	stream.linear.scatter [tilespmem:s28], [sflag:$0x3], $0x80, $0x38;
	[tilespmem:$0xE800] =	vst v63  }
0x6a4: {  	s28 =	sadd.s32 $0xA598, s14;
	s29 =	sadd.s32 $0x30, s1  }
0x6a5: {  	[hbm4b:s29+s3] =	stream.linear.scatter [tilespmem:s28], [sflag:$0x3], $0x80, $0x38;
	[tilespmem:$0xE800] =	vst v63  }
0x6a6: {  	s28 =	sadd.s32 $0xA620, s14;
	s29 =	sadd.s32 $0x40, s1  }
0x6a7: {  	[hbm4b:s29+s3] =	stream.linear.scatter [tilespmem:s28], [sflag:$0x3], $0x80, $0x38;
	[tilespmem:$0xE800] =	vst v63  }
.Ltmp10:
0x6a8: {  	s28 =	sadd.s32 $0xA6A8, s14;
	s29 =	sadd.s32 $0x50, s1;
	(pc) =	sbr.rel @p0 .LBB2_22-.Ltmp10, $4  }
0x6a9: {  	[hbm4b:s29+s3] =	stream.linear.scatter [tilespmem:s28], [sflag:$0x3], $0x80, $0x38;
	[tilespmem:$0xE800] =	vst v63  }
0x6aa: {  	s28 =	sadd.s32 $0xA730, s14;
	s29 =	sadd.s32 $0x60, s1;
	s14 =	sadd.s32 $0xA7B8, s14  }
0x6ab: {  	[hbm4b:s29+s3] =	stream.linear.scatter [tilespmem:s28], [sflag:$0x3], $0x80, $0x38;
	[tilespmem:$0xE800] =	vst v63  }
0x6ac: {  	s29 =	sadd.s32 $0x70, s1;
	s1 =	sadd.s32 $0x1000, s1;
	s28 =	smov.u32 s20  }
0x6ad: {  	[hbm4b:s29+s3] =	stream.linear.scatter [tilespmem:s14], [sflag:$0x3], $0x80, $0x38;
	[tilespmem:$0xE800] =	vst v63  }
0x6ae: {  	s20 =	sadd.s32 $0xA400, s0  }
0x6af: {  	[hbm4b:s1+s3] =	stream.linear.scatter [tilespmem:s20], [sflag:$0x3], $0x80, $0x38;
	[tilespmem:$0xE800] =	vst v63  }
0x6b0: {  	s29 =	sadd.s32 $0xA488, s0;
	s20 =	sadd.s32 $0x10, s1  }
0x6b1: {  	[hbm4b:s20+s3] =	stream.linear.scatter [tilespmem:s29], [sflag:$0x3], $0x80, $0x38;
	[tilespmem:$0xE800] =	vst v63  }
0x6b2: {  	s30 =	sadd.s32 $0xA510, s0;
	s31 =	sadd.s32 $0x20, s1  }
0x6b3: {  	[hbm4b:s31+s3] =	stream.linear.scatter [tilespmem:s30], [sflag:$0x3], $0x80, $0x38;
	[tilespmem:$0xE800] =	vst v63  }
0x6b4: {  	s20 =	sadd.s32 $0xA598, s0;
	s29 =	sadd.s32 $0x30, s1  }
0x6b5: {  	[hbm4b:s29+s3] =	stream.linear.scatter [tilespmem:s20], [sflag:$0x3], $0x80, $0x38;
	[tilespmem:$0xE800] =	vst v63  }
0x6b6: {  	s30 =	sadd.s32 $0xA620, s0;
	s31 =	sadd.s32 $0x40, s1  }
0x6b7: {  	[hbm4b:s31+s3] =	stream.linear.scatter [tilespmem:s30], [sflag:$0x3], $0x80, $0x38;
	[tilespmem:$0xE800] =	vst v63  }
0x6b8: {  	s20 =	sadd.s32 $0xA6A8, s0;
	s29 =	sadd.s32 $0x50, s1  }
0x6b9: {  	[hbm4b:s29+s3] =	stream.linear.scatter [tilespmem:s20], [sflag:$0x3], $0x80, $0x38;
	[tilespmem:$0xE800] =	vst v63  }
0x6ba: {  	s30 =	sadd.s32 $0xA730, s0;
	s31 =	sadd.s32 $0x60, s1  }
0x6bb: {  	[hbm4b:s31+s3] =	stream.linear.scatter [tilespmem:s30], [sflag:$0x3], $0x80, $0x38;
	[tilespmem:$0xE800] =	vst v63  }
0x6bc: {  	s20 =	sadd.s32 $0xA7B8, s0;
	s29 =	sadd.s32 $0x70, s1  }
0x6bd: {  	[hbm4b:s29+s3] =	stream.linear.scatter [tilespmem:s20], [sflag:$0x3], $0x80, $0x38;
	[tilespmem:$0xE800] =	vst v63  }
0x6be: {  	s30 =	simm.s32 $0x0;
	_ =	swait.ge [sflag:s21], $0x2000  }
0x6bf: {  	v33 =	vmov s30;
	[sflag:s21] =	ssyncset.done $0x0  }
0x6c0: {  	v33 =	vshrl.u32 v33, $0x3;
	[sflag:s21] =	ssyncadd.s32 $0xFFFFE000  }
0x6c1: {  	v33 =	vshll.u32 v33, v1;
	_ =	swait.ge [sflag:s25], $0x2000  }
0x6c2: {  	v33 =	vbroadcast v33, $0x0;
	[sflag:s25] =	ssyncset.done $0x0  }
0x6c3: {  	s28 =	simm.s32 $0x8500;
	[sflag:s25] =	ssyncadd.s32 $0xFFFFE000  }
0x6c4: {  	v35 =	vadd.s32 v0, v33;
	v34 =	vld [tilespmem:s28+$0xFFFFFF00];
	_ =	sdelay $0x4  }
0x6c5: {  	[tilespmem:v35+s22+$0x0] =	vst.idx.msk $0xffff, v34  }
0x6c6: {  	v56 =	vadd.s32 v2, v33;
	v34 =	vld [tilespmem:s28+$0xFFFFFF10];
	_ =	sdelay $0x4  }
0x6c7: {  	[tilespmem:v56+s22+$0x0] =	vst.idx.msk $0xffff, v34  }
0x6c8: {  	v57 =	vadd.s32 v3, v33;
	v34 =	vld [tilespmem:s28+$0xFFFFFF20];
	_ =	sdelay $0x4  }
0x6c9: {  	[tilespmem:v57+s22+$0x0] =	vst.idx.msk $0xffff, v34  }
0x6ca: {  	s31 =	simm.s32 $0x1;
	v33 =	vadd.s32 v4, v33;
	v34 =	vld [tilespmem:s28+$0xFFFFFF30]  }
0x6cb: {  	v58 =	vmov s31  }
0x6cc: {  	v35 =	vshrl.u32 v58, $0x3  }
0x6cd: {  	v35 =	vshll.u32 v35, v1  }
0x6ce: {  	v35 =	vbroadcast v35, $0x0  }
0x6cf: {  	[tilespmem:v33+s22+$0x0] =	vst.idx.msk $0xffff, v34  }
0x6d0: {  	v59 =	vadd.s32 v5, v35;
	v33 =	vld [tilespmem:s28+$0xFFFFFF40];
	_ =	sdelay $0x4  }
0x6d1: {  	[tilespmem:v59+s22+$0x0] =	vst.idx.msk $0xffff, v33  }
0x6d2: {  	v60 =	vadd.s32 v6, v35;
	v33 =	vld [tilespmem:s28+$0xFFFFFF50];
	_ =	sdelay $0x4  }
0x6d3: {  	[tilespmem:v60+s22+$0x0] =	vst.idx.msk $0xffff, v33  }
0x6d4: {  	v61 =	vadd.s32 v7, v35;
	v33 =	vld [tilespmem:s28+$0xFFFFFF60];
	_ =	sdelay $0x4  }
0x6d5: {  	[tilespmem:v61+s22+$0x0] =	vst.idx.msk $0xffff, v33  }
0x6d6: {  	s1 =	simm.s32 $0x2;
	v62 =	vadd.s32 v8, v35;
	v33 =	vld [tilespmem:s28+$0xFFFFFF70]  }
0x6d7: {  	v63 =	vmov s1  }
0x6d8: {  	v35 =	vshrl.u32 v63, $0x3  }
0x6d9: {  	v35 =	vshll.u32 v35, v1  }
0x6da: {  	v35 =	vbroadcast v35, $0x0  }
0x6db: {  	[tilespmem:v62+s22+$0x0] =	vst.idx.msk $0xffff, v33  }
0x6dc: {  	v36 =	vadd.s32 v9, v35;
	v33 =	vld [tilespmem:s28+$0xFFFFFF80];
	_ =	sdelay $0x4  }
0x6dd: {  	[tilespmem:v36+s22+$0x0] =	vst.idx.msk $0xffff, v33  }
0x6de: {  	v37 =	vadd.s32 v10, v35;
	v33 =	vld [tilespmem:s28+$0xFFFFFF90];
	_ =	sdelay $0x4  }
0x6df: {  	[tilespmem:v37+s22+$0x0] =	vst.idx.msk $0xffff, v33  }
0x6e0: {  	v38 =	vadd.s32 v11, v35;
	v33 =	vld [tilespmem:s28+$0xFFFFFFA0];
	_ =	sdelay $0x4  }
0x6e1: {  	[tilespmem:v38+s22+$0x0] =	vst.idx.msk $0xffff, v33  }
0x6e2: {  	s14 =	simm.s32 $0x3;
	v39 =	vadd.s32 v12, v35;
	v33 =	vld [tilespmem:s28+$0xFFFFFFB0]  }
0x6e3: {  	v40 =	vmov s14  }
0x6e4: {  	v35 =	vshrl.u32 v40, $0x3  }
0x6e5: {  	v35 =	vshll.u32 v35, v1  }
0x6e6: {  	v35 =	vbroadcast v35, $0x0  }
0x6e7: {  	[tilespmem:v39+s22+$0x0] =	vst.idx.msk $0xffff, v33  }
0x6e8: {  	v41 =	vadd.s32 v13, v35;
	v33 =	vld [tilespmem:s28+$0xFFFFFFC0];
	_ =	sdelay $0x4  }
0x6e9: {  	[tilespmem:v41+s22+$0x0] =	vst.idx.msk $0xffff, v33  }
0x6ea: {  	v42 =	vadd.s32 v14, v35;
	v33 =	vld [tilespmem:s28+$0xFFFFFFD0];
	_ =	sdelay $0x4  }
0x6eb: {  	[tilespmem:v42+s22+$0x0] =	vst.idx.msk $0xffff, v33  }
0x6ec: {  	v43 =	vadd.s32 v15, v35;
	v33 =	vld [tilespmem:s28+$0xFFFFFFE0];
	_ =	sdelay $0x4  }
0x6ed: {  	[tilespmem:v43+s22+$0x0] =	vst.idx.msk $0xffff, v33  }
0x6ee: {  	s20 =	simm.s32 $0x4;
	v44 =	vadd.s32 v16, v35;
	v33 =	vld [tilespmem:s28+$0xFFFFFFF0]  }
0x6ef: {  	v45 =	vmov s20  }
0x6f0: {  	v35 =	vshrl.u32 v45, $0x3  }
0x6f1: {  	v35 =	vshll.u32 v35, v1  }
0x6f2: {  	v35 =	vbroadcast v35, $0x0  }
0x6f3: {  	[tilespmem:v44+s22+$0x0] =	vst.idx.msk $0xffff, v33  }
0x6f4: {  	v46 =	vadd.s32 v17, v35;
	v33 =	vld [tilespmem:s28+$0x0];
	_ =	sdelay $0x4  }
0x6f5: {  	[tilespmem:v46+s22+$0x0] =	vst.idx.msk $0xffff, v33  }
0x6f6: {  	v47 =	vadd.s32 v18, v35;
	v33 =	vld [tilespmem:s28+$0x10];
	_ =	sdelay $0x4  }
0x6f7: {  	[tilespmem:v47+s22+$0x0] =	vst.idx.msk $0xffff, v33  }
0x6f8: {  	v48 =	vadd.s32 v19, v35;
	v33 =	vld [tilespmem:s28+$0x20];
	_ =	sdelay $0x4  }
0x6f9: {  	[tilespmem:v48+s22+$0x0] =	vst.idx.msk $0xffff, v33  }
0x6fa: {  	s29 =	simm.s32 $0x5;
	v49 =	vadd.s32 v20, v35;
	v33 =	vld [tilespmem:s28+$0x30]  }
0x6fb: {  	v50 =	vmov s29  }
0x6fc: {  	v35 =	vshrl.u32 v50, $0x3  }
0x6fd: {  	v35 =	vshll.u32 v35, v1  }
0x6fe: {  	v35 =	vbroadcast v35, $0x0  }
0x6ff: {  	[tilespmem:v49+s22+$0x0] =	vst.idx.msk $0xffff, v33  }
0x700: {  	v51 =	vadd.s32 v21, v35;
	v33 =	vld [tilespmem:s28+$0x40];
	_ =	sdelay $0x4  }
0x701: {  	[tilespmem:v51+s22+$0x0] =	vst.idx.msk $0xffff, v33  }
0x702: {  	v52 =	vadd.s32 v22, v35;
	v33 =	vld [tilespmem:s28+$0x50];
	_ =	sdelay $0x4  }
0x703: {  	[tilespmem:v52+s22+$0x0] =	vst.idx.msk $0xffff, v33  }
0x704: {  	v53 =	vadd.s32 v23, v35;
	v33 =	vld [tilespmem:s28+$0x60];
	_ =	sdelay $0x4  }
0x705: {  	[tilespmem:v53+s22+$0x0] =	vst.idx.msk $0xffff, v33  }
0x706: {  	s30 =	simm.s32 $0x6;
	v54 =	vadd.s32 v24, v35;
	v33 =	vld [tilespmem:s28+$0x70]  }
0x707: {  	v55 =	vmov s30  }
0x708: {  	v35 =	vshrl.u32 v55, $0x3  }
0x709: {  	v35 =	vshll.u32 v35, v1  }
0x70a: {  	v35 =	vbroadcast v35, $0x0  }
0x70b: {  	[tilespmem:v54+s22+$0x0] =	vst.idx.msk $0xffff, v33  }
0x70c: {  	v56 =	vadd.s32 v25, v35;
	v33 =	vld [tilespmem:s28+$0x80];
	_ =	sdelay $0x4  }
0x70d: {  	[tilespmem:v56+s22+$0x0] =	vst.idx.msk $0xffff, v33  }
0x70e: {  	v57 =	vadd.s32 v26, v35;
	v33 =	vld [tilespmem:s28+$0x90];
	_ =	sdelay $0x4  }
0x70f: {  	[tilespmem:v57+s22+$0x0] =	vst.idx.msk $0xffff, v33  }
0x710: {  	v58 =	vadd.s32 v27, v35;
	v33 =	vld [tilespmem:s28+$0xA0];
	_ =	sdelay $0x4  }
0x711: {  	[tilespmem:v58+s22+$0x0] =	vst.idx.msk $0xffff, v33  }
0x712: {  	s31 =	simm.s32 $0x7;
	v59 =	vadd.s32 v28, v35;
	v33 =	vld [tilespmem:s28+$0xB0]  }
0x713: {  	v60 =	vmov s31  }
0x714: {  	v35 =	vshrl.u32 v60, $0x3  }
0x715: {  	v35 =	vshll.u32 v35, v1  }
0x716: {  	v35 =	vbroadcast v35, $0x0  }
0x717: {  	[tilespmem:v59+s22+$0x0] =	vst.idx.msk $0xffff, v33  }
0x718: {  	v61 =	vadd.s32 v29, v35;
	v33 =	vld [tilespmem:s28+$0xC0];
	_ =	sdelay $0x4  }
0x719: {  	[tilespmem:v61+s22+$0x0] =	vst.idx.msk $0xffff, v33  }
0x71a: {  	v62 =	vadd.s32 v30, v35;
	v33 =	vld [tilespmem:s28+$0xD0];
	_ =	sdelay $0x4  }
0x71b: {  	[tilespmem:v62+s22+$0x0] =	vst.idx.msk $0xffff, v33  }
0x71c: {  	v63 =	vadd.s32 v31, v35;
	v33 =	vld [tilespmem:s28+$0xE0];
	_ =	sdelay $0x4  }
0x71d: {  	[tilespmem:v63+s22+$0x0] =	vst.idx.msk $0xffff, v33  }
0x71e: {  	s14 =	simm.s32 $0x8;
	s0 =	simm.s32 $0x17;
	s1 =	simm.s32 $0xF;
	v34 =	vadd.s32 v32, v35;
	v33 =	vld [tilespmem:s28+$0xF0]  }
.LBB2_24:
0x71f: {  	p0 =	sne.s32 s0, $0x7F;
	v35 =	vmov s14  }
0x720: {  	v35 =	vshrl.u32 v35, $0x3  }
0x721: {  	v35 =	vshll.u32 v35, v1  }
0x722: {  	v35 =	vbroadcast v35, $0x0  }
0x723: {  	s28 =	sadd.s32 $0x200, s28;
	[tilespmem:v34+s22+$0x0] =	vst.idx.msk $0xffff, v33  }
0x724: {  	v33 =	vld [tilespmem:s28+$0xFFFFFF00];
	v34 =	vadd.s32 v0, v35;
	_ =	sdelay $0x4  }
0x725: {  	[tilespmem:v34+s22+$0x0] =	vst.idx.msk $0xffff, v33  }
0x726: {  	v34 =	vadd.s32 v2, v35;
	v33 =	vld [tilespmem:s28+$0xFFFFFF10];
	_ =	sdelay $0x4  }
0x727: {  	[tilespmem:v34+s22+$0x0] =	vst.idx.msk $0xffff, v33  }
0x728: {  	v34 =	vadd.s32 v3, v35;
	v33 =	vld [tilespmem:s28+$0xFFFFFF20];
	_ =	sdelay $0x4  }
0x729: {  	[tilespmem:v34+s22+$0x0] =	vst.idx.msk $0xffff, v33  }
0x72a: {  	s14 =	sadd.s32 $0xFFFFFFFA, s1;
	v34 =	vadd.s32 v4, v35;
	v33 =	vld [tilespmem:s28+$0xFFFFFF30]  }
0x72b: {  	v35 =	vmov s14  }
0x72c: {  	v35 =	vshrl.u32 v35, $0x3  }
0x72d: {  	v35 =	vshll.u32 v35, v1  }
0x72e: {  	v35 =	vbroadcast v35, $0x0  }
0x72f: {  	[tilespmem:v34+s22+$0x0] =	vst.idx.msk $0xffff, v33  }
0x730: {  	v34 =	vadd.s32 v5, v35;
	v33 =	vld [tilespmem:s28+$0xFFFFFF40];
	_ =	sdelay $0x4  }
0x731: {  	[tilespmem:v34+s22+$0x0] =	vst.idx.msk $0xffff, v33  }
0x732: {  	v34 =	vadd.s32 v6, v35;
	v33 =	vld [tilespmem:s28+$0xFFFFFF50];
	_ =	sdelay $0x4  }
0x733: {  	[tilespmem:v34+s22+$0x0] =	vst.idx.msk $0xffff, v33  }
0x734: {  	v34 =	vadd.s32 v7, v35;
	v33 =	vld [tilespmem:s28+$0xFFFFFF60];
	_ =	sdelay $0x4  }
0x735: {  	[tilespmem:v34+s22+$0x0] =	vst.idx.msk $0xffff, v33  }
0x736: {  	s14 =	sadd.s32 $0xFFFFFFFB, s1;
	v34 =	vadd.s32 v8, v35;
	v33 =	vld [tilespmem:s28+$0xFFFFFF70]  }
0x737: {  	v35 =	vmov s14  }
0x738: {  	v35 =	vshrl.u32 v35, $0x3  }
0x739: {  	v35 =	vshll.u32 v35, v1  }
0x73a: {  	v35 =	vbroadcast v35, $0x0  }
0x73b: {  	[tilespmem:v34+s22+$0x0] =	vst.idx.msk $0xffff, v33  }
0x73c: {  	v34 =	vadd.s32 v9, v35;
	v33 =	vld [tilespmem:s28+$0xFFFFFF80];
	_ =	sdelay $0x4  }
0x73d: {  	[tilespmem:v34+s22+$0x0] =	vst.idx.msk $0xffff, v33  }
0x73e: {  	v34 =	vadd.s32 v10, v35;
	v33 =	vld [tilespmem:s28+$0xFFFFFF90];
	_ =	sdelay $0x4  }
0x73f: {  	[tilespmem:v34+s22+$0x0] =	vst.idx.msk $0xffff, v33  }
0x740: {  	v34 =	vadd.s32 v11, v35;
	v33 =	vld [tilespmem:s28+$0xFFFFFFA0];
	_ =	sdelay $0x4  }
0x741: {  	[tilespmem:v34+s22+$0x0] =	vst.idx.msk $0xffff, v33  }
0x742: {  	s14 =	sadd.s32 $0xFFFFFFFC, s1;
	v34 =	vadd.s32 v12, v35;
	v33 =	vld [tilespmem:s28+$0xFFFFFFB0]  }
0x743: {  	v35 =	vmov s14  }
0x744: {  	v35 =	vshrl.u32 v35, $0x3  }
0x745: {  	v35 =	vshll.u32 v35, v1  }
0x746: {  	v35 =	vbroadcast v35, $0x0  }
0x747: {  	[tilespmem:v34+s22+$0x0] =	vst.idx.msk $0xffff, v33  }
0x748: {  	v34 =	vadd.s32 v13, v35;
	v33 =	vld [tilespmem:s28+$0xFFFFFFC0];
	_ =	sdelay $0x4  }
0x749: {  	[tilespmem:v34+s22+$0x0] =	vst.idx.msk $0xffff, v33  }
0x74a: {  	v34 =	vadd.s32 v14, v35;
	v33 =	vld [tilespmem:s28+$0xFFFFFFD0];
	_ =	sdelay $0x4  }
0x74b: {  	[tilespmem:v34+s22+$0x0] =	vst.idx.msk $0xffff, v33  }
0x74c: {  	v34 =	vadd.s32 v15, v35;
	v33 =	vld [tilespmem:s28+$0xFFFFFFE0];
	_ =	sdelay $0x4  }
0x74d: {  	[tilespmem:v34+s22+$0x0] =	vst.idx.msk $0xffff, v33  }
0x74e: {  	s14 =	sadd.s32 $0xFFFFFFFD, s1;
	v34 =	vadd.s32 v16, v35;
	v33 =	vld [tilespmem:s28+$0xFFFFFFF0]  }
0x74f: {  	v35 =	vmov s14  }
0x750: {  	v35 =	vshrl.u32 v35, $0x3  }
0x751: {  	v35 =	vshll.u32 v35, v1  }
0x752: {  	v35 =	vbroadcast v35, $0x0  }
0x753: {  	[tilespmem:v34+s22+$0x0] =	vst.idx.msk $0xffff, v33  }
0x754: {  	v34 =	vadd.s32 v17, v35;
	v33 =	vld [tilespmem:s28+$0x0];
	_ =	sdelay $0x4  }
0x755: {  	[tilespmem:v34+s22+$0x0] =	vst.idx.msk $0xffff, v33  }
0x756: {  	v34 =	vadd.s32 v18, v35;
	v33 =	vld [tilespmem:s28+$0x10];
	_ =	sdelay $0x4  }
0x757: {  	[tilespmem:v34+s22+$0x0] =	vst.idx.msk $0xffff, v33  }
0x758: {  	v34 =	vadd.s32 v19, v35;
	v33 =	vld [tilespmem:s28+$0x20];
	_ =	sdelay $0x4  }
0x759: {  	[tilespmem:v34+s22+$0x0] =	vst.idx.msk $0xffff, v33  }
0x75a: {  	s14 =	sadd.s32 $0xFFFFFFFE, s1;
	v34 =	vadd.s32 v20, v35;
	v33 =	vld [tilespmem:s28+$0x30]  }
0x75b: {  	v35 =	vmov s14  }
0x75c: {  	v35 =	vshrl.u32 v35, $0x3  }
0x75d: {  	v35 =	vshll.u32 v35, v1  }
0x75e: {  	v35 =	vbroadcast v35, $0x0  }
0x75f: {  	[tilespmem:v34+s22+$0x0] =	vst.idx.msk $0xffff, v33  }
0x760: {  	v34 =	vadd.s32 v21, v35;
	v33 =	vld [tilespmem:s28+$0x40];
	_ =	sdelay $0x4  }
0x761: {  	[tilespmem:v34+s22+$0x0] =	vst.idx.msk $0xffff, v33  }
0x762: {  	v34 =	vadd.s32 v22, v35;
	v33 =	vld [tilespmem:s28+$0x50];
	_ =	sdelay $0x4  }
0x763: {  	[tilespmem:v34+s22+$0x0] =	vst.idx.msk $0xffff, v33  }
0x764: {  	v34 =	vadd.s32 v23, v35;
	v33 =	vld [tilespmem:s28+$0x60];
	_ =	sdelay $0x4  }
0x765: {  	[tilespmem:v34+s22+$0x0] =	vst.idx.msk $0xffff, v33  }
0x766: {  	s14 =	sadd.s32 $0xFFFFFFFF, s1;
	v34 =	vadd.s32 v24, v35;
	v33 =	vld [tilespmem:s28+$0x70]  }
0x767: {  	v35 =	vmov s14  }
0x768: {  	v35 =	vshrl.u32 v35, $0x3  }
0x769: {  	v35 =	vshll.u32 v35, v1  }
0x76a: {  	v35 =	vbroadcast v35, $0x0  }
0x76b: {  	[tilespmem:v34+s22+$0x0] =	vst.idx.msk $0xffff, v33  }
0x76c: {  	v34 =	vadd.s32 v25, v35;
	v33 =	vld [tilespmem:s28+$0x80];
	_ =	sdelay $0x4  }
0x76d: {  	[tilespmem:v34+s22+$0x0] =	vst.idx.msk $0xffff, v33  }
0x76e: {  	v34 =	vadd.s32 v26, v35;
	v33 =	vld [tilespmem:s28+$0x90];
	_ =	sdelay $0x4  }
0x76f: {  	[tilespmem:v34+s22+$0x0] =	vst.idx.msk $0xffff, v33  }
0x770: {  	v34 =	vadd.s32 v27, v35;
	v33 =	vld [tilespmem:s28+$0xA0];
	_ =	sdelay $0x4  }
0x771: {  	[tilespmem:v34+s22+$0x0] =	vst.idx.msk $0xffff, v33  }
0x772: {  	v34 =	vadd.s32 v28, v35;
	v33 =	vld [tilespmem:s28+$0xB0]  }
0x773: {  	v35 =	vmov s1;
	s1 =	smov.u32 s0  }
0x774: {  	v35 =	vshrl.u32 v35, $0x3  }
0x775: {  	v35 =	vshll.u32 v35, v1  }
0x776: {  	v35 =	vbroadcast v35, $0x0  }
0x777: {  	[tilespmem:v34+s22+$0x0] =	vst.idx.msk $0xffff, v33  }
0x778: {  	v34 =	vadd.s32 v29, v35;
	v33 =	vld [tilespmem:s28+$0xC0];
	_ =	sdelay $0x4  }
0x779: {  	[tilespmem:v34+s22+$0x0] =	vst.idx.msk $0xffff, v33  }
0x77a: {  	v34 =	vadd.s32 v30, v35;
	v33 =	vld [tilespmem:s28+$0xD0];
	_ =	sdelay $0x4  }
0x77b: {  	[tilespmem:v34+s22+$0x0] =	vst.idx.msk $0xffff, v33  }
0x77c: {  	v34 =	vadd.s32 v31, v35;
	v33 =	vld [tilespmem:s28+$0xE0];
	_ =	sdelay $0x1  }
.Ltmp11:
0x77d: {  	(pc) =	sbr.rel @p0 .LBB2_24-.Ltmp11, $3  }
0x77e: {  	_ =	sdelay $0x1  }
0x77f: {  	[tilespmem:v34+s22+$0x0] =	vst.idx.msk $0xffff, v33  }
0x780: {  	s0 =	sadd.s32 $0x8, s0;
	s14 =	sadd.s32 $0xFFFFFFF9, s1;
	v34 =	vadd.s32 v32, v35;
	v33 =	vld [tilespmem:s28+$0xF0]  }
0x781: {  	v35 =	vmov s14  }
0x782: {  	v35 =	vshrl.u32 v35, $0x3  }
0x783: {  	v35 =	vshll.u32 v35, v1  }
0x784: {  	v35 =	vbroadcast v35, $0x0  }
0x785: {  	s0 =	sadd.s32 $0x200, s28;
	[tilespmem:v34+s22+$0x0] =	vst.idx.msk $0xffff, v33  }
0x786: {  	v33 =	vld [tilespmem:s0+$0xFFFFFF00];
	v53 =	vadd.s32 v0, v35;
	_ =	sdelay $0x4  }
0x787: {  	[tilespmem:v53+s22+$0x0] =	vst.idx.msk $0xffff, v33  }
0x788: {  	v54 =	vadd.s32 v2, v35;
	v33 =	vld [tilespmem:s0+$0xFFFFFF10];
	_ =	sdelay $0x4  }
0x789: {  	[tilespmem:v54+s22+$0x0] =	vst.idx.msk $0xffff, v33  }
0x78a: {  	v55 =	vadd.s32 v3, v35;
	v33 =	vld [tilespmem:s0+$0xFFFFFF20];
	_ =	sdelay $0x4  }
0x78b: {  	[tilespmem:v55+s22+$0x0] =	vst.idx.msk $0xffff, v33  }
0x78c: {  	s20 =	sadd.s32 $0xFFFFFFFA, s1;
	v56 =	vadd.s32 v4, v35;
	v33 =	vld [tilespmem:s0+$0xFFFFFF30]  }
0x78d: {  	v57 =	vmov s20  }
0x78e: {  	v35 =	vshrl.u32 v57, $0x3  }
0x78f: {  	v35 =	vshll.u32 v35, v1  }
0x790: {  	v35 =	vbroadcast v35, $0x0  }
0x791: {  	[tilespmem:v56+s22+$0x0] =	vst.idx.msk $0xffff, v33  }
0x792: {  	v58 =	vadd.s32 v5, v35;
	v33 =	vld [tilespmem:s0+$0xFFFFFF40];
	_ =	sdelay $0x4  }
0x793: {  	[tilespmem:v58+s22+$0x0] =	vst.idx.msk $0xffff, v33  }
0x794: {  	v59 =	vadd.s32 v6, v35;
	v33 =	vld [tilespmem:s0+$0xFFFFFF50];
	_ =	sdelay $0x4  }
0x795: {  	[tilespmem:v59+s22+$0x0] =	vst.idx.msk $0xffff, v33  }
0x796: {  	v60 =	vadd.s32 v7, v35;
	v33 =	vld [tilespmem:s0+$0xFFFFFF60];
	_ =	sdelay $0x4  }
0x797: {  	[tilespmem:v60+s22+$0x0] =	vst.idx.msk $0xffff, v33  }
0x798: {  	s30 =	sadd.s32 $0xFFFFFFFB, s1;
	v61 =	vadd.s32 v8, v35;
	v33 =	vld [tilespmem:s0+$0xFFFFFF70]  }
0x799: {  	v62 =	vmov s30  }
0x79a: {  	v35 =	vshrl.u32 v62, $0x3  }
0x79b: {  	v35 =	vshll.u32 v35, v1  }
0x79c: {  	v35 =	vbroadcast v35, $0x0  }
0x79d: {  	[tilespmem:v61+s22+$0x0] =	vst.idx.msk $0xffff, v33  }
0x79e: {  	v63 =	vadd.s32 v9, v35;
	v33 =	vld [tilespmem:s0+$0xFFFFFF80];
	_ =	sdelay $0x4  }
0x79f: {  	[tilespmem:v63+s22+$0x0] =	vst.idx.msk $0xffff, v33  }
0x7a0: {  	v36 =	vadd.s32 v10, v35;
	v33 =	vld [tilespmem:s0+$0xFFFFFF90];
	_ =	sdelay $0x4  }
0x7a1: {  	[tilespmem:v36+s22+$0x0] =	vst.idx.msk $0xffff, v33  }
0x7a2: {  	v37 =	vadd.s32 v11, v35;
	v33 =	vld [tilespmem:s0+$0xFFFFFFA0];
	_ =	sdelay $0x4  }
0x7a3: {  	[tilespmem:v37+s22+$0x0] =	vst.idx.msk $0xffff, v33  }
0x7a4: {  	s31 =	sadd.s32 $0xFFFFFFFC, s1;
	v38 =	vadd.s32 v12, v35;
	v33 =	vld [tilespmem:s0+$0xFFFFFFB0]  }
0x7a5: {  	v39 =	vmov s31  }
0x7a6: {  	v35 =	vshrl.u32 v39, $0x3  }
0x7a7: {  	v35 =	vshll.u32 v35, v1  }
0x7a8: {  	v35 =	vbroadcast v35, $0x0  }
0x7a9: {  	[tilespmem:v38+s22+$0x0] =	vst.idx.msk $0xffff, v33  }
0x7aa: {  	v40 =	vadd.s32 v13, v35;
	v33 =	vld [tilespmem:s0+$0xFFFFFFC0];
	_ =	sdelay $0x4  }
0x7ab: {  	[tilespmem:v40+s22+$0x0] =	vst.idx.msk $0xffff, v33  }
0x7ac: {  	v41 =	vadd.s32 v14, v35;
	v33 =	vld [tilespmem:s0+$0xFFFFFFD0];
	_ =	sdelay $0x4  }
0x7ad: {  	[tilespmem:v41+s22+$0x0] =	vst.idx.msk $0xffff, v33  }
0x7ae: {  	v42 =	vadd.s32 v15, v35;
	v33 =	vld [tilespmem:s0+$0xFFFFFFE0];
	_ =	sdelay $0x4  }
0x7af: {  	[tilespmem:v42+s22+$0x0] =	vst.idx.msk $0xffff, v33  }
0x7b0: {  	s20 =	sadd.s32 $0xFFFFFFFD, s1;
	v43 =	vadd.s32 v16, v35;
	v33 =	vld [tilespmem:s0+$0xFFFFFFF0]  }
0x7b1: {  	v44 =	vmov s20  }
0x7b2: {  	v35 =	vshrl.u32 v44, $0x3  }
0x7b3: {  	v35 =	vshll.u32 v35, v1  }
0x7b4: {  	v35 =	vbroadcast v35, $0x0  }
0x7b5: {  	[tilespmem:v43+s22+$0x0] =	vst.idx.msk $0xffff, v33  }
0x7b6: {  	v45 =	vadd.s32 v17, v35;
	v33 =	vld [tilespmem:s0+$0x0];
	_ =	sdelay $0x4  }
0x7b7: {  	[tilespmem:v45+s22+$0x0] =	vst.idx.msk $0xffff, v33  }
0x7b8: {  	v46 =	vadd.s32 v18, v35;
	v33 =	vld [tilespmem:s0+$0x10];
	_ =	sdelay $0x4  }
0x7b9: {  	[tilespmem:v46+s22+$0x0] =	vst.idx.msk $0xffff, v33  }
0x7ba: {  	v47 =	vadd.s32 v19, v35;
	v33 =	vld [tilespmem:s0+$0x20];
	_ =	sdelay $0x4  }
0x7bb: {  	[tilespmem:v47+s22+$0x0] =	vst.idx.msk $0xffff, v33  }
0x7bc: {  	s30 =	sadd.s32 $0xFFFFFFFE, s1;
	v48 =	vadd.s32 v20, v35;
	v33 =	vld [tilespmem:s0+$0x30]  }
0x7bd: {  	v49 =	vmov s30  }
0x7be: {  	v35 =	vshrl.u32 v49, $0x3  }
0x7bf: {  	v35 =	vshll.u32 v35, v1  }
0x7c0: {  	v35 =	vbroadcast v35, $0x0  }
0x7c1: {  	[tilespmem:v48+s22+$0x0] =	vst.idx.msk $0xffff, v33  }
0x7c2: {  	v50 =	vadd.s32 v21, v35;
	v33 =	vld [tilespmem:s0+$0x40];
	_ =	sdelay $0x4  }
0x7c3: {  	[tilespmem:v50+s22+$0x0] =	vst.idx.msk $0xffff, v33  }
0x7c4: {  	v51 =	vadd.s32 v22, v35;
	v33 =	vld [tilespmem:s0+$0x50];
	_ =	sdelay $0x4  }
0x7c5: {  	[tilespmem:v51+s22+$0x0] =	vst.idx.msk $0xffff, v33  }
0x7c6: {  	v52 =	vadd.s32 v23, v35;
	v33 =	vld [tilespmem:s0+$0x60];
	_ =	sdelay $0x4  }
0x7c7: {  	[tilespmem:v52+s22+$0x0] =	vst.idx.msk $0xffff, v33  }
0x7c8: {  	s31 =	sadd.s32 $0xFFFFFFFF, s1;
	v53 =	vadd.s32 v24, v35;
	v33 =	vld [tilespmem:s0+$0x70]  }
0x7c9: {  	v54 =	vmov s31  }
0x7ca: {  	v35 =	vshrl.u32 v54, $0x3  }
0x7cb: {  	v35 =	vshll.u32 v35, v1  }
0x7cc: {  	v35 =	vbroadcast v35, $0x0  }
0x7cd: {  	[tilespmem:v53+s22+$0x0] =	vst.idx.msk $0xffff, v33  }
0x7ce: {  	v55 =	vadd.s32 v25, v35;
	v33 =	vld [tilespmem:s0+$0x80];
	_ =	sdelay $0x4  }
0x7cf: {  	[tilespmem:v55+s22+$0x0] =	vst.idx.msk $0xffff, v33  }
0x7d0: {  	v56 =	vadd.s32 v26, v35;
	v33 =	vld [tilespmem:s0+$0x90];
	_ =	sdelay $0x4  }
0x7d1: {  	[tilespmem:v56+s22+$0x0] =	vst.idx.msk $0xffff, v33  }
0x7d2: {  	v57 =	vadd.s32 v27, v35;
	v33 =	vld [tilespmem:s0+$0xA0];
	_ =	sdelay $0x4  }
0x7d3: {  	[tilespmem:v57+s22+$0x0] =	vst.idx.msk $0xffff, v33  }
0x7d4: {  	v58 =	vadd.s32 v28, v35;
	v33 =	vld [tilespmem:s0+$0xB0]  }
0x7d5: {  	v59 =	vmov s1  }
0x7d6: {  	v35 =	vshrl.u32 v59, $0x3  }
0x7d7: {  	v35 =	vshll.u32 v35, v1  }
0x7d8: {  	v35 =	vbroadcast v35, $0x0  }
0x7d9: {  	[tilespmem:v58+s22+$0x0] =	vst.idx.msk $0xffff, v33  }
0x7da: {  	v60 =	vadd.s32 v29, v35;
	v33 =	vld [tilespmem:s0+$0xC0];
	_ =	sdelay $0x4  }
0x7db: {  	[tilespmem:v60+s22+$0x0] =	vst.idx.msk $0xffff, v33  }
0x7dc: {  	v61 =	vadd.s32 v30, v35;
	v33 =	vld [tilespmem:s0+$0xD0];
	_ =	sdelay $0x4  }
0x7dd: {  	[tilespmem:v61+s22+$0x0] =	vst.idx.msk $0xffff, v33  }
0x7de: {  	v62 =	vadd.s32 v31, v35;
	v33 =	vld [tilespmem:s0+$0xE0];
	_ =	sdelay $0x4  }
0x7df: {  	[tilespmem:v62+s22+$0x0] =	vst.idx.msk $0xffff, v33  }
0x7e0: {  	v63 =	vadd.s32 v32, v35;
	v33 =	vld [tilespmem:s0+$0xF0];
	_ =	sdelay $0x4  }
0x7e1: {  	s1 =	simm.s32 $0xC600;
	[tilespmem:v63+s22+$0x0] =	vst.idx.msk $0xffff, v33  }
0x7e2: {  	[hbm4b:s11+s3] =	stream.linear.scatter [tilespmem:s1], [sflag:$0x4], $0x80, $0x38;
	[tilespmem:$0xE800] =	vst v63  }
0x7e3: {  	s14 =	simm.s32 $0xC688;
	s20 =	sadd.s32 $0x10, s11  }
0x7e4: {  	[hbm4b:s20+s3] =	stream.linear.scatter [tilespmem:s14], [sflag:$0x4], $0x80, $0x38;
	[tilespmem:$0xE800] =	vst v63  }
0x7e5: {  	s28 =	simm.s32 $0x2200;
	s30 =	simm.s32 $0xC710;
	s31 =	sadd.s32 $0x20, s11  }
0x7e6: {  	[hbm4b:s31+s3] =	stream.linear.scatter [tilespmem:s30], [sflag:$0x4], $0x80, $0x38;
	[tilespmem:$0xE800] =	vst v63  }
0x7e7: {  	s29 =	sadd.s32 $0x70, s11;
	s14 =	simm.s32 $0xC798;
	s20 =	sadd.s32 $0x30, s11  }
0x7e8: {  	[hbm4b:s20+s3] =	stream.linear.scatter [tilespmem:s14], [sflag:$0x4], $0x80, $0x38;
	[tilespmem:$0xE800] =	vst v63  }
0x7e9: {  	s0 =	simm.s32 $0x440;
	s30 =	simm.s32 $0xC820;
	s31 =	sadd.s32 $0x40, s11  }
0x7ea: {  	[hbm4b:s31+s3] =	stream.linear.scatter [tilespmem:s30], [sflag:$0x4], $0x80, $0x38;
	[tilespmem:$0xE800] =	vst v63  }
0x7eb: {  	s1 =	sadd.s32 $0x1000, s11;
	s14 =	simm.s32 $0xC8A8;
	s20 =	sadd.s32 $0x50, s11  }
0x7ec: {  	[hbm4b:s20+s3] =	stream.linear.scatter [tilespmem:s14], [sflag:$0x4], $0x80, $0x38;
	[tilespmem:$0xE800] =	vst v63  }
0x7ed: {  	s30 =	simm.s32 $0xC930;
	s31 =	sadd.s32 $0x60, s11;
	s14 =	simm.s32 $0xC9B8  }
0x7ee: {  	[hbm4b:s31+s3] =	stream.linear.scatter [tilespmem:s30], [sflag:$0x4], $0x80, $0x38;
	[tilespmem:$0xE800] =	vst v63  }
.LBB2_26:
0x7ef: {  	[hbm4b:s29+s3] =	stream.linear.scatter [tilespmem:s14], [sflag:$0x4], $0x80, $0x38;
	[tilespmem:$0xE800] =	vst v63  }
0x7f0: {  	s14 =	smov.u32 s0;
	s0 =	smov.u32 s28  }
0x7f1: {  	s20 =	sadd.s32 $0x1100, s28;
	s0 =	sshra.s32 s0, $0x2;
	s29 =	sadd.s32 $0xC600, s14  }
0x7f2: {  	[hbm4b:s1+s3] =	stream.linear.scatter [tilespmem:s29], [sflag:$0x4], $0x80, $0x38;
	[tilespmem:$0xE800] =	vst v63  }
0x7f3: {  	p0 =	sne.s32 s28, $0x7700;
	s28 =	sadd.s32 $0xC688, s14;
	s29 =	sadd.s32 $0x10, s1  }
0x7f4: {  	[hbm4b:s29+s3] =	stream.linear.scatter [tilespmem:s28], [sflag:$0x4], $0x80, $0x38;
	[tilespmem:$0xE800] =	vst v63  }
0x7f5: {  	s28 =	sadd.s32 $0xC710, s14;
	s29 =	sadd.s32 $0x20, s1  }
0x7f6: {  	[hbm4b:s29+s3] =	stream.linear.scatter [tilespmem:s28], [sflag:$0x4], $0x80, $0x38;
	[tilespmem:$0xE800] =	vst v63  }
0x7f7: {  	s28 =	sadd.s32 $0xC798, s14;
	s29 =	sadd.s32 $0x30, s1  }
0x7f8: {  	[hbm4b:s29+s3] =	stream.linear.scatter [tilespmem:s28], [sflag:$0x4], $0x80, $0x38;
	[tilespmem:$0xE800] =	vst v63  }
0x7f9: {  	s28 =	sadd.s32 $0xC820, s14;
	s29 =	sadd.s32 $0x40, s1  }
0x7fa: {  	[hbm4b:s29+s3] =	stream.linear.scatter [tilespmem:s28], [sflag:$0x4], $0x80, $0x38;
	[tilespmem:$0xE800] =	vst v63  }
.Ltmp12:
0x7fb: {  	s28 =	sadd.s32 $0xC8A8, s14;
	s29 =	sadd.s32 $0x50, s1;
	(pc) =	sbr.rel @p0 .LBB2_26-.Ltmp12, $4  }
0x7fc: {  	[hbm4b:s29+s3] =	stream.linear.scatter [tilespmem:s28], [sflag:$0x4], $0x80, $0x38;
	[tilespmem:$0xE800] =	vst v63  }
0x7fd: {  	s28 =	sadd.s32 $0xC930, s14;
	s29 =	sadd.s32 $0x60, s1;
	s14 =	sadd.s32 $0xC9B8, s14  }
0x7fe: {  	[hbm4b:s29+s3] =	stream.linear.scatter [tilespmem:s28], [sflag:$0x4], $0x80, $0x38;
	[tilespmem:$0xE800] =	vst v63  }
0x7ff: {  	s29 =	sadd.s32 $0x70, s1;
	s1 =	sadd.s32 $0x1000, s1;
	s28 =	smov.u32 s20  }
0x800: {  	[hbm4b:s29+s3] =	stream.linear.scatter [tilespmem:s14], [sflag:$0x4], $0x80, $0x38;
	[tilespmem:$0xE800] =	vst v63  }
0x801: {  	s30 =	sadd.s32 $0xC600, s0  }
0x802: {  	[hbm4b:s1+s3] =	stream.linear.scatter [tilespmem:s30], [sflag:$0x4], $0x80, $0x38;
	[tilespmem:$0xE800] =	vst v63  }
0x803: {  	s31 =	sadd.s32 $0xC688, s0;
	s20 =	sadd.s32 $0x10, s1  }
0x804: {  	[hbm4b:s20+s3] =	stream.linear.scatter [tilespmem:s31], [sflag:$0x4], $0x80, $0x38;
	[tilespmem:$0xE800] =	vst v63  }
0x805: {  	s28 =	sadd.s32 $0xC710, s0;
	s29 =	sadd.s32 $0x20, s1  }
0x806: {  	[hbm4b:s29+s3] =	stream.linear.scatter [tilespmem:s28], [sflag:$0x4], $0x80, $0x38;
	[tilespmem:$0xE800] =	vst v63  }
0x807: {  	s30 =	sadd.s32 $0xC798, s0;
	s31 =	sadd.s32 $0x30, s1  }
0x808: {  	[hbm4b:s31+s3] =	stream.linear.scatter [tilespmem:s30], [sflag:$0x4], $0x80, $0x38;
	[tilespmem:$0xE800] =	vst v63  }
0x809: {  	s28 =	sadd.s32 $0xC820, s0;
	s29 =	sadd.s32 $0x40, s1  }
0x80a: {  	[hbm4b:s29+s3] =	stream.linear.scatter [tilespmem:s28], [sflag:$0x4], $0x80, $0x38;
	[tilespmem:$0xE800] =	vst v63  }
0x80b: {  	s30 =	sadd.s32 $0xC8A8, s0;
	s31 =	sadd.s32 $0x50, s1  }
0x80c: {  	[hbm4b:s31+s3] =	stream.linear.scatter [tilespmem:s30], [sflag:$0x4], $0x80, $0x38;
	[tilespmem:$0xE800] =	vst v63  }
0x80d: {  	s28 =	sadd.s32 $0xC930, s0;
	s29 =	sadd.s32 $0x60, s1  }
0x80e: {  	[hbm4b:s29+s3] =	stream.linear.scatter [tilespmem:s28], [sflag:$0x4], $0x80, $0x38;
	[tilespmem:$0xE800] =	vst v63  }
0x80f: {  	s26 =	sadd.s32 $0x1, s26;
	s30 =	sadd.s32 $0xC9B8, s0;
	s31 =	sadd.s32 $0x70, s1  }
0x810: {  	[hbm4b:s31+s3] =	stream.linear.scatter [tilespmem:s30], [sflag:$0x4], $0x80, $0x38;
	[tilespmem:$0xE800] =	vst v63  }
0x811: {  	p0 =	sne.s32 s26, s12;
	_ =	swait.ge [sflag:s24], $0x2000  }
.Ltmp13:
0x812: {  	[sflag:s24] =	ssyncset.done $0x0;
	(pc) =	sbr.rel @p0 .LBB2_1-.Ltmp13, $4  }
0x813: {  	[sflag:s24] =	ssyncadd.s32 $0xFFFFE000  }
0x814: {  	_ =	swait.ge [sflag:s25], $0x2000  }
0x815: {  	[sflag:s25] =	ssyncset.done $0x0  }
0x816: {  	[sflag:s25] =	ssyncadd.s32 $0xFFFFE000  }
0x817: {  	_ =	sfence.sel $0x180000  }
0x818: {  	[bflag:$0x0] =	sbarrier.arrive $0xFFFF  }
0x819: {  	_ =	strace $0x90000047  }
0x81a: {  	s0 =	stileid.u32;
	[bflag:$0x2] =	sbarrier.arrive $0xFFFF  }
0x81b: {  	p0 =	sne.s32 s0, $0x0;
	s0 =	rddreg [dreg:$0x2]  }
0x81c: {  	s0 =	sadd.s32 @!p0 $0x100000, s0  }
0x81d: {  	[sflag:s0] =	ssyncadd.tile.s32 @!p0 $0x1;
	_ =	shalt  }
.Lfunc_end2:
_tile_overlayer_lowered:
.L_overlay_start_2:
0x81e: {  	(tag) =	ssettag $0x2  }
0x81f: {  	s0 =	rddreg [dreg:$0x0];
	s2 =	stileid.u32  }
0x820: {  	s1 =	rddreg [dreg:$0x1];
	p0 =	sne.s32 s2, $0x0  }
0x821: {  	s3 =	rddreg [dreg:$0x2];
	[bflag:$0x3] =	sbarrier.arrive $0xFFFF;
	s2 =	simm.s32 @!p0 $0x1C05  }
0x822: {  	[timem:s3], [sflag:s2] =	dma.local @!p0 [hbm:s0], s1  }
0x823: {  	s0 =	simm.s32 @!p0 $0x5  }
0x824: {  	_ =	swait.ge @!p0 [sflag:s0], s1  }
0x825: {  	s1 =	ssub.s32 @!p0 $0x0, s1;
	[sflag:s0] =	ssyncset.done @!p0 $0x0  }
0x826: {  	[sflag:s0] =	ssyncadd.s32 @!p0 s1  }
0x827: {  	[bflag:$0x3] =	sbarrier.arrive $0xFFFF  }
0x828: {  	_ =	shalt  }

</sc_bundles>
